<compile_context>
chip_gen: v7x
topology: tpu7x:2x2x1
jax: 0.10.2.dev20260603
libtpu: 0.0.44.dev20260713+nightly
codegen_flags: <defaults>
</compile_context>

<pallas_src>
import jax
import jax.numpy as jnp
from jax import lax
from jax.experimental import pallas as pl
from jax.experimental.pallas import tpu as pltpu
from jax.experimental.pallas import tpu_sc as plsc

NC_CLS = 80
VFL_A = 0.75
M_ALPHA = 0.25
W_BBOX_C, W_CLASS_C, W_GIOU_C = 5.0, 2.0, 2.0
W_VFL_L, W_BBOX_L, W_GIOU_L = 1.0, 5.0, 2.0
B, NQ, NT = 16, 300, 32
MPAD = 304
NCH = MPAD // 16
INF = 1e18
PADVAL = 1e9


def _sigmoid(x):
    return 1.0 / (1.0 + jnp.exp(-x))


def _xyxy(bT):
    cx, cy, w, h = bT[0:1, :], bT[1:2, :], bT[2:3, :], bT[3:4, :]
    return cx - 0.5 * w, cy - 0.5 * h, cx + 0.5 * w, cy + 0.5 * h


IMS = 4


def _cost_dense_body(logits_ref, pb_ref, lab_ref, tb_ref, cost_ref, dense_ref):
    b = pl.program_id(0)
    dsum = jnp.float32(0.0)
    for im in range(IMS):
        x = logits_ref[im]
        prob = _sigmoid(x)
        neg_cost = (1.0 - M_ALPHA) * (prob * prob) * (-jnp.log(1.0 - prob + 1e-8))
        pos_cost = M_ALPHA * ((1.0 - prob) * (1.0 - prob)) * (-jnp.log(prob + 1e-8))
        diff = pos_cost - neg_cost

        lab = lab_ref[im, 0, :]
        cls_iota = lax.broadcasted_iota(jnp.int32, (NT, NC_CLS), 1)
        onehot = (lab[:, None] == cls_iota).astype(jnp.float32)
        cost_class = lax.dot_general(
            onehot, diff, (((1,), (1,)), ((), ())),
            preferred_element_type=jnp.float32)

        pbT = pb_ref[im]
        tbT = tb_ref[im]
        cost_bbox = jnp.zeros((NT, NQ), jnp.float32)
        for k in range(4):
            cost_bbox = cost_bbox + jnp.abs(tbT[k:k + 1, :].T - pbT[k:k + 1, :])

        tcx, tcy, tw, th = (tbT[0:1, :].T, tbT[1:2, :].T,
                            tbT[2:3, :].T, tbT[3:4, :].T)
        tx0, ty0 = tcx - 0.5 * tw, tcy - 0.5 * th
        tx1, ty1 = tcx + 0.5 * tw, tcy + 0.5 * th
        px0, py0, px1, py1 = _xyxy(pbT)
        area_t = (tx1 - tx0) * (ty1 - ty0)
        area_p = (px1 - px0) * (py1 - py0)
        iw = jnp.clip(jnp.minimum(tx1, px1) - jnp.maximum(tx0, px0), 0.0)
        ih = jnp.clip(jnp.minimum(ty1, py1) - jnp.maximum(ty0, py0), 0.0)
        inter = iw * ih
        union = area_t + area_p - inter
        iou = inter / union
        ew = jnp.clip(jnp.maximum(tx1, px1) - jnp.minimum(tx0, px0), 0.0)
        eh = jnp.clip(jnp.maximum(ty1, py1) - jnp.minimum(ty0, py0), 0.0)
        earea = ew * eh
        giou = iou - (earea - union) / earea

        cmat = W_BBOX_C * cost_bbox + W_CLASS_C * cost_class + W_GIOU_C * (-giou)
        cost_ref[im] = jnp.concatenate(
            [cmat, jnp.full((NT, MPAD - NQ), PADVAL, jnp.float32)], axis=1)

        bce0 = jnp.maximum(x, 0.0) + jnp.log1p(jnp.exp(-jnp.abs(x)))
        dsum = dsum + jnp.sum(VFL_A * prob * prob * bce0)

    lane = lax.broadcasted_iota(jnp.int32, (1, 128), 1)
    dvec = jnp.where(lane == 0, dsum, 0.0)

    @pl.when(b == 0)
    def _():
        dense_ref[...] = jnp.zeros_like(dense_ref)

    dense_ref[...] += dvec


def _sc_solver_body(cost_hbm, out_hbm, cost_v, v_v, w_v, minv_v, way_v,
                    used_v, asn_v, p_s):
    wid = lax.axis_index("s") * 2 + lax.axis_index("c")

    @pl.when(wid < B)
    def _():
        pltpu.sync_copy(cost_hbm.at[wid], cost_v)
        iota16 = lax.broadcasted_iota(jnp.int32, (16,), 0)
        zf = jnp.zeros((16,), jnp.float32)
        zi = jnp.zeros((16,), jnp.int32)
        for k in range(NCH):
            sl = pl.ds(16 * k, 16)
            v_v[sl] = zf
            w_v[sl] = zf
            way_v[sl] = zi

        def clear_p(j, c):
            p_s[j] = jnp.int32(0)
            return c

        lax.fori_loop(0, NQ + 1, clear_p, 0)

        def phase(i, c):
            used_init = ([jnp.zeros((16,), jnp.int32)] * (NCH - 1)
                         + [(iota16 >= (16 - (MPAD - NQ))).astype(jnp.int32)])
            p_s[0] = i
            for k in range(NCH):
                sl = pl.ds(16 * k, 16)
                minv_v[sl] = jnp.full((16,), INF, jnp.float32)
                used_v[sl] = used_init[k]

            def cond(carry):
                return carry[2] != 0

            def body(carry):
                j0, w0, pj0 = carry
                jj0 = jnp.maximum(j0 - 1, 0)
                jj0_splat = jnp.full((16,), jj0, jnp.int32)
                lane0 = iota16 == 0
                j0_pos = jnp.full((16,), j0, jnp.int32) > 0
                plsc.store_scatter(used_v, [jj0_splat],
                                   jnp.ones((16,), jnp.int32),
                                   mask=lane0 & j0_pos)

                w_at_jj0 = plsc.load_gather(w_v, [jj0_splat])
                w0_splat = jnp.full((16,), w0, jnp.float32)
                u_i0 = jnp.where(j0_pos, w_at_jj0, w0_splat)
                row_splat = jnp.full((16,), pj0 - 1, jnp.int32)
                j0_splat = jnp.full((16,), j0, jnp.int32)
                bestv = jnp.full((16,), INF, jnp.float32)
                bestj = jnp.zeros((16,), jnp.int32)
                for k in range(NCH):
                    sl = pl.ds(16 * k, 16)
                    crow = plsc.load_gather(cost_v, [row_splat, iota16 + 16 * k])
                    cu = (crow - u_i0) - v_v[sl]
                    freek = used_v[sl] == 0
                    mv = minv_v[sl]
                    upd = freek & (cu < mv)
                    mv = jnp.where(upd, cu, mv)
                    minv_v[sl] = mv
                    way_v[sl] = jnp.where(upd, j0_splat, way_v[sl])
                    masked = jnp.where(freek, mv, INF)
                    better = masked < bestv
                    bestv = jnp.where(better, masked, bestv)
                    bestj = jnp.where(better, iota16 + (16 * k + 1), bestj)
                delta = jnp.min(bestv)
                deltav = jnp.full((16,), delta, jnp.float32)
                zerov = jnp.zeros((16,), jnp.float32)
                j1 = jnp.min(jnp.where(bestv == deltav, bestj,
                                       jnp.full((16,), 1 << 30, jnp.int32)))
                for k in range(NCH):
                    sl = pl.ds(16 * k, 16)
                    um = used_v[sl] != 0
                    dmask = jnp.where(um, deltav, zerov)
                    w_v[sl] = w_v[sl] + dmask
                    v_v[sl] = v_v[sl] - dmask
                    minv_v[sl] = minv_v[sl] - deltav
                return (j1, w0 + delta, p_s[j1])

            j0f, w0f, _ = lax.while_loop(
                cond, body, (jnp.int32(0), jnp.float32(0.0), i))

            lane0 = iota16 == 0

            def abody(j0):
                jj0_splat = jnp.full((16,), j0 - 1, jnp.int32)
                j1 = jnp.min(plsc.load_gather(way_v, [jj0_splat]))
                row = p_s[j1]
                p_s[j0] = row
                plsc.store_scatter(asn_v, [jnp.full((16,), row - 1, jnp.int32)],
                                   jnp.full((16,), j0 - 1, jnp.int32),
                                   mask=lane0)
                jj1_splat = jnp.full((16,), jnp.maximum(j1 - 1, 0), jnp.int32)
                wsrc = jnp.min(plsc.load_gather(w_v, [jj1_splat]))
                wnew = jnp.where(j1 == 0, w0f, wsrc)
                plsc.store_scatter(w_v, [jj0_splat],
                                   jnp.full((16,), wnew, jnp.float32),
                                   mask=lane0)
                return j1

            lax.while_loop(lambda j0: j0 != 0, abody, j0f)
            return c

        lax.fori_loop(1, NT + 1, phase, 0)
        pltpu.sync_copy(asn_v, out_hbm.at[wid])


def _corr_body(logits_ref, pb_ref, lab_ref, tb_ref, asn_ref, acc_ref):
    b = pl.program_id(0)
    corr_sum = jnp.float32(0.0)
    bbox_sum = jnp.float32(0.0)
    giou_sum = jnp.float32(0.0)
    for im in range(IMS):
        x = logits_ref[im]
        q = asn_ref[im, 0, :]
        lab = lab_ref[im, 0, :]

        q_iota = lax.broadcasted_iota(jnp.int32, (NT, NQ), 1)
        ohq = (q[:, None] == q_iota).astype(jnp.float32)
        xl_rows = lax.dot_general(
            ohq, x, (((1,), (0,)), ((), ())),
            preferred_element_type=jnp.float32)
        cls_iota = lax.broadcasted_iota(jnp.int32, (NT, NC_CLS), 1)
        ohl = (lab[:, None] == cls_iota).astype(jnp.float32)
        xl = jnp.sum(xl_rows * ohl, axis=1)[:, None]

        pbT = pb_ref[im]
        tbT = tb_ref[im]
        sbT = lax.dot_general(
            pbT, ohq, (((1,), (1,)), ((), ())),
            preferred_element_type=jnp.float32)
        sc_, sy_, sw_, sh_ = (sbT[0:1, :].T, sbT[1:2, :].T,
                              sbT[2:3, :].T, sbT[3:4, :].T)
        tc_, tyc, tw_, th_ = (tbT[0:1, :].T, tbT[1:2, :].T,
                              tbT[2:3, :].T, tbT[3:4, :].T)

        sx0 = sc_ - 0.5 * sw_
        sy0 = sy_ - 0.5 * sh_
        sx1 = sc_ + 0.5 * sw_
        sy1 = sy_ + 0.5 * sh_
        tx0 = tc_ - 0.5 * tw_
        ty0 = tyc - 0.5 * th_
        tx1 = tc_ + 0.5 * tw_
        ty1 = tyc + 0.5 * th_
        area_s = (sx1 - sx0) * (sy1 - sy0)
        area_t = (tx1 - tx0) * (ty1 - ty0)
        iw = jnp.clip(jnp.minimum(sx1, tx1) - jnp.maximum(sx0, tx0), 0.0)
        ih = jnp.clip(jnp.minimum(sy1, ty1) - jnp.maximum(sy0, ty0), 0.0)
        inter = iw * ih
        union = area_s + area_t - inter
        iou = inter / union
        ew = jnp.clip(jnp.maximum(sx1, tx1) - jnp.minimum(sx0, tx0), 0.0)
        eh = jnp.clip(jnp.maximum(sy1, ty1) - jnp.minimum(sy0, ty0), 0.0)
        earea = ew * eh
        giou = iou - (earea - union) / earea
        s = jnp.clip(giou, 0.0)

        pl_l = _sigmoid(xl)
        sp = jnp.log1p(jnp.exp(-jnp.abs(xl)))
        bce_t = jnp.maximum(xl, 0.0) - xl * s + sp
        bce_0 = jnp.maximum(xl, 0.0) + sp
        corr_sum = corr_sum + jnp.sum(s * bce_t - VFL_A * pl_l * pl_l * bce_0)
        bbox_sum = bbox_sum + jnp.sum(jnp.abs(sbT - tbT))
        giou_sum = giou_sum + jnp.sum(1.0 - giou)

    lane = lax.broadcasted_iota(jnp.int32, (1, 128), 1)
    accvec = (jnp.where(lane == 0, corr_sum, 0.0)
              + jnp.where(lane == 1, bbox_sum, 0.0)
              + jnp.where(lane == 2, giou_sum, 0.0))

    @pl.when(b == 0)
    def _():
        acc_ref[...] = jnp.zeros_like(acc_ref)

    acc_ref[...] += accvec


def _make_sc_solver():
    mesh = plsc.VectorSubcoreMesh(core_axis_name="c", subcore_axis_name="s")
    return pl.kernel(
        _sc_solver_body,
        out_type=jax.ShapeDtypeStruct((B, NT), jnp.int32),
        mesh=mesh,
        compiler_params=pltpu.CompilerParams(needs_layout_passes=False),
        scratch_types=[
            pltpu.VMEM((NT, MPAD), jnp.float32),
            pltpu.VMEM((MPAD,), jnp.float32),
            pltpu.VMEM((MPAD,), jnp.float32),
            pltpu.VMEM((MPAD,), jnp.float32),
            pltpu.VMEM((MPAD,), jnp.int32),
            pltpu.VMEM((MPAD,), jnp.int32),
            pltpu.VMEM((NT,), jnp.int32),
            pltpu.SMEM((NQ + 1,), jnp.int32),
        ],
    )


def kernel(pred_logits, pred_boxes, tgt_labels, tgt_boxes):
    pbT = pred_boxes.transpose(0, 2, 1)
    tbT = tgt_boxes.transpose(0, 2, 1)
    lab3 = tgt_labels.reshape(B, 1, NT)
    nsteps = B // IMS

    cost, dense = pl.pallas_call(
        _cost_dense_body,
        grid=(nsteps,),
        in_specs=[
            pl.BlockSpec((IMS, NQ, NC_CLS), lambda b: (b, 0, 0)),
            pl.BlockSpec((IMS, 4, NQ), lambda b: (b, 0, 0)),
            pl.BlockSpec((IMS, 1, NT), lambda b: (b, 0, 0)),
            pl.BlockSpec((IMS, 4, NT), lambda b: (b, 0, 0)),
        ],
        out_specs=[
            pl.BlockSpec((IMS, NT, MPAD), lambda b: (b, 0, 0)),
            pl.BlockSpec((1, 128), lambda b: (0, 0)),
        ],
        out_shape=[
            jax.ShapeDtypeStruct((B, NT, MPAD), jnp.float32),
            jax.ShapeDtypeStruct((1, 128), jnp.float32),
        ],
    )(pred_logits, pbT, lab3, tbT)

    assign = _make_sc_solver()(cost)

    acc = pl.pallas_call(
        _corr_body,
        grid=(nsteps,),
        in_specs=[
            pl.BlockSpec((IMS, NQ, NC_CLS), lambda b: (b, 0, 0)),
            pl.BlockSpec((IMS, 4, NQ), lambda b: (b, 0, 0)),
            pl.BlockSpec((IMS, 1, NT), lambda b: (b, 0, 0)),
            pl.BlockSpec((IMS, 4, NT), lambda b: (b, 0, 0)),
            pl.BlockSpec((IMS, 1, NT), lambda b: (b, 0, 0)),
        ],
        out_specs=pl.BlockSpec((1, 128), lambda b: (0, 0)),
        out_shape=jax.ShapeDtypeStruct((1, 128), jnp.float32),
    )(pred_logits, pbT, lab3, tbT, assign.reshape(B, 1, NT))

    num_boxes = float(B * NT)
    loss_vfl = (dense[0, 0] + acc[0, 0]) / num_boxes
    loss_bbox = acc[0, 1] / num_boxes
    loss_giou = acc[0, 2] / num_boxes
    total = W_VFL_L * loss_vfl + W_BBOX_L * loss_bbox + W_GIOU_L * loss_giou
    return loss_vfl, loss_bbox, loss_giou, total

# --- scband reference (transcript-rebuilt; emitter-appended) ---
"""Pipeline reference for scband-rtdetrcriterion-74517682585730 (READ-ONLY COPY).

The authoritative reference and input builder live on the scoring server;
editing this copy changes nothing except your own understanding.
"""

import jax, jax.numpy as jnp
import numpy as np

NUM_CLASSES = 80
VFL_ALPHA = 0.75
VFL_GAMMA = 2.0
W_VFL, W_BBOX, W_GIOU = 1.0, 5.0, 2.0
M_CLASS, M_BBOX, M_GIOU = 2.0, 5.0, 2.0
M_ALPHA, M_GAMMA = 0.25, 2.0
BS, NQ, NT = 16, 300, 32


def box_cxcywh_to_xyxy(b):
    cx, cy, w, h = b[..., 0], b[..., 1], b[..., 2], b[..., 3]
    return jnp.stack([cx - 0.5 * w, cy - 0.5 * h, cx + 0.5 * w, cy + 0.5 * h], axis=-1)


def generalized_box_iou(boxes1, boxes2):
    area1 = (boxes1[:, 2] - boxes1[:, 0]) * (boxes1[:, 3] - boxes1[:, 1])
    area2 = (boxes2[:, 2] - boxes2[:, 0]) * (boxes2[:, 3] - boxes2[:, 1])
    lt = jnp.maximum(boxes1[:, None, :2], boxes2[None, :, :2])
    rb = jnp.minimum(boxes1[:, None, 2:], boxes2[None, :, 2:])
    wh = jnp.clip(rb - lt, 0.0)
    inter = wh[..., 0] * wh[..., 1]
    union = area1[:, None] + area2[None, :] - inter
    iou = inter / union
    lt2 = jnp.minimum(boxes1[:, None, :2], boxes2[None, :, :2])
    rb2 = jnp.maximum(boxes1[:, None, 2:], boxes2[None, :, 2:])
    wh2 = jnp.clip(rb2 - lt2, 0.0)
    area = wh2[..., 0] * wh2[..., 1]
    return iou - (area - union) / area


def linear_sum_assignment(cost):
    transposed = False
    if cost.shape[0] > cost.shape[1]:
        cost = cost.T
        transposed = True
    n, m = cost.shape
    INF = 1e18

    def solve_row(i, state):
        u, v, p, way = state
        p = p.at[0].set(i)
        minv = jnp.full(m + 1, INF, dtype=cost.dtype)
        used = jnp.zeros(m + 1, dtype=bool)
        j0 = jnp.int32(0)

        def cond(s):
            j0, u, v, p, way, minv, used = s
            return p[j0] != 0

        def body(s):
            j0, u, v, p, way, minv, used = s
            used = used.at[j0].set(True)
            i0 = p[j0]
            free = ~used[1:]
            cur = cost[i0 - 1, :] - u[i0] - v[1:]
            minv1 = minv[1:]
            upd = free & (cur < minv1)
            minv1 = jnp.where(upd, cur, minv1)
            way = way.at[1:].set(jnp.where(upd, j0, way[1:]))
            jrel = jnp.argmin(jnp.where(free, minv1, INF)).astype(jnp.int32)
            delta = minv1[jrel]
            j1 = jrel + 1
            u = u.at[p].add(jnp.where(used, delta, 0.0))
            v = v - jnp.where(used, delta, 0.0)
            minv = minv.at[1:].set(minv1)
            minv = jnp.where(used, minv, minv - delta)
            return (j1, u, v, p, way, minv, used)

        j0, u, v, p, way, minv, used = jax.lax.while_loop(
            cond, body, (j0, u, v, p, way, minv, used)
        )

        def bcond(s):
            j0, p = s
            return j0 != 0

        def bbody(s):
            j0, p = s
            j1 = way[j0]
            p = p.at[j0].set(p[j1])
            return (j1, p)

        j0, p = jax.lax.while_loop(bcond, bbody, (j0, p))
        return (u, v, p, way)

    u = jnp.zeros(n + 1, dtype=cost.dtype)
    v = jnp.zeros(m + 1, dtype=cost.dtype)
    p = jnp.zeros(m + 1, dtype=jnp.int32)
    way = jnp.zeros(m + 1, dtype=jnp.int32)
    u, v, p, way = jax.lax.fori_loop(1, n + 1, solve_row, (u, v, p, way))

    idx = jnp.where(p[1:] > 0, p[1:] - 1, n)
    row_to_col = jnp.zeros(n + 1, dtype=jnp.int32).at[idx].set(
        jnp.arange(m, dtype=jnp.int32)
    )[:n]
    if transposed:
        order = jnp.argsort(row_to_col)
        rows = row_to_col[order]
        cols = order.astype(jnp.int32)
    else:
        rows = jnp.arange(n, dtype=jnp.int32)
        cols = row_to_col
    return rows, cols


def hungarian_match(pred_logits, pred_boxes, tgt_labels, tgt_boxes):
    def per_batch(pl, pb, tl, tb):
        prob = 1.0 / (1.0 + jnp.exp(-pl))
        ids = tl
        neg_cost = (1.0 - M_ALPHA) * (prob ** M_GAMMA) * (-jnp.log(1.0 - prob + 1e-8))
        pos_cost = M_ALPHA * ((1.0 - prob) ** M_GAMMA) * (-jnp.log(prob + 1e-8))
        cost_class = pos_cost[:, ids] - neg_cost[:, ids]
        cost_bbox = jnp.abs(pb[:, None, :] - tb[None, :, :]).sum(-1)
        g = generalized_box_iou(box_cxcywh_to_xyxy(pb), box_cxcywh_to_xyxy(tb))
        C = M_BBOX * cost_bbox + M_CLASS * cost_class + M_GIOU * (-g)
        return linear_sum_assignment(C)

    r, c = jax.vmap(per_batch)(pred_logits, pred_boxes, tgt_labels, tgt_boxes)
    return r, c


def criterion_losses(pred_logits, pred_boxes, tgt_labels, tgt_boxes, indices):
    bs, nq, nc = pred_logits.shape
    r, c = indices
    nt = r.shape[1]
    batch_idx = jnp.repeat(jnp.arange(bs, dtype=jnp.int32), nt)
    src_idx = r.reshape(-1)
    tgt_labels_o = jnp.take_along_axis(tgt_labels, c, axis=1).reshape(-1)
    tgt_boxes_o = jnp.take_along_axis(tgt_boxes, c[..., None], axis=1).reshape(-1, 4)
    num_boxes = max(int(tgt_labels.shape[0] * tgt_labels.shape[1]), 1)
    target_classes = jnp.full((bs, nq), NUM_CLASSES, dtype=jnp.int32)
    target_classes = target_classes.at[batch_idx, src_idx].set(tgt_labels_o.astype(jnp.int32))
    target_onehot = jax.nn.one_hot(target_classes, NUM_CLASSES + 1, dtype=jnp.float32)[..., :-1]
    src_boxes = pred_boxes[batch_idx, src_idx]
    giou = generalized_box_iou(box_cxcywh_to_xyxy(src_boxes), box_cxcywh_to_xyxy(tgt_boxes_o))
    ious = jax.lax.stop_gradient(jnp.clip(jnp.diag(giou), 0.0))
    target_score = jnp.zeros_like(target_onehot)
    target_score = target_score.at[batch_idx, src_idx, tgt_labels_o].set(ious)
    pred_score = jax.lax.stop_gradient(jax.nn.sigmoid(pred_logits))
    weight = jax.lax.stop_gradient(VFL_ALPHA * (pred_score ** VFL_GAMMA) * (1.0 - target_onehot) + target_score)
    x = pred_logits
    t = target_score
    bce = jnp.clip(x, 0.0) - x * t + jnp.log1p(jnp.exp(-jnp.abs(x)))
    loss_vfl = (weight * bce).mean(axis=1).sum() * nq / num_boxes
    loss_bbox = jnp.abs(src_boxes - tgt_boxes_o).sum() / num_boxes
    loss_giou = (1.0 - jnp.diag(giou)).sum() / num_boxes
    total = W_VFL * loss_vfl + W_BBOX * loss_bbox + W_GIOU * loss_giou
    return loss_vfl, loss_bbox, loss_giou, total


def setup_inputs(seed: int = 0) -> dict:
    key = jax.random.key(seed)
    k1, k2, k3, k4 = jax.random.split(key, 4)
    pred_logits = jax.random.normal(k1, (BS, NQ, NUM_CLASSES), dtype=jnp.float32)
    pred_boxes = jax.random.uniform(k2, (BS, NQ, 4), dtype=jnp.float32)
    tgt_labels = jax.random.randint(k3, (BS, NT), 0, NUM_CLASSES).astype(jnp.int32)
    tgt_boxes = jax.random.uniform(k4, (BS, NT, 4), dtype=jnp.float32)
    return {"pred_logits": pred_logits, "pred_boxes": pred_boxes, "tgt_labels": tgt_labels, "tgt_boxes": tgt_boxes}


def reference(pred_logits, pred_boxes, tgt_labels, tgt_boxes):
    indices = hungarian_match(pred_logits, pred_boxes, tgt_labels, tgt_boxes)
    return criterion_losses(pred_logits, pred_boxes, tgt_labels, tgt_boxes, indices)

if __name__ == "__main__":
    import jax
    _d = setup_inputs()
    print(jax.jit(kernel)(*tuple(_d.values())))

</pallas_src>

<mosaic_0001>
#map = affine_map<(d0, d1) -> (0, 0, 0)>
#map1 = affine_map<(d0, d1) -> (0, 0)>
module attributes {stable_mosaic.version = 14 : i64} {
  func.func @_sc_solver_body(%arg0: i32, %arg1: i32, %arg2: memref<16x32x304xf32, #tpu.memory_space<hbm>>, %arg3: memref<16x32xi32, #tpu.memory_space<hbm>>, %arg4: memref<32x304xf32, #tpu.memory_space<vmem>>, %arg5: memref<304xf32, #tpu.memory_space<vmem>>, %arg6: memref<304xf32, #tpu.memory_space<vmem>>, %arg7: memref<304xf32, #tpu.memory_space<vmem>>, %arg8: memref<304xi32, #tpu.memory_space<vmem>>, %arg9: memref<304xi32, #tpu.memory_space<vmem>>, %arg10: memref<32xi32, #tpu.memory_space<vmem>>, %arg11: memref<301xi32, #tpu.memory_space<smem>>) attributes {dimension_semantics = [#tpu.dimension_semantics<core_parallel>, #tpu.dimension_semantics<subcore_parallel>], iteration_bounds = array<i64: 2, 16>, scalar_prefetch = 0 : i64, scratch_operands = 8 : i64, tpu.core_type = #tpu.core_type<sc_vector_subcore>, window_params = [{transform_indices = #map}, {transform_indices = #map1}]} {
    %mul3A = arith.constant 2 : i32
    %mul3A_0 = arith.muli %arg1, %mul3A : i32
    %add3A = arith.addi %mul3A_0, %arg0 : i32
    %lt3A = arith.constant 16 : i32
    %lt3A_1 = arith.cmpi slt, %add3A, %lt3A : i32
    %convert_element_type3A = arith.extui %lt3A_1 : i1 to i32
    %cond3A = arith.constant 0 : i32
    %cond3A_2 = arith.cmpi ne, %convert_element_type3A, %cond3A : i32
    scf.if %cond3A_2 {
      "tpu.region"() ({
        %run_scoped3A = tpu.sem_alloc : memref<!tpu.dma_semaphore, #tpu.memory_space<semaphore_mem>>
        %dma_start3A = arith.constant 0 : i32
        %dma_start3A_130 = arith.constant 0 : i32
        %dma_start3A_131 = tpu.memref_slice %arg2[%add3A, %dma_start3A, %dma_start3A_130] : memref<16x32x304xf32, #tpu.memory_space<hbm>> -> memref<1x32x304xf32, #tpu.memory_space<hbm>>
        %dma_start3A_132 = tpu.memref_squeeze %dma_start3A_131 : memref<1x32x304xf32, #tpu.memory_space<hbm>> -> memref<32x304xf32, #tpu.memory_space<hbm>>
        %dma_start3A_133 = arith.constant 0 : i32
        %dma_start3A_134 = arith.constant 0 : i32
        %dma_start3A_135 = tpu.memref_slice %arg2[%add3A, %dma_start3A_133, %dma_start3A_134] : memref<16x32x304xf32, #tpu.memory_space<hbm>> -> memref<1x32x304xf32, #tpu.memory_space<hbm>>
        %dma_start3A_136 = tpu.memref_squeeze %dma_start3A_135 : memref<1x32x304xf32, #tpu.memory_space<hbm>> -> memref<32x304xf32, #tpu.memory_space<hbm>>
        tpu.enqueue_dma source(%dma_start3A_136 : memref<32x304xf32, #tpu.memory_space<hbm>>) target(%arg4 : memref<32x304xf32, #tpu.memory_space<vmem>>) target_semaphore(%run_scoped3A : memref<!tpu.dma_semaphore, #tpu.memory_space<semaphore_mem>>)
        %dma_wait3A = arith.constant 0 : i32
        %dma_wait3A_137 = arith.constant 0 : i32
        %dma_wait3A_138 = tpu.memref_slice %arg2[%add3A, %dma_wait3A, %dma_wait3A_137] : memref<16x32x304xf32, #tpu.memory_space<hbm>> -> memref<1x32x304xf32, #tpu.memory_space<hbm>>
        %dma_wait3A_139 = tpu.memref_squeeze %dma_wait3A_138 : memref<1x32x304xf32, #tpu.memory_space<hbm>> -> memref<32x304xf32, #tpu.memory_space<hbm>>
        %dma_wait3A_140 = arith.constant 0 : i32
        %dma_wait3A_141 = arith.constant 0 : i32
        %dma_wait3A_142 = tpu.memref_slice %arg2[%add3A, %dma_wait3A_140, %dma_wait3A_141] : memref<16x32x304xf32, #tpu.memory_space<hbm>> -> memref<1x32x304xf32, #tpu.memory_space<hbm>>
        %dma_wait3A_143 = tpu.memref_squeeze %dma_wait3A_142 : memref<1x32x304xf32, #tpu.memory_space<hbm>> -> memref<32x304xf32, #tpu.memory_space<hbm>>
        tpu.wait_dma2 semaphore(%run_scoped3A : memref<!tpu.dma_semaphore, #tpu.memory_space<semaphore_mem>>) src(%dma_wait3A_143 : memref<32x304xf32, #tpu.memory_space<hbm>>) dst(%arg4 : memref<32x304xf32, #tpu.memory_space<vmem>>)
        tpu.yield
      }) : () -> ()
      %iota3A = tpu.iota {dimensions = array<i32: 0>} : vector<16xi32>
      %broadcast_in_dim3A = arith.constant 0.000000e+00 : f32
      %broadcast_in_dim3A_3 = vector.broadcast %broadcast_in_dim3A : f32 to vector<16xf32>
      %broadcast_in_dim3A_4 = arith.constant 0 : i32
      %broadcast_in_dim3A_5 = vector.broadcast %broadcast_in_dim3A_4 : i32 to vector<16xi32>
      %swap3A = arith.constant 0 : index
      %swap3A_6 = tpu.vector_load %arg5[%swap3A] {strides = array<i32>} : memref<304xf32, #tpu.memory_space<vmem>>, vector<16xf32>,
      tpu.vector_store %arg5[%swap3A], %broadcast_in_dim3A_3 {strides = array<i32>} : memref<304xf32, #tpu.memory_space<vmem>>, vector<16xf32>,
      %swap3A_7 = arith.constant 0 : index
      %swap3A_8 = tpu.vector_load %arg6[%swap3A_7] {strides = array<i32>} : memref<304xf32, #tpu.memory_space<vmem>>, vector<16xf32>,
      tpu.vector_store %arg6[%swap3A_7], %broadcast_in_dim3A_3 {strides = array<i32>} : memref<304xf32, #tpu.memory_space<vmem>>, vector<16xf32>,
      %swap3A_9 = arith.constant 0 : index
      %swap3A_10 = tpu.vector_load %arg8[%swap3A_9] {strides = array<i32>} : memref<304xi32, #tpu.memory_space<vmem>>, vector<16xi32>,
      tpu.vector_store %arg8[%swap3A_9], %broadcast_in_dim3A_5 {strides = array<i32>} : memref<304xi32, #tpu.memory_space<vmem>>, vector<16xi32>,
      %swap3A_11 = arith.constant 16 : index
      %swap3A_12 = tpu.vector_load %arg5[%swap3A_11] {strides = array<i32>} : memref<304xf32, #tpu.memory_space<vmem>>, vector<16xf32>,
      tpu.vector_store %arg5[%swap3A_11], %broadcast_in_dim3A_3 {strides = array<i32>} : memref<304xf32, #tpu.memory_space<vmem>>, vector<16xf32>,
      %swap3A_13 = arith.constant 16 : index
      %swap3A_14 = tpu.vector_load %arg6[%swap3A_13] {strides = array<i32>} : memref<304xf32, #tpu.memory_space<vmem>>, vector<16xf32>,
      tpu.vector_store %arg6[%swap3A_13], %broadcast_in_dim3A_3 {strides = array<i32>} : memref<304xf32, #tpu.memory_space<vmem>>, vector<16xf32>,
      %swap3A_15 = arith.constant 16 : index
      %swap3A_16 = tpu.vector_load %arg8[%swap3A_15] {strides = array<i32>} : memref<304xi32, #tpu.memory_space<vmem>>, vector<16xi32>,
      tpu.vector_store %arg8[%swap3A_15], %broadcast_in_dim3A_5 {strides = array<i32>} : memref<304xi32, #tpu.memory_space<vmem>>, vector<16xi32>,
      %swap3A_17 = arith.constant 32 : index
      %swap3A_18 = tpu.vector_load %arg5[%swap3A_17] {strides = array<i32>} : memref<304xf32, #tpu.memory_space<vmem>>, vector<16xf32>,
      tpu.vector_store %arg5[%swap3A_17], %broadcast_in_dim3A_3 {strides = array<i32>} : memref<304xf32, #tpu.memory_space<vmem>>, vector<16xf32>,
      %swap3A_19 = arith.constant 32 : index
      %swap3A_20 = tpu.vector_load %arg6[%swap3A_19] {strides = array<i32>} : memref<304xf32, #tpu.memory_space<vmem>>, vector<16xf32>,
      tpu.vector_store %arg6[%swap3A_19], %broadcast_in_dim3A_3 {strides = array<i32>} : memref<304xf32, #tpu.memory_space<vmem>>, vector<16xf32>,
      %swap3A_21 = arith.constant 32 : index
      %swap3A_22 = tpu.vector_load %arg8[%swap3A_21] {strides = array<i32>} : memref<304xi32, #tpu.memory_space<vmem>>, vector<16xi32>,
      tpu.vector_store %arg8[%swap3A_21], %broadcast_in_dim3A_5 {strides = array<i32>} : memref<304xi32, #tpu.memory_space<vmem>>, vector<16xi32>,
      %swap3A_23 = arith.constant 48 : index
      %swap3A_24 = tpu.vector_load %arg5[%swap3A_23] {strides = array<i32>} : memref<304xf32, #tpu.memory_space<vmem>>, vector<16xf32>,
      tpu.vector_store %arg5[%swap3A_23], %broadcast_in_dim3A_3 {strides = array<i32>} : memref<304xf32, #tpu.memory_space<vmem>>, vector<16xf32>,
      %swap3A_25 = arith.constant 48 : index
      %swap3A_26 = tpu.vector_load %arg6[%swap3A_25] {strides = array<i32>} : memref<304xf32, #tpu.memory_space<vmem>>, vector<16xf32>,
      tpu.vector_store %arg6[%swap3A_25], %broadcast_in_dim3A_3 {strides = array<i32>} : memref<304xf32, #tpu.memory_space<vmem>>, vector<16xf32>,
      %swap3A_27 = arith.constant 48 : index
      %swap3A_28 = tpu.vector_load %arg8[%swap3A_27] {strides = array<i32>} : memref<304xi32, #tpu.memory_space<vmem>>, vector<16xi32>,
      tpu.vector_store %arg8[%swap3A_27], %broadcast_in_dim3A_5 {strides = array<i32>} : memref<304xi32, #tpu.memory_space<vmem>>, vector<16xi32>,
      %swap3A_29 = arith.constant 64 : index
      %swap3A_30 = tpu.vector_load %arg5[%swap3A_29] {strides = array<i32>} : memref<304xf32, #tpu.memory_space<vmem>>, vector<16xf32>,
      tpu.vector_store %arg5[%swap3A_29], %broadcast_in_dim3A_3 {strides = array<i32>} : memref<304xf32, #tpu.memory_space<vmem>>, vector<16xf32>,
      %swap3A_31 = arith.constant 64 : index
      %swap3A_32 = tpu.vector_load %arg6[%swap3A_31] {strides = array<i32>} : memref<304xf32, #tpu.memory_space<vmem>>, vector<16xf32>,
      tpu.vector_store %arg6[%swap3A_31], %broadcast_in_dim3A_3 {strides = array<i32>} : memref<304xf32, #tpu.memory_space<vmem>>, vector<16xf32>,
      %swap3A_33 = arith.constant 64 : index
      %swap3A_34 = tpu.vector_load %arg8[%swap3A_33] {strides = array<i32>} : memref<304xi32, #tpu.memory_space<vmem>>, vector<16xi32>,
      tpu.vector_store %arg8[%swap3A_33], %broadcast_in_dim3A_5 {strides = array<i32>} : memref<304xi32, #tpu.memory_space<vmem>>, vector<16xi32>,
      %swap3A_35 = arith.constant 80 : index
      %swap3A_36 = tpu.vector_load %arg5[%swap3A_35] {strides = array<i32>} : memref<304xf32, #tpu.memory_space<vmem>>, vector<16xf32>,
      tpu.vector_store %arg5[%swap3A_35], %broadcast_in_dim3A_3 {strides = array<i32>} : memref<304xf32, #tpu.memory_space<vmem>>, vector<16xf32>,
      %swap3A_37 = arith.constant 80 : index
      %swap3A_38 = tpu.vector_load %arg6[%swap3A_37] {strides = array<i32>} : memref<304xf32, #tpu.memory_space<vmem>>, vector<16xf32>,
      tpu.vector_store %arg6[%swap3A_37], %broadcast_in_dim3A_3 {strides = array<i32>} : memref<304xf32, #tpu.memory_space<vmem>>, vector<16xf32>,
      %swap3A_39 = arith.constant 80 : index
      %swap3A_40 = tpu.vector_load %arg8[%swap3A_39] {strides = array<i32>} : memref<304xi32, #tpu.memory_space<vmem>>, vector<16xi32>,
      tpu.vector_store %arg8[%swap3A_39], %broadcast_in_dim3A_5 {strides = array<i32>} : memref<304xi32, #tpu.memory_space<vmem>>, vector<16xi32>,
      %swap3A_41 = arith.constant 96 : index
      %swap3A_42 = tpu.vector_load %arg5[%swap3A_41] {strides = array<i32>} : memref<304xf32, #tpu.memory_space<vmem>>, vector<16xf32>,
      tpu.vector_store %arg5[%swap3A_41], %broadcast_in_dim3A_3 {strides = array<i32>} : memref<304xf32, #tpu.memory_space<vmem>>, vector<16xf32>,
      %swap3A_43 = arith.constant 96 : index
      %swap3A_44 = tpu.vector_load %arg6[%swap3A_43] {strides = array<i32>} : memref<304xf32, #tpu.memory_space<vmem>>, vector<16xf32>,
      tpu.vector_store %arg6[%swap3A_43], %broadcast_in_dim3A_3 {strides = array<i32>} : memref<304xf32, #tpu.memory_space<vmem>>, vector<16xf32>,
      %swap3A_45 = arith.constant 96 : index
      %swap3A_46 = tpu.vector_load %arg8[%swap3A_45] {strides = array<i32>} : memref<304xi32, #tpu.memory_space<vmem>>, vector<16xi32>,
      tpu.vector_store %arg8[%swap3A_45], %broadcast_in_dim3A_5 {strides = array<i32>} : memref<304xi32, #tpu.memory_space<vmem>>, vector<16xi32>,
      %swap3A_47 = arith.constant 112 : index
      %swap3A_48 = tpu.vector_load %arg5[%swap3A_47] {strides = array<i32>} : memref<304xf32, #tpu.memory_space<vmem>>, vector<16xf32>,
      tpu.vector_store %arg5[%swap3A_47], %broadcast_in_dim3A_3 {strides = array<i32>} : memref<304xf32, #tpu.memory_space<vmem>>, vector<16xf32>,
      %swap3A_49 = arith.constant 112 : index
      %swap3A_50 = tpu.vector_load %arg6[%swap3A_49] {strides = array<i32>} : memref<304xf32, #tpu.memory_space<vmem>>, vector<16xf32>,
      tpu.vector_store %arg6[%swap3A_49], %broadcast_in_dim3A_3 {strides = array<i32>} : memref<304xf32, #tpu.memory_space<vmem>>, vector<16xf32>,
      %swap3A_51 = arith.constant 112 : index
      %swap3A_52 = tpu.vector_load %arg8[%swap3A_51] {strides = array<i32>} : memref<304xi32, #tpu.memory_space<vmem>>, vector<16xi32>,
      tpu.vector_store %arg8[%swap3A_51], %broadcast_in_dim3A_5 {strides = array<i32>} : memref<304xi32, #tpu.memory_space<vmem>>, vector<16xi32>,
      %swap3A_53 = arith.constant 128 : index
      %swap3A_54 = tpu.vector_load %arg5[%swap3A_53] {strides = array<i32>} : memref<304xf32, #tpu.memory_space<vmem>>, vector<16xf32>,
      tpu.vector_store %arg5[%swap3A_53], %broadcast_in_dim3A_3 {strides = array<i32>} : memref<304xf32, #tpu.memory_space<vmem>>, vector<16xf32>,
      %swap3A_55 = arith.constant 128 : index
      %swap3A_56 = tpu.vector_load %arg6[%swap3A_55] {strides = array<i32>} : memref<304xf32, #tpu.memory_space<vmem>>, vector<16xf32>,
      tpu.vector_store %arg6[%swap3A_55], %broadcast_in_dim3A_3 {strides = array<i32>} : memref<304xf32, #tpu.memory_space<vmem>>, vector<16xf32>,
      %swap3A_57 = arith.constant 128 : index
      %swap3A_58 = tpu.vector_load %arg8[%swap3A_57] {strides = array<i32>} : memref<304xi32, #tpu.memory_space<vmem>>, vector<16xi32>,
      tpu.vector_store %arg8[%swap3A_57], %broadcast_in_dim3A_5 {strides = array<i32>} : memref<304xi32, #tpu.memory_space<vmem>>, vector<16xi32>,
      %swap3A_59 = arith.constant 144 : index
      %swap3A_60 = tpu.vector_load %arg5[%swap3A_59] {strides = array<i32>} : memref<304xf32, #tpu.memory_space<vmem>>, vector<16xf32>,
      tpu.vector_store %arg5[%swap3A_59], %broadcast_in_dim3A_3 {strides = array<i32>} : memref<304xf32, #tpu.memory_space<vmem>>, vector<16xf32>,
      %swap3A_61 = arith.constant 144 : index
      %swap3A_62 = tpu.vector_load %arg6[%swap3A_61] {strides = array<i32>} : memref<304xf32, #tpu.memory_space<vmem>>, vector<16xf32>,
      tpu.vector_store %arg6[%swap3A_61], %broadcast_in_dim3A_3 {strides = array<i32>} : memref<304xf32, #tpu.memory_space<vmem>>, vector<16xf32>,
      %swap3A_63 = arith.constant 144 : index
      %swap3A_64 = tpu.vector_load %arg8[%swap3A_63] {strides = array<i32>} : memref<304xi32, #tpu.memory_space<vmem>>, vector<16xi32>,
      tpu.vector_store %arg8[%swap3A_63], %broadcast_in_dim3A_5 {strides = array<i32>} : memref<304xi32, #tpu.memory_space<vmem>>, vector<16xi32>,
      %swap3A_65 = arith.constant 160 : index
      %swap3A_66 = tpu.vector_load %arg5[%swap3A_65] {strides = array<i32>} : memref<304xf32, #tpu.memory_space<vmem>>, vector<16xf32>,
      tpu.vector_store %arg5[%swap3A_65], %broadcast_in_dim3A_3 {strides = array<i32>} : memref<304xf32, #tpu.memory_space<vmem>>, vector<16xf32>,
      %swap3A_67 = arith.constant 160 : index
      %swap3A_68 = tpu.vector_load %arg6[%swap3A_67] {strides = array<i32>} : memref<304xf32, #tpu.memory_space<vmem>>, vector<16xf32>,
      tpu.vector_store %arg6[%swap3A_67], %broadcast_in_dim3A_3 {strides = array<i32>} : memref<304xf32, #tpu.memory_space<vmem>>, vector<16xf32>,
      %swap3A_69 = arith.constant 160 : index
      %swap3A_70 = tpu.vector_load %arg8[%swap3A_69] {strides = array<i32>} : memref<304xi32, #tpu.memory_space<vmem>>, vector<16xi32>,
      tpu.vector_store %arg8[%swap3A_69], %broadcast_in_dim3A_5 {strides = array<i32>} : memref<304xi32, #tpu.memory_space<vmem>>, vector<16xi32>,
      %swap3A_71 = arith.constant 176 : index
      %swap3A_72 = tpu.vector_load %arg5[%swap3A_71] {strides = array<i32>} : memref<304xf32, #tpu.memory_space<vmem>>, vector<16xf32>,
      tpu.vector_store %arg5[%swap3A_71], %broadcast_in_dim3A_3 {strides = array<i32>} : memref<304xf32, #tpu.memory_space<vmem>>, vector<16xf32>,
      %swap3A_73 = arith.constant 176 : index
      %swap3A_74 = tpu.vector_load %arg6[%swap3A_73] {strides = array<i32>} : memref<304xf32, #tpu.memory_space<vmem>>, vector<16xf32>,
      tpu.vector_store %arg6[%swap3A_73], %broadcast_in_dim3A_3 {strides = array<i32>} : memref<304xf32, #tpu.memory_space<vmem>>, vector<16xf32>,
      %swap3A_75 = arith.constant 176 : index
      %swap3A_76 = tpu.vector_load %arg8[%swap3A_75] {strides = array<i32>} : memref<304xi32, #tpu.memory_space<vmem>>, vector<16xi32>,
      tpu.vector_store %arg8[%swap3A_75], %broadcast_in_dim3A_5 {strides = array<i32>} : memref<304xi32, #tpu.memory_space<vmem>>, vector<16xi32>,
      %swap3A_77 = arith.constant 192 : index
      %swap3A_78 = tpu.vector_load %arg5[%swap3A_77] {strides = array<i32>} : memref<304xf32, #tpu.memory_space<vmem>>, vector<16xf32>,
      tpu.vector_store %arg5[%swap3A_77], %broadcast_in_dim3A_3 {strides = array<i32>} : memref<304xf32, #tpu.memory_space<vmem>>, vector<16xf32>,
      %swap3A_79 = arith.constant 192 : index
      %swap3A_80 = tpu.vector_load %arg6[%swap3A_79] {strides = array<i32>} : memref<304xf32, #tpu.memory_space<vmem>>, vector<16xf32>,
      tpu.vector_store %arg6[%swap3A_79], %broadcast_in_dim3A_3 {strides = array<i32>} : memref<304xf32, #tpu.memory_space<vmem>>, vector<16xf32>,
      %swap3A_81 = arith.constant 192 : index
      %swap3A_82 = tpu.vector_load %arg8[%swap3A_81] {strides = array<i32>} : memref<304xi32, #tpu.memory_space<vmem>>, vector<16xi32>,
      tpu.vector_store %arg8[%swap3A_81], %broadcast_in_dim3A_5 {strides = array<i32>} : memref<304xi32, #tpu.memory_space<vmem>>, vector<16xi32>,
      %swap3A_83 = arith.constant 208 : index
      %swap3A_84 = tpu.vector_load %arg5[%swap3A_83] {strides = array<i32>} : memref<304xf32, #tpu.memory_space<vmem>>, vector<16xf32>,
      tpu.vector_store %arg5[%swap3A_83], %broadcast_in_dim3A_3 {strides = array<i32>} : memref<304xf32, #tpu.memory_space<vmem>>, vector<16xf32>,
      %swap3A_85 = arith.constant 208 : index
      %swap3A_86 = tpu.vector_load %arg6[%swap3A_85] {strides = array<i32>} : memref<304xf32, #tpu.memory_space<vmem>>, vector<16xf32>,
      tpu.vector_store %arg6[%swap3A_85], %broadcast_in_dim3A_3 {strides = array<i32>} : memref<304xf32, #tpu.memory_space<vmem>>, vector<16xf32>,
      %swap3A_87 = arith.constant 208 : index
      %swap3A_88 = tpu.vector_load %arg8[%swap3A_87] {strides = array<i32>} : memref<304xi32, #tpu.memory_space<vmem>>, vector<16xi32>,
      tpu.vector_store %arg8[%swap3A_87], %broadcast_in_dim3A_5 {strides = array<i32>} : memref<304xi32, #tpu.memory_space<vmem>>, vector<16xi32>,
      %swap3A_89 = arith.constant 224 : index
      %swap3A_90 = tpu.vector_load %arg5[%swap3A_89] {strides = array<i32>} : memref<304xf32, #tpu.memory_space<vmem>>, vector<16xf32>,
      tpu.vector_store %arg5[%swap3A_89], %broadcast_in_dim3A_3 {strides = array<i32>} : memref<304xf32, #tpu.memory_space<vmem>>, vector<16xf32>,
      %swap3A_91 = arith.constant 224 : index
      %swap3A_92 = tpu.vector_load %arg6[%swap3A_91] {strides = array<i32>} : memref<304xf32, #tpu.memory_space<vmem>>, vector<16xf32>,
      tpu.vector_store %arg6[%swap3A_91], %broadcast_in_dim3A_3 {strides = array<i32>} : memref<304xf32, #tpu.memory_space<vmem>>, vector<16xf32>,
      %swap3A_93 = arith.constant 224 : index
      %swap3A_94 = tpu.vector_load %arg8[%swap3A_93] {strides = array<i32>} : memref<304xi32, #tpu.memory_space<vmem>>, vector<16xi32>,
      tpu.vector_store %arg8[%swap3A_93], %broadcast_in_dim3A_5 {strides = array<i32>} : memref<304xi32, #tpu.memory_space<vmem>>, vector<16xi32>,
      %swap3A_95 = arith.constant 240 : index
      %swap3A_96 = tpu.vector_load %arg5[%swap3A_95] {strides = array<i32>} : memref<304xf32, #tpu.memory_space<vmem>>, vector<16xf32>,
      tpu.vector_store %arg5[%swap3A_95], %broadcast_in_dim3A_3 {strides = array<i32>} : memref<304xf32, #tpu.memory_space<vmem>>, vector<16xf32>,
      %swap3A_97 = arith.constant 240 : index
      %swap3A_98 = tpu.vector_load %arg6[%swap3A_97] {strides = array<i32>} : memref<304xf32, #tpu.memory_space<vmem>>, vector<16xf32>,
      tpu.vector_store %arg6[%swap3A_97], %broadcast_in_dim3A_3 {strides = array<i32>} : memref<304xf32, #tpu.memory_space<vmem>>, vector<16xf32>,
      %swap3A_99 = arith.constant 240 : index
      %swap3A_100 = tpu.vector_load %arg8[%swap3A_99] {strides = array<i32>} : memref<304xi32, #tpu.memory_space<vmem>>, vector<16xi32>,
      tpu.vector_store %arg8[%swap3A_99], %broadcast_in_dim3A_5 {strides = array<i32>} : memref<304xi32, #tpu.memory_space<vmem>>, vector<16xi32>,
      %swap3A_101 = arith.constant 256 : index
      %swap3A_102 = tpu.vector_load %arg5[%swap3A_101] {strides = array<i32>} : memref<304xf32, #tpu.memory_space<vmem>>, vector<16xf32>,
      tpu.vector_store %arg5[%swap3A_101], %broadcast_in_dim3A_3 {strides = array<i32>} : memref<304xf32, #tpu.memory_space<vmem>>, vector<16xf32>,
      %swap3A_103 = arith.constant 256 : index
      %swap3A_104 = tpu.vector_load %arg6[%swap3A_103] {strides = array<i32>} : memref<304xf32, #tpu.memory_space<vmem>>, vector<16xf32>,
      tpu.vector_store %arg6[%swap3A_103], %broadcast_in_dim3A_3 {strides = array<i32>} : memref<304xf32, #tpu.memory_space<vmem>>, vector<16xf32>,
      %swap3A_105 = arith.constant 256 : index
      %swap3A_106 = tpu.vector_load %arg8[%swap3A_105] {strides = array<i32>} : memref<304xi32, #tpu.memory_space<vmem>>, vector<16xi32>,
      tpu.vector_store %arg8[%swap3A_105], %broadcast_in_dim3A_5 {strides = array<i32>} : memref<304xi32, #tpu.memory_space<vmem>>, vector<16xi32>,
      %swap3A_107 = arith.constant 272 : index
      %swap3A_108 = tpu.vector_load %arg5[%swap3A_107] {strides = array<i32>} : memref<304xf32, #tpu.memory_space<vmem>>, vector<16xf32>,
      tpu.vector_store %arg5[%swap3A_107], %broadcast_in_dim3A_3 {strides = array<i32>} : memref<304xf32, #tpu.memory_space<vmem>>, vector<16xf32>,
      %swap3A_109 = arith.constant 272 : index
      %swap3A_110 = tpu.vector_load %arg6[%swap3A_109] {strides = array<i32>} : memref<304xf32, #tpu.memory_space<vmem>>, vector<16xf32>,
      tpu.vector_store %arg6[%swap3A_109], %broadcast_in_dim3A_3 {strides = array<i32>} : memref<304xf32, #tpu.memory_space<vmem>>, vector<16xf32>,
      %swap3A_111 = arith.constant 272 : index
      %swap3A_112 = tpu.vector_load %arg8[%swap3A_111] {strides = array<i32>} : memref<304xi32, #tpu.memory_space<vmem>>, vector<16xi32>,
      tpu.vector_store %arg8[%swap3A_111], %broadcast_in_dim3A_5 {strides = array<i32>} : memref<304xi32, #tpu.memory_space<vmem>>, vector<16xi32>,
      %swap3A_113 = arith.constant 288 : index
      %swap3A_114 = tpu.vector_load %arg5[%swap3A_113] {strides = array<i32>} : memref<304xf32, #tpu.memory_space<vmem>>, vector<16xf32>,
      tpu.vector_store %arg5[%swap3A_113], %broadcast_in_dim3A_3 {strides = array<i32>} : memref<304xf32, #tpu.memory_space<vmem>>, vector<16xf32>,
      %swap3A_115 = arith.constant 288 : index
      %swap3A_116 = tpu.vector_load %arg6[%swap3A_115] {strides = array<i32>} : memref<304xf32, #tpu.memory_space<vmem>>, vector<16xf32>,
      tpu.vector_store %arg6[%swap3A_115], %broadcast_in_dim3A_3 {strides = array<i32>} : memref<304xf32, #tpu.memory_space<vmem>>, vector<16xf32>,
      %swap3A_117 = arith.constant 288 : index
      %swap3A_118 = tpu.vector_load %arg8[%swap3A_117] {strides = array<i32>} : memref<304xi32, #tpu.memory_space<vmem>>, vector<16xi32>,
      tpu.vector_store %arg8[%swap3A_117], %broadcast_in_dim3A_5 {strides = array<i32>} : memref<304xi32, #tpu.memory_space<vmem>>, vector<16xi32>,
      %scan3A = arith.constant 0 : i32
      %scan3A_119 = arith.constant 0 : i32
      %scan3A_120 = arith.constant 301 : i32
      %scan3A_121 = arith.addi %scan3A_119, %scan3A_120 : i32
      %scan3A_122 = arith.constant 1 : i32
      scf.for %scan3A_130 = %scan3A_119 to %scan3A_121 step %scan3A_122  : i32 {
        %swap3A_131 = arith.constant 0 : i32
        %swap3A_132 = arith.index_cast %scan3A_130 : i32 to index
        %swap3A_133 = memref.load %arg11[%swap3A_132] : memref<301xi32, #tpu.memory_space<smem>>
        memref.store %swap3A_131, %arg11[%swap3A_132] : memref<301xi32, #tpu.memory_space<smem>>
      }
      %scan3A_123 = arith.constant 301 : i32
      %scan3A_124 = arith.constant 0 : i32
      %scan3A_125 = arith.constant 1 : i32
      %scan3A_126 = arith.constant 32 : i32
      %scan3A_127 = arith.addi %scan3A_125, %scan3A_126 : i32
      %scan3A_128 = arith.constant 1 : i32
      scf.for %scan3A_130 = %scan3A_125 to %scan3A_127 step %scan3A_128  : i32 {
        %broadcast_in_dim3A_131 = arith.constant 0 : i32
        %broadcast_in_dim3A_132 = vector.broadcast %broadcast_in_dim3A_131 : i32 to vector<16xi32>
        %ge3A = arith.constant 12 : i32
        %ge3A_133 = vector.broadcast %ge3A : i32 to vector<16xi32>
        %ge3A_134 = arith.cmpi sge, %iota3A, %ge3A_133 : vector<16xi32>
        %convert_element_type3A_135 = arith.extui %ge3A_134 : vector<16xi1> to vector<16xi32>
        %swap3A_136 = arith.constant 0 : i32
        %swap3A_137 = arith.index_cast %swap3A_136 : i32 to index
        %swap3A_138 = memref.load %arg11[%swap3A_137] : memref<301xi32, #tpu.memory_space<smem>>
        memref.store %scan3A_130, %arg11[%swap3A_137] : memref<301xi32, #tpu.memory_space<smem>>
        %broadcast_in_dim3A_139 = arith.constant 9.99999984E+17 : f32
        %broadcast_in_dim3A_140 = vector.broadcast %broadcast_in_dim3A_139 : f32 to vector<16xf32>
        %swap3A_141 = arith.constant 0 : index
        %swap3A_142 = tpu.vector_load %arg7[%swap3A_141] {strides = array<i32>} : memref<304xf32, #tpu.memory_space<vmem>>, vector<16xf32>,
        tpu.vector_store %arg7[%swap3A_141], %broadcast_in_dim3A_140 {strides = array<i32>} : memref<304xf32, #tpu.memory_space<vmem>>, vector<16xf32>,
        %swap3A_143 = arith.constant 0 : index
        %swap3A_144 = tpu.vector_load %arg9[%swap3A_143] {strides = array<i32>} : memref<304xi32, #tpu.memory_space<vmem>>, vector<16xi32>,
        tpu.vector_store %arg9[%swap3A_143], %broadcast_in_dim3A_132 {strides = array<i32>} : memref<304xi32, #tpu.memory_space<vmem>>, vector<16xi32>,
        %broadcast_in_dim3A_145 = arith.constant 9.99999984E+17 : f32
        %broadcast_in_dim3A_146 = vector.broadcast %broadcast_in_dim3A_145 : f32 to vector<16xf32>
        %swap3A_147 = arith.constant 16 : index
        %swap3A_148 = tpu.vector_load %arg7[%swap3A_147] {strides = array<i32>} : memref<304xf32, #tpu.memory_space<vmem>>, vector<16xf32>,
        tpu.vector_store %arg7[%swap3A_147], %broadcast_in_dim3A_146 {strides = array<i32>} : memref<304xf32, #tpu.memory_space<vmem>>, vector<16xf32>,
        %swap3A_149 = arith.constant 16 : index
        %swap3A_150 = tpu.vector_load %arg9[%swap3A_149] {strides = array<i32>} : memref<304xi32, #tpu.memory_space<vmem>>, vector<16xi32>,
        tpu.vector_store %arg9[%swap3A_149], %broadcast_in_dim3A_132 {strides = array<i32>} : memref<304xi32, #tpu.memory_space<vmem>>, vector<16xi32>,
        %broadcast_in_dim3A_151 = arith.constant 9.99999984E+17 : f32
        %broadcast_in_dim3A_152 = vector.broadcast %broadcast_in_dim3A_151 : f32 to vector<16xf32>
        %swap3A_153 = arith.constant 32 : index
        %swap3A_154 = tpu.vector_load %arg7[%swap3A_153] {strides = array<i32>} : memref<304xf32, #tpu.memory_space<vmem>>, vector<16xf32>,
        tpu.vector_store %arg7[%swap3A_153], %broadcast_in_dim3A_152 {strides = array<i32>} : memref<304xf32, #tpu.memory_space<vmem>>, vector<16xf32>,
        %swap3A_155 = arith.constant 32 : index
        %swap3A_156 = tpu.vector_load %arg9[%swap3A_155] {strides = array<i32>} : memref<304xi32, #tpu.memory_space<vmem>>, vector<16xi32>,
        tpu.vector_store %arg9[%swap3A_155], %broadcast_in_dim3A_132 {strides = array<i32>} : memref<304xi32, #tpu.memory_space<vmem>>, vector<16xi32>,
        %broadcast_in_dim3A_157 = arith.constant 9.99999984E+17 : f32
        %broadcast_in_dim3A_158 = vector.broadcast %broadcast_in_dim3A_157 : f32 to vector<16xf32>
        %swap3A_159 = arith.constant 48 : index
        %swap3A_160 = tpu.vector_load %arg7[%swap3A_159] {strides = array<i32>} : memref<304xf32, #tpu.memory_space<vmem>>, vector<16xf32>,
        tpu.vector_store %arg7[%swap3A_159], %broadcast_in_dim3A_158 {strides = array<i32>} : memref<304xf32, #tpu.memory_space<vmem>>, vector<16xf32>,
        %swap3A_161 = arith.constant 48 : index
        %swap3A_162 = tpu.vector_load %arg9[%swap3A_161] {strides = array<i32>} : memref<304xi32, #tpu.memory_space<vmem>>, vector<16xi32>,
        tpu.vector_store %arg9[%swap3A_161], %broadcast_in_dim3A_132 {strides = array<i32>} : memref<304xi32, #tpu.memory_space<vmem>>, vector<16xi32>,
        %broadcast_in_dim3A_163 = arith.constant 9.99999984E+17 : f32
        %broadcast_in_dim3A_164 = vector.broadcast %broadcast_in_dim3A_163 : f32 to vector<16xf32>
        %swap3A_165 = arith.constant 64 : index
        %swap3A_166 = tpu.vector_load %arg7[%swap3A_165] {strides = array<i32>} : memref<304xf32, #tpu.memory_space<vmem>>, vector<16xf32>,
        tpu.vector_store %arg7[%swap3A_165], %broadcast_in_dim3A_164 {strides = array<i32>} : memref<304xf32, #tpu.memory_space<vmem>>, vector<16xf32>,
        %swap3A_167 = arith.constant 64 : index
        %swap3A_168 = tpu.vector_load %arg9[%swap3A_167] {strides = array<i32>} : memref<304xi32, #tpu.memory_space<vmem>>, vector<16xi32>,
        tpu.vector_store %arg9[%swap3A_167], %broadcast_in_dim3A_132 {strides = array<i32>} : memref<304xi32, #tpu.memory_space<vmem>>, vector<16xi32>,
        %broadcast_in_dim3A_169 = arith.constant 9.99999984E+17 : f32
        %broadcast_in_dim3A_170 = vector.broadcast %broadcast_in_dim3A_169 : f32 to vector<16xf32>
        %swap3A_171 = arith.constant 80 : index
        %swap3A_172 = tpu.vector_load %arg7[%swap3A_171] {strides = array<i32>} : memref<304xf32, #tpu.memory_space<vmem>>, vector<16xf32>,
        tpu.vector_store %arg7[%swap3A_171], %broadcast_in_dim3A_170 {strides = array<i32>} : memref<304xf32, #tpu.memory_space<vmem>>, vector<16xf32>,
        %swap3A_173 = arith.constant 80 : index
        %swap3A_174 = tpu.vector_load %arg9[%swap3A_173] {strides = array<i32>} : memref<304xi32, #tpu.memory_space<vmem>>, vector<16xi32>,
        tpu.vector_store %arg9[%swap3A_173], %broadcast_in_dim3A_132 {strides = array<i32>} : memref<304xi32, #tpu.memory_space<vmem>>, vector<16xi32>,
        %broadcast_in_dim3A_175 = arith.constant 9.99999984E+17 : f32
        %broadcast_in_dim3A_176 = vector.broadcast %broadcast_in_dim3A_175 : f32 to vector<16xf32>
        %swap3A_177 = arith.constant 96 : index
        %swap3A_178 = tpu.vector_load %arg7[%swap3A_177] {strides = array<i32>} : memref<304xf32, #tpu.memory_space<vmem>>, vector<16xf32>,
        tpu.vector_store %arg7[%swap3A_177], %broadcast_in_dim3A_176 {strides = array<i32>} : memref<304xf32, #tpu.memory_space<vmem>>, vector<16xf32>,
        %swap3A_179 = arith.constant 96 : index
        %swap3A_180 = tpu.vector_load %arg9[%swap3A_179] {strides = array<i32>} : memref<304xi32, #tpu.memory_space<vmem>>, vector<16xi32>,
        tpu.vector_store %arg9[%swap3A_179], %broadcast_in_dim3A_132 {strides = array<i32>} : memref<304xi32, #tpu.memory_space<vmem>>, vector<16xi32>,
        %broadcast_in_dim3A_181 = arith.constant 9.99999984E+17 : f32
        %broadcast_in_dim3A_182 = vector.broadcast %broadcast_in_dim3A_181 : f32 to vector<16xf32>
        %swap3A_183 = arith.constant 112 : index
        %swap3A_184 = tpu.vector_load %arg7[%swap3A_183] {strides = array<i32>} : memref<304xf32, #tpu.memory_space<vmem>>, vector<16xf32>,
        tpu.vector_store %arg7[%swap3A_183], %broadcast_in_dim3A_182 {strides = array<i32>} : memref<304xf32, #tpu.memory_space<vmem>>, vector<16xf32>,
        %swap3A_185 = arith.constant 112 : index
        %swap3A_186 = tpu.vector_load %arg9[%swap3A_185] {strides = array<i32>} : memref<304xi32, #tpu.memory_space<vmem>>, vector<16xi32>,
        tpu.vector_store %arg9[%swap3A_185], %broadcast_in_dim3A_132 {strides = array<i32>} : memref<304xi32, #tpu.memory_space<vmem>>, vector<16xi32>,
        %broadcast_in_dim3A_187 = arith.constant 9.99999984E+17 : f32
        %broadcast_in_dim3A_188 = vector.broadcast %broadcast_in_dim3A_187 : f32 to vector<16xf32>
        %swap3A_189 = arith.constant 128 : index
        %swap3A_190 = tpu.vector_load %arg7[%swap3A_189] {strides = array<i32>} : memref<304xf32, #tpu.memory_space<vmem>>, vector<16xf32>,
        tpu.vector_store %arg7[%swap3A_189], %broadcast_in_dim3A_188 {strides = array<i32>} : memref<304xf32, #tpu.memory_space<vmem>>, vector<16xf32>,
        %swap3A_191 = arith.constant 128 : index
        %swap3A_192 = tpu.vector_load %arg9[%swap3A_191] {strides = array<i32>} : memref<304xi32, #tpu.memory_space<vmem>>, vector<16xi32>,
        tpu.vector_store %arg9[%swap3A_191], %broadcast_in_dim3A_132 {strides = array<i32>} : memref<304xi32, #tpu.memory_space<vmem>>, vector<16xi32>,
        %broadcast_in_dim3A_193 = arith.constant 9.99999984E+17 : f32
        %broadcast_in_dim3A_194 = vector.broadcast %broadcast_in_dim3A_193 : f32 to vector<16xf32>
        %swap3A_195 = arith.constant 144 : index
        %swap3A_196 = tpu.vector_load %arg7[%swap3A_195] {strides = array<i32>} : memref<304xf32, #tpu.memory_space<vmem>>, vector<16xf32>,
        tpu.vector_store %arg7[%swap3A_195], %broadcast_in_dim3A_194 {strides = array<i32>} : memref<304xf32, #tpu.memory_space<vmem>>, vector<16xf32>,
        %swap3A_197 = arith.constant 144 : index
        %swap3A_198 = tpu.vector_load %arg9[%swap3A_197] {strides = array<i32>} : memref<304xi32, #tpu.memory_space<vmem>>, vector<16xi32>,
        tpu.vector_store %arg9[%swap3A_197], %broadcast_in_dim3A_132 {strides = array<i32>} : memref<304xi32, #tpu.memory_space<vmem>>, vector<16xi32>,
        %broadcast_in_dim3A_199 = arith.constant 9.99999984E+17 : f32
        %broadcast_in_dim3A_200 = vector.broadcast %broadcast_in_dim3A_199 : f32 to vector<16xf32>
        %swap3A_201 = arith.constant 160 : index
        %swap3A_202 = tpu.vector_load %arg7[%swap3A_201] {strides = array<i32>} : memref<304xf32, #tpu.memory_space<vmem>>, vector<16xf32>,
        tpu.vector_store %arg7[%swap3A_201], %broadcast_in_dim3A_200 {strides = array<i32>} : memref<304xf32, #tpu.memory_space<vmem>>, vector<16xf32>,
        %swap3A_203 = arith.constant 160 : index
        %swap3A_204 = tpu.vector_load %arg9[%swap3A_203] {strides = array<i32>} : memref<304xi32, #tpu.memory_space<vmem>>, vector<16xi32>,
        tpu.vector_store %arg9[%swap3A_203], %broadcast_in_dim3A_132 {strides = array<i32>} : memref<304xi32, #tpu.memory_space<vmem>>, vector<16xi32>,
        %broadcast_in_dim3A_205 = arith.constant 9.99999984E+17 : f32
        %broadcast_in_dim3A_206 = vector.broadcast %broadcast_in_dim3A_205 : f32 to vector<16xf32>
        %swap3A_207 = arith.constant 176 : index
        %swap3A_208 = tpu.vector_load %arg7[%swap3A_207] {strides = array<i32>} : memref<304xf32, #tpu.memory_space<vmem>>, vector<16xf32>,
        tpu.vector_store %arg7[%swap3A_207], %broadcast_in_dim3A_206 {strides = array<i32>} : memref<304xf32, #tpu.memory_space<vmem>>, vector<16xf32>,
        %swap3A_209 = arith.constant 176 : index
        %swap3A_210 = tpu.vector_load %arg9[%swap3A_209] {strides = array<i32>} : memref<304xi32, #tpu.memory_space<vmem>>, vector<16xi32>,
        tpu.vector_store %arg9[%swap3A_209], %broadcast_in_dim3A_132 {strides = array<i32>} : memref<304xi32, #tpu.memory_space<vmem>>, vector<16xi32>,
        %broadcast_in_dim3A_211 = arith.constant 9.99999984E+17 : f32
        %broadcast_in_dim3A_212 = vector.broadcast %broadcast_in_dim3A_211 : f32 to vector<16xf32>
        %swap3A_213 = arith.constant 192 : index
        %swap3A_214 = tpu.vector_load %arg7[%swap3A_213] {strides = array<i32>} : memref<304xf32, #tpu.memory_space<vmem>>, vector<16xf32>,
        tpu.vector_store %arg7[%swap3A_213], %broadcast_in_dim3A_212 {strides = array<i32>} : memref<304xf32, #tpu.memory_space<vmem>>, vector<16xf32>,
        %swap3A_215 = arith.constant 192 : index
        %swap3A_216 = tpu.vector_load %arg9[%swap3A_215] {strides = array<i32>} : memref<304xi32, #tpu.memory_space<vmem>>, vector<16xi32>,
        tpu.vector_store %arg9[%swap3A_215], %broadcast_in_dim3A_132 {strides = array<i32>} : memref<304xi32, #tpu.memory_space<vmem>>, vector<16xi32>,
        %broadcast_in_dim3A_217 = arith.constant 9.99999984E+17 : f32
        %broadcast_in_dim3A_218 = vector.broadcast %broadcast_in_dim3A_217 : f32 to vector<16xf32>
        %swap3A_219 = arith.constant 208 : index
        %swap3A_220 = tpu.vector_load %arg7[%swap3A_219] {strides = array<i32>} : memref<304xf32, #tpu.memory_space<vmem>>, vector<16xf32>,
        tpu.vector_store %arg7[%swap3A_219], %broadcast_in_dim3A_218 {strides = array<i32>} : memref<304xf32, #tpu.memory_space<vmem>>, vector<16xf32>,
        %swap3A_221 = arith.constant 208 : index
        %swap3A_222 = tpu.vector_load %arg9[%swap3A_221] {strides = array<i32>} : memref<304xi32, #tpu.memory_space<vmem>>, vector<16xi32>,
        tpu.vector_store %arg9[%swap3A_221], %broadcast_in_dim3A_132 {strides = array<i32>} : memref<304xi32, #tpu.memory_space<vmem>>, vector<16xi32>,
        %broadcast_in_dim3A_223 = arith.constant 9.99999984E+17 : f32
        %broadcast_in_dim3A_224 = vector.broadcast %broadcast_in_dim3A_223 : f32 to vector<16xf32>
        %swap3A_225 = arith.constant 224 : index
        %swap3A_226 = tpu.vector_load %arg7[%swap3A_225] {strides = array<i32>} : memref<304xf32, #tpu.memory_space<vmem>>, vector<16xf32>,
        tpu.vector_store %arg7[%swap3A_225], %broadcast_in_dim3A_224 {strides = array<i32>} : memref<304xf32, #tpu.memory_space<vmem>>, vector<16xf32>,
        %swap3A_227 = arith.constant 224 : index
        %swap3A_228 = tpu.vector_load %arg9[%swap3A_227] {strides = array<i32>} : memref<304xi32, #tpu.memory_space<vmem>>, vector<16xi32>,
        tpu.vector_store %arg9[%swap3A_227], %broadcast_in_dim3A_132 {strides = array<i32>} : memref<304xi32, #tpu.memory_space<vmem>>, vector<16xi32>,
        %broadcast_in_dim3A_229 = arith.constant 9.99999984E+17 : f32
        %broadcast_in_dim3A_230 = vector.broadcast %broadcast_in_dim3A_229 : f32 to vector<16xf32>
        %swap3A_231 = arith.constant 240 : index
        %swap3A_232 = tpu.vector_load %arg7[%swap3A_231] {strides = array<i32>} : memref<304xf32, #tpu.memory_space<vmem>>, vector<16xf32>,
        tpu.vector_store %arg7[%swap3A_231], %broadcast_in_dim3A_230 {strides = array<i32>} : memref<304xf32, #tpu.memory_space<vmem>>, vector<16xf32>,
        %swap3A_233 = arith.constant 240 : index
        %swap3A_234 = tpu.vector_load %arg9[%swap3A_233] {strides = array<i32>} : memref<304xi32, #tpu.memory_space<vmem>>, vector<16xi32>,
        tpu.vector_store %arg9[%swap3A_233], %broadcast_in_dim3A_132 {strides = array<i32>} : memref<304xi32, #tpu.memory_space<vmem>>, vector<16xi32>,
        %broadcast_in_dim3A_235 = arith.constant 9.99999984E+17 : f32
        %broadcast_in_dim3A_236 = vector.broadcast %broadcast_in_dim3A_235 : f32 to vector<16xf32>
        %swap3A_237 = arith.constant 256 : index
        %swap3A_238 = tpu.vector_load %arg7[%swap3A_237] {strides = array<i32>} : memref<304xf32, #tpu.memory_space<vmem>>, vector<16xf32>,
        tpu.vector_store %arg7[%swap3A_237], %broadcast_in_dim3A_236 {strides = array<i32>} : memref<304xf32, #tpu.memory_space<vmem>>, vector<16xf32>,
        %swap3A_239 = arith.constant 256 : index
        %swap3A_240 = tpu.vector_load %arg9[%swap3A_239] {strides = array<i32>} : memref<304xi32, #tpu.memory_space<vmem>>, vector<16xi32>,
        tpu.vector_store %arg9[%swap3A_239], %broadcast_in_dim3A_132 {strides = array<i32>} : memref<304xi32, #tpu.memory_space<vmem>>, vector<16xi32>,
        %broadcast_in_dim3A_241 = arith.constant 9.99999984E+17 : f32
        %broadcast_in_dim3A_242 = vector.broadcast %broadcast_in_dim3A_241 : f32 to vector<16xf32>
        %swap3A_243 = arith.constant 272 : index
        %swap3A_244 = tpu.vector_load %arg7[%swap3A_243] {strides = array<i32>} : memref<304xf32, #tpu.memory_space<vmem>>, vector<16xf32>,
        tpu.vector_store %arg7[%swap3A_243], %broadcast_in_dim3A_242 {strides = array<i32>} : memref<304xf32, #tpu.memory_space<vmem>>, vector<16xf32>,
        %swap3A_245 = arith.constant 272 : index
        %swap3A_246 = tpu.vector_load %arg9[%swap3A_245] {strides = array<i32>} : memref<304xi32, #tpu.memory_space<vmem>>, vector<16xi32>,
        tpu.vector_store %arg9[%swap3A_245], %broadcast_in_dim3A_132 {strides = array<i32>} : memref<304xi32, #tpu.memory_space<vmem>>, vector<16xi32>,
        %broadcast_in_dim3A_247 = arith.constant 9.99999984E+17 : f32
        %broadcast_in_dim3A_248 = vector.broadcast %broadcast_in_dim3A_247 : f32 to vector<16xf32>
        %swap3A_249 = arith.constant 288 : index
        %swap3A_250 = tpu.vector_load %arg7[%swap3A_249] {strides = array<i32>} : memref<304xf32, #tpu.memory_space<vmem>>, vector<16xf32>,
        tpu.vector_store %arg7[%swap3A_249], %broadcast_in_dim3A_248 {strides = array<i32>} : memref<304xf32, #tpu.memory_space<vmem>>, vector<16xf32>,
        %swap3A_251 = arith.constant 288 : index
        %swap3A_252 = tpu.vector_load %arg9[%swap3A_251] {strides = array<i32>} : memref<304xi32, #tpu.memory_space<vmem>>, vector<16xi32>,
        tpu.vector_store %arg9[%swap3A_251], %convert_element_type3A_135 {strides = array<i32>} : memref<304xi32, #tpu.memory_space<vmem>>, vector<16xi32>,
        %while3A = arith.constant 0 : i32
        %while3A_253 = arith.constant 0.000000e+00 : f32
        %while3A_254:3 = scf.while (%while3A_258 = %while3A, %while3A_259 = %while3A_253, %while3A_260 = %scan3A_130) : (i32, f32, i32) -> (i32, f32, i32) {
          %ne3A = arith.constant 0 : i32
          %ne3A_261 = arith.cmpi ne, %while3A_260, %ne3A : i32
          scf.condition(%ne3A_261) %while3A_258, %while3A_259, %while3A_260 : i32, f32, i32
        } do {
        ^bb0(%while3A_258: i32, %while3A_259: f32, %while3A_260: i32):
          %sub3A = arith.constant 1 : i32
          %sub3A_261 = arith.subi %while3A_258, %sub3A : i32
          %max3A = arith.constant 0 : i32
          %max3A_262 = arith.maxsi %sub3A_261, %max3A : i32
          %broadcast_in_dim3A_263 = vector.broadcast %max3A_262 : i32 to vector<16xi32>
          %eq3A_264 = arith.constant 0 : i32
          %eq3A_265 = vector.broadcast %eq3A_264 : i32 to vector<16xi32>
          %eq3A_266 = arith.cmpi eq, %iota3A, %eq3A_265 : vector<16xi32>
          %broadcast_in_dim3A_267 = vector.broadcast %while3A_258 : i32 to vector<16xi32>
          %gt3A = arith.constant 0 : i32
          %gt3A_268 = vector.broadcast %gt3A : i32 to vector<16xi32>
          %gt3A_269 = arith.cmpi sgt, %broadcast_in_dim3A_267, %gt3A_268 : vector<16xi32>
          %broadcast_in_dim3A_270 = arith.constant 1 : i32
          %broadcast_in_dim3A_271 = vector.broadcast %broadcast_in_dim3A_270 : i32 to vector<16xi32>
          %and3A = arith.andi %eq3A_266, %gt3A_269 : vector<16xi1>
          tpu.vector_store_idx %arg9[%broadcast_in_dim3A_263], %broadcast_in_dim3A_271 masked %and3A : memref<304xi32, #tpu.memory_space<vmem>>[vector<16xi32>], vector<16xi32>, vector<16xi1>
          %gather3A = tpu.vector_load_idx %arg6[%broadcast_in_dim3A_263] : memref<304xf32, #tpu.memory_space<vmem>>[vector<16xi32>], vector<16xf32>,
          %broadcast_in_dim3A_272 = vector.broadcast %while3A_259 : f32 to vector<16xf32>
          %select_n3A = arith.select %gt3A_269, %gather3A, %broadcast_in_dim3A_272 : vector<16xi1>, vector<16xf32>
          %sub3A_273 = arith.constant 1 : i32
          %sub3A_274 = arith.subi %while3A_260, %sub3A_273 : i32
          %broadcast_in_dim3A_275 = vector.broadcast %sub3A_274 : i32 to vector<16xi32>
          %broadcast_in_dim3A_276 = vector.broadcast %while3A_258 : i32 to vector<16xi32>
          %broadcast_in_dim3A_277 = arith.constant 9.99999984E+17 : f32
          %broadcast_in_dim3A_278 = vector.broadcast %broadcast_in_dim3A_277 : f32 to vector<16xf32>
          %broadcast_in_dim3A_279 = arith.constant 0 : i32
          %broadcast_in_dim3A_280 = vector.broadcast %broadcast_in_dim3A_279 : i32 to vector<16xi32>
          %add3A_281 = arith.constant 0 : i32
          %add3A_282 = vector.broadcast %add3A_281 : i32 to vector<16xi32>
          %add3A_283 = arith.addi %iota3A, %add3A_282 : vector<16xi32>
          %gather3A_284 = tpu.vector_load_idx %arg4[%broadcast_in_dim3A_275, %add3A_283] : memref<32x304xf32, #tpu.memory_space<vmem>>[vector<16xi32>, vector<16xi32>], vector<16xf32>,
          %sub3A_285 = arith.subf %gather3A_284, %select_n3A : vector<16xf32>
          %get3A = arith.constant 0 : index
          %get3A_286 = tpu.vector_load %arg5[%get3A] {strides = array<i32>} : memref<304xf32, #tpu.memory_space<vmem>>, vector<16xf32>,
          %sub3A_287 = arith.subf %sub3A_285, %get3A_286 : vector<16xf32>
          %get3A_288 = arith.constant 0 : index
          %get3A_289 = tpu.vector_load %arg9[%get3A_288] {strides = array<i32>} : memref<304xi32, #tpu.memory_space<vmem>>, vector<16xi32>,
          %eq3A_290 = arith.constant 0 : i32
          %eq3A_291 = vector.broadcast %eq3A_290 : i32 to vector<16xi32>
          %eq3A_292 = arith.cmpi eq, %get3A_289, %eq3A_291 : vector<16xi32>
          %get3A_293 = arith.constant 0 : index
          %get3A_294 = tpu.vector_load %arg7[%get3A_293] {strides = array<i32>} : memref<304xf32, #tpu.memory_space<vmem>>, vector<16xf32>,
          %lt3A_295 = arith.cmpf olt, %sub3A_287, %get3A_294 : vector<16xf32>
          %and3A_296 = arith.andi %eq3A_292, %lt3A_295 : vector<16xi1>
          %select_n3A_297 = arith.select %and3A_296, %sub3A_287, %get3A_294 : vector<16xi1>, vector<16xf32>
          %swap3A_298 = arith.constant 0 : index
          %swap3A_299 = tpu.vector_load %arg7[%swap3A_298] {strides = array<i32>} : memref<304xf32, #tpu.memory_space<vmem>>, vector<16xf32>,
          tpu.vector_store %arg7[%swap3A_298], %select_n3A_297 {strides = array<i32>} : memref<304xf32, #tpu.memory_space<vmem>>, vector<16xf32>,
          %get3A_300 = arith.constant 0 : index
          %get3A_301 = tpu.vector_load %arg8[%get3A_300] {strides = array<i32>} : memref<304xi32, #tpu.memory_space<vmem>>, vector<16xi32>,
          %select_n3A_302 = arith.select %and3A_296, %broadcast_in_dim3A_276, %get3A_301 : vector<16xi1>, vector<16xi32>
          %swap3A_303 = arith.constant 0 : index
          %swap3A_304 = tpu.vector_load %arg8[%swap3A_303] {strides = array<i32>} : memref<304xi32, #tpu.memory_space<vmem>>, vector<16xi32>,
          tpu.vector_store %arg8[%swap3A_303], %select_n3A_302 {strides = array<i32>} : memref<304xi32, #tpu.memory_space<vmem>>, vector<16xi32>,
          %jit3A = arith.constant 9.99999984E+17 : f32
          %broadcast_in_dim3A_305 = vector.broadcast %jit3A : f32 to vector<16xf32>
          %select_n3A_306 = arith.select %eq3A_292, %select_n3A_297, %broadcast_in_dim3A_305 : vector<16xi1>, vector<16xf32>
          %lt3A_307 = arith.cmpf olt, %select_n3A_306, %broadcast_in_dim3A_278 : vector<16xf32>
          %select_n3A_308 = arith.select %lt3A_307, %select_n3A_306, %broadcast_in_dim3A_278 : vector<16xi1>, vector<16xf32>
          %add3A_309 = arith.constant 1 : i32
          %add3A_310 = vector.broadcast %add3A_309 : i32 to vector<16xi32>
          %add3A_311 = arith.addi %iota3A, %add3A_310 : vector<16xi32>
          %select_n3A_312 = arith.select %lt3A_307, %add3A_311, %broadcast_in_dim3A_280 : vector<16xi1>, vector<16xi32>
          %add3A_313 = arith.constant 16 : i32
          %add3A_314 = vector.broadcast %add3A_313 : i32 to vector<16xi32>
          %add3A_315 = arith.addi %iota3A, %add3A_314 : vector<16xi32>
          %gather3A_316 = tpu.vector_load_idx %arg4[%broadcast_in_dim3A_275, %add3A_315] : memref<32x304xf32, #tpu.memory_space<vmem>>[vector<16xi32>, vector<16xi32>], vector<16xf32>,
          %sub3A_317 = arith.subf %gather3A_316, %select_n3A : vector<16xf32>
          %get3A_318 = arith.constant 16 : index
          %get3A_319 = tpu.vector_load %arg5[%get3A_318] {strides = array<i32>} : memref<304xf32, #tpu.memory_space<vmem>>, vector<16xf32>,
          %sub3A_320 = arith.subf %sub3A_317, %get3A_319 : vector<16xf32>
          %get3A_321 = arith.constant 16 : index
          %get3A_322 = tpu.vector_load %arg9[%get3A_321] {strides = array<i32>} : memref<304xi32, #tpu.memory_space<vmem>>, vector<16xi32>,
          %eq3A_323 = arith.constant 0 : i32
          %eq3A_324 = vector.broadcast %eq3A_323 : i32 to vector<16xi32>
          %eq3A_325 = arith.cmpi eq, %get3A_322, %eq3A_324 : vector<16xi32>
          %get3A_326 = arith.constant 16 : index
          %get3A_327 = tpu.vector_load %arg7[%get3A_326] {strides = array<i32>} : memref<304xf32, #tpu.memory_space<vmem>>, vector<16xf32>,
          %lt3A_328 = arith.cmpf olt, %sub3A_320, %get3A_327 : vector<16xf32>
          %and3A_329 = arith.andi %eq3A_325, %lt3A_328 : vector<16xi1>
          %select_n3A_330 = arith.select %and3A_329, %sub3A_320, %get3A_327 : vector<16xi1>, vector<16xf32>
          %swap3A_331 = arith.constant 16 : index
          %swap3A_332 = tpu.vector_load %arg7[%swap3A_331] {strides = array<i32>} : memref<304xf32, #tpu.memory_space<vmem>>, vector<16xf32>,
          tpu.vector_store %arg7[%swap3A_331], %select_n3A_330 {strides = array<i32>} : memref<304xf32, #tpu.memory_space<vmem>>, vector<16xf32>,
          %get3A_333 = arith.constant 16 : index
          %get3A_334 = tpu.vector_load %arg8[%get3A_333] {strides = array<i32>} : memref<304xi32, #tpu.memory_space<vmem>>, vector<16xi32>,
          %select_n3A_335 = arith.select %and3A_329, %broadcast_in_dim3A_276, %get3A_334 : vector<16xi1>, vector<16xi32>
          %swap3A_336 = arith.constant 16 : index
          %swap3A_337 = tpu.vector_load %arg8[%swap3A_336] {strides = array<i32>} : memref<304xi32, #tpu.memory_space<vmem>>, vector<16xi32>,
          tpu.vector_store %arg8[%swap3A_336], %select_n3A_335 {strides = array<i32>} : memref<304xi32, #tpu.memory_space<vmem>>, vector<16xi32>,
          %jit3A_338 = arith.constant 9.99999984E+17 : f32
          %broadcast_in_dim3A_339 = vector.broadcast %jit3A_338 : f32 to vector<16xf32>
          %select_n3A_340 = arith.select %eq3A_325, %select_n3A_330, %broadcast_in_dim3A_339 : vector<16xi1>, vector<16xf32>
          %lt3A_341 = arith.cmpf olt, %select_n3A_340, %select_n3A_308 : vector<16xf32>
          %select_n3A_342 = arith.select %lt3A_341, %select_n3A_340, %select_n3A_308 : vector<16xi1>, vector<16xf32>
          %add3A_343 = arith.constant 17 : i32
          %add3A_344 = vector.broadcast %add3A_343 : i32 to vector<16xi32>
          %add3A_345 = arith.addi %iota3A, %add3A_344 : vector<16xi32>
          %select_n3A_346 = arith.select %lt3A_341, %add3A_345, %select_n3A_312 : vector<16xi1>, vector<16xi32>
          %add3A_347 = arith.constant 32 : i32
          %add3A_348 = vector.broadcast %add3A_347 : i32 to vector<16xi32>
          %add3A_349 = arith.addi %iota3A, %add3A_348 : vector<16xi32>
          %gather3A_350 = tpu.vector_load_idx %arg4[%broadcast_in_dim3A_275, %add3A_349] : memref<32x304xf32, #tpu.memory_space<vmem>>[vector<16xi32>, vector<16xi32>], vector<16xf32>,
          %sub3A_351 = arith.subf %gather3A_350, %select_n3A : vector<16xf32>
          %get3A_352 = arith.constant 32 : index
          %get3A_353 = tpu.vector_load %arg5[%get3A_352] {strides = array<i32>} : memref<304xf32, #tpu.memory_space<vmem>>, vector<16xf32>,
          %sub3A_354 = arith.subf %sub3A_351, %get3A_353 : vector<16xf32>
          %get3A_355 = arith.constant 32 : index
          %get3A_356 = tpu.vector_load %arg9[%get3A_355] {strides = array<i32>} : memref<304xi32, #tpu.memory_space<vmem>>, vector<16xi32>,
          %eq3A_357 = arith.constant 0 : i32
          %eq3A_358 = vector.broadcast %eq3A_357 : i32 to vector<16xi32>
          %eq3A_359 = arith.cmpi eq, %get3A_356, %eq3A_358 : vector<16xi32>
          %get3A_360 = arith.constant 32 : index
          %get3A_361 = tpu.vector_load %arg7[%get3A_360] {strides = array<i32>} : memref<304xf32, #tpu.memory_space<vmem>>, vector<16xf32>,
          %lt3A_362 = arith.cmpf olt, %sub3A_354, %get3A_361 : vector<16xf32>
          %and3A_363 = arith.andi %eq3A_359, %lt3A_362 : vector<16xi1>
          %select_n3A_364 = arith.select %and3A_363, %sub3A_354, %get3A_361 : vector<16xi1>, vector<16xf32>
          %swap3A_365 = arith.constant 32 : index
          %swap3A_366 = tpu.vector_load %arg7[%swap3A_365] {strides = array<i32>} : memref<304xf32, #tpu.memory_space<vmem>>, vector<16xf32>,
          tpu.vector_store %arg7[%swap3A_365], %select_n3A_364 {strides = array<i32>} : memref<304xf32, #tpu.memory_space<vmem>>, vector<16xf32>,
          %get3A_367 = arith.constant 32 : index
          %get3A_368 = tpu.vector_load %arg8[%get3A_367] {strides = array<i32>} : memref<304xi32, #tpu.memory_space<vmem>>, vector<16xi32>,
          %select_n3A_369 = arith.select %and3A_363, %broadcast_in_dim3A_276, %get3A_368 : vector<16xi1>, vector<16xi32>
          %swap3A_370 = arith.constant 32 : index
          %swap3A_371 = tpu.vector_load %arg8[%swap3A_370] {strides = array<i32>} : memref<304xi32, #tpu.memory_space<vmem>>, vector<16xi32>,
          tpu.vector_store %arg8[%swap3A_370], %select_n3A_369 {strides = array<i32>} : memref<304xi32, #tpu.memory_space<vmem>>, vector<16xi32>,
          %jit3A_372 = arith.constant 9.99999984E+17 : f32
          %broadcast_in_dim3A_373 = vector.broadcast %jit3A_372 : f32 to vector<16xf32>
          %select_n3A_374 = arith.select %eq3A_359, %select_n3A_364, %broadcast_in_dim3A_373 : vector<16xi1>, vector<16xf32>
          %lt3A_375 = arith.cmpf olt, %select_n3A_374, %select_n3A_342 : vector<16xf32>
          %select_n3A_376 = arith.select %lt3A_375, %select_n3A_374, %select_n3A_342 : vector<16xi1>, vector<16xf32>
          %add3A_377 = arith.constant 33 : i32
          %add3A_378 = vector.broadcast %add3A_377 : i32 to vector<16xi32>
          %add3A_379 = arith.addi %iota3A, %add3A_378 : vector<16xi32>
          %select_n3A_380 = arith.select %lt3A_375, %add3A_379, %select_n3A_346 : vector<16xi1>, vector<16xi32>
          %add3A_381 = arith.constant 48 : i32
          %add3A_382 = vector.broadcast %add3A_381 : i32 to vector<16xi32>
          %add3A_383 = arith.addi %iota3A, %add3A_382 : vector<16xi32>
          %gather3A_384 = tpu.vector_load_idx %arg4[%broadcast_in_dim3A_275, %add3A_383] : memref<32x304xf32, #tpu.memory_space<vmem>>[vector<16xi32>, vector<16xi32>], vector<16xf32>,
          %sub3A_385 = arith.subf %gather3A_384, %select_n3A : vector<16xf32>
          %get3A_386 = arith.constant 48 : index
          %get3A_387 = tpu.vector_load %arg5[%get3A_386] {strides = array<i32>} : memref<304xf32, #tpu.memory_space<vmem>>, vector<16xf32>,
          %sub3A_388 = arith.subf %sub3A_385, %get3A_387 : vector<16xf32>
          %get3A_389 = arith.constant 48 : index
          %get3A_390 = tpu.vector_load %arg9[%get3A_389] {strides = array<i32>} : memref<304xi32, #tpu.memory_space<vmem>>, vector<16xi32>,
          %eq3A_391 = arith.constant 0 : i32
          %eq3A_392 = vector.broadcast %eq3A_391 : i32 to vector<16xi32>
          %eq3A_393 = arith.cmpi eq, %get3A_390, %eq3A_392 : vector<16xi32>
          %get3A_394 = arith.constant 48 : index
          %get3A_395 = tpu.vector_load %arg7[%get3A_394] {strides = array<i32>} : memref<304xf32, #tpu.memory_space<vmem>>, vector<16xf32>,
          %lt3A_396 = arith.cmpf olt, %sub3A_388, %get3A_395 : vector<16xf32>
          %and3A_397 = arith.andi %eq3A_393, %lt3A_396 : vector<16xi1>
          %select_n3A_398 = arith.select %and3A_397, %sub3A_388, %get3A_395 : vector<16xi1>, vector<16xf32>
          %swap3A_399 = arith.constant 48 : index
          %swap3A_400 = tpu.vector_load %arg7[%swap3A_399] {strides = array<i32>} : memref<304xf32, #tpu.memory_space<vmem>>, vector<16xf32>,
          tpu.vector_store %arg7[%swap3A_399], %select_n3A_398 {strides = array<i32>} : memref<304xf32, #tpu.memory_space<vmem>>, vector<16xf32>,
          %get3A_401 = arith.constant 48 : index
          %get3A_402 = tpu.vector_load %arg8[%get3A_401] {strides = array<i32>} : memref<304xi32, #tpu.memory_space<vmem>>, vector<16xi32>,
          %select_n3A_403 = arith.select %and3A_397, %broadcast_in_dim3A_276, %get3A_402 : vector<16xi1>, vector<16xi32>
          %swap3A_404 = arith.constant 48 : index
          %swap3A_405 = tpu.vector_load %arg8[%swap3A_404] {strides = array<i32>} : memref<304xi32, #tpu.memory_space<vmem>>, vector<16xi32>,
          tpu.vector_store %arg8[%swap3A_404], %select_n3A_403 {strides = array<i32>} : memref<304xi32, #tpu.memory_space<vmem>>, vector<16xi32>,
          %jit3A_406 = arith.constant 9.99999984E+17 : f32
          %broadcast_in_dim3A_407 = vector.broadcast %jit3A_406 : f32 to vector<16xf32>
          %select_n3A_408 = arith.select %eq3A_393, %select_n3A_398, %broadcast_in_dim3A_407 : vector<16xi1>, vector<16xf32>
          %lt3A_409 = arith.cmpf olt, %select_n3A_408, %select_n3A_376 : vector<16xf32>
          %select_n3A_410 = arith.select %lt3A_409, %select_n3A_408, %select_n3A_376 : vector<16xi1>, vector<16xf32>
          %add3A_411 = arith.constant 49 : i32
          %add3A_412 = vector.broadcast %add3A_411 : i32 to vector<16xi32>
          %add3A_413 = arith.addi %iota3A, %add3A_412 : vector<16xi32>
          %select_n3A_414 = arith.select %lt3A_409, %add3A_413, %select_n3A_380 : vector<16xi1>, vector<16xi32>
          %add3A_415 = arith.constant 64 : i32
          %add3A_416 = vector.broadcast %add3A_415 : i32 to vector<16xi32>
          %add3A_417 = arith.addi %iota3A, %add3A_416 : vector<16xi32>
          %gather3A_418 = tpu.vector_load_idx %arg4[%broadcast_in_dim3A_275, %add3A_417] : memref<32x304xf32, #tpu.memory_space<vmem>>[vector<16xi32>, vector<16xi32>], vector<16xf32>,
          %sub3A_419 = arith.subf %gather3A_418, %select_n3A : vector<16xf32>
          %get3A_420 = arith.constant 64 : index
          %get3A_421 = tpu.vector_load %arg5[%get3A_420] {strides = array<i32>} : memref<304xf32, #tpu.memory_space<vmem>>, vector<16xf32>,
          %sub3A_422 = arith.subf %sub3A_419, %get3A_421 : vector<16xf32>
          %get3A_423 = arith.constant 64 : index
          %get3A_424 = tpu.vector_load %arg9[%get3A_423] {strides = array<i32>} : memref<304xi32, #tpu.memory_space<vmem>>, vector<16xi32>,
          %eq3A_425 = arith.constant 0 : i32
          %eq3A_426 = vector.broadcast %eq3A_425 : i32 to vector<16xi32>
          %eq3A_427 = arith.cmpi eq, %get3A_424, %eq3A_426 : vector<16xi32>
          %get3A_428 = arith.constant 64 : index
          %get3A_429 = tpu.vector_load %arg7[%get3A_428] {strides = array<i32>} : memref<304xf32, #tpu.memory_space<vmem>>, vector<16xf32>,
          %lt3A_430 = arith.cmpf olt, %sub3A_422, %get3A_429 : vector<16xf32>
          %and3A_431 = arith.andi %eq3A_427, %lt3A_430 : vector<16xi1>
          %select_n3A_432 = arith.select %and3A_431, %sub3A_422, %get3A_429 : vector<16xi1>, vector<16xf32>
          %swap3A_433 = arith.constant 64 : index
          %swap3A_434 = tpu.vector_load %arg7[%swap3A_433] {strides = array<i32>} : memref<304xf32, #tpu.memory_space<vmem>>, vector<16xf32>,
          tpu.vector_store %arg7[%swap3A_433], %select_n3A_432 {strides = array<i32>} : memref<304xf32, #tpu.memory_space<vmem>>, vector<16xf32>,
          %get3A_435 = arith.constant 64 : index
          %get3A_436 = tpu.vector_load %arg8[%get3A_435] {strides = array<i32>} : memref<304xi32, #tpu.memory_space<vmem>>, vector<16xi32>,
          %select_n3A_437 = arith.select %and3A_431, %broadcast_in_dim3A_276, %get3A_436 : vector<16xi1>, vector<16xi32>
          %swap3A_438 = arith.constant 64 : index
          %swap3A_439 = tpu.vector_load %arg8[%swap3A_438] {strides = array<i32>} : memref<304xi32, #tpu.memory_space<vmem>>, vector<16xi32>,
          tpu.vector_store %arg8[%swap3A_438], %select_n3A_437 {strides = array<i32>} : memref<304xi32, #tpu.memory_space<vmem>>, vector<16xi32>,
          %jit3A_440 = arith.constant 9.99999984E+17 : f32
          %broadcast_in_dim3A_441 = vector.broadcast %jit3A_440 : f32 to vector<16xf32>
          %select_n3A_442 = arith.select %eq3A_427, %select_n3A_432, %broadcast_in_dim3A_441 : vector<16xi1>, vector<16xf32>
          %lt3A_443 = arith.cmpf olt, %select_n3A_442, %select_n3A_410 : vector<16xf32>
          %select_n3A_444 = arith.select %lt3A_443, %select_n3A_442, %select_n3A_410 : vector<16xi1>, vector<16xf32>
          %add3A_445 = arith.constant 65 : i32
          %add3A_446 = vector.broadcast %add3A_445 : i32 to vector<16xi32>
          %add3A_447 = arith.addi %iota3A, %add3A_446 : vector<16xi32>
          %select_n3A_448 = arith.select %lt3A_443, %add3A_447, %select_n3A_414 : vector<16xi1>, vector<16xi32>
          %add3A_449 = arith.constant 80 : i32
          %add3A_450 = vector.broadcast %add3A_449 : i32 to vector<16xi32>
          %add3A_451 = arith.addi %iota3A, %add3A_450 : vector<16xi32>
          %gather3A_452 = tpu.vector_load_idx %arg4[%broadcast_in_dim3A_275, %add3A_451] : memref<32x304xf32, #tpu.memory_space<vmem>>[vector<16xi32>, vector<16xi32>], vector<16xf32>,
          %sub3A_453 = arith.subf %gather3A_452, %select_n3A : vector<16xf32>
          %get3A_454 = arith.constant 80 : index
          %get3A_455 = tpu.vector_load %arg5[%get3A_454] {strides = array<i32>} : memref<304xf32, #tpu.memory_space<vmem>>, vector<16xf32>,
          %sub3A_456 = arith.subf %sub3A_453, %get3A_455 : vector<16xf32>
          %get3A_457 = arith.constant 80 : index
          %get3A_458 = tpu.vector_load %arg9[%get3A_457] {strides = array<i32>} : memref<304xi32, #tpu.memory_space<vmem>>, vector<16xi32>,
          %eq3A_459 = arith.constant 0 : i32
          %eq3A_460 = vector.broadcast %eq3A_459 : i32 to vector<16xi32>
          %eq3A_461 = arith.cmpi eq, %get3A_458, %eq3A_460 : vector<16xi32>
          %get3A_462 = arith.constant 80 : index
          %get3A_463 = tpu.vector_load %arg7[%get3A_462] {strides = array<i32>} : memref<304xf32, #tpu.memory_space<vmem>>, vector<16xf32>,
          %lt3A_464 = arith.cmpf olt, %sub3A_456, %get3A_463 : vector<16xf32>
          %and3A_465 = arith.andi %eq3A_461, %lt3A_464 : vector<16xi1>
          %select_n3A_466 = arith.select %and3A_465, %sub3A_456, %get3A_463 : vector<16xi1>, vector<16xf32>
          %swap3A_467 = arith.constant 80 : index
          %swap3A_468 = tpu.vector_load %arg7[%swap3A_467] {strides = array<i32>} : memref<304xf32, #tpu.memory_space<vmem>>, vector<16xf32>,
          tpu.vector_store %arg7[%swap3A_467], %select_n3A_466 {strides = array<i32>} : memref<304xf32, #tpu.memory_space<vmem>>, vector<16xf32>,
          %get3A_469 = arith.constant 80 : index
          %get3A_470 = tpu.vector_load %arg8[%get3A_469] {strides = array<i32>} : memref<304xi32, #tpu.memory_space<vmem>>, vector<16xi32>,
          %select_n3A_471 = arith.select %and3A_465, %broadcast_in_dim3A_276, %get3A_470 : vector<16xi1>, vector<16xi32>
          %swap3A_472 = arith.constant 80 : index
          %swap3A_473 = tpu.vector_load %arg8[%swap3A_472] {strides = array<i32>} : memref<304xi32, #tpu.memory_space<vmem>>, vector<16xi32>,
          tpu.vector_store %arg8[%swap3A_472], %select_n3A_471 {strides = array<i32>} : memref<304xi32, #tpu.memory_space<vmem>>, vector<16xi32>,
          %jit3A_474 = arith.constant 9.99999984E+17 : f32
          %broadcast_in_dim3A_475 = vector.broadcast %jit3A_474 : f32 to vector<16xf32>
          %select_n3A_476 = arith.select %eq3A_461, %select_n3A_466, %broadcast_in_dim3A_475 : vector<16xi1>, vector<16xf32>
          %lt3A_477 = arith.cmpf olt, %select_n3A_476, %select_n3A_444 : vector<16xf32>
          %select_n3A_478 = arith.select %lt3A_477, %select_n3A_476, %select_n3A_444 : vector<16xi1>, vector<16xf32>
          %add3A_479 = arith.constant 81 : i32
          %add3A_480 = vector.broadcast %add3A_479 : i32 to vector<16xi32>
          %add3A_481 = arith.addi %iota3A, %add3A_480 : vector<16xi32>
          %select_n3A_482 = arith.select %lt3A_477, %add3A_481, %select_n3A_448 : vector<16xi1>, vector<16xi32>
          %add3A_483 = arith.constant 96 : i32
          %add3A_484 = vector.broadcast %add3A_483 : i32 to vector<16xi32>
          %add3A_485 = arith.addi %iota3A, %add3A_484 : vector<16xi32>
          %gather3A_486 = tpu.vector_load_idx %arg4[%broadcast_in_dim3A_275, %add3A_485] : memref<32x304xf32, #tpu.memory_space<vmem>>[vector<16xi32>, vector<16xi32>], vector<16xf32>,
          %sub3A_487 = arith.subf %gather3A_486, %select_n3A : vector<16xf32>
          %get3A_488 = arith.constant 96 : index
          %get3A_489 = tpu.vector_load %arg5[%get3A_488] {strides = array<i32>} : memref<304xf32, #tpu.memory_space<vmem>>, vector<16xf32>,
          %sub3A_490 = arith.subf %sub3A_487, %get3A_489 : vector<16xf32>
          %get3A_491 = arith.constant 96 : index
          %get3A_492 = tpu.vector_load %arg9[%get3A_491] {strides = array<i32>} : memref<304xi32, #tpu.memory_space<vmem>>, vector<16xi32>,
          %eq3A_493 = arith.constant 0 : i32
          %eq3A_494 = vector.broadcast %eq3A_493 : i32 to vector<16xi32>
          %eq3A_495 = arith.cmpi eq, %get3A_492, %eq3A_494 : vector<16xi32>
          %get3A_496 = arith.constant 96 : index
          %get3A_497 = tpu.vector_load %arg7[%get3A_496] {strides = array<i32>} : memref<304xf32, #tpu.memory_space<vmem>>, vector<16xf32>,
          %lt3A_498 = arith.cmpf olt, %sub3A_490, %get3A_497 : vector<16xf32>
          %and3A_499 = arith.andi %eq3A_495, %lt3A_498 : vector<16xi1>
          %select_n3A_500 = arith.select %and3A_499, %sub3A_490, %get3A_497 : vector<16xi1>, vector<16xf32>
          %swap3A_501 = arith.constant 96 : index
          %swap3A_502 = tpu.vector_load %arg7[%swap3A_501] {strides = array<i32>} : memref<304xf32, #tpu.memory_space<vmem>>, vector<16xf32>,
          tpu.vector_store %arg7[%swap3A_501], %select_n3A_500 {strides = array<i32>} : memref<304xf32, #tpu.memory_space<vmem>>, vector<16xf32>,
          %get3A_503 = arith.constant 96 : index
          %get3A_504 = tpu.vector_load %arg8[%get3A_503] {strides = array<i32>} : memref<304xi32, #tpu.memory_space<vmem>>, vector<16xi32>,
          %select_n3A_505 = arith.select %and3A_499, %broadcast_in_dim3A_276, %get3A_504 : vector<16xi1>, vector<16xi32>
          %swap3A_506 = arith.constant 96 : index
          %swap3A_507 = tpu.vector_load %arg8[%swap3A_506] {strides = array<i32>} : memref<304xi32, #tpu.memory_space<vmem>>, vector<16xi32>,
          tpu.vector_store %arg8[%swap3A_506], %select_n3A_505 {strides = array<i32>} : memref<304xi32, #tpu.memory_space<vmem>>, vector<16xi32>,
          %jit3A_508 = arith.constant 9.99999984E+17 : f32
          %broadcast_in_dim3A_509 = vector.broadcast %jit3A_508 : f32 to vector<16xf32>
          %select_n3A_510 = arith.select %eq3A_495, %select_n3A_500, %broadcast_in_dim3A_509 : vector<16xi1>, vector<16xf32>
          %lt3A_511 = arith.cmpf olt, %select_n3A_510, %select_n3A_478 : vector<16xf32>
          %select_n3A_512 = arith.select %lt3A_511, %select_n3A_510, %select_n3A_478 : vector<16xi1>, vector<16xf32>
          %add3A_513 = arith.constant 97 : i32
          %add3A_514 = vector.broadcast %add3A_513 : i32 to vector<16xi32>
          %add3A_515 = arith.addi %iota3A, %add3A_514 : vector<16xi32>
          %select_n3A_516 = arith.select %lt3A_511, %add3A_515, %select_n3A_482 : vector<16xi1>, vector<16xi32>
          %add3A_517 = arith.constant 112 : i32
          %add3A_518 = vector.broadcast %add3A_517 : i32 to vector<16xi32>
          %add3A_519 = arith.addi %iota3A, %add3A_518 : vector<16xi32>
          %gather3A_520 = tpu.vector_load_idx %arg4[%broadcast_in_dim3A_275, %add3A_519] : memref<32x304xf32, #tpu.memory_space<vmem>>[vector<16xi32>, vector<16xi32>], vector<16xf32>,
          %sub3A_521 = arith.subf %gather3A_520, %select_n3A : vector<16xf32>
          %get3A_522 = arith.constant 112 : index
          %get3A_523 = tpu.vector_load %arg5[%get3A_522] {strides = array<i32>} : memref<304xf32, #tpu.memory_space<vmem>>, vector<16xf32>,
          %sub3A_524 = arith.subf %sub3A_521, %get3A_523 : vector<16xf32>
          %get3A_525 = arith.constant 112 : index
          %get3A_526 = tpu.vector_load %arg9[%get3A_525] {strides = array<i32>} : memref<304xi32, #tpu.memory_space<vmem>>, vector<16xi32>,
          %eq3A_527 = arith.constant 0 : i32
          %eq3A_528 = vector.broadcast %eq3A_527 : i32 to vector<16xi32>
          %eq3A_529 = arith.cmpi eq, %get3A_526, %eq3A_528 : vector<16xi32>
          %get3A_530 = arith.constant 112 : index
          %get3A_531 = tpu.vector_load %arg7[%get3A_530] {strides = array<i32>} : memref<304xf32, #tpu.memory_space<vmem>>, vector<16xf32>,
          %lt3A_532 = arith.cmpf olt, %sub3A_524, %get3A_531 : vector<16xf32>
          %and3A_533 = arith.andi %eq3A_529, %lt3A_532 : vector<16xi1>
          %select_n3A_534 = arith.select %and3A_533, %sub3A_524, %get3A_531 : vector<16xi1>, vector<16xf32>
          %swap3A_535 = arith.constant 112 : index
          %swap3A_536 = tpu.vector_load %arg7[%swap3A_535] {strides = array<i32>} : memref<304xf32, #tpu.memory_space<vmem>>, vector<16xf32>,
          tpu.vector_store %arg7[%swap3A_535], %select_n3A_534 {strides = array<i32>} : memref<304xf32, #tpu.memory_space<vmem>>, vector<16xf32>,
          %get3A_537 = arith.constant 112 : index
          %get3A_538 = tpu.vector_load %arg8[%get3A_537] {strides = array<i32>} : memref<304xi32, #tpu.memory_space<vmem>>, vector<16xi32>,
          %select_n3A_539 = arith.select %and3A_533, %broadcast_in_dim3A_276, %get3A_538 : vector<16xi1>, vector<16xi32>
          %swap3A_540 = arith.constant 112 : index
          %swap3A_541 = tpu.vector_load %arg8[%swap3A_540] {strides = array<i32>} : memref<304xi32, #tpu.memory_space<vmem>>, vector<16xi32>,
          tpu.vector_store %arg8[%swap3A_540], %select_n3A_539 {strides = array<i32>} : memref<304xi32, #tpu.memory_space<vmem>>, vector<16xi32>,
          %jit3A_542 = arith.constant 9.99999984E+17 : f32
          %broadcast_in_dim3A_543 = vector.broadcast %jit3A_542 : f32 to vector<16xf32>
          %select_n3A_544 = arith.select %eq3A_529, %select_n3A_534, %broadcast_in_dim3A_543 : vector<16xi1>, vector<16xf32>
          %lt3A_545 = arith.cmpf olt, %select_n3A_544, %select_n3A_512 : vector<16xf32>
          %select_n3A_546 = arith.select %lt3A_545, %select_n3A_544, %select_n3A_512 : vector<16xi1>, vector<16xf32>
          %add3A_547 = arith.constant 113 : i32
          %add3A_548 = vector.broadcast %add3A_547 : i32 to vector<16xi32>
          %add3A_549 = arith.addi %iota3A, %add3A_548 : vector<16xi32>
          %select_n3A_550 = arith.select %lt3A_545, %add3A_549, %select_n3A_516 : vector<16xi1>, vector<16xi32>
          %add3A_551 = arith.constant 128 : i32
          %add3A_552 = vector.broadcast %add3A_551 : i32 to vector<16xi32>
          %add3A_553 = arith.addi %iota3A, %add3A_552 : vector<16xi32>
          %gather3A_554 = tpu.vector_load_idx %arg4[%broadcast_in_dim3A_275, %add3A_553] : memref<32x304xf32, #tpu.memory_space<vmem>>[vector<16xi32>, vector<16xi32>], vector<16xf32>,
          %sub3A_555 = arith.subf %gather3A_554, %select_n3A : vector<16xf32>
          %get3A_556 = arith.constant 128 : index
          %get3A_557 = tpu.vector_load %arg5[%get3A_556] {strides = array<i32>} : memref<304xf32, #tpu.memory_space<vmem>>, vector<16xf32>,
          %sub3A_558 = arith.subf %sub3A_555, %get3A_557 : vector<16xf32>
          %get3A_559 = arith.constant 128 : index
          %get3A_560 = tpu.vector_load %arg9[%get3A_559] {strides = array<i32>} : memref<304xi32, #tpu.memory_space<vmem>>, vector<16xi32>,
          %eq3A_561 = arith.constant 0 : i32
          %eq3A_562 = vector.broadcast %eq3A_561 : i32 to vector<16xi32>
          %eq3A_563 = arith.cmpi eq, %get3A_560, %eq3A_562 : vector<16xi32>
          %get3A_564 = arith.constant 128 : index
          %get3A_565 = tpu.vector_load %arg7[%get3A_564] {strides = array<i32>} : memref<304xf32, #tpu.memory_space<vmem>>, vector<16xf32>,
          %lt3A_566 = arith.cmpf olt, %sub3A_558, %get3A_565 : vector<16xf32>
          %and3A_567 = arith.andi %eq3A_563, %lt3A_566 : vector<16xi1>
          %select_n3A_568 = arith.select %and3A_567, %sub3A_558, %get3A_565 : vector<16xi1>, vector<16xf32>
          %swap3A_569 = arith.constant 128 : index
          %swap3A_570 = tpu.vector_load %arg7[%swap3A_569] {strides = array<i32>} : memref<304xf32, #tpu.memory_space<vmem>>, vector<16xf32>,
          tpu.vector_store %arg7[%swap3A_569], %select_n3A_568 {strides = array<i32>} : memref<304xf32, #tpu.memory_space<vmem>>, vector<16xf32>,
          %get3A_571 = arith.constant 128 : index
          %get3A_572 = tpu.vector_load %arg8[%get3A_571] {strides = array<i32>} : memref<304xi32, #tpu.memory_space<vmem>>, vector<16xi32>,
          %select_n3A_573 = arith.select %and3A_567, %broadcast_in_dim3A_276, %get3A_572 : vector<16xi1>, vector<16xi32>
          %swap3A_574 = arith.constant 128 : index
          %swap3A_575 = tpu.vector_load %arg8[%swap3A_574] {strides = array<i32>} : memref<304xi32, #tpu.memory_space<vmem>>, vector<16xi32>,
          tpu.vector_store %arg8[%swap3A_574], %select_n3A_573 {strides = array<i32>} : memref<304xi32, #tpu.memory_space<vmem>>, vector<16xi32>,
          %jit3A_576 = arith.constant 9.99999984E+17 : f32
          %broadcast_in_dim3A_577 = vector.broadcast %jit3A_576 : f32 to vector<16xf32>
          %select_n3A_578 = arith.select %eq3A_563, %select_n3A_568, %broadcast_in_dim3A_577 : vector<16xi1>, vector<16xf32>
          %lt3A_579 = arith.cmpf olt, %select_n3A_578, %select_n3A_546 : vector<16xf32>
          %select_n3A_580 = arith.select %lt3A_579, %select_n3A_578, %select_n3A_546 : vector<16xi1>, vector<16xf32>
          %add3A_581 = arith.constant 129 : i32
          %add3A_582 = vector.broadcast %add3A_581 : i32 to vector<16xi32>
          %add3A_583 = arith.addi %iota3A, %add3A_582 : vector<16xi32>
          %select_n3A_584 = arith.select %lt3A_579, %add3A_583, %select_n3A_550 : vector<16xi1>, vector<16xi32>
          %add3A_585 = arith.constant 144 : i32
          %add3A_586 = vector.broadcast %add3A_585 : i32 to vector<16xi32>
          %add3A_587 = arith.addi %iota3A, %add3A_586 : vector<16xi32>
          %gather3A_588 = tpu.vector_load_idx %arg4[%broadcast_in_dim3A_275, %add3A_587] : memref<32x304xf32, #tpu.memory_space<vmem>>[vector<16xi32>, vector<16xi32>], vector<16xf32>,
          %sub3A_589 = arith.subf %gather3A_588, %select_n3A : vector<16xf32>
          %get3A_590 = arith.constant 144 : index
          %get3A_591 = tpu.vector_load %arg5[%get3A_590] {strides = array<i32>} : memref<304xf32, #tpu.memory_space<vmem>>, vector<16xf32>,
          %sub3A_592 = arith.subf %sub3A_589, %get3A_591 : vector<16xf32>
          %get3A_593 = arith.constant 144 : index
          %get3A_594 = tpu.vector_load %arg9[%get3A_593] {strides = array<i32>} : memref<304xi32, #tpu.memory_space<vmem>>, vector<16xi32>,
          %eq3A_595 = arith.constant 0 : i32
          %eq3A_596 = vector.broadcast %eq3A_595 : i32 to vector<16xi32>
          %eq3A_597 = arith.cmpi eq, %get3A_594, %eq3A_596 : vector<16xi32>
          %get3A_598 = arith.constant 144 : index
          %get3A_599 = tpu.vector_load %arg7[%get3A_598] {strides = array<i32>} : memref<304xf32, #tpu.memory_space<vmem>>, vector<16xf32>,
          %lt3A_600 = arith.cmpf olt, %sub3A_592, %get3A_599 : vector<16xf32>
          %and3A_601 = arith.andi %eq3A_597, %lt3A_600 : vector<16xi1>
          %select_n3A_602 = arith.select %and3A_601, %sub3A_592, %get3A_599 : vector<16xi1>, vector<16xf32>
          %swap3A_603 = arith.constant 144 : index
          %swap3A_604 = tpu.vector_load %arg7[%swap3A_603] {strides = array<i32>} : memref<304xf32, #tpu.memory_space<vmem>>, vector<16xf32>,
          tpu.vector_store %arg7[%swap3A_603], %select_n3A_602 {strides = array<i32>} : memref<304xf32, #tpu.memory_space<vmem>>, vector<16xf32>,
          %get3A_605 = arith.constant 144 : index
          %get3A_606 = tpu.vector_load %arg8[%get3A_605] {strides = array<i32>} : memref<304xi32, #tpu.memory_space<vmem>>, vector<16xi32>,
          %select_n3A_607 = arith.select %and3A_601, %broadcast_in_dim3A_276, %get3A_606 : vector<16xi1>, vector<16xi32>
          %swap3A_608 = arith.constant 144 : index
          %swap3A_609 = tpu.vector_load %arg8[%swap3A_608] {strides = array<i32>} : memref<304xi32, #tpu.memory_space<vmem>>, vector<16xi32>,
          tpu.vector_store %arg8[%swap3A_608], %select_n3A_607 {strides = array<i32>} : memref<304xi32, #tpu.memory_space<vmem>>, vector<16xi32>,
          %jit3A_610 = arith.constant 9.99999984E+17 : f32
          %broadcast_in_dim3A_611 = vector.broadcast %jit3A_610 : f32 to vector<16xf32>
          %select_n3A_612 = arith.select %eq3A_597, %select_n3A_602, %broadcast_in_dim3A_611 : vector<16xi1>, vector<16xf32>
          %lt3A_613 = arith.cmpf olt, %select_n3A_612, %select_n3A_580 : vector<16xf32>
          %select_n3A_614 = arith.select %lt3A_613, %select_n3A_612, %select_n3A_580 : vector<16xi1>, vector<16xf32>
          %add3A_615 = arith.constant 145 : i32
          %add3A_616 = vector.broadcast %add3A_615 : i32 to vector<16xi32>
          %add3A_617 = arith.addi %iota3A, %add3A_616 : vector<16xi32>
          %select_n3A_618 = arith.select %lt3A_613, %add3A_617, %select_n3A_584 : vector<16xi1>, vector<16xi32>
          %add3A_619 = arith.constant 160 : i32
          %add3A_620 = vector.broadcast %add3A_619 : i32 to vector<16xi32>
          %add3A_621 = arith.addi %iota3A, %add3A_620 : vector<16xi32>
          %gather3A_622 = tpu.vector_load_idx %arg4[%broadcast_in_dim3A_275, %add3A_621] : memref<32x304xf32, #tpu.memory_space<vmem>>[vector<16xi32>, vector<16xi32>], vector<16xf32>,
          %sub3A_623 = arith.subf %gather3A_622, %select_n3A : vector<16xf32>
          %get3A_624 = arith.constant 160 : index
          %get3A_625 = tpu.vector_load %arg5[%get3A_624] {strides = array<i32>} : memref<304xf32, #tpu.memory_space<vmem>>, vector<16xf32>,
          %sub3A_626 = arith.subf %sub3A_623, %get3A_625 : vector<16xf32>
          %get3A_627 = arith.constant 160 : index
          %get3A_628 = tpu.vector_load %arg9[%get3A_627] {strides = array<i32>} : memref<304xi32, #tpu.memory_space<vmem>>, vector<16xi32>,
          %eq3A_629 = arith.constant 0 : i32
          %eq3A_630 = vector.broadcast %eq3A_629 : i32 to vector<16xi32>
          %eq3A_631 = arith.cmpi eq, %get3A_628, %eq3A_630 : vector<16xi32>
          %get3A_632 = arith.constant 160 : index
          %get3A_633 = tpu.vector_load %arg7[%get3A_632] {strides = array<i32>} : memref<304xf32, #tpu.memory_space<vmem>>, vector<16xf32>,
          %lt3A_634 = arith.cmpf olt, %sub3A_626, %get3A_633 : vector<16xf32>
          %and3A_635 = arith.andi %eq3A_631, %lt3A_634 : vector<16xi1>
          %select_n3A_636 = arith.select %and3A_635, %sub3A_626, %get3A_633 : vector<16xi1>, vector<16xf32>
          %swap3A_637 = arith.constant 160 : index
          %swap3A_638 = tpu.vector_load %arg7[%swap3A_637] {strides = array<i32>} : memref<304xf32, #tpu.memory_space<vmem>>, vector<16xf32>,
          tpu.vector_store %arg7[%swap3A_637], %select_n3A_636 {strides = array<i32>} : memref<304xf32, #tpu.memory_space<vmem>>, vector<16xf32>,
          %get3A_639 = arith.constant 160 : index
          %get3A_640 = tpu.vector_load %arg8[%get3A_639] {strides = array<i32>} : memref<304xi32, #tpu.memory_space<vmem>>, vector<16xi32>,
          %select_n3A_641 = arith.select %and3A_635, %broadcast_in_dim3A_276, %get3A_640 : vector<16xi1>, vector<16xi32>
          %swap3A_642 = arith.constant 160 : index
          %swap3A_643 = tpu.vector_load %arg8[%swap3A_642] {strides = array<i32>} : memref<304xi32, #tpu.memory_space<vmem>>, vector<16xi32>,
          tpu.vector_store %arg8[%swap3A_642], %select_n3A_641 {strides = array<i32>} : memref<304xi32, #tpu.memory_space<vmem>>, vector<16xi32>,
          %jit3A_644 = arith.constant 9.99999984E+17 : f32
          %broadcast_in_dim3A_645 = vector.broadcast %jit3A_644 : f32 to vector<16xf32>
          %select_n3A_646 = arith.select %eq3A_631, %select_n3A_636, %broadcast_in_dim3A_645 : vector<16xi1>, vector<16xf32>
          %lt3A_647 = arith.cmpf olt, %select_n3A_646, %select_n3A_614 : vector<16xf32>
          %select_n3A_648 = arith.select %lt3A_647, %select_n3A_646, %select_n3A_614 : vector<16xi1>, vector<16xf32>
          %add3A_649 = arith.constant 161 : i32
          %add3A_650 = vector.broadcast %add3A_649 : i32 to vector<16xi32>
          %add3A_651 = arith.addi %iota3A, %add3A_650 : vector<16xi32>
          %select_n3A_652 = arith.select %lt3A_647, %add3A_651, %select_n3A_618 : vector<16xi1>, vector<16xi32>
          %add3A_653 = arith.constant 176 : i32
          %add3A_654 = vector.broadcast %add3A_653 : i32 to vector<16xi32>
          %add3A_655 = arith.addi %iota3A, %add3A_654 : vector<16xi32>
          %gather3A_656 = tpu.vector_load_idx %arg4[%broadcast_in_dim3A_275, %add3A_655] : memref<32x304xf32, #tpu.memory_space<vmem>>[vector<16xi32>, vector<16xi32>], vector<16xf32>,
          %sub3A_657 = arith.subf %gather3A_656, %select_n3A : vector<16xf32>
          %get3A_658 = arith.constant 176 : index
          %get3A_659 = tpu.vector_load %arg5[%get3A_658] {strides = array<i32>} : memref<304xf32, #tpu.memory_space<vmem>>, vector<16xf32>,
          %sub3A_660 = arith.subf %sub3A_657, %get3A_659 : vector<16xf32>
          %get3A_661 = arith.constant 176 : index
          %get3A_662 = tpu.vector_load %arg9[%get3A_661] {strides = array<i32>} : memref<304xi32, #tpu.memory_space<vmem>>, vector<16xi32>,
          %eq3A_663 = arith.constant 0 : i32
          %eq3A_664 = vector.broadcast %eq3A_663 : i32 to vector<16xi32>
          %eq3A_665 = arith.cmpi eq, %get3A_662, %eq3A_664 : vector<16xi32>
          %get3A_666 = arith.constant 176 : index
          %get3A_667 = tpu.vector_load %arg7[%get3A_666] {strides = array<i32>} : memref<304xf32, #tpu.memory_space<vmem>>, vector<16xf32>,
          %lt3A_668 = arith.cmpf olt, %sub3A_660, %get3A_667 : vector<16xf32>
          %and3A_669 = arith.andi %eq3A_665, %lt3A_668 : vector<16xi1>
          %select_n3A_670 = arith.select %and3A_669, %sub3A_660, %get3A_667 : vector<16xi1>, vector<16xf32>
          %swap3A_671 = arith.constant 176 : index
          %swap3A_672 = tpu.vector_load %arg7[%swap3A_671] {strides = array<i32>} : memref<304xf32, #tpu.memory_space<vmem>>, vector<16xf32>,
          tpu.vector_store %arg7[%swap3A_671], %select_n3A_670 {strides = array<i32>} : memref<304xf32, #tpu.memory_space<vmem>>, vector<16xf32>,
          %get3A_673 = arith.constant 176 : index
          %get3A_674 = tpu.vector_load %arg8[%get3A_673] {strides = array<i32>} : memref<304xi32, #tpu.memory_space<vmem>>, vector<16xi32>,
          %select_n3A_675 = arith.select %and3A_669, %broadcast_in_dim3A_276, %get3A_674 : vector<16xi1>, vector<16xi32>
          %swap3A_676 = arith.constant 176 : index
          %swap3A_677 = tpu.vector_load %arg8[%swap3A_676] {strides = array<i32>} : memref<304xi32, #tpu.memory_space<vmem>>, vector<16xi32>,
          tpu.vector_store %arg8[%swap3A_676], %select_n3A_675 {strides = array<i32>} : memref<304xi32, #tpu.memory_space<vmem>>, vector<16xi32>,
          %jit3A_678 = arith.constant 9.99999984E+17 : f32
          %broadcast_in_dim3A_679 = vector.broadcast %jit3A_678 : f32 to vector<16xf32>
          %select_n3A_680 = arith.select %eq3A_665, %select_n3A_670, %broadcast_in_dim3A_679 : vector<16xi1>, vector<16xf32>
          %lt3A_681 = arith.cmpf olt, %select_n3A_680, %select_n3A_648 : vector<16xf32>
          %select_n3A_682 = arith.select %lt3A_681, %select_n3A_680, %select_n3A_648 : vector<16xi1>, vector<16xf32>
          %add3A_683 = arith.constant 177 : i32
          %add3A_684 = vector.broadcast %add3A_683 : i32 to vector<16xi32>
          %add3A_685 = arith.addi %iota3A, %add3A_684 : vector<16xi32>
          %select_n3A_686 = arith.select %lt3A_681, %add3A_685, %select_n3A_652 : vector<16xi1>, vector<16xi32>
          %add3A_687 = arith.constant 192 : i32
          %add3A_688 = vector.broadcast %add3A_687 : i32 to vector<16xi32>
          %add3A_689 = arith.addi %iota3A, %add3A_688 : vector<16xi32>
          %gather3A_690 = tpu.vector_load_idx %arg4[%broadcast_in_dim3A_275, %add3A_689] : memref<32x304xf32, #tpu.memory_space<vmem>>[vector<16xi32>, vector<16xi32>], vector<16xf32>,
          %sub3A_691 = arith.subf %gather3A_690, %select_n3A : vector<16xf32>
          %get3A_692 = arith.constant 192 : index
          %get3A_693 = tpu.vector_load %arg5[%get3A_692] {strides = array<i32>} : memref<304xf32, #tpu.memory_space<vmem>>, vector<16xf32>,
          %sub3A_694 = arith.subf %sub3A_691, %get3A_693 : vector<16xf32>
          %get3A_695 = arith.constant 192 : index
          %get3A_696 = tpu.vector_load %arg9[%get3A_695] {strides = array<i32>} : memref<304xi32, #tpu.memory_space<vmem>>, vector<16xi32>,
          %eq3A_697 = arith.constant 0 : i32
          %eq3A_698 = vector.broadcast %eq3A_697 : i32 to vector<16xi32>
          %eq3A_699 = arith.cmpi eq, %get3A_696, %eq3A_698 : vector<16xi32>
          %get3A_700 = arith.constant 192 : index
          %get3A_701 = tpu.vector_load %arg7[%get3A_700] {strides = array<i32>} : memref<304xf32, #tpu.memory_space<vmem>>, vector<16xf32>,
          %lt3A_702 = arith.cmpf olt, %sub3A_694, %get3A_701 : vector<16xf32>
          %and3A_703 = arith.andi %eq3A_699, %lt3A_702 : vector<16xi1>
          %select_n3A_704 = arith.select %and3A_703, %sub3A_694, %get3A_701 : vector<16xi1>, vector<16xf32>
          %swap3A_705 = arith.constant 192 : index
          %swap3A_706 = tpu.vector_load %arg7[%swap3A_705] {strides = array<i32>} : memref<304xf32, #tpu.memory_space<vmem>>, vector<16xf32>,
          tpu.vector_store %arg7[%swap3A_705], %select_n3A_704 {strides = array<i32>} : memref<304xf32, #tpu.memory_space<vmem>>, vector<16xf32>,
          %get3A_707 = arith.constant 192 : index
          %get3A_708 = tpu.vector_load %arg8[%get3A_707] {strides = array<i32>} : memref<304xi32, #tpu.memory_space<vmem>>, vector<16xi32>,
          %select_n3A_709 = arith.select %and3A_703, %broadcast_in_dim3A_276, %get3A_708 : vector<16xi1>, vector<16xi32>
          %swap3A_710 = arith.constant 192 : index
          %swap3A_711 = tpu.vector_load %arg8[%swap3A_710] {strides = array<i32>} : memref<304xi32, #tpu.memory_space<vmem>>, vector<16xi32>,
          tpu.vector_store %arg8[%swap3A_710], %select_n3A_709 {strides = array<i32>} : memref<304xi32, #tpu.memory_space<vmem>>, vector<16xi32>,
          %jit3A_712 = arith.constant 9.99999984E+17 : f32
          %broadcast_in_dim3A_713 = vector.broadcast %jit3A_712 : f32 to vector<16xf32>
          %select_n3A_714 = arith.select %eq3A_699, %select_n3A_704, %broadcast_in_dim3A_713 : vector<16xi1>, vector<16xf32>
          %lt3A_715 = arith.cmpf olt, %select_n3A_714, %select_n3A_682 : vector<16xf32>
          %select_n3A_716 = arith.select %lt3A_715, %select_n3A_714, %select_n3A_682 : vector<16xi1>, vector<16xf32>
          %add3A_717 = arith.constant 193 : i32
          %add3A_718 = vector.broadcast %add3A_717 : i32 to vector<16xi32>
          %add3A_719 = arith.addi %iota3A, %add3A_718 : vector<16xi32>
          %select_n3A_720 = arith.select %lt3A_715, %add3A_719, %select_n3A_686 : vector<16xi1>, vector<16xi32>
          %add3A_721 = arith.constant 208 : i32
          %add3A_722 = vector.broadcast %add3A_721 : i32 to vector<16xi32>
          %add3A_723 = arith.addi %iota3A, %add3A_722 : vector<16xi32>
          %gather3A_724 = tpu.vector_load_idx %arg4[%broadcast_in_dim3A_275, %add3A_723] : memref<32x304xf32, #tpu.memory_space<vmem>>[vector<16xi32>, vector<16xi32>], vector<16xf32>,
          %sub3A_725 = arith.subf %gather3A_724, %select_n3A : vector<16xf32>
          %get3A_726 = arith.constant 208 : index
          %get3A_727 = tpu.vector_load %arg5[%get3A_726] {strides = array<i32>} : memref<304xf32, #tpu.memory_space<vmem>>, vector<16xf32>,
          %sub3A_728 = arith.subf %sub3A_725, %get3A_727 : vector<16xf32>
          %get3A_729 = arith.constant 208 : index
          %get3A_730 = tpu.vector_load %arg9[%get3A_729] {strides = array<i32>} : memref<304xi32, #tpu.memory_space<vmem>>, vector<16xi32>,
          %eq3A_731 = arith.constant 0 : i32
          %eq3A_732 = vector.broadcast %eq3A_731 : i32 to vector<16xi32>
          %eq3A_733 = arith.cmpi eq, %get3A_730, %eq3A_732 : vector<16xi32>
          %get3A_734 = arith.constant 208 : index
          %get3A_735 = tpu.vector_load %arg7[%get3A_734] {strides = array<i32>} : memref<304xf32, #tpu.memory_space<vmem>>, vector<16xf32>,
          %lt3A_736 = arith.cmpf olt, %sub3A_728, %get3A_735 : vector<16xf32>
          %and3A_737 = arith.andi %eq3A_733, %lt3A_736 : vector<16xi1>
          %select_n3A_738 = arith.select %and3A_737, %sub3A_728, %get3A_735 : vector<16xi1>, vector<16xf32>
          %swap3A_739 = arith.constant 208 : index
          %swap3A_740 = tpu.vector_load %arg7[%swap3A_739] {strides = array<i32>} : memref<304xf32, #tpu.memory_space<vmem>>, vector<16xf32>,
          tpu.vector_store %arg7[%swap3A_739], %select_n3A_738 {strides = array<i32>} : memref<304xf32, #tpu.memory_space<vmem>>, vector<16xf32>,
          %get3A_741 = arith.constant 208 : index
          %get3A_742 = tpu.vector_load %arg8[%get3A_741] {strides = array<i32>} : memref<304xi32, #tpu.memory_space<vmem>>, vector<16xi32>,
          %select_n3A_743 = arith.select %and3A_737, %broadcast_in_dim3A_276, %get3A_742 : vector<16xi1>, vector<16xi32>
          %swap3A_744 = arith.constant 208 : index
          %swap3A_745 = tpu.vector_load %arg8[%swap3A_744] {strides = array<i32>} : memref<304xi32, #tpu.memory_space<vmem>>, vector<16xi32>,
          tpu.vector_store %arg8[%swap3A_744], %select_n3A_743 {strides = array<i32>} : memref<304xi32, #tpu.memory_space<vmem>>, vector<16xi32>,
          %jit3A_746 = arith.constant 9.99999984E+17 : f32
          %broadcast_in_dim3A_747 = vector.broadcast %jit3A_746 : f32 to vector<16xf32>
          %select_n3A_748 = arith.select %eq3A_733, %select_n3A_738, %broadcast_in_dim3A_747 : vector<16xi1>, vector<16xf32>
          %lt3A_749 = arith.cmpf olt, %select_n3A_748, %select_n3A_716 : vector<16xf32>
          %select_n3A_750 = arith.select %lt3A_749, %select_n3A_748, %select_n3A_716 : vector<16xi1>, vector<16xf32>
          %add3A_751 = arith.constant 209 : i32
          %add3A_752 = vector.broadcast %add3A_751 : i32 to vector<16xi32>
          %add3A_753 = arith.addi %iota3A, %add3A_752 : vector<16xi32>
          %select_n3A_754 = arith.select %lt3A_749, %add3A_753, %select_n3A_720 : vector<16xi1>, vector<16xi32>
          %add3A_755 = arith.constant 224 : i32
          %add3A_756 = vector.broadcast %add3A_755 : i32 to vector<16xi32>
          %add3A_757 = arith.addi %iota3A, %add3A_756 : vector<16xi32>
          %gather3A_758 = tpu.vector_load_idx %arg4[%broadcast_in_dim3A_275, %add3A_757] : memref<32x304xf32, #tpu.memory_space<vmem>>[vector<16xi32>, vector<16xi32>], vector<16xf32>,
          %sub3A_759 = arith.subf %gather3A_758, %select_n3A : vector<16xf32>
          %get3A_760 = arith.constant 224 : index
          %get3A_761 = tpu.vector_load %arg5[%get3A_760] {strides = array<i32>} : memref<304xf32, #tpu.memory_space<vmem>>, vector<16xf32>,
          %sub3A_762 = arith.subf %sub3A_759, %get3A_761 : vector<16xf32>
          %get3A_763 = arith.constant 224 : index
          %get3A_764 = tpu.vector_load %arg9[%get3A_763] {strides = array<i32>} : memref<304xi32, #tpu.memory_space<vmem>>, vector<16xi32>,
          %eq3A_765 = arith.constant 0 : i32
          %eq3A_766 = vector.broadcast %eq3A_765 : i32 to vector<16xi32>
          %eq3A_767 = arith.cmpi eq, %get3A_764, %eq3A_766 : vector<16xi32>
          %get3A_768 = arith.constant 224 : index
          %get3A_769 = tpu.vector_load %arg7[%get3A_768] {strides = array<i32>} : memref<304xf32, #tpu.memory_space<vmem>>, vector<16xf32>,
          %lt3A_770 = arith.cmpf olt, %sub3A_762, %get3A_769 : vector<16xf32>
          %and3A_771 = arith.andi %eq3A_767, %lt3A_770 : vector<16xi1>
          %select_n3A_772 = arith.select %and3A_771, %sub3A_762, %get3A_769 : vector<16xi1>, vector<16xf32>
          %swap3A_773 = arith.constant 224 : index
          %swap3A_774 = tpu.vector_load %arg7[%swap3A_773] {strides = array<i32>} : memref<304xf32, #tpu.memory_space<vmem>>, vector<16xf32>,
          tpu.vector_store %arg7[%swap3A_773], %select_n3A_772 {strides = array<i32>} : memref<304xf32, #tpu.memory_space<vmem>>, vector<16xf32>,
          %get3A_775 = arith.constant 224 : index
          %get3A_776 = tpu.vector_load %arg8[%get3A_775] {strides = array<i32>} : memref<304xi32, #tpu.memory_space<vmem>>, vector<16xi32>,
          %select_n3A_777 = arith.select %and3A_771, %broadcast_in_dim3A_276, %get3A_776 : vector<16xi1>, vector<16xi32>
          %swap3A_778 = arith.constant 224 : index
          %swap3A_779 = tpu.vector_load %arg8[%swap3A_778] {strides = array<i32>} : memref<304xi32, #tpu.memory_space<vmem>>, vector<16xi32>,
          tpu.vector_store %arg8[%swap3A_778], %select_n3A_777 {strides = array<i32>} : memref<304xi32, #tpu.memory_space<vmem>>, vector<16xi32>,
          %jit3A_780 = arith.constant 9.99999984E+17 : f32
          %broadcast_in_dim3A_781 = vector.broadcast %jit3A_780 : f32 to vector<16xf32>
          %select_n3A_782 = arith.select %eq3A_767, %select_n3A_772, %broadcast_in_dim3A_781 : vector<16xi1>, vector<16xf32>
          %lt3A_783 = arith.cmpf olt, %select_n3A_782, %select_n3A_750 : vector<16xf32>
          %select_n3A_784 = arith.select %lt3A_783, %select_n3A_782, %select_n3A_750 : vector<16xi1>, vector<16xf32>
          %add3A_785 = arith.constant 225 : i32
          %add3A_786 = vector.broadcast %add3A_785 : i32 to vector<16xi32>
          %add3A_787 = arith.addi %iota3A, %add3A_786 : vector<16xi32>
          %select_n3A_788 = arith.select %lt3A_783, %add3A_787, %select_n3A_754 : vector<16xi1>, vector<16xi32>
          %add3A_789 = arith.constant 240 : i32
          %add3A_790 = vector.broadcast %add3A_789 : i32 to vector<16xi32>
          %add3A_791 = arith.addi %iota3A, %add3A_790 : vector<16xi32>
          %gather3A_792 = tpu.vector_load_idx %arg4[%broadcast_in_dim3A_275, %add3A_791] : memref<32x304xf32, #tpu.memory_space<vmem>>[vector<16xi32>, vector<16xi32>], vector<16xf32>,
          %sub3A_793 = arith.subf %gather3A_792, %select_n3A : vector<16xf32>
          %get3A_794 = arith.constant 240 : index
          %get3A_795 = tpu.vector_load %arg5[%get3A_794] {strides = array<i32>} : memref<304xf32, #tpu.memory_space<vmem>>, vector<16xf32>,
          %sub3A_796 = arith.subf %sub3A_793, %get3A_795 : vector<16xf32>
          %get3A_797 = arith.constant 240 : index
          %get3A_798 = tpu.vector_load %arg9[%get3A_797] {strides = array<i32>} : memref<304xi32, #tpu.memory_space<vmem>>, vector<16xi32>,
          %eq3A_799 = arith.constant 0 : i32
          %eq3A_800 = vector.broadcast %eq3A_799 : i32 to vector<16xi32>
          %eq3A_801 = arith.cmpi eq, %get3A_798, %eq3A_800 : vector<16xi32>
          %get3A_802 = arith.constant 240 : index
          %get3A_803 = tpu.vector_load %arg7[%get3A_802] {strides = array<i32>} : memref<304xf32, #tpu.memory_space<vmem>>, vector<16xf32>,
          %lt3A_804 = arith.cmpf olt, %sub3A_796, %get3A_803 : vector<16xf32>
          %and3A_805 = arith.andi %eq3A_801, %lt3A_804 : vector<16xi1>
          %select_n3A_806 = arith.select %and3A_805, %sub3A_796, %get3A_803 : vector<16xi1>, vector<16xf32>
          %swap3A_807 = arith.constant 240 : index
          %swap3A_808 = tpu.vector_load %arg7[%swap3A_807] {strides = array<i32>} : memref<304xf32, #tpu.memory_space<vmem>>, vector<16xf32>,
          tpu.vector_store %arg7[%swap3A_807], %select_n3A_806 {strides = array<i32>} : memref<304xf32, #tpu.memory_space<vmem>>, vector<16xf32>,
          %get3A_809 = arith.constant 240 : index
          %get3A_810 = tpu.vector_load %arg8[%get3A_809] {strides = array<i32>} : memref<304xi32, #tpu.memory_space<vmem>>, vector<16xi32>,
          %select_n3A_811 = arith.select %and3A_805, %broadcast_in_dim3A_276, %get3A_810 : vector<16xi1>, vector<16xi32>
          %swap3A_812 = arith.constant 240 : index
          %swap3A_813 = tpu.vector_load %arg8[%swap3A_812] {strides = array<i32>} : memref<304xi32, #tpu.memory_space<vmem>>, vector<16xi32>,
          tpu.vector_store %arg8[%swap3A_812], %select_n3A_811 {strides = array<i32>} : memref<304xi32, #tpu.memory_space<vmem>>, vector<16xi32>,
          %jit3A_814 = arith.constant 9.99999984E+17 : f32
          %broadcast_in_dim3A_815 = vector.broadcast %jit3A_814 : f32 to vector<16xf32>
          %select_n3A_816 = arith.select %eq3A_801, %select_n3A_806, %broadcast_in_dim3A_815 : vector<16xi1>, vector<16xf32>
          %lt3A_817 = arith.cmpf olt, %select_n3A_816, %select_n3A_784 : vector<16xf32>
          %select_n3A_818 = arith.select %lt3A_817, %select_n3A_816, %select_n3A_784 : vector<16xi1>, vector<16xf32>
          %add3A_819 = arith.constant 241 : i32
          %add3A_820 = vector.broadcast %add3A_819 : i32 to vector<16xi32>
          %add3A_821 = arith.addi %iota3A, %add3A_820 : vector<16xi32>
          %select_n3A_822 = arith.select %lt3A_817, %add3A_821, %select_n3A_788 : vector<16xi1>, vector<16xi32>
          %add3A_823 = arith.constant 256 : i32
          %add3A_824 = vector.broadcast %add3A_823 : i32 to vector<16xi32>
          %add3A_825 = arith.addi %iota3A, %add3A_824 : vector<16xi32>
          %gather3A_826 = tpu.vector_load_idx %arg4[%broadcast_in_dim3A_275, %add3A_825] : memref<32x304xf32, #tpu.memory_space<vmem>>[vector<16xi32>, vector<16xi32>], vector<16xf32>,
          %sub3A_827 = arith.subf %gather3A_826, %select_n3A : vector<16xf32>
          %get3A_828 = arith.constant 256 : index
          %get3A_829 = tpu.vector_load %arg5[%get3A_828] {strides = array<i32>} : memref<304xf32, #tpu.memory_space<vmem>>, vector<16xf32>,
          %sub3A_830 = arith.subf %sub3A_827, %get3A_829 : vector<16xf32>
          %get3A_831 = arith.constant 256 : index
          %get3A_832 = tpu.vector_load %arg9[%get3A_831] {strides = array<i32>} : memref<304xi32, #tpu.memory_space<vmem>>, vector<16xi32>,
          %eq3A_833 = arith.constant 0 : i32
          %eq3A_834 = vector.broadcast %eq3A_833 : i32 to vector<16xi32>
          %eq3A_835 = arith.cmpi eq, %get3A_832, %eq3A_834 : vector<16xi32>
          %get3A_836 = arith.constant 256 : index
          %get3A_837 = tpu.vector_load %arg7[%get3A_836] {strides = array<i32>} : memref<304xf32, #tpu.memory_space<vmem>>, vector<16xf32>,
          %lt3A_838 = arith.cmpf olt, %sub3A_830, %get3A_837 : vector<16xf32>
          %and3A_839 = arith.andi %eq3A_835, %lt3A_838 : vector<16xi1>
          %select_n3A_840 = arith.select %and3A_839, %sub3A_830, %get3A_837 : vector<16xi1>, vector<16xf32>
          %swap3A_841 = arith.constant 256 : index
          %swap3A_842 = tpu.vector_load %arg7[%swap3A_841] {strides = array<i32>} : memref<304xf32, #tpu.memory_space<vmem>>, vector<16xf32>,
          tpu.vector_store %arg7[%swap3A_841], %select_n3A_840 {strides = array<i32>} : memref<304xf32, #tpu.memory_space<vmem>>, vector<16xf32>,
          %get3A_843 = arith.constant 256 : index
          %get3A_844 = tpu.vector_load %arg8[%get3A_843] {strides = array<i32>} : memref<304xi32, #tpu.memory_space<vmem>>, vector<16xi32>,
          %select_n3A_845 = arith.select %and3A_839, %broadcast_in_dim3A_276, %get3A_844 : vector<16xi1>, vector<16xi32>
          %swap3A_846 = arith.constant 256 : index
          %swap3A_847 = tpu.vector_load %arg8[%swap3A_846] {strides = array<i32>} : memref<304xi32, #tpu.memory_space<vmem>>, vector<16xi32>,
          tpu.vector_store %arg8[%swap3A_846], %select_n3A_845 {strides = array<i32>} : memref<304xi32, #tpu.memory_space<vmem>>, vector<16xi32>,
          %jit3A_848 = arith.constant 9.99999984E+17 : f32
          %broadcast_in_dim3A_849 = vector.broadcast %jit3A_848 : f32 to vector<16xf32>
          %select_n3A_850 = arith.select %eq3A_835, %select_n3A_840, %broadcast_in_dim3A_849 : vector<16xi1>, vector<16xf32>
          %lt3A_851 = arith.cmpf olt, %select_n3A_850, %select_n3A_818 : vector<16xf32>
          %select_n3A_852 = arith.select %lt3A_851, %select_n3A_850, %select_n3A_818 : vector<16xi1>, vector<16xf32>
          %add3A_853 = arith.constant 257 : i32
          %add3A_854 = vector.broadcast %add3A_853 : i32 to vector<16xi32>
          %add3A_855 = arith.addi %iota3A, %add3A_854 : vector<16xi32>
          %select_n3A_856 = arith.select %lt3A_851, %add3A_855, %select_n3A_822 : vector<16xi1>, vector<16xi32>
          %add3A_857 = arith.constant 272 : i32
          %add3A_858 = vector.broadcast %add3A_857 : i32 to vector<16xi32>
          %add3A_859 = arith.addi %iota3A, %add3A_858 : vector<16xi32>
          %gather3A_860 = tpu.vector_load_idx %arg4[%broadcast_in_dim3A_275, %add3A_859] : memref<32x304xf32, #tpu.memory_space<vmem>>[vector<16xi32>, vector<16xi32>], vector<16xf32>,
          %sub3A_861 = arith.subf %gather3A_860, %select_n3A : vector<16xf32>
          %get3A_862 = arith.constant 272 : index
          %get3A_863 = tpu.vector_load %arg5[%get3A_862] {strides = array<i32>} : memref<304xf32, #tpu.memory_space<vmem>>, vector<16xf32>,
          %sub3A_864 = arith.subf %sub3A_861, %get3A_863 : vector<16xf32>
          %get3A_865 = arith.constant 272 : index
          %get3A_866 = tpu.vector_load %arg9[%get3A_865] {strides = array<i32>} : memref<304xi32, #tpu.memory_space<vmem>>, vector<16xi32>,
          %eq3A_867 = arith.constant 0 : i32
          %eq3A_868 = vector.broadcast %eq3A_867 : i32 to vector<16xi32>
          %eq3A_869 = arith.cmpi eq, %get3A_866, %eq3A_868 : vector<16xi32>
          %get3A_870 = arith.constant 272 : index
          %get3A_871 = tpu.vector_load %arg7[%get3A_870] {strides = array<i32>} : memref<304xf32, #tpu.memory_space<vmem>>, vector<16xf32>,
          %lt3A_872 = arith.cmpf olt, %sub3A_864, %get3A_871 : vector<16xf32>
          %and3A_873 = arith.andi %eq3A_869, %lt3A_872 : vector<16xi1>
          %select_n3A_874 = arith.select %and3A_873, %sub3A_864, %get3A_871 : vector<16xi1>, vector<16xf32>
          %swap3A_875 = arith.constant 272 : index
          %swap3A_876 = tpu.vector_load %arg7[%swap3A_875] {strides = array<i32>} : memref<304xf32, #tpu.memory_space<vmem>>, vector<16xf32>,
          tpu.vector_store %arg7[%swap3A_875], %select_n3A_874 {strides = array<i32>} : memref<304xf32, #tpu.memory_space<vmem>>, vector<16xf32>,
          %get3A_877 = arith.constant 272 : index
          %get3A_878 = tpu.vector_load %arg8[%get3A_877] {strides = array<i32>} : memref<304xi32, #tpu.memory_space<vmem>>, vector<16xi32>,
          %select_n3A_879 = arith.select %and3A_873, %broadcast_in_dim3A_276, %get3A_878 : vector<16xi1>, vector<16xi32>
          %swap3A_880 = arith.constant 272 : index
          %swap3A_881 = tpu.vector_load %arg8[%swap3A_880] {strides = array<i32>} : memref<304xi32, #tpu.memory_space<vmem>>, vector<16xi32>,
          tpu.vector_store %arg8[%swap3A_880], %select_n3A_879 {strides = array<i32>} : memref<304xi32, #tpu.memory_space<vmem>>, vector<16xi32>,
          %jit3A_882 = arith.constant 9.99999984E+17 : f32
          %broadcast_in_dim3A_883 = vector.broadcast %jit3A_882 : f32 to vector<16xf32>
          %select_n3A_884 = arith.select %eq3A_869, %select_n3A_874, %broadcast_in_dim3A_883 : vector<16xi1>, vector<16xf32>
          %lt3A_885 = arith.cmpf olt, %select_n3A_884, %select_n3A_852 : vector<16xf32>
          %select_n3A_886 = arith.select %lt3A_885, %select_n3A_884, %select_n3A_852 : vector<16xi1>, vector<16xf32>
          %add3A_887 = arith.constant 273 : i32
          %add3A_888 = vector.broadcast %add3A_887 : i32 to vector<16xi32>
          %add3A_889 = arith.addi %iota3A, %add3A_888 : vector<16xi32>
          %select_n3A_890 = arith.select %lt3A_885, %add3A_889, %select_n3A_856 : vector<16xi1>, vector<16xi32>
          %add3A_891 = arith.constant 288 : i32
          %add3A_892 = vector.broadcast %add3A_891 : i32 to vector<16xi32>
          %add3A_893 = arith.addi %iota3A, %add3A_892 : vector<16xi32>
          %gather3A_894 = tpu.vector_load_idx %arg4[%broadcast_in_dim3A_275, %add3A_893] : memref<32x304xf32, #tpu.memory_space<vmem>>[vector<16xi32>, vector<16xi32>], vector<16xf32>,
          %sub3A_895 = arith.subf %gather3A_894, %select_n3A : vector<16xf32>
          %get3A_896 = arith.constant 288 : index
          %get3A_897 = tpu.vector_load %arg5[%get3A_896] {strides = array<i32>} : memref<304xf32, #tpu.memory_space<vmem>>, vector<16xf32>,
          %sub3A_898 = arith.subf %sub3A_895, %get3A_897 : vector<16xf32>
          %get3A_899 = arith.constant 288 : index
          %get3A_900 = tpu.vector_load %arg9[%get3A_899] {strides = array<i32>} : memref<304xi32, #tpu.memory_space<vmem>>, vector<16xi32>,
          %eq3A_901 = arith.constant 0 : i32
          %eq3A_902 = vector.broadcast %eq3A_901 : i32 to vector<16xi32>
          %eq3A_903 = arith.cmpi eq, %get3A_900, %eq3A_902 : vector<16xi32>
          %get3A_904 = arith.constant 288 : index
          %get3A_905 = tpu.vector_load %arg7[%get3A_904] {strides = array<i32>} : memref<304xf32, #tpu.memory_space<vmem>>, vector<16xf32>,
          %lt3A_906 = arith.cmpf olt, %sub3A_898, %get3A_905 : vector<16xf32>
          %and3A_907 = arith.andi %eq3A_903, %lt3A_906 : vector<16xi1>
          %select_n3A_908 = arith.select %and3A_907, %sub3A_898, %get3A_905 : vector<16xi1>, vector<16xf32>
          %swap3A_909 = arith.constant 288 : index
          %swap3A_910 = tpu.vector_load %arg7[%swap3A_909] {strides = array<i32>} : memref<304xf32, #tpu.memory_space<vmem>>, vector<16xf32>,
          tpu.vector_store %arg7[%swap3A_909], %select_n3A_908 {strides = array<i32>} : memref<304xf32, #tpu.memory_space<vmem>>, vector<16xf32>,
          %get3A_911 = arith.constant 288 : index
          %get3A_912 = tpu.vector_load %arg8[%get3A_911] {strides = array<i32>} : memref<304xi32, #tpu.memory_space<vmem>>, vector<16xi32>,
          %select_n3A_913 = arith.select %and3A_907, %broadcast_in_dim3A_276, %get3A_912 : vector<16xi1>, vector<16xi32>
          %swap3A_914 = arith.constant 288 : index
          %swap3A_915 = tpu.vector_load %arg8[%swap3A_914] {strides = array<i32>} : memref<304xi32, #tpu.memory_space<vmem>>, vector<16xi32>,
          tpu.vector_store %arg8[%swap3A_914], %select_n3A_913 {strides = array<i32>} : memref<304xi32, #tpu.memory_space<vmem>>, vector<16xi32>,
          %jit3A_916 = arith.constant 9.99999984E+17 : f32
          %broadcast_in_dim3A_917 = vector.broadcast %jit3A_916 : f32 to vector<16xf32>
          %select_n3A_918 = arith.select %eq3A_903, %select_n3A_908, %broadcast_in_dim3A_917 : vector<16xi1>, vector<16xf32>
          %lt3A_919 = arith.cmpf olt, %select_n3A_918, %select_n3A_886 : vector<16xf32>
          %select_n3A_920 = arith.select %lt3A_919, %select_n3A_918, %select_n3A_886 : vector<16xi1>, vector<16xf32>
          %add3A_921 = arith.constant 289 : i32
          %add3A_922 = vector.broadcast %add3A_921 : i32 to vector<16xi32>
          %add3A_923 = arith.addi %iota3A, %add3A_922 : vector<16xi32>
          %select_n3A_924 = arith.select %lt3A_919, %add3A_923, %select_n3A_890 : vector<16xi1>, vector<16xi32>
          %reduce_min3A = arith.constant true
          %reduce_min3A_925 = vector.broadcast %reduce_min3A : i1 to vector<16xi1>
          %reduce_min3A_926 = tpu.scan <min>, %select_n3A_920 masked %reduce_min3A_925 : vector<16xf32>, vector<16xi1> -> vector<16xf32>
          %reduce_min3A_927 = vector.extract %reduce_min3A_926[15] : f32 from vector<16xf32>
          %broadcast_in_dim3A_928 = vector.broadcast %reduce_min3A_927 : f32 to vector<16xf32>
          %broadcast_in_dim3A_929 = arith.constant 0.000000e+00 : f32
          %broadcast_in_dim3A_930 = vector.broadcast %broadcast_in_dim3A_929 : f32 to vector<16xf32>
          %eq3A_931 = arith.cmpf oeq, %select_n3A_920, %broadcast_in_dim3A_928 : vector<16xf32>
          %broadcast_in_dim3A_932 = arith.constant 1073741824 : i32
          %broadcast_in_dim3A_933 = vector.broadcast %broadcast_in_dim3A_932 : i32 to vector<16xi32>
          %select_n3A_934 = arith.select %eq3A_931, %select_n3A_924, %broadcast_in_dim3A_933 : vector<16xi1>, vector<16xi32>
          %reduce_min3A_935 = arith.constant true
          %reduce_min3A_936 = vector.broadcast %reduce_min3A_935 : i1 to vector<16xi1>
          %reduce_min3A_937 = arith.constant -2147483648 : i32
          %reduce_min3A_938 = vector.broadcast %reduce_min3A_937 : i32 to vector<16xi32>
          %reduce_min3A_939 = arith.xori %select_n3A_934, %reduce_min3A_938 : vector<16xi32>
          %reduce_min3A_940 = tpu.scan <min>, %reduce_min3A_939 masked %reduce_min3A_936 : vector<16xi32>, vector<16xi1> -> vector<16xi32>
          %reduce_min3A_941 = arith.xori %reduce_min3A_940, %reduce_min3A_938 : vector<16xi32>
          %reduce_min3A_942 = vector.extract %reduce_min3A_941[15] : i32 from vector<16xi32>
          %get3A_943 = arith.constant 0 : index
          %get3A_944 = tpu.vector_load %arg9[%get3A_943] {strides = array<i32>} : memref<304xi32, #tpu.memory_space<vmem>>, vector<16xi32>,
          %ne3A = arith.constant 0 : i32
          %ne3A_945 = vector.broadcast %ne3A : i32 to vector<16xi32>
          %ne3A_946 = arith.cmpi ne, %get3A_944, %ne3A_945 : vector<16xi32>
          %select_n3A_947 = arith.select %ne3A_946, %broadcast_in_dim3A_928, %broadcast_in_dim3A_930 : vector<16xi1>, vector<16xf32>
          %get3A_948 = arith.constant 0 : index
          %get3A_949 = tpu.vector_load %arg6[%get3A_948] {strides = array<i32>} : memref<304xf32, #tpu.memory_space<vmem>>, vector<16xf32>,
          %add3A_950 = arith.addf %get3A_949, %select_n3A_947 : vector<16xf32>
          %swap3A_951 = arith.constant 0 : index
          %swap3A_952 = tpu.vector_load %arg6[%swap3A_951] {strides = array<i32>} : memref<304xf32, #tpu.memory_space<vmem>>, vector<16xf32>,
          tpu.vector_store %arg6[%swap3A_951], %add3A_950 {strides = array<i32>} : memref<304xf32, #tpu.memory_space<vmem>>, vector<16xf32>,
          %get3A_953 = arith.constant 0 : index
          %get3A_954 = tpu.vector_load %arg5[%get3A_953] {strides = array<i32>} : memref<304xf32, #tpu.memory_space<vmem>>, vector<16xf32>,
          %sub3A_955 = arith.subf %get3A_954, %select_n3A_947 : vector<16xf32>
          %swap3A_956 = arith.constant 0 : index
          %swap3A_957 = tpu.vector_load %arg5[%swap3A_956] {strides = array<i32>} : memref<304xf32, #tpu.memory_space<vmem>>, vector<16xf32>,
          tpu.vector_store %arg5[%swap3A_956], %sub3A_955 {strides = array<i32>} : memref<304xf32, #tpu.memory_space<vmem>>, vector<16xf32>,
          %get3A_958 = arith.constant 0 : index
          %get3A_959 = tpu.vector_load %arg7[%get3A_958] {strides = array<i32>} : memref<304xf32, #tpu.memory_space<vmem>>, vector<16xf32>,
          %sub3A_960 = arith.subf %get3A_959, %broadcast_in_dim3A_928 : vector<16xf32>
          %swap3A_961 = arith.constant 0 : index
          %swap3A_962 = tpu.vector_load %arg7[%swap3A_961] {strides = array<i32>} : memref<304xf32, #tpu.memory_space<vmem>>, vector<16xf32>,
          tpu.vector_store %arg7[%swap3A_961], %sub3A_960 {strides = array<i32>} : memref<304xf32, #tpu.memory_space<vmem>>, vector<16xf32>,
          %get3A_963 = arith.constant 16 : index
          %get3A_964 = tpu.vector_load %arg9[%get3A_963] {strides = array<i32>} : memref<304xi32, #tpu.memory_space<vmem>>, vector<16xi32>,
          %ne3A_965 = arith.constant 0 : i32
          %ne3A_966 = vector.broadcast %ne3A_965 : i32 to vector<16xi32>
          %ne3A_967 = arith.cmpi ne, %get3A_964, %ne3A_966 : vector<16xi32>
          %select_n3A_968 = arith.select %ne3A_967, %broadcast_in_dim3A_928, %broadcast_in_dim3A_930 : vector<16xi1>, vector<16xf32>
          %get3A_969 = arith.constant 16 : index
          %get3A_970 = tpu.vector_load %arg6[%get3A_969] {strides = array<i32>} : memref<304xf32, #tpu.memory_space<vmem>>, vector<16xf32>,
          %add3A_971 = arith.addf %get3A_970, %select_n3A_968 : vector<16xf32>
          %swap3A_972 = arith.constant 16 : index
          %swap3A_973 = tpu.vector_load %arg6[%swap3A_972] {strides = array<i32>} : memref<304xf32, #tpu.memory_space<vmem>>, vector<16xf32>,
          tpu.vector_store %arg6[%swap3A_972], %add3A_971 {strides = array<i32>} : memref<304xf32, #tpu.memory_space<vmem>>, vector<16xf32>,
          %get3A_974 = arith.constant 16 : index
          %get3A_975 = tpu.vector_load %arg5[%get3A_974] {strides = array<i32>} : memref<304xf32, #tpu.memory_space<vmem>>, vector<16xf32>,
          %sub3A_976 = arith.subf %get3A_975, %select_n3A_968 : vector<16xf32>
          %swap3A_977 = arith.constant 16 : index
          %swap3A_978 = tpu.vector_load %arg5[%swap3A_977] {strides = array<i32>} : memref<304xf32, #tpu.memory_space<vmem>>, vector<16xf32>,
          tpu.vector_store %arg5[%swap3A_977], %sub3A_976 {strides = array<i32>} : memref<304xf32, #tpu.memory_space<vmem>>, vector<16xf32>,
          %get3A_979 = arith.constant 16 : index
          %get3A_980 = tpu.vector_load %arg7[%get3A_979] {strides = array<i32>} : memref<304xf32, #tpu.memory_space<vmem>>, vector<16xf32>,
          %sub3A_981 = arith.subf %get3A_980, %broadcast_in_dim3A_928 : vector<16xf32>
          %swap3A_982 = arith.constant 16 : index
          %swap3A_983 = tpu.vector_load %arg7[%swap3A_982] {strides = array<i32>} : memref<304xf32, #tpu.memory_space<vmem>>, vector<16xf32>,
          tpu.vector_store %arg7[%swap3A_982], %sub3A_981 {strides = array<i32>} : memref<304xf32, #tpu.memory_space<vmem>>, vector<16xf32>,
          %get3A_984 = arith.constant 32 : index
          %get3A_985 = tpu.vector_load %arg9[%get3A_984] {strides = array<i32>} : memref<304xi32, #tpu.memory_space<vmem>>, vector<16xi32>,
          %ne3A_986 = arith.constant 0 : i32
          %ne3A_987 = vector.broadcast %ne3A_986 : i32 to vector<16xi32>
          %ne3A_988 = arith.cmpi ne, %get3A_985, %ne3A_987 : vector<16xi32>
          %select_n3A_989 = arith.select %ne3A_988, %broadcast_in_dim3A_928, %broadcast_in_dim3A_930 : vector<16xi1>, vector<16xf32>
          %get3A_990 = arith.constant 32 : index
          %get3A_991 = tpu.vector_load %arg6[%get3A_990] {strides = array<i32>} : memref<304xf32, #tpu.memory_space<vmem>>, vector<16xf32>,
          %add3A_992 = arith.addf %get3A_991, %select_n3A_989 : vector<16xf32>
          %swap3A_993 = arith.constant 32 : index
          %swap3A_994 = tpu.vector_load %arg6[%swap3A_993] {strides = array<i32>} : memref<304xf32, #tpu.memory_space<vmem>>, vector<16xf32>,
          tpu.vector_store %arg6[%swap3A_993], %add3A_992 {strides = array<i32>} : memref<304xf32, #tpu.memory_space<vmem>>, vector<16xf32>,
          %get3A_995 = arith.constant 32 : index
          %get3A_996 = tpu.vector_load %arg5[%get3A_995] {strides = array<i32>} : memref<304xf32, #tpu.memory_space<vmem>>, vector<16xf32>,
          %sub3A_997 = arith.subf %get3A_996, %select_n3A_989 : vector<16xf32>
          %swap3A_998 = arith.constant 32 : index
          %swap3A_999 = tpu.vector_load %arg5[%swap3A_998] {strides = array<i32>} : memref<304xf32, #tpu.memory_space<vmem>>, vector<16xf32>,
          tpu.vector_store %arg5[%swap3A_998], %sub3A_997 {strides = array<i32>} : memref<304xf32, #tpu.memory_space<vmem>>, vector<16xf32>,
          %get3A_1000 = arith.constant 32 : index
          %get3A_1001 = tpu.vector_load %arg7[%get3A_1000] {strides = array<i32>} : memref<304xf32, #tpu.memory_space<vmem>>, vector<16xf32>,
          %sub3A_1002 = arith.subf %get3A_1001, %broadcast_in_dim3A_928 : vector<16xf32>
          %swap3A_1003 = arith.constant 32 : index
          %swap3A_1004 = tpu.vector_load %arg7[%swap3A_1003] {strides = array<i32>} : memref<304xf32, #tpu.memory_space<vmem>>, vector<16xf32>,
          tpu.vector_store %arg7[%swap3A_1003], %sub3A_1002 {strides = array<i32>} : memref<304xf32, #tpu.memory_space<vmem>>, vector<16xf32>,
          %get3A_1005 = arith.constant 48 : index
          %get3A_1006 = tpu.vector_load %arg9[%get3A_1005] {strides = array<i32>} : memref<304xi32, #tpu.memory_space<vmem>>, vector<16xi32>,
          %ne3A_1007 = arith.constant 0 : i32
          %ne3A_1008 = vector.broadcast %ne3A_1007 : i32 to vector<16xi32>
          %ne3A_1009 = arith.cmpi ne, %get3A_1006, %ne3A_1008 : vector<16xi32>
          %select_n3A_1010 = arith.select %ne3A_1009, %broadcast_in_dim3A_928, %broadcast_in_dim3A_930 : vector<16xi1>, vector<16xf32>
          %get3A_1011 = arith.constant 48 : index
          %get3A_1012 = tpu.vector_load %arg6[%get3A_1011] {strides = array<i32>} : memref<304xf32, #tpu.memory_space<vmem>>, vector<16xf32>,
          %add3A_1013 = arith.addf %get3A_1012, %select_n3A_1010 : vector<16xf32>
          %swap3A_1014 = arith.constant 48 : index
          %swap3A_1015 = tpu.vector_load %arg6[%swap3A_1014] {strides = array<i32>} : memref<304xf32, #tpu.memory_space<vmem>>, vector<16xf32>,
          tpu.vector_store %arg6[%swap3A_1014], %add3A_1013 {strides = array<i32>} : memref<304xf32, #tpu.memory_space<vmem>>, vector<16xf32>,
          %get3A_1016 = arith.constant 48 : index
          %get3A_1017 = tpu.vector_load %arg5[%get3A_1016] {strides = array<i32>} : memref<304xf32, #tpu.memory_space<vmem>>, vector<16xf32>,
          %sub3A_1018 = arith.subf %get3A_1017, %select_n3A_1010 : vector<16xf32>
          %swap3A_1019 = arith.constant 48 : index
          %swap3A_1020 = tpu.vector_load %arg5[%swap3A_1019] {strides = array<i32>} : memref<304xf32, #tpu.memory_space<vmem>>, vector<16xf32>,
          tpu.vector_store %arg5[%swap3A_1019], %sub3A_1018 {strides = array<i32>} : memref<304xf32, #tpu.memory_space<vmem>>, vector<16xf32>,
          %get3A_1021 = arith.constant 48 : index
          %get3A_1022 = tpu.vector_load %arg7[%get3A_1021] {strides = array<i32>} : memref<304xf32, #tpu.memory_space<vmem>>, vector<16xf32>,
          %sub3A_1023 = arith.subf %get3A_1022, %broadcast_in_dim3A_928 : vector<16xf32>
          %swap3A_1024 = arith.constant 48 : index
          %swap3A_1025 = tpu.vector_load %arg7[%swap3A_1024] {strides = array<i32>} : memref<304xf32, #tpu.memory_space<vmem>>, vector<16xf32>,
          tpu.vector_store %arg7[%swap3A_1024], %sub3A_1023 {strides = array<i32>} : memref<304xf32, #tpu.memory_space<vmem>>, vector<16xf32>,
          %get3A_1026 = arith.constant 64 : index
          %get3A_1027 = tpu.vector_load %arg9[%get3A_1026] {strides = array<i32>} : memref<304xi32, #tpu.memory_space<vmem>>, vector<16xi32>,
          %ne3A_1028 = arith.constant 0 : i32
          %ne3A_1029 = vector.broadcast %ne3A_1028 : i32 to vector<16xi32>
          %ne3A_1030 = arith.cmpi ne, %get3A_1027, %ne3A_1029 : vector<16xi32>
          %select_n3A_1031 = arith.select %ne3A_1030, %broadcast_in_dim3A_928, %broadcast_in_dim3A_930 : vector<16xi1>, vector<16xf32>
          %get3A_1032 = arith.constant 64 : index
          %get3A_1033 = tpu.vector_load %arg6[%get3A_1032] {strides = array<i32>} : memref<304xf32, #tpu.memory_space<vmem>>, vector<16xf32>,
          %add3A_1034 = arith.addf %get3A_1033, %select_n3A_1031 : vector<16xf32>
          %swap3A_1035 = arith.constant 64 : index
          %swap3A_1036 = tpu.vector_load %arg6[%swap3A_1035] {strides = array<i32>} : memref<304xf32, #tpu.memory_space<vmem>>, vector<16xf32>,
          tpu.vector_store %arg6[%swap3A_1035], %add3A_1034 {strides = array<i32>} : memref<304xf32, #tpu.memory_space<vmem>>, vector<16xf32>,
          %get3A_1037 = arith.constant 64 : index
          %get3A_1038 = tpu.vector_load %arg5[%get3A_1037] {strides = array<i32>} : memref<304xf32, #tpu.memory_space<vmem>>, vector<16xf32>,
          %sub3A_1039 = arith.subf %get3A_1038, %select_n3A_1031 : vector<16xf32>
          %swap3A_1040 = arith.constant 64 : index
          %swap3A_1041 = tpu.vector_load %arg5[%swap3A_1040] {strides = array<i32>} : memref<304xf32, #tpu.memory_space<vmem>>, vector<16xf32>,
          tpu.vector_store %arg5[%swap3A_1040], %sub3A_1039 {strides = array<i32>} : memref<304xf32, #tpu.memory_space<vmem>>, vector<16xf32>,
          %get3A_1042 = arith.constant 64 : index
          %get3A_1043 = tpu.vector_load %arg7[%get3A_1042] {strides = array<i32>} : memref<304xf32, #tpu.memory_space<vmem>>, vector<16xf32>,
          %sub3A_1044 = arith.subf %get3A_1043, %broadcast_in_dim3A_928 : vector<16xf32>
          %swap3A_1045 = arith.constant 64 : index
          %swap3A_1046 = tpu.vector_load %arg7[%swap3A_1045] {strides = array<i32>} : memref<304xf32, #tpu.memory_space<vmem>>, vector<16xf32>,
          tpu.vector_store %arg7[%swap3A_1045], %sub3A_1044 {strides = array<i32>} : memref<304xf32, #tpu.memory_space<vmem>>, vector<16xf32>,
          %get3A_1047 = arith.constant 80 : index
          %get3A_1048 = tpu.vector_load %arg9[%get3A_1047] {strides = array<i32>} : memref<304xi32, #tpu.memory_space<vmem>>, vector<16xi32>,
          %ne3A_1049 = arith.constant 0 : i32
          %ne3A_1050 = vector.broadcast %ne3A_1049 : i32 to vector<16xi32>
          %ne3A_1051 = arith.cmpi ne, %get3A_1048, %ne3A_1050 : vector<16xi32>
          %select_n3A_1052 = arith.select %ne3A_1051, %broadcast_in_dim3A_928, %broadcast_in_dim3A_930 : vector<16xi1>, vector<16xf32>
          %get3A_1053 = arith.constant 80 : index
          %get3A_1054 = tpu.vector_load %arg6[%get3A_1053] {strides = array<i32>} : memref<304xf32, #tpu.memory_space<vmem>>, vector<16xf32>,
          %add3A_1055 = arith.addf %get3A_1054, %select_n3A_1052 : vector<16xf32>
          %swap3A_1056 = arith.constant 80 : index
          %swap3A_1057 = tpu.vector_load %arg6[%swap3A_1056] {strides = array<i32>} : memref<304xf32, #tpu.memory_space<vmem>>, vector<16xf32>,
          tpu.vector_store %arg6[%swap3A_1056], %add3A_1055 {strides = array<i32>} : memref<304xf32, #tpu.memory_space<vmem>>, vector<16xf32>,
          %get3A_1058 = arith.constant 80 : index
          %get3A_1059 = tpu.vector_load %arg5[%get3A_1058] {strides = array<i32>} : memref<304xf32, #tpu.memory_space<vmem>>, vector<16xf32>,
          %sub3A_1060 = arith.subf %get3A_1059, %select_n3A_1052 : vector<16xf32>
          %swap3A_1061 = arith.constant 80 : index
          %swap3A_1062 = tpu.vector_load %arg5[%swap3A_1061] {strides = array<i32>} : memref<304xf32, #tpu.memory_space<vmem>>, vector<16xf32>,
          tpu.vector_store %arg5[%swap3A_1061], %sub3A_1060 {strides = array<i32>} : memref<304xf32, #tpu.memory_space<vmem>>, vector<16xf32>,
          %get3A_1063 = arith.constant 80 : index
          %get3A_1064 = tpu.vector_load %arg7[%get3A_1063] {strides = array<i32>} : memref<304xf32, #tpu.memory_space<vmem>>, vector<16xf32>,
          %sub3A_1065 = arith.subf %get3A_1064, %broadcast_in_dim3A_928 : vector<16xf32>
          %swap3A_1066 = arith.constant 80 : index
          %swap3A_1067 = tpu.vector_load %arg7[%swap3A_1066] {strides = array<i32>} : memref<304xf32, #tpu.memory_space<vmem>>, vector<16xf32>,
          tpu.vector_store %arg7[%swap3A_1066], %sub3A_1065 {strides = array<i32>} : memref<304xf32, #tpu.memory_space<vmem>>, vector<16xf32>,
          %get3A_1068 = arith.constant 96 : index
          %get3A_1069 = tpu.vector_load %arg9[%get3A_1068] {strides = array<i32>} : memref<304xi32, #tpu.memory_space<vmem>>, vector<16xi32>,
          %ne3A_1070 = arith.constant 0 : i32
          %ne3A_1071 = vector.broadcast %ne3A_1070 : i32 to vector<16xi32>
          %ne3A_1072 = arith.cmpi ne, %get3A_1069, %ne3A_1071 : vector<16xi32>
          %select_n3A_1073 = arith.select %ne3A_1072, %broadcast_in_dim3A_928, %broadcast_in_dim3A_930 : vector<16xi1>, vector<16xf32>
          %get3A_1074 = arith.constant 96 : index
          %get3A_1075 = tpu.vector_load %arg6[%get3A_1074] {strides = array<i32>} : memref<304xf32, #tpu.memory_space<vmem>>, vector<16xf32>,
          %add3A_1076 = arith.addf %get3A_1075, %select_n3A_1073 : vector<16xf32>
          %swap3A_1077 = arith.constant 96 : index
          %swap3A_1078 = tpu.vector_load %arg6[%swap3A_1077] {strides = array<i32>} : memref<304xf32, #tpu.memory_space<vmem>>, vector<16xf32>,
          tpu.vector_store %arg6[%swap3A_1077], %add3A_1076 {strides = array<i32>} : memref<304xf32, #tpu.memory_space<vmem>>, vector<16xf32>,
          %get3A_1079 = arith.constant 96 : index
          %get3A_1080 = tpu.vector_load %arg5[%get3A_1079] {strides = array<i32>} : memref<304xf32, #tpu.memory_space<vmem>>, vector<16xf32>,
          %sub3A_1081 = arith.subf %get3A_1080, %select_n3A_1073 : vector<16xf32>
          %swap3A_1082 = arith.constant 96 : index
          %swap3A_1083 = tpu.vector_load %arg5[%swap3A_1082] {strides = array<i32>} : memref<304xf32, #tpu.memory_space<vmem>>, vector<16xf32>,
          tpu.vector_store %arg5[%swap3A_1082], %sub3A_1081 {strides = array<i32>} : memref<304xf32, #tpu.memory_space<vmem>>, vector<16xf32>,
          %get3A_1084 = arith.constant 96 : index
          %get3A_1085 = tpu.vector_load %arg7[%get3A_1084] {strides = array<i32>} : memref<304xf32, #tpu.memory_space<vmem>>, vector<16xf32>,
          %sub3A_1086 = arith.subf %get3A_1085, %broadcast_in_dim3A_928 : vector<16xf32>
          %swap3A_1087 = arith.constant 96 : index
          %swap3A_1088 = tpu.vector_load %arg7[%swap3A_1087] {strides = array<i32>} : memref<304xf32, #tpu.memory_space<vmem>>, vector<16xf32>,
          tpu.vector_store %arg7[%swap3A_1087], %sub3A_1086 {strides = array<i32>} : memref<304xf32, #tpu.memory_space<vmem>>, vector<16xf32>,
          %get3A_1089 = arith.constant 112 : index
          %get3A_1090 = tpu.vector_load %arg9[%get3A_1089] {strides = array<i32>} : memref<304xi32, #tpu.memory_space<vmem>>, vector<16xi32>,
          %ne3A_1091 = arith.constant 0 : i32
          %ne3A_1092 = vector.broadcast %ne3A_1091 : i32 to vector<16xi32>
          %ne3A_1093 = arith.cmpi ne, %get3A_1090, %ne3A_1092 : vector<16xi32>
          %select_n3A_1094 = arith.select %ne3A_1093, %broadcast_in_dim3A_928, %broadcast_in_dim3A_930 : vector<16xi1>, vector<16xf32>
          %get3A_1095 = arith.constant 112 : index
          %get3A_1096 = tpu.vector_load %arg6[%get3A_1095] {strides = array<i32>} : memref<304xf32, #tpu.memory_space<vmem>>, vector<16xf32>,
          %add3A_1097 = arith.addf %get3A_1096, %select_n3A_1094 : vector<16xf32>
          %swap3A_1098 = arith.constant 112 : index
          %swap3A_1099 = tpu.vector_load %arg6[%swap3A_1098] {strides = array<i32>} : memref<304xf32, #tpu.memory_space<vmem>>, vector<16xf32>,
          tpu.vector_store %arg6[%swap3A_1098], %add3A_1097 {strides = array<i32>} : memref<304xf32, #tpu.memory_space<vmem>>, vector<16xf32>,
          %get3A_1100 = arith.constant 112 : index
          %get3A_1101 = tpu.vector_load %arg5[%get3A_1100] {strides = array<i32>} : memref<304xf32, #tpu.memory_space<vmem>>, vector<16xf32>,
          %sub3A_1102 = arith.subf %get3A_1101, %select_n3A_1094 : vector<16xf32>
          %swap3A_1103 = arith.constant 112 : index
          %swap3A_1104 = tpu.vector_load %arg5[%swap3A_1103] {strides = array<i32>} : memref<304xf32, #tpu.memory_space<vmem>>, vector<16xf32>,
          tpu.vector_store %arg5[%swap3A_1103], %sub3A_1102 {strides = array<i32>} : memref<304xf32, #tpu.memory_space<vmem>>, vector<16xf32>,
          %get3A_1105 = arith.constant 112 : index
          %get3A_1106 = tpu.vector_load %arg7[%get3A_1105] {strides = array<i32>} : memref<304xf32, #tpu.memory_space<vmem>>, vector<16xf32>,
          %sub3A_1107 = arith.subf %get3A_1106, %broadcast_in_dim3A_928 : vector<16xf32>
          %swap3A_1108 = arith.constant 112 : index
          %swap3A_1109 = tpu.vector_load %arg7[%swap3A_1108] {strides = array<i32>} : memref<304xf32, #tpu.memory_space<vmem>>, vector<16xf32>,
          tpu.vector_store %arg7[%swap3A_1108], %sub3A_1107 {strides = array<i32>} : memref<304xf32, #tpu.memory_space<vmem>>, vector<16xf32>,
          %get3A_1110 = arith.constant 128 : index
          %get3A_1111 = tpu.vector_load %arg9[%get3A_1110] {strides = array<i32>} : memref<304xi32, #tpu.memory_space<vmem>>, vector<16xi32>,
          %ne3A_1112 = arith.constant 0 : i32
          %ne3A_1113 = vector.broadcast %ne3A_1112 : i32 to vector<16xi32>
          %ne3A_1114 = arith.cmpi ne, %get3A_1111, %ne3A_1113 : vector<16xi32>
          %select_n3A_1115 = arith.select %ne3A_1114, %broadcast_in_dim3A_928, %broadcast_in_dim3A_930 : vector<16xi1>, vector<16xf32>
          %get3A_1116 = arith.constant 128 : index
          %get3A_1117 = tpu.vector_load %arg6[%get3A_1116] {strides = array<i32>} : memref<304xf32, #tpu.memory_space<vmem>>, vector<16xf32>,
          %add3A_1118 = arith.addf %get3A_1117, %select_n3A_1115 : vector<16xf32>
          %swap3A_1119 = arith.constant 128 : index
          %swap3A_1120 = tpu.vector_load %arg6[%swap3A_1119] {strides = array<i32>} : memref<304xf32, #tpu.memory_space<vmem>>, vector<16xf32>,
          tpu.vector_store %arg6[%swap3A_1119], %add3A_1118 {strides = array<i32>} : memref<304xf32, #tpu.memory_space<vmem>>, vector<16xf32>,
          %get3A_1121 = arith.constant 128 : index
          %get3A_1122 = tpu.vector_load %arg5[%get3A_1121] {strides = array<i32>} : memref<304xf32, #tpu.memory_space<vmem>>, vector<16xf32>,
          %sub3A_1123 = arith.subf %get3A_1122, %select_n3A_1115 : vector<16xf32>
          %swap3A_1124 = arith.constant 128 : index
          %swap3A_1125 = tpu.vector_load %arg5[%swap3A_1124] {strides = array<i32>} : memref<304xf32, #tpu.memory_space<vmem>>, vector<16xf32>,
          tpu.vector_store %arg5[%swap3A_1124], %sub3A_1123 {strides = array<i32>} : memref<304xf32, #tpu.memory_space<vmem>>, vector<16xf32>,
          %get3A_1126 = arith.constant 128 : index
          %get3A_1127 = tpu.vector_load %arg7[%get3A_1126] {strides = array<i32>} : memref<304xf32, #tpu.memory_space<vmem>>, vector<16xf32>,
          %sub3A_1128 = arith.subf %get3A_1127, %broadcast_in_dim3A_928 : vector<16xf32>
          %swap3A_1129 = arith.constant 128 : index
          %swap3A_1130 = tpu.vector_load %arg7[%swap3A_1129] {strides = array<i32>} : memref<304xf32, #tpu.memory_space<vmem>>, vector<16xf32>,
          tpu.vector_store %arg7[%swap3A_1129], %sub3A_1128 {strides = array<i32>} : memref<304xf32, #tpu.memory_space<vmem>>, vector<16xf32>,
          %get3A_1131 = arith.constant 144 : index
          %get3A_1132 = tpu.vector_load %arg9[%get3A_1131] {strides = array<i32>} : memref<304xi32, #tpu.memory_space<vmem>>, vector<16xi32>,
          %ne3A_1133 = arith.constant 0 : i32
          %ne3A_1134 = vector.broadcast %ne3A_1133 : i32 to vector<16xi32>
          %ne3A_1135 = arith.cmpi ne, %get3A_1132, %ne3A_1134 : vector<16xi32>
          %select_n3A_1136 = arith.select %ne3A_1135, %broadcast_in_dim3A_928, %broadcast_in_dim3A_930 : vector<16xi1>, vector<16xf32>
          %get3A_1137 = arith.constant 144 : index
          %get3A_1138 = tpu.vector_load %arg6[%get3A_1137] {strides = array<i32>} : memref<304xf32, #tpu.memory_space<vmem>>, vector<16xf32>,
          %add3A_1139 = arith.addf %get3A_1138, %select_n3A_1136 : vector<16xf32>
          %swap3A_1140 = arith.constant 144 : index
          %swap3A_1141 = tpu.vector_load %arg6[%swap3A_1140] {strides = array<i32>} : memref<304xf32, #tpu.memory_space<vmem>>, vector<16xf32>,
          tpu.vector_store %arg6[%swap3A_1140], %add3A_1139 {strides = array<i32>} : memref<304xf32, #tpu.memory_space<vmem>>, vector<16xf32>,
          %get3A_1142 = arith.constant 144 : index
          %get3A_1143 = tpu.vector_load %arg5[%get3A_1142] {strides = array<i32>} : memref<304xf32, #tpu.memory_space<vmem>>, vector<16xf32>,
          %sub3A_1144 = arith.subf %get3A_1143, %select_n3A_1136 : vector<16xf32>
          %swap3A_1145 = arith.constant 144 : index
          %swap3A_1146 = tpu.vector_load %arg5[%swap3A_1145] {strides = array<i32>} : memref<304xf32, #tpu.memory_space<vmem>>, vector<16xf32>,
          tpu.vector_store %arg5[%swap3A_1145], %sub3A_1144 {strides = array<i32>} : memref<304xf32, #tpu.memory_space<vmem>>, vector<16xf32>,
          %get3A_1147 = arith.constant 144 : index
          %get3A_1148 = tpu.vector_load %arg7[%get3A_1147] {strides = array<i32>} : memref<304xf32, #tpu.memory_space<vmem>>, vector<16xf32>,
          %sub3A_1149 = arith.subf %get3A_1148, %broadcast_in_dim3A_928 : vector<16xf32>
          %swap3A_1150 = arith.constant 144 : index
          %swap3A_1151 = tpu.vector_load %arg7[%swap3A_1150] {strides = array<i32>} : memref<304xf32, #tpu.memory_space<vmem>>, vector<16xf32>,
          tpu.vector_store %arg7[%swap3A_1150], %sub3A_1149 {strides = array<i32>} : memref<304xf32, #tpu.memory_space<vmem>>, vector<16xf32>,
          %get3A_1152 = arith.constant 160 : index
          %get3A_1153 = tpu.vector_load %arg9[%get3A_1152] {strides = array<i32>} : memref<304xi32, #tpu.memory_space<vmem>>, vector<16xi32>,
          %ne3A_1154 = arith.constant 0 : i32
          %ne3A_1155 = vector.broadcast %ne3A_1154 : i32 to vector<16xi32>
          %ne3A_1156 = arith.cmpi ne, %get3A_1153, %ne3A_1155 : vector<16xi32>
          %select_n3A_1157 = arith.select %ne3A_1156, %broadcast_in_dim3A_928, %broadcast_in_dim3A_930 : vector<16xi1>, vector<16xf32>
          %get3A_1158 = arith.constant 160 : index
          %get3A_1159 = tpu.vector_load %arg6[%get3A_1158] {strides = array<i32>} : memref<304xf32, #tpu.memory_space<vmem>>, vector<16xf32>,
          %add3A_1160 = arith.addf %get3A_1159, %select_n3A_1157 : vector<16xf32>
          %swap3A_1161 = arith.constant 160 : index
          %swap3A_1162 = tpu.vector_load %arg6[%swap3A_1161] {strides = array<i32>} : memref<304xf32, #tpu.memory_space<vmem>>, vector<16xf32>,
          tpu.vector_store %arg6[%swap3A_1161], %add3A_1160 {strides = array<i32>} : memref<304xf32, #tpu.memory_space<vmem>>, vector<16xf32>,
          %get3A_1163 = arith.constant 160 : index
          %get3A_1164 = tpu.vector_load %arg5[%get3A_1163] {strides = array<i32>} : memref<304xf32, #tpu.memory_space<vmem>>, vector<16xf32>,
          %sub3A_1165 = arith.subf %get3A_1164, %select_n3A_1157 : vector<16xf32>
          %swap3A_1166 = arith.constant 160 : index
          %swap3A_1167 = tpu.vector_load %arg5[%swap3A_1166] {strides = array<i32>} : memref<304xf32, #tpu.memory_space<vmem>>, vector<16xf32>,
          tpu.vector_store %arg5[%swap3A_1166], %sub3A_1165 {strides = array<i32>} : memref<304xf32, #tpu.memory_space<vmem>>, vector<16xf32>,
          %get3A_1168 = arith.constant 160 : index
          %get3A_1169 = tpu.vector_load %arg7[%get3A_1168] {strides = array<i32>} : memref<304xf32, #tpu.memory_space<vmem>>, vector<16xf32>,
          %sub3A_1170 = arith.subf %get3A_1169, %broadcast_in_dim3A_928 : vector<16xf32>
          %swap3A_1171 = arith.constant 160 : index
          %swap3A_1172 = tpu.vector_load %arg7[%swap3A_1171] {strides = array<i32>} : memref<304xf32, #tpu.memory_space<vmem>>, vector<16xf32>,
          tpu.vector_store %arg7[%swap3A_1171], %sub3A_1170 {strides = array<i32>} : memref<304xf32, #tpu.memory_space<vmem>>, vector<16xf32>,
          %get3A_1173 = arith.constant 176 : index
          %get3A_1174 = tpu.vector_load %arg9[%get3A_1173] {strides = array<i32>} : memref<304xi32, #tpu.memory_space<vmem>>, vector<16xi32>,
          %ne3A_1175 = arith.constant 0 : i32
          %ne3A_1176 = vector.broadcast %ne3A_1175 : i32 to vector<16xi32>
          %ne3A_1177 = arith.cmpi ne, %get3A_1174, %ne3A_1176 : vector<16xi32>
          %select_n3A_1178 = arith.select %ne3A_1177, %broadcast_in_dim3A_928, %broadcast_in_dim3A_930 : vector<16xi1>, vector<16xf32>
          %get3A_1179 = arith.constant 176 : index
          %get3A_1180 = tpu.vector_load %arg6[%get3A_1179] {strides = array<i32>} : memref<304xf32, #tpu.memory_space<vmem>>, vector<16xf32>,
          %add3A_1181 = arith.addf %get3A_1180, %select_n3A_1178 : vector<16xf32>
          %swap3A_1182 = arith.constant 176 : index
          %swap3A_1183 = tpu.vector_load %arg6[%swap3A_1182] {strides = array<i32>} : memref<304xf32, #tpu.memory_space<vmem>>, vector<16xf32>,
          tpu.vector_store %arg6[%swap3A_1182], %add3A_1181 {strides = array<i32>} : memref<304xf32, #tpu.memory_space<vmem>>, vector<16xf32>,
          %get3A_1184 = arith.constant 176 : index
          %get3A_1185 = tpu.vector_load %arg5[%get3A_1184] {strides = array<i32>} : memref<304xf32, #tpu.memory_space<vmem>>, vector<16xf32>,
          %sub3A_1186 = arith.subf %get3A_1185, %select_n3A_1178 : vector<16xf32>
          %swap3A_1187 = arith.constant 176 : index
          %swap3A_1188 = tpu.vector_load %arg5[%swap3A_1187] {strides = array<i32>} : memref<304xf32, #tpu.memory_space<vmem>>, vector<16xf32>,
          tpu.vector_store %arg5[%swap3A_1187], %sub3A_1186 {strides = array<i32>} : memref<304xf32, #tpu.memory_space<vmem>>, vector<16xf32>,
          %get3A_1189 = arith.constant 176 : index
          %get3A_1190 = tpu.vector_load %arg7[%get3A_1189] {strides = array<i32>} : memref<304xf32, #tpu.memory_space<vmem>>, vector<16xf32>,
          %sub3A_1191 = arith.subf %get3A_1190, %broadcast_in_dim3A_928 : vector<16xf32>
          %swap3A_1192 = arith.constant 176 : index
          %swap3A_1193 = tpu.vector_load %arg7[%swap3A_1192] {strides = array<i32>} : memref<304xf32, #tpu.memory_space<vmem>>, vector<16xf32>,
          tpu.vector_store %arg7[%swap3A_1192], %sub3A_1191 {strides = array<i32>} : memref<304xf32, #tpu.memory_space<vmem>>, vector<16xf32>,
          %get3A_1194 = arith.constant 192 : index
          %get3A_1195 = tpu.vector_load %arg9[%get3A_1194] {strides = array<i32>} : memref<304xi32, #tpu.memory_space<vmem>>, vector<16xi32>,
          %ne3A_1196 = arith.constant 0 : i32
          %ne3A_1197 = vector.broadcast %ne3A_1196 : i32 to vector<16xi32>
          %ne3A_1198 = arith.cmpi ne, %get3A_1195, %ne3A_1197 : vector<16xi32>
          %select_n3A_1199 = arith.select %ne3A_1198, %broadcast_in_dim3A_928, %broadcast_in_dim3A_930 : vector<16xi1>, vector<16xf32>
          %get3A_1200 = arith.constant 192 : index
          %get3A_1201 = tpu.vector_load %arg6[%get3A_1200] {strides = array<i32>} : memref<304xf32, #tpu.memory_space<vmem>>, vector<16xf32>,
          %add3A_1202 = arith.addf %get3A_1201, %select_n3A_1199 : vector<16xf32>
          %swap3A_1203 = arith.constant 192 : index
          %swap3A_1204 = tpu.vector_load %arg6[%swap3A_1203] {strides = array<i32>} : memref<304xf32, #tpu.memory_space<vmem>>, vector<16xf32>,
          tpu.vector_store %arg6[%swap3A_1203], %add3A_1202 {strides = array<i32>} : memref<304xf32, #tpu.memory_space<vmem>>, vector<16xf32>,
          %get3A_1205 = arith.constant 192 : index
          %get3A_1206 = tpu.vector_load %arg5[%get3A_1205] {strides = array<i32>} : memref<304xf32, #tpu.memory_space<vmem>>, vector<16xf32>,
          %sub3A_1207 = arith.subf %get3A_1206, %select_n3A_1199 : vector<16xf32>
          %swap3A_1208 = arith.constant 192 : index
          %swap3A_1209 = tpu.vector_load %arg5[%swap3A_1208] {strides = array<i32>} : memref<304xf32, #tpu.memory_space<vmem>>, vector<16xf32>,
          tpu.vector_store %arg5[%swap3A_1208], %sub3A_1207 {strides = array<i32>} : memref<304xf32, #tpu.memory_space<vmem>>, vector<16xf32>,
          %get3A_1210 = arith.constant 192 : index
          %get3A_1211 = tpu.vector_load %arg7[%get3A_1210] {strides = array<i32>} : memref<304xf32, #tpu.memory_space<vmem>>, vector<16xf32>,
          %sub3A_1212 = arith.subf %get3A_1211, %broadcast_in_dim3A_928 : vector<16xf32>
          %swap3A_1213 = arith.constant 192 : index
          %swap3A_1214 = tpu.vector_load %arg7[%swap3A_1213] {strides = array<i32>} : memref<304xf32, #tpu.memory_space<vmem>>, vector<16xf32>,
          tpu.vector_store %arg7[%swap3A_1213], %sub3A_1212 {strides = array<i32>} : memref<304xf32, #tpu.memory_space<vmem>>, vector<16xf32>,
          %get3A_1215 = arith.constant 208 : index
          %get3A_1216 = tpu.vector_load %arg9[%get3A_1215] {strides = array<i32>} : memref<304xi32, #tpu.memory_space<vmem>>, vector<16xi32>,
          %ne3A_1217 = arith.constant 0 : i32
          %ne3A_1218 = vector.broadcast %ne3A_1217 : i32 to vector<16xi32>
          %ne3A_1219 = arith.cmpi ne, %get3A_1216, %ne3A_1218 : vector<16xi32>
          %select_n3A_1220 = arith.select %ne3A_1219, %broadcast_in_dim3A_928, %broadcast_in_dim3A_930 : vector<16xi1>, vector<16xf32>
          %get3A_1221 = arith.constant 208 : index
          %get3A_1222 = tpu.vector_load %arg6[%get3A_1221] {strides = array<i32>} : memref<304xf32, #tpu.memory_space<vmem>>, vector<16xf32>,
          %add3A_1223 = arith.addf %get3A_1222, %select_n3A_1220 : vector<16xf32>
          %swap3A_1224 = arith.constant 208 : index
          %swap3A_1225 = tpu.vector_load %arg6[%swap3A_1224] {strides = array<i32>} : memref<304xf32, #tpu.memory_space<vmem>>, vector<16xf32>,
          tpu.vector_store %arg6[%swap3A_1224], %add3A_1223 {strides = array<i32>} : memref<304xf32, #tpu.memory_space<vmem>>, vector<16xf32>,
          %get3A_1226 = arith.constant 208 : index
          %get3A_1227 = tpu.vector_load %arg5[%get3A_1226] {strides = array<i32>} : memref<304xf32, #tpu.memory_space<vmem>>, vector<16xf32>,
          %sub3A_1228 = arith.subf %get3A_1227, %select_n3A_1220 : vector<16xf32>
          %swap3A_1229 = arith.constant 208 : index
          %swap3A_1230 = tpu.vector_load %arg5[%swap3A_1229] {strides = array<i32>} : memref<304xf32, #tpu.memory_space<vmem>>, vector<16xf32>,
          tpu.vector_store %arg5[%swap3A_1229], %sub3A_1228 {strides = array<i32>} : memref<304xf32, #tpu.memory_space<vmem>>, vector<16xf32>,
          %get3A_1231 = arith.constant 208 : index
          %get3A_1232 = tpu.vector_load %arg7[%get3A_1231] {strides = array<i32>} : memref<304xf32, #tpu.memory_space<vmem>>, vector<16xf32>,
          %sub3A_1233 = arith.subf %get3A_1232, %broadcast_in_dim3A_928 : vector<16xf32>
          %swap3A_1234 = arith.constant 208 : index
          %swap3A_1235 = tpu.vector_load %arg7[%swap3A_1234] {strides = array<i32>} : memref<304xf32, #tpu.memory_space<vmem>>, vector<16xf32>,
          tpu.vector_store %arg7[%swap3A_1234], %sub3A_1233 {strides = array<i32>} : memref<304xf32, #tpu.memory_space<vmem>>, vector<16xf32>,
          %get3A_1236 = arith.constant 224 : index
          %get3A_1237 = tpu.vector_load %arg9[%get3A_1236] {strides = array<i32>} : memref<304xi32, #tpu.memory_space<vmem>>, vector<16xi32>,
          %ne3A_1238 = arith.constant 0 : i32
          %ne3A_1239 = vector.broadcast %ne3A_1238 : i32 to vector<16xi32>
          %ne3A_1240 = arith.cmpi ne, %get3A_1237, %ne3A_1239 : vector<16xi32>
          %select_n3A_1241 = arith.select %ne3A_1240, %broadcast_in_dim3A_928, %broadcast_in_dim3A_930 : vector<16xi1>, vector<16xf32>
          %get3A_1242 = arith.constant 224 : index
          %get3A_1243 = tpu.vector_load %arg6[%get3A_1242] {strides = array<i32>} : memref<304xf32, #tpu.memory_space<vmem>>, vector<16xf32>,
          %add3A_1244 = arith.addf %get3A_1243, %select_n3A_1241 : vector<16xf32>
          %swap3A_1245 = arith.constant 224 : index
          %swap3A_1246 = tpu.vector_load %arg6[%swap3A_1245] {strides = array<i32>} : memref<304xf32, #tpu.memory_space<vmem>>, vector<16xf32>,
          tpu.vector_store %arg6[%swap3A_1245], %add3A_1244 {strides = array<i32>} : memref<304xf32, #tpu.memory_space<vmem>>, vector<16xf32>,
          %get3A_1247 = arith.constant 224 : index
          %get3A_1248 = tpu.vector_load %arg5[%get3A_1247] {strides = array<i32>} : memref<304xf32, #tpu.memory_space<vmem>>, vector<16xf32>,
          %sub3A_1249 = arith.subf %get3A_1248, %select_n3A_1241 : vector<16xf32>
          %swap3A_1250 = arith.constant 224 : index
          %swap3A_1251 = tpu.vector_load %arg5[%swap3A_1250] {strides = array<i32>} : memref<304xf32, #tpu.memory_space<vmem>>, vector<16xf32>,
          tpu.vector_store %arg5[%swap3A_1250], %sub3A_1249 {strides = array<i32>} : memref<304xf32, #tpu.memory_space<vmem>>, vector<16xf32>,
          %get3A_1252 = arith.constant 224 : index
          %get3A_1253 = tpu.vector_load %arg7[%get3A_1252] {strides = array<i32>} : memref<304xf32, #tpu.memory_space<vmem>>, vector<16xf32>,
          %sub3A_1254 = arith.subf %get3A_1253, %broadcast_in_dim3A_928 : vector<16xf32>
          %swap3A_1255 = arith.constant 224 : index
          %swap3A_1256 = tpu.vector_load %arg7[%swap3A_1255] {strides = array<i32>} : memref<304xf32, #tpu.memory_space<vmem>>, vector<16xf32>,
          tpu.vector_store %arg7[%swap3A_1255], %sub3A_1254 {strides = array<i32>} : memref<304xf32, #tpu.memory_space<vmem>>, vector<16xf32>,
          %get3A_1257 = arith.constant 240 : index
          %get3A_1258 = tpu.vector_load %arg9[%get3A_1257] {strides = array<i32>} : memref<304xi32, #tpu.memory_space<vmem>>, vector<16xi32>,
          %ne3A_1259 = arith.constant 0 : i32
          %ne3A_1260 = vector.broadcast %ne3A_1259 : i32 to vector<16xi32>
          %ne3A_1261 = arith.cmpi ne, %get3A_1258, %ne3A_1260 : vector<16xi32>
          %select_n3A_1262 = arith.select %ne3A_1261, %broadcast_in_dim3A_928, %broadcast_in_dim3A_930 : vector<16xi1>, vector<16xf32>
          %get3A_1263 = arith.constant 240 : index
          %get3A_1264 = tpu.vector_load %arg6[%get3A_1263] {strides = array<i32>} : memref<304xf32, #tpu.memory_space<vmem>>, vector<16xf32>,
          %add3A_1265 = arith.addf %get3A_1264, %select_n3A_1262 : vector<16xf32>
          %swap3A_1266 = arith.constant 240 : index
          %swap3A_1267 = tpu.vector_load %arg6[%swap3A_1266] {strides = array<i32>} : memref<304xf32, #tpu.memory_space<vmem>>, vector<16xf32>,
          tpu.vector_store %arg6[%swap3A_1266], %add3A_1265 {strides = array<i32>} : memref<304xf32, #tpu.memory_space<vmem>>, vector<16xf32>,
          %get3A_1268 = arith.constant 240 : index
          %get3A_1269 = tpu.vector_load %arg5[%get3A_1268] {strides = array<i32>} : memref<304xf32, #tpu.memory_space<vmem>>, vector<16xf32>,
          %sub3A_1270 = arith.subf %get3A_1269, %select_n3A_1262 : vector<16xf32>
          %swap3A_1271 = arith.constant 240 : index
          %swap3A_1272 = tpu.vector_load %arg5[%swap3A_1271] {strides = array<i32>} : memref<304xf32, #tpu.memory_space<vmem>>, vector<16xf32>,
          tpu.vector_store %arg5[%swap3A_1271], %sub3A_1270 {strides = array<i32>} : memref<304xf32, #tpu.memory_space<vmem>>, vector<16xf32>,
          %get3A_1273 = arith.constant 240 : index
          %get3A_1274 = tpu.vector_load %arg7[%get3A_1273] {strides = array<i32>} : memref<304xf32, #tpu.memory_space<vmem>>, vector<16xf32>,
          %sub3A_1275 = arith.subf %get3A_1274, %broadcast_in_dim3A_928 : vector<16xf32>
          %swap3A_1276 = arith.constant 240 : index
          %swap3A_1277 = tpu.vector_load %arg7[%swap3A_1276] {strides = array<i32>} : memref<304xf32, #tpu.memory_space<vmem>>, vector<16xf32>,
          tpu.vector_store %arg7[%swap3A_1276], %sub3A_1275 {strides = array<i32>} : memref<304xf32, #tpu.memory_space<vmem>>, vector<16xf32>,
          %get3A_1278 = arith.constant 256 : index
          %get3A_1279 = tpu.vector_load %arg9[%get3A_1278] {strides = array<i32>} : memref<304xi32, #tpu.memory_space<vmem>>, vector<16xi32>,
          %ne3A_1280 = arith.constant 0 : i32
          %ne3A_1281 = vector.broadcast %ne3A_1280 : i32 to vector<16xi32>
          %ne3A_1282 = arith.cmpi ne, %get3A_1279, %ne3A_1281 : vector<16xi32>
          %select_n3A_1283 = arith.select %ne3A_1282, %broadcast_in_dim3A_928, %broadcast_in_dim3A_930 : vector<16xi1>, vector<16xf32>
          %get3A_1284 = arith.constant 256 : index
          %get3A_1285 = tpu.vector_load %arg6[%get3A_1284] {strides = array<i32>} : memref<304xf32, #tpu.memory_space<vmem>>, vector<16xf32>,
          %add3A_1286 = arith.addf %get3A_1285, %select_n3A_1283 : vector<16xf32>
          %swap3A_1287 = arith.constant 256 : index
          %swap3A_1288 = tpu.vector_load %arg6[%swap3A_1287] {strides = array<i32>} : memref<304xf32, #tpu.memory_space<vmem>>, vector<16xf32>,
          tpu.vector_store %arg6[%swap3A_1287], %add3A_1286 {strides = array<i32>} : memref<304xf32, #tpu.memory_space<vmem>>, vector<16xf32>,
          %get3A_1289 = arith.constant 256 : index
          %get3A_1290 = tpu.vector_load %arg5[%get3A_1289] {strides = array<i32>} : memref<304xf32, #tpu.memory_space<vmem>>, vector<16xf32>,
          %sub3A_1291 = arith.subf %get3A_1290, %select_n3A_1283 : vector<16xf32>
          %swap3A_1292 = arith.constant 256 : index
          %swap3A_1293 = tpu.vector_load %arg5[%swap3A_1292] {strides = array<i32>} : memref<304xf32, #tpu.memory_space<vmem>>, vector<16xf32>,
          tpu.vector_store %arg5[%swap3A_1292], %sub3A_1291 {strides = array<i32>} : memref<304xf32, #tpu.memory_space<vmem>>, vector<16xf32>,
          %get3A_1294 = arith.constant 256 : index
          %get3A_1295 = tpu.vector_load %arg7[%get3A_1294] {strides = array<i32>} : memref<304xf32, #tpu.memory_space<vmem>>, vector<16xf32>,
          %sub3A_1296 = arith.subf %get3A_1295, %broadcast_in_dim3A_928 : vector<16xf32>
          %swap3A_1297 = arith.constant 256 : index
          %swap3A_1298 = tpu.vector_load %arg7[%swap3A_1297] {strides = array<i32>} : memref<304xf32, #tpu.memory_space<vmem>>, vector<16xf32>,
          tpu.vector_store %arg7[%swap3A_1297], %sub3A_1296 {strides = array<i32>} : memref<304xf32, #tpu.memory_space<vmem>>, vector<16xf32>,
          %get3A_1299 = arith.constant 272 : index
          %get3A_1300 = tpu.vector_load %arg9[%get3A_1299] {strides = array<i32>} : memref<304xi32, #tpu.memory_space<vmem>>, vector<16xi32>,
          %ne3A_1301 = arith.constant 0 : i32
          %ne3A_1302 = vector.broadcast %ne3A_1301 : i32 to vector<16xi32>
          %ne3A_1303 = arith.cmpi ne, %get3A_1300, %ne3A_1302 : vector<16xi32>
          %select_n3A_1304 = arith.select %ne3A_1303, %broadcast_in_dim3A_928, %broadcast_in_dim3A_930 : vector<16xi1>, vector<16xf32>
          %get3A_1305 = arith.constant 272 : index
          %get3A_1306 = tpu.vector_load %arg6[%get3A_1305] {strides = array<i32>} : memref<304xf32, #tpu.memory_space<vmem>>, vector<16xf32>,
          %add3A_1307 = arith.addf %get3A_1306, %select_n3A_1304 : vector<16xf32>
          %swap3A_1308 = arith.constant 272 : index
          %swap3A_1309 = tpu.vector_load %arg6[%swap3A_1308] {strides = array<i32>} : memref<304xf32, #tpu.memory_space<vmem>>, vector<16xf32>,
          tpu.vector_store %arg6[%swap3A_1308], %add3A_1307 {strides = array<i32>} : memref<304xf32, #tpu.memory_space<vmem>>, vector<16xf32>,
          %get3A_1310 = arith.constant 272 : index
          %get3A_1311 = tpu.vector_load %arg5[%get3A_1310] {strides = array<i32>} : memref<304xf32, #tpu.memory_space<vmem>>, vector<16xf32>,
          %sub3A_1312 = arith.subf %get3A_1311, %select_n3A_1304 : vector<16xf32>
          %swap3A_1313 = arith.constant 272 : index
          %swap3A_1314 = tpu.vector_load %arg5[%swap3A_1313] {strides = array<i32>} : memref<304xf32, #tpu.memory_space<vmem>>, vector<16xf32>,
          tpu.vector_store %arg5[%swap3A_1313], %sub3A_1312 {strides = array<i32>} : memref<304xf32, #tpu.memory_space<vmem>>, vector<16xf32>,
          %get3A_1315 = arith.constant 272 : index
          %get3A_1316 = tpu.vector_load %arg7[%get3A_1315] {strides = array<i32>} : memref<304xf32, #tpu.memory_space<vmem>>, vector<16xf32>,
          %sub3A_1317 = arith.subf %get3A_1316, %broadcast_in_dim3A_928 : vector<16xf32>
          %swap3A_1318 = arith.constant 272 : index
          %swap3A_1319 = tpu.vector_load %arg7[%swap3A_1318] {strides = array<i32>} : memref<304xf32, #tpu.memory_space<vmem>>, vector<16xf32>,
          tpu.vector_store %arg7[%swap3A_1318], %sub3A_1317 {strides = array<i32>} : memref<304xf32, #tpu.memory_space<vmem>>, vector<16xf32>,
          %get3A_1320 = arith.constant 288 : index
          %get3A_1321 = tpu.vector_load %arg9[%get3A_1320] {strides = array<i32>} : memref<304xi32, #tpu.memory_space<vmem>>, vector<16xi32>,
          %ne3A_1322 = arith.constant 0 : i32
          %ne3A_1323 = vector.broadcast %ne3A_1322 : i32 to vector<16xi32>
          %ne3A_1324 = arith.cmpi ne, %get3A_1321, %ne3A_1323 : vector<16xi32>
          %select_n3A_1325 = arith.select %ne3A_1324, %broadcast_in_dim3A_928, %broadcast_in_dim3A_930 : vector<16xi1>, vector<16xf32>
          %get3A_1326 = arith.constant 288 : index
          %get3A_1327 = tpu.vector_load %arg6[%get3A_1326] {strides = array<i32>} : memref<304xf32, #tpu.memory_space<vmem>>, vector<16xf32>,
          %add3A_1328 = arith.addf %get3A_1327, %select_n3A_1325 : vector<16xf32>
          %swap3A_1329 = arith.constant 288 : index
          %swap3A_1330 = tpu.vector_load %arg6[%swap3A_1329] {strides = array<i32>} : memref<304xf32, #tpu.memory_space<vmem>>, vector<16xf32>,
          tpu.vector_store %arg6[%swap3A_1329], %add3A_1328 {strides = array<i32>} : memref<304xf32, #tpu.memory_space<vmem>>, vector<16xf32>,
          %get3A_1331 = arith.constant 288 : index
          %get3A_1332 = tpu.vector_load %arg5[%get3A_1331] {strides = array<i32>} : memref<304xf32, #tpu.memory_space<vmem>>, vector<16xf32>,
          %sub3A_1333 = arith.subf %get3A_1332, %select_n3A_1325 : vector<16xf32>
          %swap3A_1334 = arith.constant 288 : index
          %swap3A_1335 = tpu.vector_load %arg5[%swap3A_1334] {strides = array<i32>} : memref<304xf32, #tpu.memory_space<vmem>>, vector<16xf32>,
          tpu.vector_store %arg5[%swap3A_1334], %sub3A_1333 {strides = array<i32>} : memref<304xf32, #tpu.memory_space<vmem>>, vector<16xf32>,
          %get3A_1336 = arith.constant 288 : index
          %get3A_1337 = tpu.vector_load %arg7[%get3A_1336] {strides = array<i32>} : memref<304xf32, #tpu.memory_space<vmem>>, vector<16xf32>,
          %sub3A_1338 = arith.subf %get3A_1337, %broadcast_in_dim3A_928 : vector<16xf32>
          %swap3A_1339 = arith.constant 288 : index
          %swap3A_1340 = tpu.vector_load %arg7[%swap3A_1339] {strides = array<i32>} : memref<304xf32, #tpu.memory_space<vmem>>, vector<16xf32>,
          tpu.vector_store %arg7[%swap3A_1339], %sub3A_1338 {strides = array<i32>} : memref<304xf32, #tpu.memory_space<vmem>>, vector<16xf32>,
          %add3A_1341 = arith.addf %while3A_259, %reduce_min3A_927 : f32
          %get3A_1342 = arith.index_cast %reduce_min3A_942 : i32 to index
          %get3A_1343 = memref.load %arg11[%get3A_1342] : memref<301xi32, #tpu.memory_space<smem>>
          scf.yield %reduce_min3A_942, %add3A_1341, %get3A_1343 : i32, f32, i32
        }
        %eq3A = arith.constant 0 : i32
        %eq3A_255 = vector.broadcast %eq3A : i32 to vector<16xi32>
        %eq3A_256 = arith.cmpi eq, %iota3A, %eq3A_255 : vector<16xi32>
        %while3A_257 = scf.while (%while3A_258 = %while3A_254#0) : (i32) -> i32 {
          %ne3A = arith.constant 0 : i32
          %ne3A_259 = arith.cmpi ne, %while3A_258, %ne3A : i32
          scf.condition(%ne3A_259) %while3A_258 : i32
        } do {
        ^bb0(%while3A_258: i32):
          %sub3A = arith.constant 1 : i32
          %sub3A_259 = arith.subi %while3A_258, %sub3A : i32
          %broadcast_in_dim3A_260 = vector.broadcast %sub3A_259 : i32 to vector<16xi32>
          %gather3A = tpu.vector_load_idx %arg8[%broadcast_in_dim3A_260] : memref<304xi32, #tpu.memory_space<vmem>>[vector<16xi32>], vector<16xi32>,
          %reduce_min3A = arith.constant true
          %reduce_min3A_261 = vector.broadcast %reduce_min3A : i1 to vector<16xi1>
          %reduce_min3A_262 = arith.constant -2147483648 : i32
          %reduce_min3A_263 = vector.broadcast %reduce_min3A_262 : i32 to vector<16xi32>
          %reduce_min3A_264 = arith.xori %gather3A, %reduce_min3A_263 : vector<16xi32>
          %reduce_min3A_265 = tpu.scan <min>, %reduce_min3A_264 masked %reduce_min3A_261 : vector<16xi32>, vector<16xi1> -> vector<16xi32>
          %reduce_min3A_266 = arith.xori %reduce_min3A_265, %reduce_min3A_263 : vector<16xi32>
          %reduce_min3A_267 = vector.extract %reduce_min3A_266[15] : i32 from vector<16xi32>
          %get3A = arith.index_cast %reduce_min3A_267 : i32 to index
          %get3A_268 = memref.load %arg11[%get3A] : memref<301xi32, #tpu.memory_space<smem>>
          %swap3A_269 = arith.index_cast %while3A_258 : i32 to index
          %swap3A_270 = memref.load %arg11[%swap3A_269] : memref<301xi32, #tpu.memory_space<smem>>
          memref.store %get3A_268, %arg11[%swap3A_269] : memref<301xi32, #tpu.memory_space<smem>>
          %sub3A_271 = arith.constant 1 : i32
          %sub3A_272 = arith.subi %get3A_268, %sub3A_271 : i32
          %broadcast_in_dim3A_273 = vector.broadcast %sub3A_272 : i32 to vector<16xi32>
          %sub3A_274 = arith.constant 1 : i32
          %sub3A_275 = arith.subi %while3A_258, %sub3A_274 : i32
          %broadcast_in_dim3A_276 = vector.broadcast %sub3A_275 : i32 to vector<16xi32>
          tpu.vector_store_idx %arg10[%broadcast_in_dim3A_273], %broadcast_in_dim3A_276 masked %eq3A_256 : memref<32xi32, #tpu.memory_space<vmem>>[vector<16xi32>], vector<16xi32>, vector<16xi1>
          %sub3A_277 = arith.constant 1 : i32
          %sub3A_278 = arith.subi %reduce_min3A_267, %sub3A_277 : i32
          %max3A = arith.constant 0 : i32
          %max3A_279 = arith.maxsi %sub3A_278, %max3A : i32
          %broadcast_in_dim3A_280 = vector.broadcast %max3A_279 : i32 to vector<16xi32>
          %gather3A_281 = tpu.vector_load_idx %arg6[%broadcast_in_dim3A_280] : memref<304xf32, #tpu.memory_space<vmem>>[vector<16xi32>], vector<16xf32>,
          %reduce_min3A_282 = arith.constant true
          %reduce_min3A_283 = vector.broadcast %reduce_min3A_282 : i1 to vector<16xi1>
          %reduce_min3A_284 = tpu.scan <min>, %gather3A_281 masked %reduce_min3A_283 : vector<16xf32>, vector<16xi1> -> vector<16xf32>
          %reduce_min3A_285 = vector.extract %reduce_min3A_284[15] : f32 from vector<16xf32>
          %eq3A_286 = arith.constant 0 : i32
          %eq3A_287 = arith.cmpi eq, %reduce_min3A_267, %eq3A_286 : i32
          %select_n3A = arith.select %eq3A_287, %while3A_254#1, %reduce_min3A_285 : f32
          %broadcast_in_dim3A_288 = vector.broadcast %select_n3A : f32 to vector<16xf32>
          tpu.vector_store_idx %arg6[%broadcast_in_dim3A_260], %broadcast_in_dim3A_288 masked %eq3A_256 : memref<304xf32, #tpu.memory_space<vmem>>[vector<16xi32>], vector<16xf32>, vector<16xi1>
          scf.yield %reduce_min3A_267 : i32
        }
      }
      %scan3A_129 = arith.constant 32 : i32
      "tpu.region"() ({
        %run_scoped3A = tpu.sem_alloc : memref<!tpu.dma_semaphore, #tpu.memory_space<semaphore_mem>>
        %dma_start3A = arith.constant 0 : i32
        %dma_start3A_130 = tpu.memref_slice %arg3[%add3A, %dma_start3A] : memref<16x32xi32, #tpu.memory_space<hbm>> -> memref<1x32xi32, #tpu.memory_space<hbm>>
        %dma_start3A_131 = tpu.memref_squeeze %dma_start3A_130 : memref<1x32xi32, #tpu.memory_space<hbm>> -> memref<32xi32, #tpu.memory_space<hbm>>
        %dma_start3A_132 = arith.constant 0 : i32
        %dma_start3A_133 = tpu.memref_slice %arg3[%add3A, %dma_start3A_132] : memref<16x32xi32, #tpu.memory_space<hbm>> -> memref<1x32xi32, #tpu.memory_space<hbm>>
        %dma_start3A_134 = tpu.memref_squeeze %dma_start3A_133 : memref<1x32xi32, #tpu.memory_space<hbm>> -> memref<32xi32, #tpu.memory_space<hbm>>
        tpu.enqueue_dma source(%arg10 : memref<32xi32, #tpu.memory_space<vmem>>) target(%dma_start3A_134 : memref<32xi32, #tpu.memory_space<hbm>>) target_semaphore(%run_scoped3A : memref<!tpu.dma_semaphore, #tpu.memory_space<semaphore_mem>>)
        %dma_wait3A = arith.constant 0 : i32
        %dma_wait3A_135 = tpu.memref_slice %arg3[%add3A, %dma_wait3A] : memref<16x32xi32, #tpu.memory_space<hbm>> -> memref<1x32xi32, #tpu.memory_space<hbm>>
        %dma_wait3A_136 = tpu.memref_squeeze %dma_wait3A_135 : memref<1x32xi32, #tpu.memory_space<hbm>> -> memref<32xi32, #tpu.memory_space<hbm>>
        %dma_wait3A_137 = arith.constant 0 : i32
        %dma_wait3A_138 = tpu.memref_slice %arg3[%add3A, %dma_wait3A_137] : memref<16x32xi32, #tpu.memory_space<hbm>> -> memref<1x32xi32, #tpu.memory_space<hbm>>
        %dma_wait3A_139 = tpu.memref_squeeze %dma_wait3A_138 : memref<1x32xi32, #tpu.memory_space<hbm>> -> memref<32xi32, #tpu.memory_space<hbm>>
        tpu.wait_dma2 semaphore(%run_scoped3A : memref<!tpu.dma_semaphore, #tpu.memory_space<semaphore_mem>>) src(%arg10 : memref<32xi32, #tpu.memory_space<vmem>>) dst(%dma_wait3A_139 : memref<32xi32, #tpu.memory_space<hbm>>)
        tpu.yield
      }) : () -> ()
    } else {
    }
    return
  }
}

module attributes {stable_mosaic.version = 14 : i64} {
  func.func @_corr_body(%arg0: i32, %arg1: memref<4x300x80xf32, #tpu.memory_space<vmem>>, %arg2: memref<4x4x300xf32, #tpu.memory_space<vmem>>, %arg3: memref<4x1x32xi32, #tpu.memory_space<vmem>>, %arg4: memref<4x4x32xf32, #tpu.memory_space<vmem>>, %arg5: memref<4x1x32xi32, #tpu.memory_space<vmem>>, %arg6: memref<1x128xf32, #tpu.memory_space<vmem>>) attributes {dimension_semantics = [#tpu.dimension_semantics<arbitrary>], iteration_bounds = array<i64: 4>, scalar_prefetch = 0 : i64, scratch_operands = 0 : i64, tpu.core_type = #tpu.core_type<tc>, window_params = [{transform_indices = @transform_0, window_bounds = array<i64: 4, 300, 80>}, {transform_indices = @transform_1, window_bounds = array<i64: 4, 4, 300>}, {transform_indices = @transform_2, window_bounds = array<i64: 4, 1, 32>}, {transform_indices = @transform_3, window_bounds = array<i64: 4, 4, 32>}, {transform_indices = @transform_4, window_bounds = array<i64: 4, 1, 32>}, {pipeline_mode = #tpu.pipeline_mode<synchronous>, transform_indices = @transform_5, window_bounds = array<i64: 1, 128>}]} {
    %get3A = arith.constant 0 : index
    %get3A_0 = arith.constant 0 : index
    %get3A_1 = arith.constant 0 : index
    %get3A_2 = vector.load %arg1[%get3A, %get3A_0, %get3A_1] : memref<4x300x80xf32, #tpu.memory_space<vmem>>, vector<1x300x80xf32>
    %get3A_3 = vector.shape_cast %get3A_2 : vector<1x300x80xf32> to vector<300x80xf32>
    %get3A_4 = arith.constant 0 : index
    %get3A_5 = arith.constant 0 : index
    %get3A_6 = arith.constant 0 : index
    %get3A_7 = vector.load %arg5[%get3A_4, %get3A_5, %get3A_6] : memref<4x1x32xi32, #tpu.memory_space<vmem>>, vector<1x1x32xi32>
    %get3A_8 = vector.shape_cast %get3A_7 : vector<1x1x32xi32> to vector<32xi32>
    %get3A_9 = arith.constant 0 : index
    %get3A_10 = arith.constant 0 : index
    %get3A_11 = arith.constant 0 : index
    %get3A_12 = vector.load %arg3[%get3A_9, %get3A_10, %get3A_11] : memref<4x1x32xi32, #tpu.memory_space<vmem>>, vector<1x1x32xi32>
    %get3A_13 = vector.shape_cast %get3A_12 : vector<1x1x32xi32> to vector<32xi32>
    %iota3A = tpu.iota {dimensions = array<i32: 1>} : vector<32x300xi32>
    %broadcast_in_dim3A = vector.shape_cast %get3A_8 : vector<32xi32> to vector<32x1xi32>
    %eq3A = vector.broadcast %broadcast_in_dim3A : vector<32x1xi32> to vector<32x300xi32>
    %eq3A_14 = arith.cmpi eq, %eq3A, %iota3A : vector<32x300xi32>
    %convert_element_type3A = arith.extui %eq3A_14 : vector<32x300xi1> to vector<32x300xi32>
    %convert_element_type3A_15 = arith.sitofp %convert_element_type3A : vector<32x300xi32> to vector<32x300xf32>
    %dot_general3A = arith.constant dense<0.000000e+00> : vector<32x80xf32>
    %dot_general3A_16 = tpu.matmul %convert_element_type3A_15, %get3A_3, %dot_general3A {dimension_numbers = #tpu.dot_dimension_numbers<[1], [0], [0], [1], [0, 0, 1, 1], [], []>, transpose_lhs_hint = false} : vector<32x300xf32>, vector<300x80xf32>, vector<32x80xf32> -> vector<32x80xf32>
    %iota3A_17 = tpu.iota {dimensions = array<i32: 1>} : vector<32x80xi32>
    %broadcast_in_dim3A_18 = vector.shape_cast %get3A_13 : vector<32xi32> to vector<32x1xi32>
    %eq3A_19 = vector.broadcast %broadcast_in_dim3A_18 : vector<32x1xi32> to vector<32x80xi32>
    %eq3A_20 = arith.cmpi eq, %eq3A_19, %iota3A_17 : vector<32x80xi32>
    %convert_element_type3A_21 = arith.extui %eq3A_20 : vector<32x80xi1> to vector<32x80xi32>
    %convert_element_type3A_22 = arith.sitofp %convert_element_type3A_21 : vector<32x80xi32> to vector<32x80xf32>
    %mul3A = arith.mulf %dot_general3A_16, %convert_element_type3A_22 : vector<32x80xf32>
    %reduce_sum3A = arith.constant dense<0.000000e+00> : vector<32xf32>
    %reduce_sum3A_23 = vector.multi_reduction <add>, %mul3A, %reduce_sum3A [1] : vector<32x80xf32> to vector<32xf32>
    %broadcast_in_dim3A_24 = vector.shape_cast %reduce_sum3A_23 : vector<32xf32> to vector<32x1xf32>
    %get3A_25 = arith.constant 0 : index
    %get3A_26 = arith.constant 0 : index
    %get3A_27 = arith.constant 0 : index
    %get3A_28 = vector.load %arg2[%get3A_25, %get3A_26, %get3A_27] : memref<4x4x300xf32, #tpu.memory_space<vmem>>, vector<1x4x300xf32>
    %get3A_29 = vector.shape_cast %get3A_28 : vector<1x4x300xf32> to vector<4x300xf32>
    %get3A_30 = arith.constant 0 : index
    %get3A_31 = arith.constant 0 : index
    %get3A_32 = arith.constant 0 : index
    %get3A_33 = vector.load %arg4[%get3A_30, %get3A_31, %get3A_32] : memref<4x4x32xf32, #tpu.memory_space<vmem>>, vector<1x4x32xf32>
    %get3A_34 = vector.shape_cast %get3A_33 : vector<1x4x32xf32> to vector<4x32xf32>
    %dot_general3A_35 = arith.constant dense<0.000000e+00> : vector<4x32xf32>
    %dot_general3A_36 = tpu.matmul %get3A_29, %convert_element_type3A_15, %dot_general3A_35 {dimension_numbers = #tpu.dot_dimension_numbers<[1], [1], [0], [0], [0, 0, 1, 0], [], []>, transpose_lhs_hint = false} : vector<4x300xf32>, vector<32x300xf32>, vector<4x32xf32> -> vector<4x32xf32>
    %slice3A = vector.extract_strided_slice %dot_general3A_36 {offsets = [0, 0], sizes = [1, 32], strides = [1, 1]} : vector<4x32xf32> to vector<1x32xf32>
    %transpose3A = tpu.transpose %slice3A, [1, 0] : vector<1x32xf32> -> vector<32x1xf32>
    %slice3A_37 = vector.extract_strided_slice %dot_general3A_36 {offsets = [1, 0], sizes = [1, 32], strides = [1, 1]} : vector<4x32xf32> to vector<1x32xf32>
    %transpose3A_38 = tpu.transpose %slice3A_37, [1, 0] : vector<1x32xf32> -> vector<32x1xf32>
    %slice3A_39 = vector.extract_strided_slice %dot_general3A_36 {offsets = [2, 0], sizes = [1, 32], strides = [1, 1]} : vector<4x32xf32> to vector<1x32xf32>
    %transpose3A_40 = tpu.transpose %slice3A_39, [1, 0] : vector<1x32xf32> -> vector<32x1xf32>
    %slice3A_41 = vector.extract_strided_slice %dot_general3A_36 {offsets = [3, 0], sizes = [1, 32], strides = [1, 1]} : vector<4x32xf32> to vector<1x32xf32>
    %transpose3A_42 = tpu.transpose %slice3A_41, [1, 0] : vector<1x32xf32> -> vector<32x1xf32>
    %slice3A_43 = vector.extract_strided_slice %get3A_34 {offsets = [0, 0], sizes = [1, 32], strides = [1, 1]} : vector<4x32xf32> to vector<1x32xf32>
    %transpose3A_44 = tpu.transpose %slice3A_43, [1, 0] : vector<1x32xf32> -> vector<32x1xf32>
    %slice3A_45 = vector.extract_strided_slice %get3A_34 {offsets = [1, 0], sizes = [1, 32], strides = [1, 1]} : vector<4x32xf32> to vector<1x32xf32>
    %transpose3A_46 = tpu.transpose %slice3A_45, [1, 0] : vector<1x32xf32> -> vector<32x1xf32>
    %slice3A_47 = vector.extract_strided_slice %get3A_34 {offsets = [2, 0], sizes = [1, 32], strides = [1, 1]} : vector<4x32xf32> to vector<1x32xf32>
    %transpose3A_48 = tpu.transpose %slice3A_47, [1, 0] : vector<1x32xf32> -> vector<32x1xf32>
    %slice3A_49 = vector.extract_strided_slice %get3A_34 {offsets = [3, 0], sizes = [1, 32], strides = [1, 1]} : vector<4x32xf32> to vector<1x32xf32>
    %transpose3A_50 = tpu.transpose %slice3A_49, [1, 0] : vector<1x32xf32> -> vector<32x1xf32>
    %mul3A_51 = arith.constant 5.000000e-01 : f32
    %mul3A_52 = vector.broadcast %mul3A_51 : f32 to vector<32x1xf32>
    %mul3A_53 = arith.mulf %mul3A_52, %transpose3A_40 : vector<32x1xf32>
    %sub3A = arith.subf %transpose3A, %mul3A_53 : vector<32x1xf32>
    %mul3A_54 = arith.constant 5.000000e-01 : f32
    %mul3A_55 = vector.broadcast %mul3A_54 : f32 to vector<32x1xf32>
    %mul3A_56 = arith.mulf %mul3A_55, %transpose3A_42 : vector<32x1xf32>
    %sub3A_57 = arith.subf %transpose3A_38, %mul3A_56 : vector<32x1xf32>
    %mul3A_58 = arith.constant 5.000000e-01 : f32
    %mul3A_59 = vector.broadcast %mul3A_58 : f32 to vector<32x1xf32>
    %mul3A_60 = arith.mulf %mul3A_59, %transpose3A_40 : vector<32x1xf32>
    %add3A = arith.addf %transpose3A, %mul3A_60 : vector<32x1xf32>
    %mul3A_61 = arith.constant 5.000000e-01 : f32
    %mul3A_62 = vector.broadcast %mul3A_61 : f32 to vector<32x1xf32>
    %mul3A_63 = arith.mulf %mul3A_62, %transpose3A_42 : vector<32x1xf32>
    %add3A_64 = arith.addf %transpose3A_38, %mul3A_63 : vector<32x1xf32>
    %mul3A_65 = arith.constant 5.000000e-01 : f32
    %mul3A_66 = vector.broadcast %mul3A_65 : f32 to vector<32x1xf32>
    %mul3A_67 = arith.mulf %mul3A_66, %transpose3A_48 : vector<32x1xf32>
    %sub3A_68 = arith.subf %transpose3A_44, %mul3A_67 : vector<32x1xf32>
    %mul3A_69 = arith.constant 5.000000e-01 : f32
    %mul3A_70 = vector.broadcast %mul3A_69 : f32 to vector<32x1xf32>
    %mul3A_71 = arith.mulf %mul3A_70, %transpose3A_50 : vector<32x1xf32>
    %sub3A_72 = arith.subf %transpose3A_46, %mul3A_71 : vector<32x1xf32>
    %mul3A_73 = arith.constant 5.000000e-01 : f32
    %mul3A_74 = vector.broadcast %mul3A_73 : f32 to vector<32x1xf32>
    %mul3A_75 = arith.mulf %mul3A_74, %transpose3A_48 : vector<32x1xf32>
    %add3A_76 = arith.addf %transpose3A_44, %mul3A_75 : vector<32x1xf32>
    %mul3A_77 = arith.constant 5.000000e-01 : f32
    %mul3A_78 = vector.broadcast %mul3A_77 : f32 to vector<32x1xf32>
    %mul3A_79 = arith.mulf %mul3A_78, %transpose3A_50 : vector<32x1xf32>
    %add3A_80 = arith.addf %transpose3A_46, %mul3A_79 : vector<32x1xf32>
    %sub3A_81 = arith.subf %add3A, %sub3A : vector<32x1xf32>
    %sub3A_82 = arith.subf %add3A_64, %sub3A_57 : vector<32x1xf32>
    %mul3A_83 = arith.mulf %sub3A_81, %sub3A_82 : vector<32x1xf32>
    %sub3A_84 = arith.subf %add3A_76, %sub3A_68 : vector<32x1xf32>
    %sub3A_85 = arith.subf %add3A_80, %sub3A_72 : vector<32x1xf32>
    %mul3A_86 = arith.mulf %sub3A_84, %sub3A_85 : vector<32x1xf32>
    %min3A = arith.minimumf %add3A, %add3A_76 : vector<32x1xf32>
    %max3A = arith.maximumf %sub3A, %sub3A_68 : vector<32x1xf32>
    %sub3A_87 = arith.subf %min3A, %max3A : vector<32x1xf32>
    %jit3A = arith.constant 0.000000e+00 : f32
    %max3A_88 = vector.broadcast %jit3A : f32 to vector<32x1xf32>
    %max3A_89 = arith.maximumf %max3A_88, %sub3A_87 : vector<32x1xf32>
    %min3A_90 = arith.minimumf %add3A_64, %add3A_80 : vector<32x1xf32>
    %max3A_91 = arith.maximumf %sub3A_57, %sub3A_72 : vector<32x1xf32>
    %sub3A_92 = arith.subf %min3A_90, %max3A_91 : vector<32x1xf32>
    %jit3A_93 = arith.constant 0.000000e+00 : f32
    %max3A_94 = vector.broadcast %jit3A_93 : f32 to vector<32x1xf32>
    %max3A_95 = arith.maximumf %max3A_94, %sub3A_92 : vector<32x1xf32>
    %mul3A_96 = arith.mulf %max3A_89, %max3A_95 : vector<32x1xf32>
    %add3A_97 = arith.addf %mul3A_83, %mul3A_86 : vector<32x1xf32>
    %sub3A_98 = arith.subf %add3A_97, %mul3A_96 : vector<32x1xf32>
    %div3A = arith.divf %mul3A_96, %sub3A_98 : vector<32x1xf32>
    %max3A_99 = arith.maximumf %add3A, %add3A_76 : vector<32x1xf32>
    %min3A_100 = arith.minimumf %sub3A, %sub3A_68 : vector<32x1xf32>
    %sub3A_101 = arith.subf %max3A_99, %min3A_100 : vector<32x1xf32>
    %jit3A_102 = arith.constant 0.000000e+00 : f32
    %max3A_103 = vector.broadcast %jit3A_102 : f32 to vector<32x1xf32>
    %max3A_104 = arith.maximumf %max3A_103, %sub3A_101 : vector<32x1xf32>
    %max3A_105 = arith.maximumf %add3A_64, %add3A_80 : vector<32x1xf32>
    %min3A_106 = arith.minimumf %sub3A_57, %sub3A_72 : vector<32x1xf32>
    %sub3A_107 = arith.subf %max3A_105, %min3A_106 : vector<32x1xf32>
    %jit3A_108 = arith.constant 0.000000e+00 : f32
    %max3A_109 = vector.broadcast %jit3A_108 : f32 to vector<32x1xf32>
    %max3A_110 = arith.maximumf %max3A_109, %sub3A_107 : vector<32x1xf32>
    %mul3A_111 = arith.mulf %max3A_104, %max3A_110 : vector<32x1xf32>
    %sub3A_112 = arith.subf %mul3A_111, %sub3A_98 : vector<32x1xf32>
    %div3A_113 = arith.divf %sub3A_112, %mul3A_111 : vector<32x1xf32>
    %sub3A_114 = arith.subf %div3A, %div3A_113 : vector<32x1xf32>
    %jit3A_115 = arith.constant 0.000000e+00 : f32
    %max3A_116 = vector.broadcast %jit3A_115 : f32 to vector<32x1xf32>
    %max3A_117 = arith.maximumf %max3A_116, %sub3A_114 : vector<32x1xf32>
    %neg3A = arith.constant 0.000000e+00 : f32
    %neg3A_118 = vector.broadcast %neg3A : f32 to vector<32x1xf32>
    %neg3A_119 = arith.subf %neg3A_118, %broadcast_in_dim3A_24 : vector<32x1xf32>
    %exp3A = math.exp %neg3A_119 : vector<32x1xf32>
    %add3A_120 = arith.constant 1.000000e+00 : f32
    %add3A_121 = vector.broadcast %add3A_120 : f32 to vector<32x1xf32>
    %add3A_122 = arith.addf %add3A_121, %exp3A : vector<32x1xf32>
    %div3A_123 = arith.constant 1.000000e+00 : f32
    %div3A_124 = vector.broadcast %div3A_123 : f32 to vector<32x1xf32>
    %div3A_125 = arith.divf %div3A_124, %add3A_122 : vector<32x1xf32>
    %abs3A = math.absf %broadcast_in_dim3A_24 : vector<32x1xf32>
    %neg3A_126 = arith.constant 0.000000e+00 : f32
    %neg3A_127 = vector.broadcast %neg3A_126 : f32 to vector<32x1xf32>
    %neg3A_128 = arith.subf %neg3A_127, %abs3A : vector<32x1xf32>
    %exp3A_129 = math.exp %neg3A_128 : vector<32x1xf32>
    %log1p3A = math.log1p %exp3A_129 : vector<32x1xf32>
    %max3A_130 = arith.constant 0.000000e+00 : f32
    %max3A_131 = vector.broadcast %max3A_130 : f32 to vector<32x1xf32>
    %max3A_132 = arith.maximumf %broadcast_in_dim3A_24, %max3A_131 : vector<32x1xf32>
    %mul3A_133 = arith.mulf %broadcast_in_dim3A_24, %max3A_117 : vector<32x1xf32>
    %sub3A_134 = arith.subf %max3A_132, %mul3A_133 : vector<32x1xf32>
    %add3A_135 = arith.addf %sub3A_134, %log1p3A : vector<32x1xf32>
    %max3A_136 = arith.constant 0.000000e+00 : f32
    %max3A_137 = vector.broadcast %max3A_136 : f32 to vector<32x1xf32>
    %max3A_138 = arith.maximumf %broadcast_in_dim3A_24, %max3A_137 : vector<32x1xf32>
    %add3A_139 = arith.addf %max3A_138, %log1p3A : vector<32x1xf32>
    %mul3A_140 = arith.mulf %max3A_117, %add3A_135 : vector<32x1xf32>
    %mul3A_141 = arith.constant 7.500000e-01 : f32
    %mul3A_142 = vector.broadcast %mul3A_141 : f32 to vector<32x1xf32>
    %mul3A_143 = arith.mulf %mul3A_142, %div3A_125 : vector<32x1xf32>
    %mul3A_144 = arith.mulf %mul3A_143, %div3A_125 : vector<32x1xf32>
    %mul3A_145 = arith.mulf %mul3A_144, %add3A_139 : vector<32x1xf32>
    %sub3A_146 = arith.subf %mul3A_140, %mul3A_145 : vector<32x1xf32>
    %reduce_sum3A_147 = vector.shape_cast %sub3A_146 : vector<32x1xf32> to vector<1x32x1xf32>
    %reduce_sum3A_148 = arith.constant dense<0.000000e+00> : vector<1xf32>
    %reduce_sum3A_149 = vector.multi_reduction <add>, %reduce_sum3A_147, %reduce_sum3A_148 [1, 2] : vector<1x32x1xf32> to vector<1xf32>
    %reduce_sum3A_150 = vector.shape_cast %reduce_sum3A_149 : vector<1xf32> to vector<1x1x1xf32>
    %reduce_sum3A_151 = vector.extract %reduce_sum3A_150[0, 0, 0] : f32 from vector<1x1x1xf32>
    %add3A_152 = arith.constant 0.000000e+00 : f32
    %add3A_153 = arith.addf %add3A_152, %reduce_sum3A_151 : f32
    %sub3A_154 = arith.subf %dot_general3A_36, %get3A_34 : vector<4x32xf32>
    %abs3A_155 = math.absf %sub3A_154 : vector<4x32xf32>
    %reduce_sum3A_156 = vector.shape_cast %abs3A_155 : vector<4x32xf32> to vector<1x4x32xf32>
    %reduce_sum3A_157 = arith.constant dense<0.000000e+00> : vector<1xf32>
    %reduce_sum3A_158 = vector.multi_reduction <add>, %reduce_sum3A_156, %reduce_sum3A_157 [1, 2] : vector<1x4x32xf32> to vector<1xf32>
    %reduce_sum3A_159 = vector.shape_cast %reduce_sum3A_158 : vector<1xf32> to vector<1x1x1xf32>
    %reduce_sum3A_160 = vector.extract %reduce_sum3A_159[0, 0, 0] : f32 from vector<1x1x1xf32>
    %add3A_161 = arith.constant 0.000000e+00 : f32
    %add3A_162 = arith.addf %add3A_161, %reduce_sum3A_160 : f32
    %sub3A_163 = arith.constant 1.000000e+00 : f32
    %sub3A_164 = vector.broadcast %sub3A_163 : f32 to vector<32x1xf32>
    %sub3A_165 = arith.subf %sub3A_164, %sub3A_114 : vector<32x1xf32>
    %reduce_sum3A_166 = vector.shape_cast %sub3A_165 : vector<32x1xf32> to vector<1x32x1xf32>
    %reduce_sum3A_167 = arith.constant dense<0.000000e+00> : vector<1xf32>
    %reduce_sum3A_168 = vector.multi_reduction <add>, %reduce_sum3A_166, %reduce_sum3A_167 [1, 2] : vector<1x32x1xf32> to vector<1xf32>
    %reduce_sum3A_169 = vector.shape_cast %reduce_sum3A_168 : vector<1xf32> to vector<1x1x1xf32>
    %reduce_sum3A_170 = vector.extract %reduce_sum3A_169[0, 0, 0] : f32 from vector<1x1x1xf32>
    %add3A_171 = arith.constant 0.000000e+00 : f32
    %add3A_172 = arith.addf %add3A_171, %reduce_sum3A_170 : f32
    %get3A_173 = arith.constant 1 : index
    %get3A_174 = arith.constant 0 : index
    %get3A_175 = arith.constant 0 : index
    %get3A_176 = vector.load %arg1[%get3A_173, %get3A_174, %get3A_175] : memref<4x300x80xf32, #tpu.memory_space<vmem>>, vector<1x300x80xf32>
    %get3A_177 = vector.shape_cast %get3A_176 : vector<1x300x80xf32> to vector<300x80xf32>
    %get3A_178 = arith.constant 1 : index
    %get3A_179 = arith.constant 0 : index
    %get3A_180 = arith.constant 0 : index
    %get3A_181 = vector.load %arg5[%get3A_178, %get3A_179, %get3A_180] : memref<4x1x32xi32, #tpu.memory_space<vmem>>, vector<1x1x32xi32>
    %get3A_182 = vector.shape_cast %get3A_181 : vector<1x1x32xi32> to vector<32xi32>
    %get3A_183 = arith.constant 1 : index
    %get3A_184 = arith.constant 0 : index
    %get3A_185 = arith.constant 0 : index
    %get3A_186 = vector.load %arg3[%get3A_183, %get3A_184, %get3A_185] : memref<4x1x32xi32, #tpu.memory_space<vmem>>, vector<1x1x32xi32>
    %get3A_187 = vector.shape_cast %get3A_186 : vector<1x1x32xi32> to vector<32xi32>
    %iota3A_188 = tpu.iota {dimensions = array<i32: 1>} : vector<32x300xi32>
    %broadcast_in_dim3A_189 = vector.shape_cast %get3A_182 : vector<32xi32> to vector<32x1xi32>
    %eq3A_190 = vector.broadcast %broadcast_in_dim3A_189 : vector<32x1xi32> to vector<32x300xi32>
    %eq3A_191 = arith.cmpi eq, %eq3A_190, %iota3A_188 : vector<32x300xi32>
    %convert_element_type3A_192 = arith.extui %eq3A_191 : vector<32x300xi1> to vector<32x300xi32>
    %convert_element_type3A_193 = arith.sitofp %convert_element_type3A_192 : vector<32x300xi32> to vector<32x300xf32>
    %dot_general3A_194 = arith.constant dense<0.000000e+00> : vector<32x80xf32>
    %dot_general3A_195 = tpu.matmul %convert_element_type3A_193, %get3A_177, %dot_general3A_194 {dimension_numbers = #tpu.dot_dimension_numbers<[1], [0], [0], [1], [0, 0, 1, 1], [], []>, transpose_lhs_hint = false} : vector<32x300xf32>, vector<300x80xf32>, vector<32x80xf32> -> vector<32x80xf32>
    %iota3A_196 = tpu.iota {dimensions = array<i32: 1>} : vector<32x80xi32>
    %broadcast_in_dim3A_197 = vector.shape_cast %get3A_187 : vector<32xi32> to vector<32x1xi32>
    %eq3A_198 = vector.broadcast %broadcast_in_dim3A_197 : vector<32x1xi32> to vector<32x80xi32>
    %eq3A_199 = arith.cmpi eq, %eq3A_198, %iota3A_196 : vector<32x80xi32>
    %convert_element_type3A_200 = arith.extui %eq3A_199 : vector<32x80xi1> to vector<32x80xi32>
    %convert_element_type3A_201 = arith.sitofp %convert_element_type3A_200 : vector<32x80xi32> to vector<32x80xf32>
    %mul3A_202 = arith.mulf %dot_general3A_195, %convert_element_type3A_201 : vector<32x80xf32>
    %reduce_sum3A_203 = arith.constant dense<0.000000e+00> : vector<32xf32>
    %reduce_sum3A_204 = vector.multi_reduction <add>, %mul3A_202, %reduce_sum3A_203 [1] : vector<32x80xf32> to vector<32xf32>
    %broadcast_in_dim3A_205 = vector.shape_cast %reduce_sum3A_204 : vector<32xf32> to vector<32x1xf32>
    %get3A_206 = arith.constant 1 : index
    %get3A_207 = arith.constant 0 : index
    %get3A_208 = arith.constant 0 : index
    %get3A_209 = vector.load %arg2[%get3A_206, %get3A_207, %get3A_208] : memref<4x4x300xf32, #tpu.memory_space<vmem>>, vector<1x4x300xf32>
    %get3A_210 = vector.shape_cast %get3A_209 : vector<1x4x300xf32> to vector<4x300xf32>
    %get3A_211 = arith.constant 1 : index
    %get3A_212 = arith.constant 0 : index
    %get3A_213 = arith.constant 0 : index
    %get3A_214 = vector.load %arg4[%get3A_211, %get3A_212, %get3A_213] : memref<4x4x32xf32, #tpu.memory_space<vmem>>, vector<1x4x32xf32>
    %get3A_215 = vector.shape_cast %get3A_214 : vector<1x4x32xf32> to vector<4x32xf32>
    %dot_general3A_216 = arith.constant dense<0.000000e+00> : vector<4x32xf32>
    %dot_general3A_217 = tpu.matmul %get3A_210, %convert_element_type3A_193, %dot_general3A_216 {dimension_numbers = #tpu.dot_dimension_numbers<[1], [1], [0], [0], [0, 0, 1, 0], [], []>, transpose_lhs_hint = false} : vector<4x300xf32>, vector<32x300xf32>, vector<4x32xf32> -> vector<4x32xf32>
    %slice3A_218 = vector.extract_strided_slice %dot_general3A_217 {offsets = [0, 0], sizes = [1, 32], strides = [1, 1]} : vector<4x32xf32> to vector<1x32xf32>
    %transpose3A_219 = tpu.transpose %slice3A_218, [1, 0] : vector<1x32xf32> -> vector<32x1xf32>
    %slice3A_220 = vector.extract_strided_slice %dot_general3A_217 {offsets = [1, 0], sizes = [1, 32], strides = [1, 1]} : vector<4x32xf32> to vector<1x32xf32>
    %transpose3A_221 = tpu.transpose %slice3A_220, [1, 0] : vector<1x32xf32> -> vector<32x1xf32>
    %slice3A_222 = vector.extract_strided_slice %dot_general3A_217 {offsets = [2, 0], sizes = [1, 32], strides = [1, 1]} : vector<4x32xf32> to vector<1x32xf32>
    %transpose3A_223 = tpu.transpose %slice3A_222, [1, 0] : vector<1x32xf32> -> vector<32x1xf32>
    %slice3A_224 = vector.extract_strided_slice %dot_general3A_217 {offsets = [3, 0], sizes = [1, 32], strides = [1, 1]} : vector<4x32xf32> to vector<1x32xf32>
    %transpose3A_225 = tpu.transpose %slice3A_224, [1, 0] : vector<1x32xf32> -> vector<32x1xf32>
    %slice3A_226 = vector.extract_strided_slice %get3A_215 {offsets = [0, 0], sizes = [1, 32], strides = [1, 1]} : vector<4x32xf32> to vector<1x32xf32>
    %transpose3A_227 = tpu.transpose %slice3A_226, [1, 0] : vector<1x32xf32> -> vector<32x1xf32>
    %slice3A_228 = vector.extract_strided_slice %get3A_215 {offsets = [1, 0], sizes = [1, 32], strides = [1, 1]} : vector<4x32xf32> to vector<1x32xf32>
    %transpose3A_229 = tpu.transpose %slice3A_228, [1, 0] : vector<1x32xf32> -> vector<32x1xf32>
    %slice3A_230 = vector.extract_strided_slice %get3A_215 {offsets = [2, 0], sizes = [1, 32], strides = [1, 1]} : vector<4x32xf32> to vector<1x32xf32>
    %transpose3A_231 = tpu.transpose %slice3A_230, [1, 0] : vector<1x32xf32> -> vector<32x1xf32>
    %slice3A_232 = vector.extract_strided_slice %get3A_215 {offsets = [3, 0], sizes = [1, 32], strides = [1, 1]} : vector<4x32xf32> to vector<1x32xf32>
    %transpose3A_233 = tpu.transpose %slice3A_232, [1, 0] : vector<1x32xf32> -> vector<32x1xf32>
    %mul3A_234 = arith.constant 5.000000e-01 : f32
    %mul3A_235 = vector.broadcast %mul3A_234 : f32 to vector<32x1xf32>
    %mul3A_236 = arith.mulf %mul3A_235, %transpose3A_223 : vector<32x1xf32>
    %sub3A_237 = arith.subf %transpose3A_219, %mul3A_236 : vector<32x1xf32>
    %mul3A_238 = arith.constant 5.000000e-01 : f32
    %mul3A_239 = vector.broadcast %mul3A_238 : f32 to vector<32x1xf32>
    %mul3A_240 = arith.mulf %mul3A_239, %transpose3A_225 : vector<32x1xf32>
    %sub3A_241 = arith.subf %transpose3A_221, %mul3A_240 : vector<32x1xf32>
    %mul3A_242 = arith.constant 5.000000e-01 : f32
    %mul3A_243 = vector.broadcast %mul3A_242 : f32 to vector<32x1xf32>
    %mul3A_244 = arith.mulf %mul3A_243, %transpose3A_223 : vector<32x1xf32>
    %add3A_245 = arith.addf %transpose3A_219, %mul3A_244 : vector<32x1xf32>
    %mul3A_246 = arith.constant 5.000000e-01 : f32
    %mul3A_247 = vector.broadcast %mul3A_246 : f32 to vector<32x1xf32>
    %mul3A_248 = arith.mulf %mul3A_247, %transpose3A_225 : vector<32x1xf32>
    %add3A_249 = arith.addf %transpose3A_221, %mul3A_248 : vector<32x1xf32>
    %mul3A_250 = arith.constant 5.000000e-01 : f32
    %mul3A_251 = vector.broadcast %mul3A_250 : f32 to vector<32x1xf32>
    %mul3A_252 = arith.mulf %mul3A_251, %transpose3A_231 : vector<32x1xf32>
    %sub3A_253 = arith.subf %transpose3A_227, %mul3A_252 : vector<32x1xf32>
    %mul3A_254 = arith.constant 5.000000e-01 : f32
    %mul3A_255 = vector.broadcast %mul3A_254 : f32 to vector<32x1xf32>
    %mul3A_256 = arith.mulf %mul3A_255, %transpose3A_233 : vector<32x1xf32>
    %sub3A_257 = arith.subf %transpose3A_229, %mul3A_256 : vector<32x1xf32>
    %mul3A_258 = arith.constant 5.000000e-01 : f32
    %mul3A_259 = vector.broadcast %mul3A_258 : f32 to vector<32x1xf32>
    %mul3A_260 = arith.mulf %mul3A_259, %transpose3A_231 : vector<32x1xf32>
    %add3A_261 = arith.addf %transpose3A_227, %mul3A_260 : vector<32x1xf32>
    %mul3A_262 = arith.constant 5.000000e-01 : f32
    %mul3A_263 = vector.broadcast %mul3A_262 : f32 to vector<32x1xf32>
    %mul3A_264 = arith.mulf %mul3A_263, %transpose3A_233 : vector<32x1xf32>
    %add3A_265 = arith.addf %transpose3A_229, %mul3A_264 : vector<32x1xf32>
    %sub3A_266 = arith.subf %add3A_245, %sub3A_237 : vector<32x1xf32>
    %sub3A_267 = arith.subf %add3A_249, %sub3A_241 : vector<32x1xf32>
    %mul3A_268 = arith.mulf %sub3A_266, %sub3A_267 : vector<32x1xf32>
    %sub3A_269 = arith.subf %add3A_261, %sub3A_253 : vector<32x1xf32>
    %sub3A_270 = arith.subf %add3A_265, %sub3A_257 : vector<32x1xf32>
    %mul3A_271 = arith.mulf %sub3A_269, %sub3A_270 : vector<32x1xf32>
    %min3A_272 = arith.minimumf %add3A_245, %add3A_261 : vector<32x1xf32>
    %max3A_273 = arith.maximumf %sub3A_237, %sub3A_253 : vector<32x1xf32>
    %sub3A_274 = arith.subf %min3A_272, %max3A_273 : vector<32x1xf32>
    %jit3A_275 = arith.constant 0.000000e+00 : f32
    %max3A_276 = vector.broadcast %jit3A_275 : f32 to vector<32x1xf32>
    %max3A_277 = arith.maximumf %max3A_276, %sub3A_274 : vector<32x1xf32>
    %min3A_278 = arith.minimumf %add3A_249, %add3A_265 : vector<32x1xf32>
    %max3A_279 = arith.maximumf %sub3A_241, %sub3A_257 : vector<32x1xf32>
    %sub3A_280 = arith.subf %min3A_278, %max3A_279 : vector<32x1xf32>
    %jit3A_281 = arith.constant 0.000000e+00 : f32
    %max3A_282 = vector.broadcast %jit3A_281 : f32 to vector<32x1xf32>
    %max3A_283 = arith.maximumf %max3A_282, %sub3A_280 : vector<32x1xf32>
    %mul3A_284 = arith.mulf %max3A_277, %max3A_283 : vector<32x1xf32>
    %add3A_285 = arith.addf %mul3A_268, %mul3A_271 : vector<32x1xf32>
    %sub3A_286 = arith.subf %add3A_285, %mul3A_284 : vector<32x1xf32>
    %div3A_287 = arith.divf %mul3A_284, %sub3A_286 : vector<32x1xf32>
    %max3A_288 = arith.maximumf %add3A_245, %add3A_261 : vector<32x1xf32>
    %min3A_289 = arith.minimumf %sub3A_237, %sub3A_253 : vector<32x1xf32>
    %sub3A_290 = arith.subf %max3A_288, %min3A_289 : vector<32x1xf32>
    %jit3A_291 = arith.constant 0.000000e+00 : f32
    %max3A_292 = vector.broadcast %jit3A_291 : f32 to vector<32x1xf32>
    %max3A_293 = arith.maximumf %max3A_292, %sub3A_290 : vector<32x1xf32>
    %max3A_294 = arith.maximumf %add3A_249, %add3A_265 : vector<32x1xf32>
    %min3A_295 = arith.minimumf %sub3A_241, %sub3A_257 : vector<32x1xf32>
    %sub3A_296 = arith.subf %max3A_294, %min3A_295 : vector<32x1xf32>
    %jit3A_297 = arith.constant 0.000000e+00 : f32
    %max3A_298 = vector.broadcast %jit3A_297 : f32 to vector<32x1xf32>
    %max3A_299 = arith.maximumf %max3A_298, %sub3A_296 : vector<32x1xf32>
    %mul3A_300 = arith.mulf %max3A_293, %max3A_299 : vector<32x1xf32>
    %sub3A_301 = arith.subf %mul3A_300, %sub3A_286 : vector<32x1xf32>
    %div3A_302 = arith.divf %sub3A_301, %mul3A_300 : vector<32x1xf32>
    %sub3A_303 = arith.subf %div3A_287, %div3A_302 : vector<32x1xf32>
    %jit3A_304 = arith.constant 0.000000e+00 : f32
    %max3A_305 = vector.broadcast %jit3A_304 : f32 to vector<32x1xf32>
    %max3A_306 = arith.maximumf %max3A_305, %sub3A_303 : vector<32x1xf32>
    %neg3A_307 = arith.constant 0.000000e+00 : f32
    %neg3A_308 = vector.broadcast %neg3A_307 : f32 to vector<32x1xf32>
    %neg3A_309 = arith.subf %neg3A_308, %broadcast_in_dim3A_205 : vector<32x1xf32>
    %exp3A_310 = math.exp %neg3A_309 : vector<32x1xf32>
    %add3A_311 = arith.constant 1.000000e+00 : f32
    %add3A_312 = vector.broadcast %add3A_311 : f32 to vector<32x1xf32>
    %add3A_313 = arith.addf %add3A_312, %exp3A_310 : vector<32x1xf32>
    %div3A_314 = arith.constant 1.000000e+00 : f32
    %div3A_315 = vector.broadcast %div3A_314 : f32 to vector<32x1xf32>
    %div3A_316 = arith.divf %div3A_315, %add3A_313 : vector<32x1xf32>
    %abs3A_317 = math.absf %broadcast_in_dim3A_205 : vector<32x1xf32>
    %neg3A_318 = arith.constant 0.000000e+00 : f32
    %neg3A_319 = vector.broadcast %neg3A_318 : f32 to vector<32x1xf32>
    %neg3A_320 = arith.subf %neg3A_319, %abs3A_317 : vector<32x1xf32>
    %exp3A_321 = math.exp %neg3A_320 : vector<32x1xf32>
    %log1p3A_322 = math.log1p %exp3A_321 : vector<32x1xf32>
    %max3A_323 = arith.constant 0.000000e+00 : f32
    %max3A_324 = vector.broadcast %max3A_323 : f32 to vector<32x1xf32>
    %max3A_325 = arith.maximumf %broadcast_in_dim3A_205, %max3A_324 : vector<32x1xf32>
    %mul3A_326 = arith.mulf %broadcast_in_dim3A_205, %max3A_306 : vector<32x1xf32>
    %sub3A_327 = arith.subf %max3A_325, %mul3A_326 : vector<32x1xf32>
    %add3A_328 = arith.addf %sub3A_327, %log1p3A_322 : vector<32x1xf32>
    %max3A_329 = arith.constant 0.000000e+00 : f32
    %max3A_330 = vector.broadcast %max3A_329 : f32 to vector<32x1xf32>
    %max3A_331 = arith.maximumf %broadcast_in_dim3A_205, %max3A_330 : vector<32x1xf32>
    %add3A_332 = arith.addf %max3A_331, %log1p3A_322 : vector<32x1xf32>
    %mul3A_333 = arith.mulf %max3A_306, %add3A_328 : vector<32x1xf32>
    %mul3A_334 = arith.constant 7.500000e-01 : f32
    %mul3A_335 = vector.broadcast %mul3A_334 : f32 to vector<32x1xf32>
    %mul3A_336 = arith.mulf %mul3A_335, %div3A_316 : vector<32x1xf32>
    %mul3A_337 = arith.mulf %mul3A_336, %div3A_316 : vector<32x1xf32>
    %mul3A_338 = arith.mulf %mul3A_337, %add3A_332 : vector<32x1xf32>
    %sub3A_339 = arith.subf %mul3A_333, %mul3A_338 : vector<32x1xf32>
    %reduce_sum3A_340 = vector.shape_cast %sub3A_339 : vector<32x1xf32> to vector<1x32x1xf32>
    %reduce_sum3A_341 = arith.constant dense<0.000000e+00> : vector<1xf32>
    %reduce_sum3A_342 = vector.multi_reduction <add>, %reduce_sum3A_340, %reduce_sum3A_341 [1, 2] : vector<1x32x1xf32> to vector<1xf32>
    %reduce_sum3A_343 = vector.shape_cast %reduce_sum3A_342 : vector<1xf32> to vector<1x1x1xf32>
    %reduce_sum3A_344 = vector.extract %reduce_sum3A_343[0, 0, 0] : f32 from vector<1x1x1xf32>
    %add3A_345 = arith.addf %add3A_153, %reduce_sum3A_344 : f32
    %sub3A_346 = arith.subf %dot_general3A_217, %get3A_215 : vector<4x32xf32>
    %abs3A_347 = math.absf %sub3A_346 : vector<4x32xf32>
    %reduce_sum3A_348 = vector.shape_cast %abs3A_347 : vector<4x32xf32> to vector<1x4x32xf32>
    %reduce_sum3A_349 = arith.constant dense<0.000000e+00> : vector<1xf32>
    %reduce_sum3A_350 = vector.multi_reduction <add>, %reduce_sum3A_348, %reduce_sum3A_349 [1, 2] : vector<1x4x32xf32> to vector<1xf32>
    %reduce_sum3A_351 = vector.shape_cast %reduce_sum3A_350 : vector<1xf32> to vector<1x1x1xf32>
    %reduce_sum3A_352 = vector.extract %reduce_sum3A_351[0, 0, 0] : f32 from vector<1x1x1xf32>
    %add3A_353 = arith.addf %add3A_162, %reduce_sum3A_352 : f32
    %sub3A_354 = arith.constant 1.000000e+00 : f32
    %sub3A_355 = vector.broadcast %sub3A_354 : f32 to vector<32x1xf32>
    %sub3A_356 = arith.subf %sub3A_355, %sub3A_303 : vector<32x1xf32>
    %reduce_sum3A_357 = vector.shape_cast %sub3A_356 : vector<32x1xf32> to vector<1x32x1xf32>
    %reduce_sum3A_358 = arith.constant dense<0.000000e+00> : vector<1xf32>
    %reduce_sum3A_359 = vector.multi_reduction <add>, %reduce_sum3A_357, %reduce_sum3A_358 [1, 2] : vector<1x32x1xf32> to vector<1xf32>
    %reduce_sum3A_360 = vector.shape_cast %reduce_sum3A_359 : vector<1xf32> to vector<1x1x1xf32>
    %reduce_sum3A_361 = vector.extract %reduce_sum3A_360[0, 0, 0] : f32 from vector<1x1x1xf32>
    %add3A_362 = arith.addf %add3A_172, %reduce_sum3A_361 : f32
    %get3A_363 = arith.constant 2 : index
    %get3A_364 = arith.constant 0 : index
    %get3A_365 = arith.constant 0 : index
    %get3A_366 = vector.load %arg1[%get3A_363, %get3A_364, %get3A_365] : memref<4x300x80xf32, #tpu.memory_space<vmem>>, vector<1x300x80xf32>
    %get3A_367 = vector.shape_cast %get3A_366 : vector<1x300x80xf32> to vector<300x80xf32>
    %get3A_368 = arith.constant 2 : index
    %get3A_369 = arith.constant 0 : index
    %get3A_370 = arith.constant 0 : index
    %get3A_371 = vector.load %arg5[%get3A_368, %get3A_369, %get3A_370] : memref<4x1x32xi32, #tpu.memory_space<vmem>>, vector<1x1x32xi32>
    %get3A_372 = vector.shape_cast %get3A_371 : vector<1x1x32xi32> to vector<32xi32>
    %get3A_373 = arith.constant 2 : index
    %get3A_374 = arith.constant 0 : index
    %get3A_375 = arith.constant 0 : index
    %get3A_376 = vector.load %arg3[%get3A_373, %get3A_374, %get3A_375] : memref<4x1x32xi32, #tpu.memory_space<vmem>>, vector<1x1x32xi32>
    %get3A_377 = vector.shape_cast %get3A_376 : vector<1x1x32xi32> to vector<32xi32>
    %iota3A_378 = tpu.iota {dimensions = array<i32: 1>} : vector<32x300xi32>
    %broadcast_in_dim3A_379 = vector.shape_cast %get3A_372 : vector<32xi32> to vector<32x1xi32>
    %eq3A_380 = vector.broadcast %broadcast_in_dim3A_379 : vector<32x1xi32> to vector<32x300xi32>
    %eq3A_381 = arith.cmpi eq, %eq3A_380, %iota3A_378 : vector<32x300xi32>
    %convert_element_type3A_382 = arith.extui %eq3A_381 : vector<32x300xi1> to vector<32x300xi32>
    %convert_element_type3A_383 = arith.sitofp %convert_element_type3A_382 : vector<32x300xi32> to vector<32x300xf32>
    %dot_general3A_384 = arith.constant dense<0.000000e+00> : vector<32x80xf32>
    %dot_general3A_385 = tpu.matmul %convert_element_type3A_383, %get3A_367, %dot_general3A_384 {dimension_numbers = #tpu.dot_dimension_numbers<[1], [0], [0], [1], [0, 0, 1, 1], [], []>, transpose_lhs_hint = false} : vector<32x300xf32>, vector<300x80xf32>, vector<32x80xf32> -> vector<32x80xf32>
    %iota3A_386 = tpu.iota {dimensions = array<i32: 1>} : vector<32x80xi32>
    %broadcast_in_dim3A_387 = vector.shape_cast %get3A_377 : vector<32xi32> to vector<32x1xi32>
    %eq3A_388 = vector.broadcast %broadcast_in_dim3A_387 : vector<32x1xi32> to vector<32x80xi32>
    %eq3A_389 = arith.cmpi eq, %eq3A_388, %iota3A_386 : vector<32x80xi32>
    %convert_element_type3A_390 = arith.extui %eq3A_389 : vector<32x80xi1> to vector<32x80xi32>
    %convert_element_type3A_391 = arith.sitofp %convert_element_type3A_390 : vector<32x80xi32> to vector<32x80xf32>
    %mul3A_392 = arith.mulf %dot_general3A_385, %convert_element_type3A_391 : vector<32x80xf32>
    %reduce_sum3A_393 = arith.constant dense<0.000000e+00> : vector<32xf32>
    %reduce_sum3A_394 = vector.multi_reduction <add>, %mul3A_392, %reduce_sum3A_393 [1] : vector<32x80xf32> to vector<32xf32>
    %broadcast_in_dim3A_395 = vector.shape_cast %reduce_sum3A_394 : vector<32xf32> to vector<32x1xf32>
    %get3A_396 = arith.constant 2 : index
    %get3A_397 = arith.constant 0 : index
    %get3A_398 = arith.constant 0 : index
    %get3A_399 = vector.load %arg2[%get3A_396, %get3A_397, %get3A_398] : memref<4x4x300xf32, #tpu.memory_space<vmem>>, vector<1x4x300xf32>
    %get3A_400 = vector.shape_cast %get3A_399 : vector<1x4x300xf32> to vector<4x300xf32>
    %get3A_401 = arith.constant 2 : index
    %get3A_402 = arith.constant 0 : index
    %get3A_403 = arith.constant 0 : index
    %get3A_404 = vector.load %arg4[%get3A_401, %get3A_402, %get3A_403] : memref<4x4x32xf32, #tpu.memory_space<vmem>>, vector<1x4x32xf32>
    %get3A_405 = vector.shape_cast %get3A_404 : vector<1x4x32xf32> to vector<4x32xf32>
    %dot_general3A_406 = arith.constant dense<0.000000e+00> : vector<4x32xf32>
    %dot_general3A_407 = tpu.matmul %get3A_400, %convert_element_type3A_383, %dot_general3A_406 {dimension_numbers = #tpu.dot_dimension_numbers<[1], [1], [0], [0], [0, 0, 1, 0], [], []>, transpose_lhs_hint = false} : vector<4x300xf32>, vector<32x300xf32>, vector<4x32xf32> -> vector<4x32xf32>
    %slice3A_408 = vector.extract_strided_slice %dot_general3A_407 {offsets = [0, 0], sizes = [1, 32], strides = [1, 1]} : vector<4x32xf32> to vector<1x32xf32>
    %transpose3A_409 = tpu.transpose %slice3A_408, [1, 0] : vector<1x32xf32> -> vector<32x1xf32>
    %slice3A_410 = vector.extract_strided_slice %dot_general3A_407 {offsets = [1, 0], sizes = [1, 32], strides = [1, 1]} : vector<4x32xf32> to vector<1x32xf32>
    %transpose3A_411 = tpu.transpose %slice3A_410, [1, 0] : vector<1x32xf32> -> vector<32x1xf32>
    %slice3A_412 = vector.extract_strided_slice %dot_general3A_407 {offsets = [2, 0], sizes = [1, 32], strides = [1, 1]} : vector<4x32xf32> to vector<1x32xf32>
    %transpose3A_413 = tpu.transpose %slice3A_412, [1, 0] : vector<1x32xf32> -> vector<32x1xf32>
    %slice3A_414 = vector.extract_strided_slice %dot_general3A_407 {offsets = [3, 0], sizes = [1, 32], strides = [1, 1]} : vector<4x32xf32> to vector<1x32xf32>
    %transpose3A_415 = tpu.transpose %slice3A_414, [1, 0] : vector<1x32xf32> -> vector<32x1xf32>
    %slice3A_416 = vector.extract_strided_slice %get3A_405 {offsets = [0, 0], sizes = [1, 32], strides = [1, 1]} : vector<4x32xf32> to vector<1x32xf32>
    %transpose3A_417 = tpu.transpose %slice3A_416, [1, 0] : vector<1x32xf32> -> vector<32x1xf32>
    %slice3A_418 = vector.extract_strided_slice %get3A_405 {offsets = [1, 0], sizes = [1, 32], strides = [1, 1]} : vector<4x32xf32> to vector<1x32xf32>
    %transpose3A_419 = tpu.transpose %slice3A_418, [1, 0] : vector<1x32xf32> -> vector<32x1xf32>
    %slice3A_420 = vector.extract_strided_slice %get3A_405 {offsets = [2, 0], sizes = [1, 32], strides = [1, 1]} : vector<4x32xf32> to vector<1x32xf32>
    %transpose3A_421 = tpu.transpose %slice3A_420, [1, 0] : vector<1x32xf32> -> vector<32x1xf32>
    %slice3A_422 = vector.extract_strided_slice %get3A_405 {offsets = [3, 0], sizes = [1, 32], strides = [1, 1]} : vector<4x32xf32> to vector<1x32xf32>
    %transpose3A_423 = tpu.transpose %slice3A_422, [1, 0] : vector<1x32xf32> -> vector<32x1xf32>
    %mul3A_424 = arith.constant 5.000000e-01 : f32
    %mul3A_425 = vector.broadcast %mul3A_424 : f32 to vector<32x1xf32>
    %mul3A_426 = arith.mulf %mul3A_425, %transpose3A_413 : vector<32x1xf32>
    %sub3A_427 = arith.subf %transpose3A_409, %mul3A_426 : vector<32x1xf32>
    %mul3A_428 = arith.constant 5.000000e-01 : f32
    %mul3A_429 = vector.broadcast %mul3A_428 : f32 to vector<32x1xf32>
    %mul3A_430 = arith.mulf %mul3A_429, %transpose3A_415 : vector<32x1xf32>
    %sub3A_431 = arith.subf %transpose3A_411, %mul3A_430 : vector<32x1xf32>
    %mul3A_432 = arith.constant 5.000000e-01 : f32
    %mul3A_433 = vector.broadcast %mul3A_432 : f32 to vector<32x1xf32>
    %mul3A_434 = arith.mulf %mul3A_433, %transpose3A_413 : vector<32x1xf32>
    %add3A_435 = arith.addf %transpose3A_409, %mul3A_434 : vector<32x1xf32>
    %mul3A_436 = arith.constant 5.000000e-01 : f32
    %mul3A_437 = vector.broadcast %mul3A_436 : f32 to vector<32x1xf32>
    %mul3A_438 = arith.mulf %mul3A_437, %transpose3A_415 : vector<32x1xf32>
    %add3A_439 = arith.addf %transpose3A_411, %mul3A_438 : vector<32x1xf32>
    %mul3A_440 = arith.constant 5.000000e-01 : f32
    %mul3A_441 = vector.broadcast %mul3A_440 : f32 to vector<32x1xf32>
    %mul3A_442 = arith.mulf %mul3A_441, %transpose3A_421 : vector<32x1xf32>
    %sub3A_443 = arith.subf %transpose3A_417, %mul3A_442 : vector<32x1xf32>
    %mul3A_444 = arith.constant 5.000000e-01 : f32
    %mul3A_445 = vector.broadcast %mul3A_444 : f32 to vector<32x1xf32>
    %mul3A_446 = arith.mulf %mul3A_445, %transpose3A_423 : vector<32x1xf32>
    %sub3A_447 = arith.subf %transpose3A_419, %mul3A_446 : vector<32x1xf32>
    %mul3A_448 = arith.constant 5.000000e-01 : f32
    %mul3A_449 = vector.broadcast %mul3A_448 : f32 to vector<32x1xf32>
    %mul3A_450 = arith.mulf %mul3A_449, %transpose3A_421 : vector<32x1xf32>
    %add3A_451 = arith.addf %transpose3A_417, %mul3A_450 : vector<32x1xf32>
    %mul3A_452 = arith.constant 5.000000e-01 : f32
    %mul3A_453 = vector.broadcast %mul3A_452 : f32 to vector<32x1xf32>
    %mul3A_454 = arith.mulf %mul3A_453, %transpose3A_423 : vector<32x1xf32>
    %add3A_455 = arith.addf %transpose3A_419, %mul3A_454 : vector<32x1xf32>
    %sub3A_456 = arith.subf %add3A_435, %sub3A_427 : vector<32x1xf32>
    %sub3A_457 = arith.subf %add3A_439, %sub3A_431 : vector<32x1xf32>
    %mul3A_458 = arith.mulf %sub3A_456, %sub3A_457 : vector<32x1xf32>
    %sub3A_459 = arith.subf %add3A_451, %sub3A_443 : vector<32x1xf32>
    %sub3A_460 = arith.subf %add3A_455, %sub3A_447 : vector<32x1xf32>
    %mul3A_461 = arith.mulf %sub3A_459, %sub3A_460 : vector<32x1xf32>
    %min3A_462 = arith.minimumf %add3A_435, %add3A_451 : vector<32x1xf32>
    %max3A_463 = arith.maximumf %sub3A_427, %sub3A_443 : vector<32x1xf32>
    %sub3A_464 = arith.subf %min3A_462, %max3A_463 : vector<32x1xf32>
    %jit3A_465 = arith.constant 0.000000e+00 : f32
    %max3A_466 = vector.broadcast %jit3A_465 : f32 to vector<32x1xf32>
    %max3A_467 = arith.maximumf %max3A_466, %sub3A_464 : vector<32x1xf32>
    %min3A_468 = arith.minimumf %add3A_439, %add3A_455 : vector<32x1xf32>
    %max3A_469 = arith.maximumf %sub3A_431, %sub3A_447 : vector<32x1xf32>
    %sub3A_470 = arith.subf %min3A_468, %max3A_469 : vector<32x1xf32>
    %jit3A_471 = arith.constant 0.000000e+00 : f32
    %max3A_472 = vector.broadcast %jit3A_471 : f32 to vector<32x1xf32>
    %max3A_473 = arith.maximumf %max3A_472, %sub3A_470 : vector<32x1xf32>
    %mul3A_474 = arith.mulf %max3A_467, %max3A_473 : vector<32x1xf32>
    %add3A_475 = arith.addf %mul3A_458, %mul3A_461 : vector<32x1xf32>
    %sub3A_476 = arith.subf %add3A_475, %mul3A_474 : vector<32x1xf32>
    %div3A_477 = arith.divf %mul3A_474, %sub3A_476 : vector<32x1xf32>
    %max3A_478 = arith.maximumf %add3A_435, %add3A_451 : vector<32x1xf32>
    %min3A_479 = arith.minimumf %sub3A_427, %sub3A_443 : vector<32x1xf32>
    %sub3A_480 = arith.subf %max3A_478, %min3A_479 : vector<32x1xf32>
    %jit3A_481 = arith.constant 0.000000e+00 : f32
    %max3A_482 = vector.broadcast %jit3A_481 : f32 to vector<32x1xf32>
    %max3A_483 = arith.maximumf %max3A_482, %sub3A_480 : vector<32x1xf32>
    %max3A_484 = arith.maximumf %add3A_439, %add3A_455 : vector<32x1xf32>
    %min3A_485 = arith.minimumf %sub3A_431, %sub3A_447 : vector<32x1xf32>
    %sub3A_486 = arith.subf %max3A_484, %min3A_485 : vector<32x1xf32>
    %jit3A_487 = arith.constant 0.000000e+00 : f32
    %max3A_488 = vector.broadcast %jit3A_487 : f32 to vector<32x1xf32>
    %max3A_489 = arith.maximumf %max3A_488, %sub3A_486 : vector<32x1xf32>
    %mul3A_490 = arith.mulf %max3A_483, %max3A_489 : vector<32x1xf32>
    %sub3A_491 = arith.subf %mul3A_490, %sub3A_476 : vector<32x1xf32>
    %div3A_492 = arith.divf %sub3A_491, %mul3A_490 : vector<32x1xf32>
    %sub3A_493 = arith.subf %div3A_477, %div3A_492 : vector<32x1xf32>
    %jit3A_494 = arith.constant 0.000000e+00 : f32
    %max3A_495 = vector.broadcast %jit3A_494 : f32 to vector<32x1xf32>
    %max3A_496 = arith.maximumf %max3A_495, %sub3A_493 : vector<32x1xf32>
    %neg3A_497 = arith.constant 0.000000e+00 : f32
    %neg3A_498 = vector.broadcast %neg3A_497 : f32 to vector<32x1xf32>
    %neg3A_499 = arith.subf %neg3A_498, %broadcast_in_dim3A_395 : vector<32x1xf32>
    %exp3A_500 = math.exp %neg3A_499 : vector<32x1xf32>
    %add3A_501 = arith.constant 1.000000e+00 : f32
    %add3A_502 = vector.broadcast %add3A_501 : f32 to vector<32x1xf32>
    %add3A_503 = arith.addf %add3A_502, %exp3A_500 : vector<32x1xf32>
    %div3A_504 = arith.constant 1.000000e+00 : f32
    %div3A_505 = vector.broadcast %div3A_504 : f32 to vector<32x1xf32>
    %div3A_506 = arith.divf %div3A_505, %add3A_503 : vector<32x1xf32>
    %abs3A_507 = math.absf %broadcast_in_dim3A_395 : vector<32x1xf32>
    %neg3A_508 = arith.constant 0.000000e+00 : f32
    %neg3A_509 = vector.broadcast %neg3A_508 : f32 to vector<32x1xf32>
    %neg3A_510 = arith.subf %neg3A_509, %abs3A_507 : vector<32x1xf32>
    %exp3A_511 = math.exp %neg3A_510 : vector<32x1xf32>
    %log1p3A_512 = math.log1p %exp3A_511 : vector<32x1xf32>
    %max3A_513 = arith.constant 0.000000e+00 : f32
    %max3A_514 = vector.broadcast %max3A_513 : f32 to vector<32x1xf32>
    %max3A_515 = arith.maximumf %broadcast_in_dim3A_395, %max3A_514 : vector<32x1xf32>
    %mul3A_516 = arith.mulf %broadcast_in_dim3A_395, %max3A_496 : vector<32x1xf32>
    %sub3A_517 = arith.subf %max3A_515, %mul3A_516 : vector<32x1xf32>
    %add3A_518 = arith.addf %sub3A_517, %log1p3A_512 : vector<32x1xf32>
    %max3A_519 = arith.constant 0.000000e+00 : f32
    %max3A_520 = vector.broadcast %max3A_519 : f32 to vector<32x1xf32>
    %max3A_521 = arith.maximumf %broadcast_in_dim3A_395, %max3A_520 : vector<32x1xf32>
    %add3A_522 = arith.addf %max3A_521, %log1p3A_512 : vector<32x1xf32>
    %mul3A_523 = arith.mulf %max3A_496, %add3A_518 : vector<32x1xf32>
    %mul3A_524 = arith.constant 7.500000e-01 : f32
    %mul3A_525 = vector.broadcast %mul3A_524 : f32 to vector<32x1xf32>
    %mul3A_526 = arith.mulf %mul3A_525, %div3A_506 : vector<32x1xf32>
    %mul3A_527 = arith.mulf %mul3A_526, %div3A_506 : vector<32x1xf32>
    %mul3A_528 = arith.mulf %mul3A_527, %add3A_522 : vector<32x1xf32>
    %sub3A_529 = arith.subf %mul3A_523, %mul3A_528 : vector<32x1xf32>
    %reduce_sum3A_530 = vector.shape_cast %sub3A_529 : vector<32x1xf32> to vector<1x32x1xf32>
    %reduce_sum3A_531 = arith.constant dense<0.000000e+00> : vector<1xf32>
    %reduce_sum3A_532 = vector.multi_reduction <add>, %reduce_sum3A_530, %reduce_sum3A_531 [1, 2] : vector<1x32x1xf32> to vector<1xf32>
    %reduce_sum3A_533 = vector.shape_cast %reduce_sum3A_532 : vector<1xf32> to vector<1x1x1xf32>
    %reduce_sum3A_534 = vector.extract %reduce_sum3A_533[0, 0, 0] : f32 from vector<1x1x1xf32>
    %add3A_535 = arith.addf %add3A_345, %reduce_sum3A_534 : f32
    %sub3A_536 = arith.subf %dot_general3A_407, %get3A_405 : vector<4x32xf32>
    %abs3A_537 = math.absf %sub3A_536 : vector<4x32xf32>
    %reduce_sum3A_538 = vector.shape_cast %abs3A_537 : vector<4x32xf32> to vector<1x4x32xf32>
    %reduce_sum3A_539 = arith.constant dense<0.000000e+00> : vector<1xf32>
    %reduce_sum3A_540 = vector.multi_reduction <add>, %reduce_sum3A_538, %reduce_sum3A_539 [1, 2] : vector<1x4x32xf32> to vector<1xf32>
    %reduce_sum3A_541 = vector.shape_cast %reduce_sum3A_540 : vector<1xf32> to vector<1x1x1xf32>
    %reduce_sum3A_542 = vector.extract %reduce_sum3A_541[0, 0, 0] : f32 from vector<1x1x1xf32>
    %add3A_543 = arith.addf %add3A_353, %reduce_sum3A_542 : f32
    %sub3A_544 = arith.constant 1.000000e+00 : f32
    %sub3A_545 = vector.broadcast %sub3A_544 : f32 to vector<32x1xf32>
    %sub3A_546 = arith.subf %sub3A_545, %sub3A_493 : vector<32x1xf32>
    %reduce_sum3A_547 = vector.shape_cast %sub3A_546 : vector<32x1xf32> to vector<1x32x1xf32>
    %reduce_sum3A_548 = arith.constant dense<0.000000e+00> : vector<1xf32>
    %reduce_sum3A_549 = vector.multi_reduction <add>, %reduce_sum3A_547, %reduce_sum3A_548 [1, 2] : vector<1x32x1xf32> to vector<1xf32>
    %reduce_sum3A_550 = vector.shape_cast %reduce_sum3A_549 : vector<1xf32> to vector<1x1x1xf32>
    %reduce_sum3A_551 = vector.extract %reduce_sum3A_550[0, 0, 0] : f32 from vector<1x1x1xf32>
    %add3A_552 = arith.addf %add3A_362, %reduce_sum3A_551 : f32
    %get3A_553 = arith.constant 3 : index
    %get3A_554 = arith.constant 0 : index
    %get3A_555 = arith.constant 0 : index
    %get3A_556 = vector.load %arg1[%get3A_553, %get3A_554, %get3A_555] : memref<4x300x80xf32, #tpu.memory_space<vmem>>, vector<1x300x80xf32>
    %get3A_557 = vector.shape_cast %get3A_556 : vector<1x300x80xf32> to vector<300x80xf32>
    %get3A_558 = arith.constant 3 : index
    %get3A_559 = arith.constant 0 : index
    %get3A_560 = arith.constant 0 : index
    %get3A_561 = vector.load %arg5[%get3A_558, %get3A_559, %get3A_560] : memref<4x1x32xi32, #tpu.memory_space<vmem>>, vector<1x1x32xi32>
    %get3A_562 = vector.shape_cast %get3A_561 : vector<1x1x32xi32> to vector<32xi32>
    %get3A_563 = arith.constant 3 : index
    %get3A_564 = arith.constant 0 : index
    %get3A_565 = arith.constant 0 : index
    %get3A_566 = vector.load %arg3[%get3A_563, %get3A_564, %get3A_565] : memref<4x1x32xi32, #tpu.memory_space<vmem>>, vector<1x1x32xi32>
    %get3A_567 = vector.shape_cast %get3A_566 : vector<1x1x32xi32> to vector<32xi32>
    %iota3A_568 = tpu.iota {dimensions = array<i32: 1>} : vector<32x300xi32>
    %broadcast_in_dim3A_569 = vector.shape_cast %get3A_562 : vector<32xi32> to vector<32x1xi32>
    %eq3A_570 = vector.broadcast %broadcast_in_dim3A_569 : vector<32x1xi32> to vector<32x300xi32>
    %eq3A_571 = arith.cmpi eq, %eq3A_570, %iota3A_568 : vector<32x300xi32>
    %convert_element_type3A_572 = arith.extui %eq3A_571 : vector<32x300xi1> to vector<32x300xi32>
    %convert_element_type3A_573 = arith.sitofp %convert_element_type3A_572 : vector<32x300xi32> to vector<32x300xf32>
    %dot_general3A_574 = arith.constant dense<0.000000e+00> : vector<32x80xf32>
    %dot_general3A_575 = tpu.matmul %convert_element_type3A_573, %get3A_557, %dot_general3A_574 {dimension_numbers = #tpu.dot_dimension_numbers<[1], [0], [0], [1], [0, 0, 1, 1], [], []>, transpose_lhs_hint = false} : vector<32x300xf32>, vector<300x80xf32>, vector<32x80xf32> -> vector<32x80xf32>
    %iota3A_576 = tpu.iota {dimensions = array<i32: 1>} : vector<32x80xi32>
    %broadcast_in_dim3A_577 = vector.shape_cast %get3A_567 : vector<32xi32> to vector<32x1xi32>
    %eq3A_578 = vector.broadcast %broadcast_in_dim3A_577 : vector<32x1xi32> to vector<32x80xi32>
    %eq3A_579 = arith.cmpi eq, %eq3A_578, %iota3A_576 : vector<32x80xi32>
    %convert_element_type3A_580 = arith.extui %eq3A_579 : vector<32x80xi1> to vector<32x80xi32>
    %convert_element_type3A_581 = arith.sitofp %convert_element_type3A_580 : vector<32x80xi32> to vector<32x80xf32>
    %mul3A_582 = arith.mulf %dot_general3A_575, %convert_element_type3A_581 : vector<32x80xf32>
    %reduce_sum3A_583 = arith.constant dense<0.000000e+00> : vector<32xf32>
    %reduce_sum3A_584 = vector.multi_reduction <add>, %mul3A_582, %reduce_sum3A_583 [1] : vector<32x80xf32> to vector<32xf32>
    %broadcast_in_dim3A_585 = vector.shape_cast %reduce_sum3A_584 : vector<32xf32> to vector<32x1xf32>
    %get3A_586 = arith.constant 3 : index
    %get3A_587 = arith.constant 0 : index
    %get3A_588 = arith.constant 0 : index
    %get3A_589 = vector.load %arg2[%get3A_586, %get3A_587, %get3A_588] : memref<4x4x300xf32, #tpu.memory_space<vmem>>, vector<1x4x300xf32>
    %get3A_590 = vector.shape_cast %get3A_589 : vector<1x4x300xf32> to vector<4x300xf32>
    %get3A_591 = arith.constant 3 : index
    %get3A_592 = arith.constant 0 : index
    %get3A_593 = arith.constant 0 : index
    %get3A_594 = vector.load %arg4[%get3A_591, %get3A_592, %get3A_593] : memref<4x4x32xf32, #tpu.memory_space<vmem>>, vector<1x4x32xf32>
    %get3A_595 = vector.shape_cast %get3A_594 : vector<1x4x32xf32> to vector<4x32xf32>
    %dot_general3A_596 = arith.constant dense<0.000000e+00> : vector<4x32xf32>
    %dot_general3A_597 = tpu.matmul %get3A_590, %convert_element_type3A_573, %dot_general3A_596 {dimension_numbers = #tpu.dot_dimension_numbers<[1], [1], [0], [0], [0, 0, 1, 0], [], []>, transpose_lhs_hint = false} : vector<4x300xf32>, vector<32x300xf32>, vector<4x32xf32> -> vector<4x32xf32>
    %slice3A_598 = vector.extract_strided_slice %dot_general3A_597 {offsets = [0, 0], sizes = [1, 32], strides = [1, 1]} : vector<4x32xf32> to vector<1x32xf32>
    %transpose3A_599 = tpu.transpose %slice3A_598, [1, 0] : vector<1x32xf32> -> vector<32x1xf32>
    %slice3A_600 = vector.extract_strided_slice %dot_general3A_597 {offsets = [1, 0], sizes = [1, 32], strides = [1, 1]} : vector<4x32xf32> to vector<1x32xf32>
    %transpose3A_601 = tpu.transpose %slice3A_600, [1, 0] : vector<1x32xf32> -> vector<32x1xf32>
    %slice3A_602 = vector.extract_strided_slice %dot_general3A_597 {offsets = [2, 0], sizes = [1, 32], strides = [1, 1]} : vector<4x32xf32> to vector<1x32xf32>
    %transpose3A_603 = tpu.transpose %slice3A_602, [1, 0] : vector<1x32xf32> -> vector<32x1xf32>
    %slice3A_604 = vector.extract_strided_slice %dot_general3A_597 {offsets = [3, 0], sizes = [1, 32], strides = [1, 1]} : vector<4x32xf32> to vector<1x32xf32>
    %transpose3A_605 = tpu.transpose %slice3A_604, [1, 0] : vector<1x32xf32> -> vector<32x1xf32>
    %slice3A_606 = vector.extract_strided_slice %get3A_595 {offsets = [0, 0], sizes = [1, 32], strides = [1, 1]} : vector<4x32xf32> to vector<1x32xf32>
    %transpose3A_607 = tpu.transpose %slice3A_606, [1, 0] : vector<1x32xf32> -> vector<32x1xf32>
    %slice3A_608 = vector.extract_strided_slice %get3A_595 {offsets = [1, 0], sizes = [1, 32], strides = [1, 1]} : vector<4x32xf32> to vector<1x32xf32>
    %transpose3A_609 = tpu.transpose %slice3A_608, [1, 0] : vector<1x32xf32> -> vector<32x1xf32>
    %slice3A_610 = vector.extract_strided_slice %get3A_595 {offsets = [2, 0], sizes = [1, 32], strides = [1, 1]} : vector<4x32xf32> to vector<1x32xf32>
    %transpose3A_611 = tpu.transpose %slice3A_610, [1, 0] : vector<1x32xf32> -> vector<32x1xf32>
    %slice3A_612 = vector.extract_strided_slice %get3A_595 {offsets = [3, 0], sizes = [1, 32], strides = [1, 1]} : vector<4x32xf32> to vector<1x32xf32>
    %transpose3A_613 = tpu.transpose %slice3A_612, [1, 0] : vector<1x32xf32> -> vector<32x1xf32>
    %mul3A_614 = arith.constant 5.000000e-01 : f32
    %mul3A_615 = vector.broadcast %mul3A_614 : f32 to vector<32x1xf32>
    %mul3A_616 = arith.mulf %mul3A_615, %transpose3A_603 : vector<32x1xf32>
    %sub3A_617 = arith.subf %transpose3A_599, %mul3A_616 : vector<32x1xf32>
    %mul3A_618 = arith.constant 5.000000e-01 : f32
    %mul3A_619 = vector.broadcast %mul3A_618 : f32 to vector<32x1xf32>
    %mul3A_620 = arith.mulf %mul3A_619, %transpose3A_605 : vector<32x1xf32>
    %sub3A_621 = arith.subf %transpose3A_601, %mul3A_620 : vector<32x1xf32>
    %mul3A_622 = arith.constant 5.000000e-01 : f32
    %mul3A_623 = vector.broadcast %mul3A_622 : f32 to vector<32x1xf32>
    %mul3A_624 = arith.mulf %mul3A_623, %transpose3A_603 : vector<32x1xf32>
    %add3A_625 = arith.addf %transpose3A_599, %mul3A_624 : vector<32x1xf32>
    %mul3A_626 = arith.constant 5.000000e-01 : f32
    %mul3A_627 = vector.broadcast %mul3A_626 : f32 to vector<32x1xf32>
    %mul3A_628 = arith.mulf %mul3A_627, %transpose3A_605 : vector<32x1xf32>
    %add3A_629 = arith.addf %transpose3A_601, %mul3A_628 : vector<32x1xf32>
    %mul3A_630 = arith.constant 5.000000e-01 : f32
    %mul3A_631 = vector.broadcast %mul3A_630 : f32 to vector<32x1xf32>
    %mul3A_632 = arith.mulf %mul3A_631, %transpose3A_611 : vector<32x1xf32>
    %sub3A_633 = arith.subf %transpose3A_607, %mul3A_632 : vector<32x1xf32>
    %mul3A_634 = arith.constant 5.000000e-01 : f32
    %mul3A_635 = vector.broadcast %mul3A_634 : f32 to vector<32x1xf32>
    %mul3A_636 = arith.mulf %mul3A_635, %transpose3A_613 : vector<32x1xf32>
    %sub3A_637 = arith.subf %transpose3A_609, %mul3A_636 : vector<32x1xf32>
    %mul3A_638 = arith.constant 5.000000e-01 : f32
    %mul3A_639 = vector.broadcast %mul3A_638 : f32 to vector<32x1xf32>
    %mul3A_640 = arith.mulf %mul3A_639, %transpose3A_611 : vector<32x1xf32>
    %add3A_641 = arith.addf %transpose3A_607, %mul3A_640 : vector<32x1xf32>
    %mul3A_642 = arith.constant 5.000000e-01 : f32
    %mul3A_643 = vector.broadcast %mul3A_642 : f32 to vector<32x1xf32>
    %mul3A_644 = arith.mulf %mul3A_643, %transpose3A_613 : vector<32x1xf32>
    %add3A_645 = arith.addf %transpose3A_609, %mul3A_644 : vector<32x1xf32>
    %sub3A_646 = arith.subf %add3A_625, %sub3A_617 : vector<32x1xf32>
    %sub3A_647 = arith.subf %add3A_629, %sub3A_621 : vector<32x1xf32>
    %mul3A_648 = arith.mulf %sub3A_646, %sub3A_647 : vector<32x1xf32>
    %sub3A_649 = arith.subf %add3A_641, %sub3A_633 : vector<32x1xf32>
    %sub3A_650 = arith.subf %add3A_645, %sub3A_637 : vector<32x1xf32>
    %mul3A_651 = arith.mulf %sub3A_649, %sub3A_650 : vector<32x1xf32>
    %min3A_652 = arith.minimumf %add3A_625, %add3A_641 : vector<32x1xf32>
    %max3A_653 = arith.maximumf %sub3A_617, %sub3A_633 : vector<32x1xf32>
    %sub3A_654 = arith.subf %min3A_652, %max3A_653 : vector<32x1xf32>
    %jit3A_655 = arith.constant 0.000000e+00 : f32
    %max3A_656 = vector.broadcast %jit3A_655 : f32 to vector<32x1xf32>
    %max3A_657 = arith.maximumf %max3A_656, %sub3A_654 : vector<32x1xf32>
    %min3A_658 = arith.minimumf %add3A_629, %add3A_645 : vector<32x1xf32>
    %max3A_659 = arith.maximumf %sub3A_621, %sub3A_637 : vector<32x1xf32>
    %sub3A_660 = arith.subf %min3A_658, %max3A_659 : vector<32x1xf32>
    %jit3A_661 = arith.constant 0.000000e+00 : f32
    %max3A_662 = vector.broadcast %jit3A_661 : f32 to vector<32x1xf32>
    %max3A_663 = arith.maximumf %max3A_662, %sub3A_660 : vector<32x1xf32>
    %mul3A_664 = arith.mulf %max3A_657, %max3A_663 : vector<32x1xf32>
    %add3A_665 = arith.addf %mul3A_648, %mul3A_651 : vector<32x1xf32>
    %sub3A_666 = arith.subf %add3A_665, %mul3A_664 : vector<32x1xf32>
    %div3A_667 = arith.divf %mul3A_664, %sub3A_666 : vector<32x1xf32>
    %max3A_668 = arith.maximumf %add3A_625, %add3A_641 : vector<32x1xf32>
    %min3A_669 = arith.minimumf %sub3A_617, %sub3A_633 : vector<32x1xf32>
    %sub3A_670 = arith.subf %max3A_668, %min3A_669 : vector<32x1xf32>
    %jit3A_671 = arith.constant 0.000000e+00 : f32
    %max3A_672 = vector.broadcast %jit3A_671 : f32 to vector<32x1xf32>
    %max3A_673 = arith.maximumf %max3A_672, %sub3A_670 : vector<32x1xf32>
    %max3A_674 = arith.maximumf %add3A_629, %add3A_645 : vector<32x1xf32>
    %min3A_675 = arith.minimumf %sub3A_621, %sub3A_637 : vector<32x1xf32>
    %sub3A_676 = arith.subf %max3A_674, %min3A_675 : vector<32x1xf32>
    %jit3A_677 = arith.constant 0.000000e+00 : f32
    %max3A_678 = vector.broadcast %jit3A_677 : f32 to vector<32x1xf32>
    %max3A_679 = arith.maximumf %max3A_678, %sub3A_676 : vector<32x1xf32>
    %mul3A_680 = arith.mulf %max3A_673, %max3A_679 : vector<32x1xf32>
    %sub3A_681 = arith.subf %mul3A_680, %sub3A_666 : vector<32x1xf32>
    %div3A_682 = arith.divf %sub3A_681, %mul3A_680 : vector<32x1xf32>
    %sub3A_683 = arith.subf %div3A_667, %div3A_682 : vector<32x1xf32>
    %jit3A_684 = arith.constant 0.000000e+00 : f32
    %max3A_685 = vector.broadcast %jit3A_684 : f32 to vector<32x1xf32>
    %max3A_686 = arith.maximumf %max3A_685, %sub3A_683 : vector<32x1xf32>
    %neg3A_687 = arith.constant 0.000000e+00 : f32
    %neg3A_688 = vector.broadcast %neg3A_687 : f32 to vector<32x1xf32>
    %neg3A_689 = arith.subf %neg3A_688, %broadcast_in_dim3A_585 : vector<32x1xf32>
    %exp3A_690 = math.exp %neg3A_689 : vector<32x1xf32>
    %add3A_691 = arith.constant 1.000000e+00 : f32
    %add3A_692 = vector.broadcast %add3A_691 : f32 to vector<32x1xf32>
    %add3A_693 = arith.addf %add3A_692, %exp3A_690 : vector<32x1xf32>
    %div3A_694 = arith.constant 1.000000e+00 : f32
    %div3A_695 = vector.broadcast %div3A_694 : f32 to vector<32x1xf32>
    %div3A_696 = arith.divf %div3A_695, %add3A_693 : vector<32x1xf32>
    %abs3A_697 = math.absf %broadcast_in_dim3A_585 : vector<32x1xf32>
    %neg3A_698 = arith.constant 0.000000e+00 : f32
    %neg3A_699 = vector.broadcast %neg3A_698 : f32 to vector<32x1xf32>
    %neg3A_700 = arith.subf %neg3A_699, %abs3A_697 : vector<32x1xf32>
    %exp3A_701 = math.exp %neg3A_700 : vector<32x1xf32>
    %log1p3A_702 = math.log1p %exp3A_701 : vector<32x1xf32>
    %max3A_703 = arith.constant 0.000000e+00 : f32
    %max3A_704 = vector.broadcast %max3A_703 : f32 to vector<32x1xf32>
    %max3A_705 = arith.maximumf %broadcast_in_dim3A_585, %max3A_704 : vector<32x1xf32>
    %mul3A_706 = arith.mulf %broadcast_in_dim3A_585, %max3A_686 : vector<32x1xf32>
    %sub3A_707 = arith.subf %max3A_705, %mul3A_706 : vector<32x1xf32>
    %add3A_708 = arith.addf %sub3A_707, %log1p3A_702 : vector<32x1xf32>
    %max3A_709 = arith.constant 0.000000e+00 : f32
    %max3A_710 = vector.broadcast %max3A_709 : f32 to vector<32x1xf32>
    %max3A_711 = arith.maximumf %broadcast_in_dim3A_585, %max3A_710 : vector<32x1xf32>
    %add3A_712 = arith.addf %max3A_711, %log1p3A_702 : vector<32x1xf32>
    %mul3A_713 = arith.mulf %max3A_686, %add3A_708 : vector<32x1xf32>
    %mul3A_714 = arith.constant 7.500000e-01 : f32
    %mul3A_715 = vector.broadcast %mul3A_714 : f32 to vector<32x1xf32>
    %mul3A_716 = arith.mulf %mul3A_715, %div3A_696 : vector<32x1xf32>
    %mul3A_717 = arith.mulf %mul3A_716, %div3A_696 : vector<32x1xf32>
    %mul3A_718 = arith.mulf %mul3A_717, %add3A_712 : vector<32x1xf32>
    %sub3A_719 = arith.subf %mul3A_713, %mul3A_718 : vector<32x1xf32>
    %reduce_sum3A_720 = vector.shape_cast %sub3A_719 : vector<32x1xf32> to vector<1x32x1xf32>
    %reduce_sum3A_721 = arith.constant dense<0.000000e+00> : vector<1xf32>
    %reduce_sum3A_722 = vector.multi_reduction <add>, %reduce_sum3A_720, %reduce_sum3A_721 [1, 2] : vector<1x32x1xf32> to vector<1xf32>
    %reduce_sum3A_723 = vector.shape_cast %reduce_sum3A_722 : vector<1xf32> to vector<1x1x1xf32>
    %reduce_sum3A_724 = vector.extract %reduce_sum3A_723[0, 0, 0] : f32 from vector<1x1x1xf32>
    %add3A_725 = arith.addf %add3A_535, %reduce_sum3A_724 : f32
    %sub3A_726 = arith.subf %dot_general3A_597, %get3A_595 : vector<4x32xf32>
    %abs3A_727 = math.absf %sub3A_726 : vector<4x32xf32>
    %reduce_sum3A_728 = vector.shape_cast %abs3A_727 : vector<4x32xf32> to vector<1x4x32xf32>
    %reduce_sum3A_729 = arith.constant dense<0.000000e+00> : vector<1xf32>
    %reduce_sum3A_730 = vector.multi_reduction <add>, %reduce_sum3A_728, %reduce_sum3A_729 [1, 2] : vector<1x4x32xf32> to vector<1xf32>
    %reduce_sum3A_731 = vector.shape_cast %reduce_sum3A_730 : vector<1xf32> to vector<1x1x1xf32>
    %reduce_sum3A_732 = vector.extract %reduce_sum3A_731[0, 0, 0] : f32 from vector<1x1x1xf32>
    %add3A_733 = arith.addf %add3A_543, %reduce_sum3A_732 : f32
    %sub3A_734 = arith.constant 1.000000e+00 : f32
    %sub3A_735 = vector.broadcast %sub3A_734 : f32 to vector<32x1xf32>
    %sub3A_736 = arith.subf %sub3A_735, %sub3A_683 : vector<32x1xf32>
    %reduce_sum3A_737 = vector.shape_cast %sub3A_736 : vector<32x1xf32> to vector<1x32x1xf32>
    %reduce_sum3A_738 = arith.constant dense<0.000000e+00> : vector<1xf32>
    %reduce_sum3A_739 = vector.multi_reduction <add>, %reduce_sum3A_737, %reduce_sum3A_738 [1, 2] : vector<1x32x1xf32> to vector<1xf32>
    %reduce_sum3A_740 = vector.shape_cast %reduce_sum3A_739 : vector<1xf32> to vector<1x1x1xf32>
    %reduce_sum3A_741 = vector.extract %reduce_sum3A_740[0, 0, 0] : f32 from vector<1x1x1xf32>
    %add3A_742 = arith.addf %add3A_552, %reduce_sum3A_741 : f32
    %iota3A_743 = tpu.iota {dimensions = array<i32: 1>} : vector<1x128xi32>
    %eq3A_744 = arith.constant 0 : i32
    %eq3A_745 = vector.broadcast %eq3A_744 : i32 to vector<1x128xi32>
    %eq3A_746 = arith.cmpi eq, %iota3A_743, %eq3A_745 : vector<1x128xi32>
    %jit3A_747 = arith.constant 0.000000e+00 : f32
    %broadcast_in_dim3A_748 = vector.broadcast %add3A_725 : f32 to vector<1x128xf32>
    %broadcast_in_dim3A_749 = vector.broadcast %jit3A_747 : f32 to vector<1x128xf32>
    %select_n3A = arith.select %eq3A_746, %broadcast_in_dim3A_748, %broadcast_in_dim3A_749 : vector<1x128xi1>, vector<1x128xf32>
    %eq3A_750 = arith.constant 1 : i32
    %eq3A_751 = vector.broadcast %eq3A_750 : i32 to vector<1x128xi32>
    %eq3A_752 = arith.cmpi eq, %iota3A_743, %eq3A_751 : vector<1x128xi32>
    %jit3A_753 = arith.constant 0.000000e+00 : f32
    %broadcast_in_dim3A_754 = vector.broadcast %add3A_733 : f32 to vector<1x128xf32>
    %broadcast_in_dim3A_755 = vector.broadcast %jit3A_753 : f32 to vector<1x128xf32>
    %select_n3A_756 = arith.select %eq3A_752, %broadcast_in_dim3A_754, %broadcast_in_dim3A_755 : vector<1x128xi1>, vector<1x128xf32>
    %add3A_757 = arith.addf %select_n3A, %select_n3A_756 : vector<1x128xf32>
    %eq3A_758 = arith.constant 2 : i32
    %eq3A_759 = vector.broadcast %eq3A_758 : i32 to vector<1x128xi32>
    %eq3A_760 = arith.cmpi eq, %iota3A_743, %eq3A_759 : vector<1x128xi32>
    %jit3A_761 = arith.constant 0.000000e+00 : f32
    %broadcast_in_dim3A_762 = vector.broadcast %add3A_742 : f32 to vector<1x128xf32>
    %broadcast_in_dim3A_763 = vector.broadcast %jit3A_761 : f32 to vector<1x128xf32>
    %select_n3A_764 = arith.select %eq3A_760, %broadcast_in_dim3A_762, %broadcast_in_dim3A_763 : vector<1x128xi1>, vector<1x128xf32>
    %add3A_765 = arith.addf %add3A_757, %select_n3A_764 : vector<1x128xf32>
    %eq3A_766 = arith.constant 0 : i32
    %eq3A_767 = arith.cmpi eq, %arg0, %eq3A_766 : i32
    %convert_element_type3A_768 = arith.extui %eq3A_767 : i1 to i32
    %cond3A = arith.constant 0 : i32
    %cond3A_769 = arith.cmpi ne, %convert_element_type3A_768, %cond3A : i32
    scf.if %cond3A_769 {
      %broadcast_in_dim3A_776 = arith.constant 0.000000e+00 : f32
      %broadcast_in_dim3A_777 = vector.broadcast %broadcast_in_dim3A_776 : f32 to vector<1x128xf32>
      %swap3A_778 = arith.constant 0 : index
      %swap3A_779 = arith.constant 0 : index
      %swap3A_780 = vector.load %arg6[%swap3A_778, %swap3A_779] : memref<1x128xf32, #tpu.memory_space<vmem>>, vector<1x128xf32>
      tpu.vector_store %arg6[%swap3A_778, %swap3A_779], %broadcast_in_dim3A_777 {strides = array<i32>} : memref<1x128xf32, #tpu.memory_space<vmem>>, vector<1x128xf32>,
    } else {
    }
    %get3A_770 = arith.constant 0 : index
    %get3A_771 = arith.constant 0 : index
    %get3A_772 = vector.load %arg6[%get3A_770, %get3A_771] : memref<1x128xf32, #tpu.memory_space<vmem>>, vector<1x128xf32>
    %add3A_773 = arith.addf %get3A_772, %add3A_765 : vector<1x128xf32>
    %swap3A = arith.constant 0 : index
    %swap3A_774 = arith.constant 0 : index
    %swap3A_775 = vector.load %arg6[%swap3A, %swap3A_774] : memref<1x128xf32, #tpu.memory_space<vmem>>, vector<1x128xf32>
    tpu.vector_store %arg6[%swap3A, %swap3A_774], %add3A_773 {strides = array<i32>} : memref<1x128xf32, #tpu.memory_space<vmem>>, vector<1x128xf32>,
    return
  }
  func.func @transform_0(%arg0: i32) -> (i32, i32, i32) {
    %c0_i32 = arith.constant 0 : i32
    %c0_i32_0 = arith.constant 0 : i32
    %c0_i32_1 = arith.constant 0 : i32
    return %arg0, %c0_i32, %c0_i32_0 : i32, i32, i32
  }
  func.func @transform_1(%arg0: i32) -> (i32, i32, i32) {
    %c0_i32 = arith.constant 0 : i32
    %c0_i32_0 = arith.constant 0 : i32
    %c0_i32_1 = arith.constant 0 : i32
    return %arg0, %c0_i32, %c0_i32_0 : i32, i32, i32
  }
  func.func @transform_2(%arg0: i32) -> (i32, i32, i32) {
    %c0_i32 = arith.constant 0 : i32
    %c0_i32_0 = arith.constant 0 : i32
    %c0_i32_1 = arith.constant 0 : i32
    return %arg0, %c0_i32, %c0_i32_0 : i32, i32, i32
  }
  func.func @transform_3(%arg0: i32) -> (i32, i32, i32) {
    %c0_i32 = arith.constant 0 : i32
    %c0_i32_0 = arith.constant 0 : i32
    %c0_i32_1 = arith.constant 0 : i32
    return %arg0, %c0_i32, %c0_i32_0 : i32, i32, i32
  }
  func.func @transform_4(%arg0: i32) -> (i32, i32, i32) {
    %c0_i32 = arith.constant 0 : i32
    %c0_i32_0 = arith.constant 0 : i32
    %c0_i32_1 = arith.constant 0 : i32
    return %arg0, %c0_i32, %c0_i32_0 : i32, i32, i32
  }
  func.func @transform_5(%arg0: i32) -> (i32, i32) {
    %c0_i32 = arith.constant 0 : i32
    %c0_i32_0 = arith.constant 0 : i32
    %c0_i32_1 = arith.constant 0 : i32
    return %c0_i32, %c0_i32_0 : i32, i32
  }
}

module attributes {stable_mosaic.version = 14 : i64} {
  func.func @_cost_dense_body(%arg0: i32, %arg1: memref<4x300x80xf32, #tpu.memory_space<vmem>>, %arg2: memref<4x4x300xf32, #tpu.memory_space<vmem>>, %arg3: memref<4x1x32xi32, #tpu.memory_space<vmem>>, %arg4: memref<4x4x32xf32, #tpu.memory_space<vmem>>, %arg5: memref<4x32x304xf32, #tpu.memory_space<vmem>>, %arg6: memref<1x128xf32, #tpu.memory_space<vmem>>) attributes {dimension_semantics = [#tpu.dimension_semantics<arbitrary>], iteration_bounds = array<i64: 4>, scalar_prefetch = 0 : i64, scratch_operands = 0 : i64, tpu.core_type = #tpu.core_type<tc>, window_params = [{transform_indices = @transform_0, window_bounds = array<i64: 4, 300, 80>}, {transform_indices = @transform_1, window_bounds = array<i64: 4, 4, 300>}, {transform_indices = @transform_2, window_bounds = array<i64: 4, 1, 32>}, {transform_indices = @transform_3, window_bounds = array<i64: 4, 4, 32>}, {transform_indices = @transform_4, window_bounds = array<i64: 4, 32, 304>}, {pipeline_mode = #tpu.pipeline_mode<synchronous>, transform_indices = @transform_5, window_bounds = array<i64: 1, 128>}]} {
    %get3A = arith.constant 0 : index
    %get3A_0 = arith.constant 0 : index
    %get3A_1 = arith.constant 0 : index
    %get3A_2 = vector.load %arg1[%get3A, %get3A_0, %get3A_1] : memref<4x300x80xf32, #tpu.memory_space<vmem>>, vector<1x300x80xf32>
    %get3A_3 = vector.shape_cast %get3A_2 : vector<1x300x80xf32> to vector<300x80xf32>
    %neg3A = arith.constant 0.000000e+00 : f32
    %neg3A_4 = vector.broadcast %neg3A : f32 to vector<300x80xf32>
    %neg3A_5 = arith.subf %neg3A_4, %get3A_3 : vector<300x80xf32>
    %exp3A = math.exp %neg3A_5 : vector<300x80xf32>
    %add3A = arith.constant 1.000000e+00 : f32
    %add3A_6 = vector.broadcast %add3A : f32 to vector<300x80xf32>
    %add3A_7 = arith.addf %add3A_6, %exp3A : vector<300x80xf32>
    %div3A = arith.constant 1.000000e+00 : f32
    %div3A_8 = vector.broadcast %div3A : f32 to vector<300x80xf32>
    %div3A_9 = arith.divf %div3A_8, %add3A_7 : vector<300x80xf32>
    %mul3A = arith.mulf %div3A_9, %div3A_9 : vector<300x80xf32>
    %mul3A_10 = arith.constant 7.500000e-01 : f32
    %mul3A_11 = vector.broadcast %mul3A_10 : f32 to vector<300x80xf32>
    %mul3A_12 = arith.mulf %mul3A_11, %mul3A : vector<300x80xf32>
    %sub3A = arith.constant 1.000000e+00 : f32
    %sub3A_13 = vector.broadcast %sub3A : f32 to vector<300x80xf32>
    %sub3A_14 = arith.subf %sub3A_13, %div3A_9 : vector<300x80xf32>
    %add3A_15 = arith.constant 9.99999993E-9 : f32
    %add3A_16 = vector.broadcast %add3A_15 : f32 to vector<300x80xf32>
    %add3A_17 = arith.addf %sub3A_14, %add3A_16 : vector<300x80xf32>
    %log3A = math.log %add3A_17 : vector<300x80xf32>
    %neg3A_18 = arith.constant 0.000000e+00 : f32
    %neg3A_19 = vector.broadcast %neg3A_18 : f32 to vector<300x80xf32>
    %neg3A_20 = arith.subf %neg3A_19, %log3A : vector<300x80xf32>
    %mul3A_21 = arith.mulf %mul3A_12, %neg3A_20 : vector<300x80xf32>
    %sub3A_22 = arith.constant 1.000000e+00 : f32
    %sub3A_23 = vector.broadcast %sub3A_22 : f32 to vector<300x80xf32>
    %sub3A_24 = arith.subf %sub3A_23, %div3A_9 : vector<300x80xf32>
    %sub3A_25 = arith.constant 1.000000e+00 : f32
    %sub3A_26 = vector.broadcast %sub3A_25 : f32 to vector<300x80xf32>
    %sub3A_27 = arith.subf %sub3A_26, %div3A_9 : vector<300x80xf32>
    %mul3A_28 = arith.mulf %sub3A_24, %sub3A_27 : vector<300x80xf32>
    %mul3A_29 = arith.constant 2.500000e-01 : f32
    %mul3A_30 = vector.broadcast %mul3A_29 : f32 to vector<300x80xf32>
    %mul3A_31 = arith.mulf %mul3A_30, %mul3A_28 : vector<300x80xf32>
    %add3A_32 = arith.constant 9.99999993E-9 : f32
    %add3A_33 = vector.broadcast %add3A_32 : f32 to vector<300x80xf32>
    %add3A_34 = arith.addf %div3A_9, %add3A_33 : vector<300x80xf32>
    %log3A_35 = math.log %add3A_34 : vector<300x80xf32>
    %neg3A_36 = arith.constant 0.000000e+00 : f32
    %neg3A_37 = vector.broadcast %neg3A_36 : f32 to vector<300x80xf32>
    %neg3A_38 = arith.subf %neg3A_37, %log3A_35 : vector<300x80xf32>
    %mul3A_39 = arith.mulf %mul3A_31, %neg3A_38 : vector<300x80xf32>
    %sub3A_40 = arith.subf %mul3A_39, %mul3A_21 : vector<300x80xf32>
    %get3A_41 = arith.constant 0 : index
    %get3A_42 = arith.constant 0 : index
    %get3A_43 = arith.constant 0 : index
    %get3A_44 = vector.load %arg3[%get3A_41, %get3A_42, %get3A_43] : memref<4x1x32xi32, #tpu.memory_space<vmem>>, vector<1x1x32xi32>
    %get3A_45 = vector.shape_cast %get3A_44 : vector<1x1x32xi32> to vector<32xi32>
    %iota3A = tpu.iota {dimensions = array<i32: 1>} : vector<32x80xi32>
    %broadcast_in_dim3A = vector.shape_cast %get3A_45 : vector<32xi32> to vector<32x1xi32>
    %eq3A = vector.broadcast %broadcast_in_dim3A : vector<32x1xi32> to vector<32x80xi32>
    %eq3A_46 = arith.cmpi eq, %eq3A, %iota3A : vector<32x80xi32>
    %convert_element_type3A = arith.extui %eq3A_46 : vector<32x80xi1> to vector<32x80xi32>
    %convert_element_type3A_47 = arith.sitofp %convert_element_type3A : vector<32x80xi32> to vector<32x80xf32>
    %dot_general3A = arith.constant dense<0.000000e+00> : vector<32x300xf32>
    %dot_general3A_48 = tpu.matmul %convert_element_type3A_47, %sub3A_40, %dot_general3A {dimension_numbers = #tpu.dot_dimension_numbers<[1], [1], [0], [0], [0, 0, 1, 0], [], []>, transpose_lhs_hint = false} : vector<32x80xf32>, vector<300x80xf32>, vector<32x300xf32> -> vector<32x300xf32>
    %get3A_49 = arith.constant 0 : index
    %get3A_50 = arith.constant 0 : index
    %get3A_51 = arith.constant 0 : index
    %get3A_52 = vector.load %arg2[%get3A_49, %get3A_50, %get3A_51] : memref<4x4x300xf32, #tpu.memory_space<vmem>>, vector<1x4x300xf32>
    %get3A_53 = vector.shape_cast %get3A_52 : vector<1x4x300xf32> to vector<4x300xf32>
    %get3A_54 = arith.constant 0 : index
    %get3A_55 = arith.constant 0 : index
    %get3A_56 = arith.constant 0 : index
    %get3A_57 = vector.load %arg4[%get3A_54, %get3A_55, %get3A_56] : memref<4x4x32xf32, #tpu.memory_space<vmem>>, vector<1x4x32xf32>
    %get3A_58 = vector.shape_cast %get3A_57 : vector<1x4x32xf32> to vector<4x32xf32>
    %broadcast_in_dim3A_59 = arith.constant 0.000000e+00 : f32
    %broadcast_in_dim3A_60 = vector.broadcast %broadcast_in_dim3A_59 : f32 to vector<32x300xf32>
    %slice3A = vector.extract_strided_slice %get3A_58 {offsets = [0, 0], sizes = [1, 32], strides = [1, 1]} : vector<4x32xf32> to vector<1x32xf32>
    %transpose3A = tpu.transpose %slice3A, [1, 0] : vector<1x32xf32> -> vector<32x1xf32>
    %slice3A_61 = vector.extract_strided_slice %get3A_53 {offsets = [0, 0], sizes = [1, 300], strides = [1, 1]} : vector<4x300xf32> to vector<1x300xf32>
    %sub3A_62 = vector.broadcast %transpose3A : vector<32x1xf32> to vector<32x300xf32>
    %sub3A_63 = vector.broadcast %slice3A_61 : vector<1x300xf32> to vector<32x300xf32>
    %sub3A_64 = arith.subf %sub3A_62, %sub3A_63 : vector<32x300xf32>
    %abs3A = math.absf %sub3A_64 : vector<32x300xf32>
    %add3A_65 = arith.addf %broadcast_in_dim3A_60, %abs3A : vector<32x300xf32>
    %slice3A_66 = vector.extract_strided_slice %get3A_58 {offsets = [1, 0], sizes = [1, 32], strides = [1, 1]} : vector<4x32xf32> to vector<1x32xf32>
    %transpose3A_67 = tpu.transpose %slice3A_66, [1, 0] : vector<1x32xf32> -> vector<32x1xf32>
    %slice3A_68 = vector.extract_strided_slice %get3A_53 {offsets = [1, 0], sizes = [1, 300], strides = [1, 1]} : vector<4x300xf32> to vector<1x300xf32>
    %sub3A_69 = vector.broadcast %transpose3A_67 : vector<32x1xf32> to vector<32x300xf32>
    %sub3A_70 = vector.broadcast %slice3A_68 : vector<1x300xf32> to vector<32x300xf32>
    %sub3A_71 = arith.subf %sub3A_69, %sub3A_70 : vector<32x300xf32>
    %abs3A_72 = math.absf %sub3A_71 : vector<32x300xf32>
    %add3A_73 = arith.addf %add3A_65, %abs3A_72 : vector<32x300xf32>
    %slice3A_74 = vector.extract_strided_slice %get3A_58 {offsets = [2, 0], sizes = [1, 32], strides = [1, 1]} : vector<4x32xf32> to vector<1x32xf32>
    %transpose3A_75 = tpu.transpose %slice3A_74, [1, 0] : vector<1x32xf32> -> vector<32x1xf32>
    %slice3A_76 = vector.extract_strided_slice %get3A_53 {offsets = [2, 0], sizes = [1, 300], strides = [1, 1]} : vector<4x300xf32> to vector<1x300xf32>
    %sub3A_77 = vector.broadcast %transpose3A_75 : vector<32x1xf32> to vector<32x300xf32>
    %sub3A_78 = vector.broadcast %slice3A_76 : vector<1x300xf32> to vector<32x300xf32>
    %sub3A_79 = arith.subf %sub3A_77, %sub3A_78 : vector<32x300xf32>
    %abs3A_80 = math.absf %sub3A_79 : vector<32x300xf32>
    %add3A_81 = arith.addf %add3A_73, %abs3A_80 : vector<32x300xf32>
    %slice3A_82 = vector.extract_strided_slice %get3A_58 {offsets = [3, 0], sizes = [1, 32], strides = [1, 1]} : vector<4x32xf32> to vector<1x32xf32>
    %transpose3A_83 = tpu.transpose %slice3A_82, [1, 0] : vector<1x32xf32> -> vector<32x1xf32>
    %slice3A_84 = vector.extract_strided_slice %get3A_53 {offsets = [3, 0], sizes = [1, 300], strides = [1, 1]} : vector<4x300xf32> to vector<1x300xf32>
    %sub3A_85 = vector.broadcast %transpose3A_83 : vector<32x1xf32> to vector<32x300xf32>
    %sub3A_86 = vector.broadcast %slice3A_84 : vector<1x300xf32> to vector<32x300xf32>
    %sub3A_87 = arith.subf %sub3A_85, %sub3A_86 : vector<32x300xf32>
    %abs3A_88 = math.absf %sub3A_87 : vector<32x300xf32>
    %add3A_89 = arith.addf %add3A_81, %abs3A_88 : vector<32x300xf32>
    %slice3A_90 = vector.extract_strided_slice %get3A_58 {offsets = [0, 0], sizes = [1, 32], strides = [1, 1]} : vector<4x32xf32> to vector<1x32xf32>
    %transpose3A_91 = tpu.transpose %slice3A_90, [1, 0] : vector<1x32xf32> -> vector<32x1xf32>
    %slice3A_92 = vector.extract_strided_slice %get3A_58 {offsets = [1, 0], sizes = [1, 32], strides = [1, 1]} : vector<4x32xf32> to vector<1x32xf32>
    %transpose3A_93 = tpu.transpose %slice3A_92, [1, 0] : vector<1x32xf32> -> vector<32x1xf32>
    %slice3A_94 = vector.extract_strided_slice %get3A_58 {offsets = [2, 0], sizes = [1, 32], strides = [1, 1]} : vector<4x32xf32> to vector<1x32xf32>
    %transpose3A_95 = tpu.transpose %slice3A_94, [1, 0] : vector<1x32xf32> -> vector<32x1xf32>
    %slice3A_96 = vector.extract_strided_slice %get3A_58 {offsets = [3, 0], sizes = [1, 32], strides = [1, 1]} : vector<4x32xf32> to vector<1x32xf32>
    %transpose3A_97 = tpu.transpose %slice3A_96, [1, 0] : vector<1x32xf32> -> vector<32x1xf32>
    %mul3A_98 = arith.constant 5.000000e-01 : f32
    %mul3A_99 = vector.broadcast %mul3A_98 : f32 to vector<32x1xf32>
    %mul3A_100 = arith.mulf %mul3A_99, %transpose3A_95 : vector<32x1xf32>
    %sub3A_101 = arith.subf %transpose3A_91, %mul3A_100 : vector<32x1xf32>
    %mul3A_102 = arith.constant 5.000000e-01 : f32
    %mul3A_103 = vector.broadcast %mul3A_102 : f32 to vector<32x1xf32>
    %mul3A_104 = arith.mulf %mul3A_103, %transpose3A_97 : vector<32x1xf32>
    %sub3A_105 = arith.subf %transpose3A_93, %mul3A_104 : vector<32x1xf32>
    %mul3A_106 = arith.constant 5.000000e-01 : f32
    %mul3A_107 = vector.broadcast %mul3A_106 : f32 to vector<32x1xf32>
    %mul3A_108 = arith.mulf %mul3A_107, %transpose3A_95 : vector<32x1xf32>
    %add3A_109 = arith.addf %transpose3A_91, %mul3A_108 : vector<32x1xf32>
    %mul3A_110 = arith.constant 5.000000e-01 : f32
    %mul3A_111 = vector.broadcast %mul3A_110 : f32 to vector<32x1xf32>
    %mul3A_112 = arith.mulf %mul3A_111, %transpose3A_97 : vector<32x1xf32>
    %add3A_113 = arith.addf %transpose3A_93, %mul3A_112 : vector<32x1xf32>
    %slice3A_114 = vector.extract_strided_slice %get3A_53 {offsets = [0, 0], sizes = [1, 300], strides = [1, 1]} : vector<4x300xf32> to vector<1x300xf32>
    %slice3A_115 = vector.extract_strided_slice %get3A_53 {offsets = [1, 0], sizes = [1, 300], strides = [1, 1]} : vector<4x300xf32> to vector<1x300xf32>
    %slice3A_116 = vector.extract_strided_slice %get3A_53 {offsets = [2, 0], sizes = [1, 300], strides = [1, 1]} : vector<4x300xf32> to vector<1x300xf32>
    %slice3A_117 = vector.extract_strided_slice %get3A_53 {offsets = [3, 0], sizes = [1, 300], strides = [1, 1]} : vector<4x300xf32> to vector<1x300xf32>
    %mul3A_118 = arith.constant 5.000000e-01 : f32
    %mul3A_119 = vector.broadcast %mul3A_118 : f32 to vector<1x300xf32>
    %mul3A_120 = arith.mulf %mul3A_119, %slice3A_116 : vector<1x300xf32>
    %sub3A_121 = arith.subf %slice3A_114, %mul3A_120 : vector<1x300xf32>
    %mul3A_122 = arith.constant 5.000000e-01 : f32
    %mul3A_123 = vector.broadcast %mul3A_122 : f32 to vector<1x300xf32>
    %mul3A_124 = arith.mulf %mul3A_123, %slice3A_117 : vector<1x300xf32>
    %sub3A_125 = arith.subf %slice3A_115, %mul3A_124 : vector<1x300xf32>
    %mul3A_126 = arith.constant 5.000000e-01 : f32
    %mul3A_127 = vector.broadcast %mul3A_126 : f32 to vector<1x300xf32>
    %mul3A_128 = arith.mulf %mul3A_127, %slice3A_116 : vector<1x300xf32>
    %add3A_129 = arith.addf %slice3A_114, %mul3A_128 : vector<1x300xf32>
    %mul3A_130 = arith.constant 5.000000e-01 : f32
    %mul3A_131 = vector.broadcast %mul3A_130 : f32 to vector<1x300xf32>
    %mul3A_132 = arith.mulf %mul3A_131, %slice3A_117 : vector<1x300xf32>
    %add3A_133 = arith.addf %slice3A_115, %mul3A_132 : vector<1x300xf32>
    %sub3A_134 = arith.subf %add3A_109, %sub3A_101 : vector<32x1xf32>
    %sub3A_135 = arith.subf %add3A_113, %sub3A_105 : vector<32x1xf32>
    %mul3A_136 = arith.mulf %sub3A_134, %sub3A_135 : vector<32x1xf32>
    %sub3A_137 = arith.subf %add3A_129, %sub3A_121 : vector<1x300xf32>
    %sub3A_138 = arith.subf %add3A_133, %sub3A_125 : vector<1x300xf32>
    %mul3A_139 = arith.mulf %sub3A_137, %sub3A_138 : vector<1x300xf32>
    %min3A = vector.broadcast %add3A_109 : vector<32x1xf32> to vector<32x300xf32>
    %min3A_140 = vector.broadcast %add3A_129 : vector<1x300xf32> to vector<32x300xf32>
    %min3A_141 = arith.minimumf %min3A, %min3A_140 : vector<32x300xf32>
    %max3A = vector.broadcast %sub3A_101 : vector<32x1xf32> to vector<32x300xf32>
    %max3A_142 = vector.broadcast %sub3A_121 : vector<1x300xf32> to vector<32x300xf32>
    %max3A_143 = arith.maximumf %max3A, %max3A_142 : vector<32x300xf32>
    %sub3A_144 = arith.subf %min3A_141, %max3A_143 : vector<32x300xf32>
    %jit3A = arith.constant 0.000000e+00 : f32
    %max3A_145 = vector.broadcast %jit3A : f32 to vector<32x300xf32>
    %max3A_146 = arith.maximumf %max3A_145, %sub3A_144 : vector<32x300xf32>
    %min3A_147 = vector.broadcast %add3A_113 : vector<32x1xf32> to vector<32x300xf32>
    %min3A_148 = vector.broadcast %add3A_133 : vector<1x300xf32> to vector<32x300xf32>
    %min3A_149 = arith.minimumf %min3A_147, %min3A_148 : vector<32x300xf32>
    %max3A_150 = vector.broadcast %sub3A_105 : vector<32x1xf32> to vector<32x300xf32>
    %max3A_151 = vector.broadcast %sub3A_125 : vector<1x300xf32> to vector<32x300xf32>
    %max3A_152 = arith.maximumf %max3A_150, %max3A_151 : vector<32x300xf32>
    %sub3A_153 = arith.subf %min3A_149, %max3A_152 : vector<32x300xf32>
    %jit3A_154 = arith.constant 0.000000e+00 : f32
    %max3A_155 = vector.broadcast %jit3A_154 : f32 to vector<32x300xf32>
    %max3A_156 = arith.maximumf %max3A_155, %sub3A_153 : vector<32x300xf32>
    %mul3A_157 = arith.mulf %max3A_146, %max3A_156 : vector<32x300xf32>
    %add3A_158 = vector.broadcast %mul3A_136 : vector<32x1xf32> to vector<32x300xf32>
    %add3A_159 = vector.broadcast %mul3A_139 : vector<1x300xf32> to vector<32x300xf32>
    %add3A_160 = arith.addf %add3A_158, %add3A_159 : vector<32x300xf32>
    %sub3A_161 = arith.subf %add3A_160, %mul3A_157 : vector<32x300xf32>
    %div3A_162 = arith.divf %mul3A_157, %sub3A_161 : vector<32x300xf32>
    %max3A_163 = vector.broadcast %add3A_109 : vector<32x1xf32> to vector<32x300xf32>
    %max3A_164 = vector.broadcast %add3A_129 : vector<1x300xf32> to vector<32x300xf32>
    %max3A_165 = arith.maximumf %max3A_163, %max3A_164 : vector<32x300xf32>
    %min3A_166 = vector.broadcast %sub3A_101 : vector<32x1xf32> to vector<32x300xf32>
    %min3A_167 = vector.broadcast %sub3A_121 : vector<1x300xf32> to vector<32x300xf32>
    %min3A_168 = arith.minimumf %min3A_166, %min3A_167 : vector<32x300xf32>
    %sub3A_169 = arith.subf %max3A_165, %min3A_168 : vector<32x300xf32>
    %jit3A_170 = arith.constant 0.000000e+00 : f32
    %max3A_171 = vector.broadcast %jit3A_170 : f32 to vector<32x300xf32>
    %max3A_172 = arith.maximumf %max3A_171, %sub3A_169 : vector<32x300xf32>
    %max3A_173 = vector.broadcast %add3A_113 : vector<32x1xf32> to vector<32x300xf32>
    %max3A_174 = vector.broadcast %add3A_133 : vector<1x300xf32> to vector<32x300xf32>
    %max3A_175 = arith.maximumf %max3A_173, %max3A_174 : vector<32x300xf32>
    %min3A_176 = vector.broadcast %sub3A_105 : vector<32x1xf32> to vector<32x300xf32>
    %min3A_177 = vector.broadcast %sub3A_125 : vector<1x300xf32> to vector<32x300xf32>
    %min3A_178 = arith.minimumf %min3A_176, %min3A_177 : vector<32x300xf32>
    %sub3A_179 = arith.subf %max3A_175, %min3A_178 : vector<32x300xf32>
    %jit3A_180 = arith.constant 0.000000e+00 : f32
    %max3A_181 = vector.broadcast %jit3A_180 : f32 to vector<32x300xf32>
    %max3A_182 = arith.maximumf %max3A_181, %sub3A_179 : vector<32x300xf32>
    %mul3A_183 = arith.mulf %max3A_172, %max3A_182 : vector<32x300xf32>
    %sub3A_184 = arith.subf %mul3A_183, %sub3A_161 : vector<32x300xf32>
    %div3A_185 = arith.divf %sub3A_184, %mul3A_183 : vector<32x300xf32>
    %sub3A_186 = arith.subf %div3A_162, %div3A_185 : vector<32x300xf32>
    %mul3A_187 = arith.constant 5.000000e+00 : f32
    %mul3A_188 = vector.broadcast %mul3A_187 : f32 to vector<32x300xf32>
    %mul3A_189 = arith.mulf %mul3A_188, %add3A_89 : vector<32x300xf32>
    %mul3A_190 = arith.constant 2.000000e+00 : f32
    %mul3A_191 = vector.broadcast %mul3A_190 : f32 to vector<32x300xf32>
    %mul3A_192 = arith.mulf %mul3A_191, %dot_general3A_48 : vector<32x300xf32>
    %add3A_193 = arith.addf %mul3A_189, %mul3A_192 : vector<32x300xf32>
    %neg3A_194 = arith.constant 0.000000e+00 : f32
    %neg3A_195 = vector.broadcast %neg3A_194 : f32 to vector<32x300xf32>
    %neg3A_196 = arith.subf %neg3A_195, %sub3A_186 : vector<32x300xf32>
    %mul3A_197 = arith.constant 2.000000e+00 : f32
    %mul3A_198 = vector.broadcast %mul3A_197 : f32 to vector<32x300xf32>
    %mul3A_199 = arith.mulf %mul3A_198, %neg3A_196 : vector<32x300xf32>
    %add3A_200 = arith.addf %add3A_193, %mul3A_199 : vector<32x300xf32>
    %broadcast_in_dim3A_201 = arith.constant 1.000000e+09 : f32
    %broadcast_in_dim3A_202 = vector.broadcast %broadcast_in_dim3A_201 : f32 to vector<32x4xf32>
    %concatenate3A = tpu.concatenate %add3A_200, %broadcast_in_dim3A_202 in 1 : vector<32x300xf32>, vector<32x4xf32> -> vector<32x304xf32>
    %swap3A = arith.constant 0 : index
    %swap3A_203 = arith.constant 0 : index
    %swap3A_204 = arith.constant 0 : index
    %swap3A_205 = vector.load %arg5[%swap3A, %swap3A_203, %swap3A_204] : memref<4x32x304xf32, #tpu.memory_space<vmem>>, vector<1x32x304xf32>
    %swap3A_206 = vector.shape_cast %swap3A_205 : vector<1x32x304xf32> to vector<32x304xf32>
    %swap3A_207 = vector.shape_cast %concatenate3A : vector<32x304xf32> to vector<1x32x304xf32>
    tpu.vector_store %arg5[%swap3A, %swap3A_203, %swap3A_204], %swap3A_207 {strides = array<i32>} : memref<4x32x304xf32, #tpu.memory_space<vmem>>, vector<1x32x304xf32>,
    %max3A_208 = arith.constant 0.000000e+00 : f32
    %max3A_209 = vector.broadcast %max3A_208 : f32 to vector<300x80xf32>
    %max3A_210 = arith.maximumf %get3A_3, %max3A_209 : vector<300x80xf32>
    %abs3A_211 = math.absf %get3A_3 : vector<300x80xf32>
    %neg3A_212 = arith.constant 0.000000e+00 : f32
    %neg3A_213 = vector.broadcast %neg3A_212 : f32 to vector<300x80xf32>
    %neg3A_214 = arith.subf %neg3A_213, %abs3A_211 : vector<300x80xf32>
    %exp3A_215 = math.exp %neg3A_214 : vector<300x80xf32>
    %log1p3A = math.log1p %exp3A_215 : vector<300x80xf32>
    %add3A_216 = arith.addf %max3A_210, %log1p3A : vector<300x80xf32>
    %mul3A_217 = arith.constant 7.500000e-01 : f32
    %mul3A_218 = vector.broadcast %mul3A_217 : f32 to vector<300x80xf32>
    %mul3A_219 = arith.mulf %mul3A_218, %div3A_9 : vector<300x80xf32>
    %mul3A_220 = arith.mulf %mul3A_219, %div3A_9 : vector<300x80xf32>
    %mul3A_221 = arith.mulf %mul3A_220, %add3A_216 : vector<300x80xf32>
    %reduce_sum3A = vector.shape_cast %mul3A_221 : vector<300x80xf32> to vector<1x300x80xf32>
    %reduce_sum3A_222 = arith.constant dense<0.000000e+00> : vector<1xf32>
    %reduce_sum3A_223 = vector.multi_reduction <add>, %reduce_sum3A, %reduce_sum3A_222 [1, 2] : vector<1x300x80xf32> to vector<1xf32>
    %reduce_sum3A_224 = vector.shape_cast %reduce_sum3A_223 : vector<1xf32> to vector<1x1x1xf32>
    %reduce_sum3A_225 = vector.extract %reduce_sum3A_224[0, 0, 0] : f32 from vector<1x1x1xf32>
    %add3A_226 = arith.constant 0.000000e+00 : f32
    %add3A_227 = arith.addf %add3A_226, %reduce_sum3A_225 : f32
    %get3A_228 = arith.constant 1 : index
    %get3A_229 = arith.constant 0 : index
    %get3A_230 = arith.constant 0 : index
    %get3A_231 = vector.load %arg1[%get3A_228, %get3A_229, %get3A_230] : memref<4x300x80xf32, #tpu.memory_space<vmem>>, vector<1x300x80xf32>
    %get3A_232 = vector.shape_cast %get3A_231 : vector<1x300x80xf32> to vector<300x80xf32>
    %neg3A_233 = arith.constant 0.000000e+00 : f32
    %neg3A_234 = vector.broadcast %neg3A_233 : f32 to vector<300x80xf32>
    %neg3A_235 = arith.subf %neg3A_234, %get3A_232 : vector<300x80xf32>
    %exp3A_236 = math.exp %neg3A_235 : vector<300x80xf32>
    %add3A_237 = arith.constant 1.000000e+00 : f32
    %add3A_238 = vector.broadcast %add3A_237 : f32 to vector<300x80xf32>
    %add3A_239 = arith.addf %add3A_238, %exp3A_236 : vector<300x80xf32>
    %div3A_240 = arith.constant 1.000000e+00 : f32
    %div3A_241 = vector.broadcast %div3A_240 : f32 to vector<300x80xf32>
    %div3A_242 = arith.divf %div3A_241, %add3A_239 : vector<300x80xf32>
    %mul3A_243 = arith.mulf %div3A_242, %div3A_242 : vector<300x80xf32>
    %mul3A_244 = arith.constant 7.500000e-01 : f32
    %mul3A_245 = vector.broadcast %mul3A_244 : f32 to vector<300x80xf32>
    %mul3A_246 = arith.mulf %mul3A_245, %mul3A_243 : vector<300x80xf32>
    %sub3A_247 = arith.constant 1.000000e+00 : f32
    %sub3A_248 = vector.broadcast %sub3A_247 : f32 to vector<300x80xf32>
    %sub3A_249 = arith.subf %sub3A_248, %div3A_242 : vector<300x80xf32>
    %add3A_250 = arith.constant 9.99999993E-9 : f32
    %add3A_251 = vector.broadcast %add3A_250 : f32 to vector<300x80xf32>
    %add3A_252 = arith.addf %sub3A_249, %add3A_251 : vector<300x80xf32>
    %log3A_253 = math.log %add3A_252 : vector<300x80xf32>
    %neg3A_254 = arith.constant 0.000000e+00 : f32
    %neg3A_255 = vector.broadcast %neg3A_254 : f32 to vector<300x80xf32>
    %neg3A_256 = arith.subf %neg3A_255, %log3A_253 : vector<300x80xf32>
    %mul3A_257 = arith.mulf %mul3A_246, %neg3A_256 : vector<300x80xf32>
    %sub3A_258 = arith.constant 1.000000e+00 : f32
    %sub3A_259 = vector.broadcast %sub3A_258 : f32 to vector<300x80xf32>
    %sub3A_260 = arith.subf %sub3A_259, %div3A_242 : vector<300x80xf32>
    %sub3A_261 = arith.constant 1.000000e+00 : f32
    %sub3A_262 = vector.broadcast %sub3A_261 : f32 to vector<300x80xf32>
    %sub3A_263 = arith.subf %sub3A_262, %div3A_242 : vector<300x80xf32>
    %mul3A_264 = arith.mulf %sub3A_260, %sub3A_263 : vector<300x80xf32>
    %mul3A_265 = arith.constant 2.500000e-01 : f32
    %mul3A_266 = vector.broadcast %mul3A_265 : f32 to vector<300x80xf32>
    %mul3A_267 = arith.mulf %mul3A_266, %mul3A_264 : vector<300x80xf32>
    %add3A_268 = arith.constant 9.99999993E-9 : f32
    %add3A_269 = vector.broadcast %add3A_268 : f32 to vector<300x80xf32>
    %add3A_270 = arith.addf %div3A_242, %add3A_269 : vector<300x80xf32>
    %log3A_271 = math.log %add3A_270 : vector<300x80xf32>
    %neg3A_272 = arith.constant 0.000000e+00 : f32
    %neg3A_273 = vector.broadcast %neg3A_272 : f32 to vector<300x80xf32>
    %neg3A_274 = arith.subf %neg3A_273, %log3A_271 : vector<300x80xf32>
    %mul3A_275 = arith.mulf %mul3A_267, %neg3A_274 : vector<300x80xf32>
    %sub3A_276 = arith.subf %mul3A_275, %mul3A_257 : vector<300x80xf32>
    %get3A_277 = arith.constant 1 : index
    %get3A_278 = arith.constant 0 : index
    %get3A_279 = arith.constant 0 : index
    %get3A_280 = vector.load %arg3[%get3A_277, %get3A_278, %get3A_279] : memref<4x1x32xi32, #tpu.memory_space<vmem>>, vector<1x1x32xi32>
    %get3A_281 = vector.shape_cast %get3A_280 : vector<1x1x32xi32> to vector<32xi32>
    %iota3A_282 = tpu.iota {dimensions = array<i32: 1>} : vector<32x80xi32>
    %broadcast_in_dim3A_283 = vector.shape_cast %get3A_281 : vector<32xi32> to vector<32x1xi32>
    %eq3A_284 = vector.broadcast %broadcast_in_dim3A_283 : vector<32x1xi32> to vector<32x80xi32>
    %eq3A_285 = arith.cmpi eq, %eq3A_284, %iota3A_282 : vector<32x80xi32>
    %convert_element_type3A_286 = arith.extui %eq3A_285 : vector<32x80xi1> to vector<32x80xi32>
    %convert_element_type3A_287 = arith.sitofp %convert_element_type3A_286 : vector<32x80xi32> to vector<32x80xf32>
    %dot_general3A_288 = arith.constant dense<0.000000e+00> : vector<32x300xf32>
    %dot_general3A_289 = tpu.matmul %convert_element_type3A_287, %sub3A_276, %dot_general3A_288 {dimension_numbers = #tpu.dot_dimension_numbers<[1], [1], [0], [0], [0, 0, 1, 0], [], []>, transpose_lhs_hint = false} : vector<32x80xf32>, vector<300x80xf32>, vector<32x300xf32> -> vector<32x300xf32>
    %get3A_290 = arith.constant 1 : index
    %get3A_291 = arith.constant 0 : index
    %get3A_292 = arith.constant 0 : index
    %get3A_293 = vector.load %arg2[%get3A_290, %get3A_291, %get3A_292] : memref<4x4x300xf32, #tpu.memory_space<vmem>>, vector<1x4x300xf32>
    %get3A_294 = vector.shape_cast %get3A_293 : vector<1x4x300xf32> to vector<4x300xf32>
    %get3A_295 = arith.constant 1 : index
    %get3A_296 = arith.constant 0 : index
    %get3A_297 = arith.constant 0 : index
    %get3A_298 = vector.load %arg4[%get3A_295, %get3A_296, %get3A_297] : memref<4x4x32xf32, #tpu.memory_space<vmem>>, vector<1x4x32xf32>
    %get3A_299 = vector.shape_cast %get3A_298 : vector<1x4x32xf32> to vector<4x32xf32>
    %broadcast_in_dim3A_300 = arith.constant 0.000000e+00 : f32
    %broadcast_in_dim3A_301 = vector.broadcast %broadcast_in_dim3A_300 : f32 to vector<32x300xf32>
    %slice3A_302 = vector.extract_strided_slice %get3A_299 {offsets = [0, 0], sizes = [1, 32], strides = [1, 1]} : vector<4x32xf32> to vector<1x32xf32>
    %transpose3A_303 = tpu.transpose %slice3A_302, [1, 0] : vector<1x32xf32> -> vector<32x1xf32>
    %slice3A_304 = vector.extract_strided_slice %get3A_294 {offsets = [0, 0], sizes = [1, 300], strides = [1, 1]} : vector<4x300xf32> to vector<1x300xf32>
    %sub3A_305 = vector.broadcast %transpose3A_303 : vector<32x1xf32> to vector<32x300xf32>
    %sub3A_306 = vector.broadcast %slice3A_304 : vector<1x300xf32> to vector<32x300xf32>
    %sub3A_307 = arith.subf %sub3A_305, %sub3A_306 : vector<32x300xf32>
    %abs3A_308 = math.absf %sub3A_307 : vector<32x300xf32>
    %add3A_309 = arith.addf %broadcast_in_dim3A_301, %abs3A_308 : vector<32x300xf32>
    %slice3A_310 = vector.extract_strided_slice %get3A_299 {offsets = [1, 0], sizes = [1, 32], strides = [1, 1]} : vector<4x32xf32> to vector<1x32xf32>
    %transpose3A_311 = tpu.transpose %slice3A_310, [1, 0] : vector<1x32xf32> -> vector<32x1xf32>
    %slice3A_312 = vector.extract_strided_slice %get3A_294 {offsets = [1, 0], sizes = [1, 300], strides = [1, 1]} : vector<4x300xf32> to vector<1x300xf32>
    %sub3A_313 = vector.broadcast %transpose3A_311 : vector<32x1xf32> to vector<32x300xf32>
    %sub3A_314 = vector.broadcast %slice3A_312 : vector<1x300xf32> to vector<32x300xf32>
    %sub3A_315 = arith.subf %sub3A_313, %sub3A_314 : vector<32x300xf32>
    %abs3A_316 = math.absf %sub3A_315 : vector<32x300xf32>
    %add3A_317 = arith.addf %add3A_309, %abs3A_316 : vector<32x300xf32>
    %slice3A_318 = vector.extract_strided_slice %get3A_299 {offsets = [2, 0], sizes = [1, 32], strides = [1, 1]} : vector<4x32xf32> to vector<1x32xf32>
    %transpose3A_319 = tpu.transpose %slice3A_318, [1, 0] : vector<1x32xf32> -> vector<32x1xf32>
    %slice3A_320 = vector.extract_strided_slice %get3A_294 {offsets = [2, 0], sizes = [1, 300], strides = [1, 1]} : vector<4x300xf32> to vector<1x300xf32>
    %sub3A_321 = vector.broadcast %transpose3A_319 : vector<32x1xf32> to vector<32x300xf32>
    %sub3A_322 = vector.broadcast %slice3A_320 : vector<1x300xf32> to vector<32x300xf32>
    %sub3A_323 = arith.subf %sub3A_321, %sub3A_322 : vector<32x300xf32>
    %abs3A_324 = math.absf %sub3A_323 : vector<32x300xf32>
    %add3A_325 = arith.addf %add3A_317, %abs3A_324 : vector<32x300xf32>
    %slice3A_326 = vector.extract_strided_slice %get3A_299 {offsets = [3, 0], sizes = [1, 32], strides = [1, 1]} : vector<4x32xf32> to vector<1x32xf32>
    %transpose3A_327 = tpu.transpose %slice3A_326, [1, 0] : vector<1x32xf32> -> vector<32x1xf32>
    %slice3A_328 = vector.extract_strided_slice %get3A_294 {offsets = [3, 0], sizes = [1, 300], strides = [1, 1]} : vector<4x300xf32> to vector<1x300xf32>
    %sub3A_329 = vector.broadcast %transpose3A_327 : vector<32x1xf32> to vector<32x300xf32>
    %sub3A_330 = vector.broadcast %slice3A_328 : vector<1x300xf32> to vector<32x300xf32>
    %sub3A_331 = arith.subf %sub3A_329, %sub3A_330 : vector<32x300xf32>
    %abs3A_332 = math.absf %sub3A_331 : vector<32x300xf32>
    %add3A_333 = arith.addf %add3A_325, %abs3A_332 : vector<32x300xf32>
    %slice3A_334 = vector.extract_strided_slice %get3A_299 {offsets = [0, 0], sizes = [1, 32], strides = [1, 1]} : vector<4x32xf32> to vector<1x32xf32>
    %transpose3A_335 = tpu.transpose %slice3A_334, [1, 0] : vector<1x32xf32> -> vector<32x1xf32>
    %slice3A_336 = vector.extract_strided_slice %get3A_299 {offsets = [1, 0], sizes = [1, 32], strides = [1, 1]} : vector<4x32xf32> to vector<1x32xf32>
    %transpose3A_337 = tpu.transpose %slice3A_336, [1, 0] : vector<1x32xf32> -> vector<32x1xf32>
    %slice3A_338 = vector.extract_strided_slice %get3A_299 {offsets = [2, 0], sizes = [1, 32], strides = [1, 1]} : vector<4x32xf32> to vector<1x32xf32>
    %transpose3A_339 = tpu.transpose %slice3A_338, [1, 0] : vector<1x32xf32> -> vector<32x1xf32>
    %slice3A_340 = vector.extract_strided_slice %get3A_299 {offsets = [3, 0], sizes = [1, 32], strides = [1, 1]} : vector<4x32xf32> to vector<1x32xf32>
    %transpose3A_341 = tpu.transpose %slice3A_340, [1, 0] : vector<1x32xf32> -> vector<32x1xf32>
    %mul3A_342 = arith.constant 5.000000e-01 : f32
    %mul3A_343 = vector.broadcast %mul3A_342 : f32 to vector<32x1xf32>
    %mul3A_344 = arith.mulf %mul3A_343, %transpose3A_339 : vector<32x1xf32>
    %sub3A_345 = arith.subf %transpose3A_335, %mul3A_344 : vector<32x1xf32>
    %mul3A_346 = arith.constant 5.000000e-01 : f32
    %mul3A_347 = vector.broadcast %mul3A_346 : f32 to vector<32x1xf32>
    %mul3A_348 = arith.mulf %mul3A_347, %transpose3A_341 : vector<32x1xf32>
    %sub3A_349 = arith.subf %transpose3A_337, %mul3A_348 : vector<32x1xf32>
    %mul3A_350 = arith.constant 5.000000e-01 : f32
    %mul3A_351 = vector.broadcast %mul3A_350 : f32 to vector<32x1xf32>
    %mul3A_352 = arith.mulf %mul3A_351, %transpose3A_339 : vector<32x1xf32>
    %add3A_353 = arith.addf %transpose3A_335, %mul3A_352 : vector<32x1xf32>
    %mul3A_354 = arith.constant 5.000000e-01 : f32
    %mul3A_355 = vector.broadcast %mul3A_354 : f32 to vector<32x1xf32>
    %mul3A_356 = arith.mulf %mul3A_355, %transpose3A_341 : vector<32x1xf32>
    %add3A_357 = arith.addf %transpose3A_337, %mul3A_356 : vector<32x1xf32>
    %slice3A_358 = vector.extract_strided_slice %get3A_294 {offsets = [0, 0], sizes = [1, 300], strides = [1, 1]} : vector<4x300xf32> to vector<1x300xf32>
    %slice3A_359 = vector.extract_strided_slice %get3A_294 {offsets = [1, 0], sizes = [1, 300], strides = [1, 1]} : vector<4x300xf32> to vector<1x300xf32>
    %slice3A_360 = vector.extract_strided_slice %get3A_294 {offsets = [2, 0], sizes = [1, 300], strides = [1, 1]} : vector<4x300xf32> to vector<1x300xf32>
    %slice3A_361 = vector.extract_strided_slice %get3A_294 {offsets = [3, 0], sizes = [1, 300], strides = [1, 1]} : vector<4x300xf32> to vector<1x300xf32>
    %mul3A_362 = arith.constant 5.000000e-01 : f32
    %mul3A_363 = vector.broadcast %mul3A_362 : f32 to vector<1x300xf32>
    %mul3A_364 = arith.mulf %mul3A_363, %slice3A_360 : vector<1x300xf32>
    %sub3A_365 = arith.subf %slice3A_358, %mul3A_364 : vector<1x300xf32>
    %mul3A_366 = arith.constant 5.000000e-01 : f32
    %mul3A_367 = vector.broadcast %mul3A_366 : f32 to vector<1x300xf32>
    %mul3A_368 = arith.mulf %mul3A_367, %slice3A_361 : vector<1x300xf32>
    %sub3A_369 = arith.subf %slice3A_359, %mul3A_368 : vector<1x300xf32>
    %mul3A_370 = arith.constant 5.000000e-01 : f32
    %mul3A_371 = vector.broadcast %mul3A_370 : f32 to vector<1x300xf32>
    %mul3A_372 = arith.mulf %mul3A_371, %slice3A_360 : vector<1x300xf32>
    %add3A_373 = arith.addf %slice3A_358, %mul3A_372 : vector<1x300xf32>
    %mul3A_374 = arith.constant 5.000000e-01 : f32
    %mul3A_375 = vector.broadcast %mul3A_374 : f32 to vector<1x300xf32>
    %mul3A_376 = arith.mulf %mul3A_375, %slice3A_361 : vector<1x300xf32>
    %add3A_377 = arith.addf %slice3A_359, %mul3A_376 : vector<1x300xf32>
    %sub3A_378 = arith.subf %add3A_353, %sub3A_345 : vector<32x1xf32>
    %sub3A_379 = arith.subf %add3A_357, %sub3A_349 : vector<32x1xf32>
    %mul3A_380 = arith.mulf %sub3A_378, %sub3A_379 : vector<32x1xf32>
    %sub3A_381 = arith.subf %add3A_373, %sub3A_365 : vector<1x300xf32>
    %sub3A_382 = arith.subf %add3A_377, %sub3A_369 : vector<1x300xf32>
    %mul3A_383 = arith.mulf %sub3A_381, %sub3A_382 : vector<1x300xf32>
    %min3A_384 = vector.broadcast %add3A_353 : vector<32x1xf32> to vector<32x300xf32>
    %min3A_385 = vector.broadcast %add3A_373 : vector<1x300xf32> to vector<32x300xf32>
    %min3A_386 = arith.minimumf %min3A_384, %min3A_385 : vector<32x300xf32>
    %max3A_387 = vector.broadcast %sub3A_345 : vector<32x1xf32> to vector<32x300xf32>
    %max3A_388 = vector.broadcast %sub3A_365 : vector<1x300xf32> to vector<32x300xf32>
    %max3A_389 = arith.maximumf %max3A_387, %max3A_388 : vector<32x300xf32>
    %sub3A_390 = arith.subf %min3A_386, %max3A_389 : vector<32x300xf32>
    %jit3A_391 = arith.constant 0.000000e+00 : f32
    %max3A_392 = vector.broadcast %jit3A_391 : f32 to vector<32x300xf32>
    %max3A_393 = arith.maximumf %max3A_392, %sub3A_390 : vector<32x300xf32>
    %min3A_394 = vector.broadcast %add3A_357 : vector<32x1xf32> to vector<32x300xf32>
    %min3A_395 = vector.broadcast %add3A_377 : vector<1x300xf32> to vector<32x300xf32>
    %min3A_396 = arith.minimumf %min3A_394, %min3A_395 : vector<32x300xf32>
    %max3A_397 = vector.broadcast %sub3A_349 : vector<32x1xf32> to vector<32x300xf32>
    %max3A_398 = vector.broadcast %sub3A_369 : vector<1x300xf32> to vector<32x300xf32>
    %max3A_399 = arith.maximumf %max3A_397, %max3A_398 : vector<32x300xf32>
    %sub3A_400 = arith.subf %min3A_396, %max3A_399 : vector<32x300xf32>
    %jit3A_401 = arith.constant 0.000000e+00 : f32
    %max3A_402 = vector.broadcast %jit3A_401 : f32 to vector<32x300xf32>
    %max3A_403 = arith.maximumf %max3A_402, %sub3A_400 : vector<32x300xf32>
    %mul3A_404 = arith.mulf %max3A_393, %max3A_403 : vector<32x300xf32>
    %add3A_405 = vector.broadcast %mul3A_380 : vector<32x1xf32> to vector<32x300xf32>
    %add3A_406 = vector.broadcast %mul3A_383 : vector<1x300xf32> to vector<32x300xf32>
    %add3A_407 = arith.addf %add3A_405, %add3A_406 : vector<32x300xf32>
    %sub3A_408 = arith.subf %add3A_407, %mul3A_404 : vector<32x300xf32>
    %div3A_409 = arith.divf %mul3A_404, %sub3A_408 : vector<32x300xf32>
    %max3A_410 = vector.broadcast %add3A_353 : vector<32x1xf32> to vector<32x300xf32>
    %max3A_411 = vector.broadcast %add3A_373 : vector<1x300xf32> to vector<32x300xf32>
    %max3A_412 = arith.maximumf %max3A_410, %max3A_411 : vector<32x300xf32>
    %min3A_413 = vector.broadcast %sub3A_345 : vector<32x1xf32> to vector<32x300xf32>
    %min3A_414 = vector.broadcast %sub3A_365 : vector<1x300xf32> to vector<32x300xf32>
    %min3A_415 = arith.minimumf %min3A_413, %min3A_414 : vector<32x300xf32>
    %sub3A_416 = arith.subf %max3A_412, %min3A_415 : vector<32x300xf32>
    %jit3A_417 = arith.constant 0.000000e+00 : f32
    %max3A_418 = vector.broadcast %jit3A_417 : f32 to vector<32x300xf32>
    %max3A_419 = arith.maximumf %max3A_418, %sub3A_416 : vector<32x300xf32>
    %max3A_420 = vector.broadcast %add3A_357 : vector<32x1xf32> to vector<32x300xf32>
    %max3A_421 = vector.broadcast %add3A_377 : vector<1x300xf32> to vector<32x300xf32>
    %max3A_422 = arith.maximumf %max3A_420, %max3A_421 : vector<32x300xf32>
    %min3A_423 = vector.broadcast %sub3A_349 : vector<32x1xf32> to vector<32x300xf32>
    %min3A_424 = vector.broadcast %sub3A_369 : vector<1x300xf32> to vector<32x300xf32>
    %min3A_425 = arith.minimumf %min3A_423, %min3A_424 : vector<32x300xf32>
    %sub3A_426 = arith.subf %max3A_422, %min3A_425 : vector<32x300xf32>
    %jit3A_427 = arith.constant 0.000000e+00 : f32
    %max3A_428 = vector.broadcast %jit3A_427 : f32 to vector<32x300xf32>
    %max3A_429 = arith.maximumf %max3A_428, %sub3A_426 : vector<32x300xf32>
    %mul3A_430 = arith.mulf %max3A_419, %max3A_429 : vector<32x300xf32>
    %sub3A_431 = arith.subf %mul3A_430, %sub3A_408 : vector<32x300xf32>
    %div3A_432 = arith.divf %sub3A_431, %mul3A_430 : vector<32x300xf32>
    %sub3A_433 = arith.subf %div3A_409, %div3A_432 : vector<32x300xf32>
    %mul3A_434 = arith.constant 5.000000e+00 : f32
    %mul3A_435 = vector.broadcast %mul3A_434 : f32 to vector<32x300xf32>
    %mul3A_436 = arith.mulf %mul3A_435, %add3A_333 : vector<32x300xf32>
    %mul3A_437 = arith.constant 2.000000e+00 : f32
    %mul3A_438 = vector.broadcast %mul3A_437 : f32 to vector<32x300xf32>
    %mul3A_439 = arith.mulf %mul3A_438, %dot_general3A_289 : vector<32x300xf32>
    %add3A_440 = arith.addf %mul3A_436, %mul3A_439 : vector<32x300xf32>
    %neg3A_441 = arith.constant 0.000000e+00 : f32
    %neg3A_442 = vector.broadcast %neg3A_441 : f32 to vector<32x300xf32>
    %neg3A_443 = arith.subf %neg3A_442, %sub3A_433 : vector<32x300xf32>
    %mul3A_444 = arith.constant 2.000000e+00 : f32
    %mul3A_445 = vector.broadcast %mul3A_444 : f32 to vector<32x300xf32>
    %mul3A_446 = arith.mulf %mul3A_445, %neg3A_443 : vector<32x300xf32>
    %add3A_447 = arith.addf %add3A_440, %mul3A_446 : vector<32x300xf32>
    %broadcast_in_dim3A_448 = arith.constant 1.000000e+09 : f32
    %broadcast_in_dim3A_449 = vector.broadcast %broadcast_in_dim3A_448 : f32 to vector<32x4xf32>
    %concatenate3A_450 = tpu.concatenate %add3A_447, %broadcast_in_dim3A_449 in 1 : vector<32x300xf32>, vector<32x4xf32> -> vector<32x304xf32>
    %swap3A_451 = arith.constant 1 : index
    %swap3A_452 = arith.constant 0 : index
    %swap3A_453 = arith.constant 0 : index
    %swap3A_454 = vector.load %arg5[%swap3A_451, %swap3A_452, %swap3A_453] : memref<4x32x304xf32, #tpu.memory_space<vmem>>, vector<1x32x304xf32>
    %swap3A_455 = vector.shape_cast %swap3A_454 : vector<1x32x304xf32> to vector<32x304xf32>
    %swap3A_456 = vector.shape_cast %concatenate3A_450 : vector<32x304xf32> to vector<1x32x304xf32>
    tpu.vector_store %arg5[%swap3A_451, %swap3A_452, %swap3A_453], %swap3A_456 {strides = array<i32>} : memref<4x32x304xf32, #tpu.memory_space<vmem>>, vector<1x32x304xf32>,
    %max3A_457 = arith.constant 0.000000e+00 : f32
    %max3A_458 = vector.broadcast %max3A_457 : f32 to vector<300x80xf32>
    %max3A_459 = arith.maximumf %get3A_232, %max3A_458 : vector<300x80xf32>
    %abs3A_460 = math.absf %get3A_232 : vector<300x80xf32>
    %neg3A_461 = arith.constant 0.000000e+00 : f32
    %neg3A_462 = vector.broadcast %neg3A_461 : f32 to vector<300x80xf32>
    %neg3A_463 = arith.subf %neg3A_462, %abs3A_460 : vector<300x80xf32>
    %exp3A_464 = math.exp %neg3A_463 : vector<300x80xf32>
    %log1p3A_465 = math.log1p %exp3A_464 : vector<300x80xf32>
    %add3A_466 = arith.addf %max3A_459, %log1p3A_465 : vector<300x80xf32>
    %mul3A_467 = arith.constant 7.500000e-01 : f32
    %mul3A_468 = vector.broadcast %mul3A_467 : f32 to vector<300x80xf32>
    %mul3A_469 = arith.mulf %mul3A_468, %div3A_242 : vector<300x80xf32>
    %mul3A_470 = arith.mulf %mul3A_469, %div3A_242 : vector<300x80xf32>
    %mul3A_471 = arith.mulf %mul3A_470, %add3A_466 : vector<300x80xf32>
    %reduce_sum3A_472 = vector.shape_cast %mul3A_471 : vector<300x80xf32> to vector<1x300x80xf32>
    %reduce_sum3A_473 = arith.constant dense<0.000000e+00> : vector<1xf32>
    %reduce_sum3A_474 = vector.multi_reduction <add>, %reduce_sum3A_472, %reduce_sum3A_473 [1, 2] : vector<1x300x80xf32> to vector<1xf32>
    %reduce_sum3A_475 = vector.shape_cast %reduce_sum3A_474 : vector<1xf32> to vector<1x1x1xf32>
    %reduce_sum3A_476 = vector.extract %reduce_sum3A_475[0, 0, 0] : f32 from vector<1x1x1xf32>
    %add3A_477 = arith.addf %add3A_227, %reduce_sum3A_476 : f32
    %get3A_478 = arith.constant 2 : index
    %get3A_479 = arith.constant 0 : index
    %get3A_480 = arith.constant 0 : index
    %get3A_481 = vector.load %arg1[%get3A_478, %get3A_479, %get3A_480] : memref<4x300x80xf32, #tpu.memory_space<vmem>>, vector<1x300x80xf32>
    %get3A_482 = vector.shape_cast %get3A_481 : vector<1x300x80xf32> to vector<300x80xf32>
    %neg3A_483 = arith.constant 0.000000e+00 : f32
    %neg3A_484 = vector.broadcast %neg3A_483 : f32 to vector<300x80xf32>
    %neg3A_485 = arith.subf %neg3A_484, %get3A_482 : vector<300x80xf32>
    %exp3A_486 = math.exp %neg3A_485 : vector<300x80xf32>
    %add3A_487 = arith.constant 1.000000e+00 : f32
    %add3A_488 = vector.broadcast %add3A_487 : f32 to vector<300x80xf32>
    %add3A_489 = arith.addf %add3A_488, %exp3A_486 : vector<300x80xf32>
    %div3A_490 = arith.constant 1.000000e+00 : f32
    %div3A_491 = vector.broadcast %div3A_490 : f32 to vector<300x80xf32>
    %div3A_492 = arith.divf %div3A_491, %add3A_489 : vector<300x80xf32>
    %mul3A_493 = arith.mulf %div3A_492, %div3A_492 : vector<300x80xf32>
    %mul3A_494 = arith.constant 7.500000e-01 : f32
    %mul3A_495 = vector.broadcast %mul3A_494 : f32 to vector<300x80xf32>
    %mul3A_496 = arith.mulf %mul3A_495, %mul3A_493 : vector<300x80xf32>
    %sub3A_497 = arith.constant 1.000000e+00 : f32
    %sub3A_498 = vector.broadcast %sub3A_497 : f32 to vector<300x80xf32>
    %sub3A_499 = arith.subf %sub3A_498, %div3A_492 : vector<300x80xf32>
    %add3A_500 = arith.constant 9.99999993E-9 : f32
    %add3A_501 = vector.broadcast %add3A_500 : f32 to vector<300x80xf32>
    %add3A_502 = arith.addf %sub3A_499, %add3A_501 : vector<300x80xf32>
    %log3A_503 = math.log %add3A_502 : vector<300x80xf32>
    %neg3A_504 = arith.constant 0.000000e+00 : f32
    %neg3A_505 = vector.broadcast %neg3A_504 : f32 to vector<300x80xf32>
    %neg3A_506 = arith.subf %neg3A_505, %log3A_503 : vector<300x80xf32>
    %mul3A_507 = arith.mulf %mul3A_496, %neg3A_506 : vector<300x80xf32>
    %sub3A_508 = arith.constant 1.000000e+00 : f32
    %sub3A_509 = vector.broadcast %sub3A_508 : f32 to vector<300x80xf32>
    %sub3A_510 = arith.subf %sub3A_509, %div3A_492 : vector<300x80xf32>
    %sub3A_511 = arith.constant 1.000000e+00 : f32
    %sub3A_512 = vector.broadcast %sub3A_511 : f32 to vector<300x80xf32>
    %sub3A_513 = arith.subf %sub3A_512, %div3A_492 : vector<300x80xf32>
    %mul3A_514 = arith.mulf %sub3A_510, %sub3A_513 : vector<300x80xf32>
    %mul3A_515 = arith.constant 2.500000e-01 : f32
    %mul3A_516 = vector.broadcast %mul3A_515 : f32 to vector<300x80xf32>
    %mul3A_517 = arith.mulf %mul3A_516, %mul3A_514 : vector<300x80xf32>
    %add3A_518 = arith.constant 9.99999993E-9 : f32
    %add3A_519 = vector.broadcast %add3A_518 : f32 to vector<300x80xf32>
    %add3A_520 = arith.addf %div3A_492, %add3A_519 : vector<300x80xf32>
    %log3A_521 = math.log %add3A_520 : vector<300x80xf32>
    %neg3A_522 = arith.constant 0.000000e+00 : f32
    %neg3A_523 = vector.broadcast %neg3A_522 : f32 to vector<300x80xf32>
    %neg3A_524 = arith.subf %neg3A_523, %log3A_521 : vector<300x80xf32>
    %mul3A_525 = arith.mulf %mul3A_517, %neg3A_524 : vector<300x80xf32>
    %sub3A_526 = arith.subf %mul3A_525, %mul3A_507 : vector<300x80xf32>
    %get3A_527 = arith.constant 2 : index
    %get3A_528 = arith.constant 0 : index
    %get3A_529 = arith.constant 0 : index
    %get3A_530 = vector.load %arg3[%get3A_527, %get3A_528, %get3A_529] : memref<4x1x32xi32, #tpu.memory_space<vmem>>, vector<1x1x32xi32>
    %get3A_531 = vector.shape_cast %get3A_530 : vector<1x1x32xi32> to vector<32xi32>
    %iota3A_532 = tpu.iota {dimensions = array<i32: 1>} : vector<32x80xi32>
    %broadcast_in_dim3A_533 = vector.shape_cast %get3A_531 : vector<32xi32> to vector<32x1xi32>
    %eq3A_534 = vector.broadcast %broadcast_in_dim3A_533 : vector<32x1xi32> to vector<32x80xi32>
    %eq3A_535 = arith.cmpi eq, %eq3A_534, %iota3A_532 : vector<32x80xi32>
    %convert_element_type3A_536 = arith.extui %eq3A_535 : vector<32x80xi1> to vector<32x80xi32>
    %convert_element_type3A_537 = arith.sitofp %convert_element_type3A_536 : vector<32x80xi32> to vector<32x80xf32>
    %dot_general3A_538 = arith.constant dense<0.000000e+00> : vector<32x300xf32>
    %dot_general3A_539 = tpu.matmul %convert_element_type3A_537, %sub3A_526, %dot_general3A_538 {dimension_numbers = #tpu.dot_dimension_numbers<[1], [1], [0], [0], [0, 0, 1, 0], [], []>, transpose_lhs_hint = false} : vector<32x80xf32>, vector<300x80xf32>, vector<32x300xf32> -> vector<32x300xf32>
    %get3A_540 = arith.constant 2 : index
    %get3A_541 = arith.constant 0 : index
    %get3A_542 = arith.constant 0 : index
    %get3A_543 = vector.load %arg2[%get3A_540, %get3A_541, %get3A_542] : memref<4x4x300xf32, #tpu.memory_space<vmem>>, vector<1x4x300xf32>
    %get3A_544 = vector.shape_cast %get3A_543 : vector<1x4x300xf32> to vector<4x300xf32>
    %get3A_545 = arith.constant 2 : index
    %get3A_546 = arith.constant 0 : index
    %get3A_547 = arith.constant 0 : index
    %get3A_548 = vector.load %arg4[%get3A_545, %get3A_546, %get3A_547] : memref<4x4x32xf32, #tpu.memory_space<vmem>>, vector<1x4x32xf32>
    %get3A_549 = vector.shape_cast %get3A_548 : vector<1x4x32xf32> to vector<4x32xf32>
    %broadcast_in_dim3A_550 = arith.constant 0.000000e+00 : f32
    %broadcast_in_dim3A_551 = vector.broadcast %broadcast_in_dim3A_550 : f32 to vector<32x300xf32>
    %slice3A_552 = vector.extract_strided_slice %get3A_549 {offsets = [0, 0], sizes = [1, 32], strides = [1, 1]} : vector<4x32xf32> to vector<1x32xf32>
    %transpose3A_553 = tpu.transpose %slice3A_552, [1, 0] : vector<1x32xf32> -> vector<32x1xf32>
    %slice3A_554 = vector.extract_strided_slice %get3A_544 {offsets = [0, 0], sizes = [1, 300], strides = [1, 1]} : vector<4x300xf32> to vector<1x300xf32>
    %sub3A_555 = vector.broadcast %transpose3A_553 : vector<32x1xf32> to vector<32x300xf32>
    %sub3A_556 = vector.broadcast %slice3A_554 : vector<1x300xf32> to vector<32x300xf32>
    %sub3A_557 = arith.subf %sub3A_555, %sub3A_556 : vector<32x300xf32>
    %abs3A_558 = math.absf %sub3A_557 : vector<32x300xf32>
    %add3A_559 = arith.addf %broadcast_in_dim3A_551, %abs3A_558 : vector<32x300xf32>
    %slice3A_560 = vector.extract_strided_slice %get3A_549 {offsets = [1, 0], sizes = [1, 32], strides = [1, 1]} : vector<4x32xf32> to vector<1x32xf32>
    %transpose3A_561 = tpu.transpose %slice3A_560, [1, 0] : vector<1x32xf32> -> vector<32x1xf32>
    %slice3A_562 = vector.extract_strided_slice %get3A_544 {offsets = [1, 0], sizes = [1, 300], strides = [1, 1]} : vector<4x300xf32> to vector<1x300xf32>
    %sub3A_563 = vector.broadcast %transpose3A_561 : vector<32x1xf32> to vector<32x300xf32>
    %sub3A_564 = vector.broadcast %slice3A_562 : vector<1x300xf32> to vector<32x300xf32>
    %sub3A_565 = arith.subf %sub3A_563, %sub3A_564 : vector<32x300xf32>
    %abs3A_566 = math.absf %sub3A_565 : vector<32x300xf32>
    %add3A_567 = arith.addf %add3A_559, %abs3A_566 : vector<32x300xf32>
    %slice3A_568 = vector.extract_strided_slice %get3A_549 {offsets = [2, 0], sizes = [1, 32], strides = [1, 1]} : vector<4x32xf32> to vector<1x32xf32>
    %transpose3A_569 = tpu.transpose %slice3A_568, [1, 0] : vector<1x32xf32> -> vector<32x1xf32>
    %slice3A_570 = vector.extract_strided_slice %get3A_544 {offsets = [2, 0], sizes = [1, 300], strides = [1, 1]} : vector<4x300xf32> to vector<1x300xf32>
    %sub3A_571 = vector.broadcast %transpose3A_569 : vector<32x1xf32> to vector<32x300xf32>
    %sub3A_572 = vector.broadcast %slice3A_570 : vector<1x300xf32> to vector<32x300xf32>
    %sub3A_573 = arith.subf %sub3A_571, %sub3A_572 : vector<32x300xf32>
    %abs3A_574 = math.absf %sub3A_573 : vector<32x300xf32>
    %add3A_575 = arith.addf %add3A_567, %abs3A_574 : vector<32x300xf32>
    %slice3A_576 = vector.extract_strided_slice %get3A_549 {offsets = [3, 0], sizes = [1, 32], strides = [1, 1]} : vector<4x32xf32> to vector<1x32xf32>
    %transpose3A_577 = tpu.transpose %slice3A_576, [1, 0] : vector<1x32xf32> -> vector<32x1xf32>
    %slice3A_578 = vector.extract_strided_slice %get3A_544 {offsets = [3, 0], sizes = [1, 300], strides = [1, 1]} : vector<4x300xf32> to vector<1x300xf32>
    %sub3A_579 = vector.broadcast %transpose3A_577 : vector<32x1xf32> to vector<32x300xf32>
    %sub3A_580 = vector.broadcast %slice3A_578 : vector<1x300xf32> to vector<32x300xf32>
    %sub3A_581 = arith.subf %sub3A_579, %sub3A_580 : vector<32x300xf32>
    %abs3A_582 = math.absf %sub3A_581 : vector<32x300xf32>
    %add3A_583 = arith.addf %add3A_575, %abs3A_582 : vector<32x300xf32>
    %slice3A_584 = vector.extract_strided_slice %get3A_549 {offsets = [0, 0], sizes = [1, 32], strides = [1, 1]} : vector<4x32xf32> to vector<1x32xf32>
    %transpose3A_585 = tpu.transpose %slice3A_584, [1, 0] : vector<1x32xf32> -> vector<32x1xf32>
    %slice3A_586 = vector.extract_strided_slice %get3A_549 {offsets = [1, 0], sizes = [1, 32], strides = [1, 1]} : vector<4x32xf32> to vector<1x32xf32>
    %transpose3A_587 = tpu.transpose %slice3A_586, [1, 0] : vector<1x32xf32> -> vector<32x1xf32>
    %slice3A_588 = vector.extract_strided_slice %get3A_549 {offsets = [2, 0], sizes = [1, 32], strides = [1, 1]} : vector<4x32xf32> to vector<1x32xf32>
    %transpose3A_589 = tpu.transpose %slice3A_588, [1, 0] : vector<1x32xf32> -> vector<32x1xf32>
    %slice3A_590 = vector.extract_strided_slice %get3A_549 {offsets = [3, 0], sizes = [1, 32], strides = [1, 1]} : vector<4x32xf32> to vector<1x32xf32>
    %transpose3A_591 = tpu.transpose %slice3A_590, [1, 0] : vector<1x32xf32> -> vector<32x1xf32>
    %mul3A_592 = arith.constant 5.000000e-01 : f32
    %mul3A_593 = vector.broadcast %mul3A_592 : f32 to vector<32x1xf32>
    %mul3A_594 = arith.mulf %mul3A_593, %transpose3A_589 : vector<32x1xf32>
    %sub3A_595 = arith.subf %transpose3A_585, %mul3A_594 : vector<32x1xf32>
    %mul3A_596 = arith.constant 5.000000e-01 : f32
    %mul3A_597 = vector.broadcast %mul3A_596 : f32 to vector<32x1xf32>
    %mul3A_598 = arith.mulf %mul3A_597, %transpose3A_591 : vector<32x1xf32>
    %sub3A_599 = arith.subf %transpose3A_587, %mul3A_598 : vector<32x1xf32>
    %mul3A_600 = arith.constant 5.000000e-01 : f32
    %mul3A_601 = vector.broadcast %mul3A_600 : f32 to vector<32x1xf32>
    %mul3A_602 = arith.mulf %mul3A_601, %transpose3A_589 : vector<32x1xf32>
    %add3A_603 = arith.addf %transpose3A_585, %mul3A_602 : vector<32x1xf32>
    %mul3A_604 = arith.constant 5.000000e-01 : f32
    %mul3A_605 = vector.broadcast %mul3A_604 : f32 to vector<32x1xf32>
    %mul3A_606 = arith.mulf %mul3A_605, %transpose3A_591 : vector<32x1xf32>
    %add3A_607 = arith.addf %transpose3A_587, %mul3A_606 : vector<32x1xf32>
    %slice3A_608 = vector.extract_strided_slice %get3A_544 {offsets = [0, 0], sizes = [1, 300], strides = [1, 1]} : vector<4x300xf32> to vector<1x300xf32>
    %slice3A_609 = vector.extract_strided_slice %get3A_544 {offsets = [1, 0], sizes = [1, 300], strides = [1, 1]} : vector<4x300xf32> to vector<1x300xf32>
    %slice3A_610 = vector.extract_strided_slice %get3A_544 {offsets = [2, 0], sizes = [1, 300], strides = [1, 1]} : vector<4x300xf32> to vector<1x300xf32>
    %slice3A_611 = vector.extract_strided_slice %get3A_544 {offsets = [3, 0], sizes = [1, 300], strides = [1, 1]} : vector<4x300xf32> to vector<1x300xf32>
    %mul3A_612 = arith.constant 5.000000e-01 : f32
    %mul3A_613 = vector.broadcast %mul3A_612 : f32 to vector<1x300xf32>
    %mul3A_614 = arith.mulf %mul3A_613, %slice3A_610 : vector<1x300xf32>
    %sub3A_615 = arith.subf %slice3A_608, %mul3A_614 : vector<1x300xf32>
    %mul3A_616 = arith.constant 5.000000e-01 : f32
    %mul3A_617 = vector.broadcast %mul3A_616 : f32 to vector<1x300xf32>
    %mul3A_618 = arith.mulf %mul3A_617, %slice3A_611 : vector<1x300xf32>
    %sub3A_619 = arith.subf %slice3A_609, %mul3A_618 : vector<1x300xf32>
    %mul3A_620 = arith.constant 5.000000e-01 : f32
    %mul3A_621 = vector.broadcast %mul3A_620 : f32 to vector<1x300xf32>
    %mul3A_622 = arith.mulf %mul3A_621, %slice3A_610 : vector<1x300xf32>
    %add3A_623 = arith.addf %slice3A_608, %mul3A_622 : vector<1x300xf32>
    %mul3A_624 = arith.constant 5.000000e-01 : f32
    %mul3A_625 = vector.broadcast %mul3A_624 : f32 to vector<1x300xf32>
    %mul3A_626 = arith.mulf %mul3A_625, %slice3A_611 : vector<1x300xf32>
    %add3A_627 = arith.addf %slice3A_609, %mul3A_626 : vector<1x300xf32>
    %sub3A_628 = arith.subf %add3A_603, %sub3A_595 : vector<32x1xf32>
    %sub3A_629 = arith.subf %add3A_607, %sub3A_599 : vector<32x1xf32>
    %mul3A_630 = arith.mulf %sub3A_628, %sub3A_629 : vector<32x1xf32>
    %sub3A_631 = arith.subf %add3A_623, %sub3A_615 : vector<1x300xf32>
    %sub3A_632 = arith.subf %add3A_627, %sub3A_619 : vector<1x300xf32>
    %mul3A_633 = arith.mulf %sub3A_631, %sub3A_632 : vector<1x300xf32>
    %min3A_634 = vector.broadcast %add3A_603 : vector<32x1xf32> to vector<32x300xf32>
    %min3A_635 = vector.broadcast %add3A_623 : vector<1x300xf32> to vector<32x300xf32>
    %min3A_636 = arith.minimumf %min3A_634, %min3A_635 : vector<32x300xf32>
    %max3A_637 = vector.broadcast %sub3A_595 : vector<32x1xf32> to vector<32x300xf32>
    %max3A_638 = vector.broadcast %sub3A_615 : vector<1x300xf32> to vector<32x300xf32>
    %max3A_639 = arith.maximumf %max3A_637, %max3A_638 : vector<32x300xf32>
    %sub3A_640 = arith.subf %min3A_636, %max3A_639 : vector<32x300xf32>
    %jit3A_641 = arith.constant 0.000000e+00 : f32
    %max3A_642 = vector.broadcast %jit3A_641 : f32 to vector<32x300xf32>
    %max3A_643 = arith.maximumf %max3A_642, %sub3A_640 : vector<32x300xf32>
    %min3A_644 = vector.broadcast %add3A_607 : vector<32x1xf32> to vector<32x300xf32>
    %min3A_645 = vector.broadcast %add3A_627 : vector<1x300xf32> to vector<32x300xf32>
    %min3A_646 = arith.minimumf %min3A_644, %min3A_645 : vector<32x300xf32>
    %max3A_647 = vector.broadcast %sub3A_599 : vector<32x1xf32> to vector<32x300xf32>
    %max3A_648 = vector.broadcast %sub3A_619 : vector<1x300xf32> to vector<32x300xf32>
    %max3A_649 = arith.maximumf %max3A_647, %max3A_648 : vector<32x300xf32>
    %sub3A_650 = arith.subf %min3A_646, %max3A_649 : vector<32x300xf32>
    %jit3A_651 = arith.constant 0.000000e+00 : f32
    %max3A_652 = vector.broadcast %jit3A_651 : f32 to vector<32x300xf32>
    %max3A_653 = arith.maximumf %max3A_652, %sub3A_650 : vector<32x300xf32>
    %mul3A_654 = arith.mulf %max3A_643, %max3A_653 : vector<32x300xf32>
    %add3A_655 = vector.broadcast %mul3A_630 : vector<32x1xf32> to vector<32x300xf32>
    %add3A_656 = vector.broadcast %mul3A_633 : vector<1x300xf32> to vector<32x300xf32>
    %add3A_657 = arith.addf %add3A_655, %add3A_656 : vector<32x300xf32>
    %sub3A_658 = arith.subf %add3A_657, %mul3A_654 : vector<32x300xf32>
    %div3A_659 = arith.divf %mul3A_654, %sub3A_658 : vector<32x300xf32>
    %max3A_660 = vector.broadcast %add3A_603 : vector<32x1xf32> to vector<32x300xf32>
    %max3A_661 = vector.broadcast %add3A_623 : vector<1x300xf32> to vector<32x300xf32>
    %max3A_662 = arith.maximumf %max3A_660, %max3A_661 : vector<32x300xf32>
    %min3A_663 = vector.broadcast %sub3A_595 : vector<32x1xf32> to vector<32x300xf32>
    %min3A_664 = vector.broadcast %sub3A_615 : vector<1x300xf32> to vector<32x300xf32>
    %min3A_665 = arith.minimumf %min3A_663, %min3A_664 : vector<32x300xf32>
    %sub3A_666 = arith.subf %max3A_662, %min3A_665 : vector<32x300xf32>
    %jit3A_667 = arith.constant 0.000000e+00 : f32
    %max3A_668 = vector.broadcast %jit3A_667 : f32 to vector<32x300xf32>
    %max3A_669 = arith.maximumf %max3A_668, %sub3A_666 : vector<32x300xf32>
    %max3A_670 = vector.broadcast %add3A_607 : vector<32x1xf32> to vector<32x300xf32>
    %max3A_671 = vector.broadcast %add3A_627 : vector<1x300xf32> to vector<32x300xf32>
    %max3A_672 = arith.maximumf %max3A_670, %max3A_671 : vector<32x300xf32>
    %min3A_673 = vector.broadcast %sub3A_599 : vector<32x1xf32> to vector<32x300xf32>
    %min3A_674 = vector.broadcast %sub3A_619 : vector<1x300xf32> to vector<32x300xf32>
    %min3A_675 = arith.minimumf %min3A_673, %min3A_674 : vector<32x300xf32>
    %sub3A_676 = arith.subf %max3A_672, %min3A_675 : vector<32x300xf32>
    %jit3A_677 = arith.constant 0.000000e+00 : f32
    %max3A_678 = vector.broadcast %jit3A_677 : f32 to vector<32x300xf32>
    %max3A_679 = arith.maximumf %max3A_678, %sub3A_676 : vector<32x300xf32>
    %mul3A_680 = arith.mulf %max3A_669, %max3A_679 : vector<32x300xf32>
    %sub3A_681 = arith.subf %mul3A_680, %sub3A_658 : vector<32x300xf32>
    %div3A_682 = arith.divf %sub3A_681, %mul3A_680 : vector<32x300xf32>
    %sub3A_683 = arith.subf %div3A_659, %div3A_682 : vector<32x300xf32>
    %mul3A_684 = arith.constant 5.000000e+00 : f32
    %mul3A_685 = vector.broadcast %mul3A_684 : f32 to vector<32x300xf32>
    %mul3A_686 = arith.mulf %mul3A_685, %add3A_583 : vector<32x300xf32>
    %mul3A_687 = arith.constant 2.000000e+00 : f32
    %mul3A_688 = vector.broadcast %mul3A_687 : f32 to vector<32x300xf32>
    %mul3A_689 = arith.mulf %mul3A_688, %dot_general3A_539 : vector<32x300xf32>
    %add3A_690 = arith.addf %mul3A_686, %mul3A_689 : vector<32x300xf32>
    %neg3A_691 = arith.constant 0.000000e+00 : f32
    %neg3A_692 = vector.broadcast %neg3A_691 : f32 to vector<32x300xf32>
    %neg3A_693 = arith.subf %neg3A_692, %sub3A_683 : vector<32x300xf32>
    %mul3A_694 = arith.constant 2.000000e+00 : f32
    %mul3A_695 = vector.broadcast %mul3A_694 : f32 to vector<32x300xf32>
    %mul3A_696 = arith.mulf %mul3A_695, %neg3A_693 : vector<32x300xf32>
    %add3A_697 = arith.addf %add3A_690, %mul3A_696 : vector<32x300xf32>
    %broadcast_in_dim3A_698 = arith.constant 1.000000e+09 : f32
    %broadcast_in_dim3A_699 = vector.broadcast %broadcast_in_dim3A_698 : f32 to vector<32x4xf32>
    %concatenate3A_700 = tpu.concatenate %add3A_697, %broadcast_in_dim3A_699 in 1 : vector<32x300xf32>, vector<32x4xf32> -> vector<32x304xf32>
    %swap3A_701 = arith.constant 2 : index
    %swap3A_702 = arith.constant 0 : index
    %swap3A_703 = arith.constant 0 : index
    %swap3A_704 = vector.load %arg5[%swap3A_701, %swap3A_702, %swap3A_703] : memref<4x32x304xf32, #tpu.memory_space<vmem>>, vector<1x32x304xf32>
    %swap3A_705 = vector.shape_cast %swap3A_704 : vector<1x32x304xf32> to vector<32x304xf32>
    %swap3A_706 = vector.shape_cast %concatenate3A_700 : vector<32x304xf32> to vector<1x32x304xf32>
    tpu.vector_store %arg5[%swap3A_701, %swap3A_702, %swap3A_703], %swap3A_706 {strides = array<i32>} : memref<4x32x304xf32, #tpu.memory_space<vmem>>, vector<1x32x304xf32>,
    %max3A_707 = arith.constant 0.000000e+00 : f32
    %max3A_708 = vector.broadcast %max3A_707 : f32 to vector<300x80xf32>
    %max3A_709 = arith.maximumf %get3A_482, %max3A_708 : vector<300x80xf32>
    %abs3A_710 = math.absf %get3A_482 : vector<300x80xf32>
    %neg3A_711 = arith.constant 0.000000e+00 : f32
    %neg3A_712 = vector.broadcast %neg3A_711 : f32 to vector<300x80xf32>
    %neg3A_713 = arith.subf %neg3A_712, %abs3A_710 : vector<300x80xf32>
    %exp3A_714 = math.exp %neg3A_713 : vector<300x80xf32>
    %log1p3A_715 = math.log1p %exp3A_714 : vector<300x80xf32>
    %add3A_716 = arith.addf %max3A_709, %log1p3A_715 : vector<300x80xf32>
    %mul3A_717 = arith.constant 7.500000e-01 : f32
    %mul3A_718 = vector.broadcast %mul3A_717 : f32 to vector<300x80xf32>
    %mul3A_719 = arith.mulf %mul3A_718, %div3A_492 : vector<300x80xf32>
    %mul3A_720 = arith.mulf %mul3A_719, %div3A_492 : vector<300x80xf32>
    %mul3A_721 = arith.mulf %mul3A_720, %add3A_716 : vector<300x80xf32>
    %reduce_sum3A_722 = vector.shape_cast %mul3A_721 : vector<300x80xf32> to vector<1x300x80xf32>
    %reduce_sum3A_723 = arith.constant dense<0.000000e+00> : vector<1xf32>
    %reduce_sum3A_724 = vector.multi_reduction <add>, %reduce_sum3A_722, %reduce_sum3A_723 [1, 2] : vector<1x300x80xf32> to vector<1xf32>
    %reduce_sum3A_725 = vector.shape_cast %reduce_sum3A_724 : vector<1xf32> to vector<1x1x1xf32>
    %reduce_sum3A_726 = vector.extract %reduce_sum3A_725[0, 0, 0] : f32 from vector<1x1x1xf32>
    %add3A_727 = arith.addf %add3A_477, %reduce_sum3A_726 : f32
    %get3A_728 = arith.constant 3 : index
    %get3A_729 = arith.constant 0 : index
    %get3A_730 = arith.constant 0 : index
    %get3A_731 = vector.load %arg1[%get3A_728, %get3A_729, %get3A_730] : memref<4x300x80xf32, #tpu.memory_space<vmem>>, vector<1x300x80xf32>
    %get3A_732 = vector.shape_cast %get3A_731 : vector<1x300x80xf32> to vector<300x80xf32>
    %neg3A_733 = arith.constant 0.000000e+00 : f32
    %neg3A_734 = vector.broadcast %neg3A_733 : f32 to vector<300x80xf32>
    %neg3A_735 = arith.subf %neg3A_734, %get3A_732 : vector<300x80xf32>
    %exp3A_736 = math.exp %neg3A_735 : vector<300x80xf32>
    %add3A_737 = arith.constant 1.000000e+00 : f32
    %add3A_738 = vector.broadcast %add3A_737 : f32 to vector<300x80xf32>
    %add3A_739 = arith.addf %add3A_738, %exp3A_736 : vector<300x80xf32>
    %div3A_740 = arith.constant 1.000000e+00 : f32
    %div3A_741 = vector.broadcast %div3A_740 : f32 to vector<300x80xf32>
    %div3A_742 = arith.divf %div3A_741, %add3A_739 : vector<300x80xf32>
    %mul3A_743 = arith.mulf %div3A_742, %div3A_742 : vector<300x80xf32>
    %mul3A_744 = arith.constant 7.500000e-01 : f32
    %mul3A_745 = vector.broadcast %mul3A_744 : f32 to vector<300x80xf32>
    %mul3A_746 = arith.mulf %mul3A_745, %mul3A_743 : vector<300x80xf32>
    %sub3A_747 = arith.constant 1.000000e+00 : f32
    %sub3A_748 = vector.broadcast %sub3A_747 : f32 to vector<300x80xf32>
    %sub3A_749 = arith.subf %sub3A_748, %div3A_742 : vector<300x80xf32>
    %add3A_750 = arith.constant 9.99999993E-9 : f32
    %add3A_751 = vector.broadcast %add3A_750 : f32 to vector<300x80xf32>
    %add3A_752 = arith.addf %sub3A_749, %add3A_751 : vector<300x80xf32>
    %log3A_753 = math.log %add3A_752 : vector<300x80xf32>
    %neg3A_754 = arith.constant 0.000000e+00 : f32
    %neg3A_755 = vector.broadcast %neg3A_754 : f32 to vector<300x80xf32>
    %neg3A_756 = arith.subf %neg3A_755, %log3A_753 : vector<300x80xf32>
    %mul3A_757 = arith.mulf %mul3A_746, %neg3A_756 : vector<300x80xf32>
    %sub3A_758 = arith.constant 1.000000e+00 : f32
    %sub3A_759 = vector.broadcast %sub3A_758 : f32 to vector<300x80xf32>
    %sub3A_760 = arith.subf %sub3A_759, %div3A_742 : vector<300x80xf32>
    %sub3A_761 = arith.constant 1.000000e+00 : f32
    %sub3A_762 = vector.broadcast %sub3A_761 : f32 to vector<300x80xf32>
    %sub3A_763 = arith.subf %sub3A_762, %div3A_742 : vector<300x80xf32>
    %mul3A_764 = arith.mulf %sub3A_760, %sub3A_763 : vector<300x80xf32>
    %mul3A_765 = arith.constant 2.500000e-01 : f32
    %mul3A_766 = vector.broadcast %mul3A_765 : f32 to vector<300x80xf32>
    %mul3A_767 = arith.mulf %mul3A_766, %mul3A_764 : vector<300x80xf32>
    %add3A_768 = arith.constant 9.99999993E-9 : f32
    %add3A_769 = vector.broadcast %add3A_768 : f32 to vector<300x80xf32>
    %add3A_770 = arith.addf %div3A_742, %add3A_769 : vector<300x80xf32>
    %log3A_771 = math.log %add3A_770 : vector<300x80xf32>
    %neg3A_772 = arith.constant 0.000000e+00 : f32
    %neg3A_773 = vector.broadcast %neg3A_772 : f32 to vector<300x80xf32>
    %neg3A_774 = arith.subf %neg3A_773, %log3A_771 : vector<300x80xf32>
    %mul3A_775 = arith.mulf %mul3A_767, %neg3A_774 : vector<300x80xf32>
    %sub3A_776 = arith.subf %mul3A_775, %mul3A_757 : vector<300x80xf32>
    %get3A_777 = arith.constant 3 : index
    %get3A_778 = arith.constant 0 : index
    %get3A_779 = arith.constant 0 : index
    %get3A_780 = vector.load %arg3[%get3A_777, %get3A_778, %get3A_779] : memref<4x1x32xi32, #tpu.memory_space<vmem>>, vector<1x1x32xi32>
    %get3A_781 = vector.shape_cast %get3A_780 : vector<1x1x32xi32> to vector<32xi32>
    %iota3A_782 = tpu.iota {dimensions = array<i32: 1>} : vector<32x80xi32>
    %broadcast_in_dim3A_783 = vector.shape_cast %get3A_781 : vector<32xi32> to vector<32x1xi32>
    %eq3A_784 = vector.broadcast %broadcast_in_dim3A_783 : vector<32x1xi32> to vector<32x80xi32>
    %eq3A_785 = arith.cmpi eq, %eq3A_784, %iota3A_782 : vector<32x80xi32>
    %convert_element_type3A_786 = arith.extui %eq3A_785 : vector<32x80xi1> to vector<32x80xi32>
    %convert_element_type3A_787 = arith.sitofp %convert_element_type3A_786 : vector<32x80xi32> to vector<32x80xf32>
    %dot_general3A_788 = arith.constant dense<0.000000e+00> : vector<32x300xf32>
    %dot_general3A_789 = tpu.matmul %convert_element_type3A_787, %sub3A_776, %dot_general3A_788 {dimension_numbers = #tpu.dot_dimension_numbers<[1], [1], [0], [0], [0, 0, 1, 0], [], []>, transpose_lhs_hint = false} : vector<32x80xf32>, vector<300x80xf32>, vector<32x300xf32> -> vector<32x300xf32>
    %get3A_790 = arith.constant 3 : index
    %get3A_791 = arith.constant 0 : index
    %get3A_792 = arith.constant 0 : index
    %get3A_793 = vector.load %arg2[%get3A_790, %get3A_791, %get3A_792] : memref<4x4x300xf32, #tpu.memory_space<vmem>>, vector<1x4x300xf32>
    %get3A_794 = vector.shape_cast %get3A_793 : vector<1x4x300xf32> to vector<4x300xf32>
    %get3A_795 = arith.constant 3 : index
    %get3A_796 = arith.constant 0 : index
    %get3A_797 = arith.constant 0 : index
    %get3A_798 = vector.load %arg4[%get3A_795, %get3A_796, %get3A_797] : memref<4x4x32xf32, #tpu.memory_space<vmem>>, vector<1x4x32xf32>
    %get3A_799 = vector.shape_cast %get3A_798 : vector<1x4x32xf32> to vector<4x32xf32>
    %broadcast_in_dim3A_800 = arith.constant 0.000000e+00 : f32
    %broadcast_in_dim3A_801 = vector.broadcast %broadcast_in_dim3A_800 : f32 to vector<32x300xf32>
    %slice3A_802 = vector.extract_strided_slice %get3A_799 {offsets = [0, 0], sizes = [1, 32], strides = [1, 1]} : vector<4x32xf32> to vector<1x32xf32>
    %transpose3A_803 = tpu.transpose %slice3A_802, [1, 0] : vector<1x32xf32> -> vector<32x1xf32>
    %slice3A_804 = vector.extract_strided_slice %get3A_794 {offsets = [0, 0], sizes = [1, 300], strides = [1, 1]} : vector<4x300xf32> to vector<1x300xf32>
    %sub3A_805 = vector.broadcast %transpose3A_803 : vector<32x1xf32> to vector<32x300xf32>
    %sub3A_806 = vector.broadcast %slice3A_804 : vector<1x300xf32> to vector<32x300xf32>
    %sub3A_807 = arith.subf %sub3A_805, %sub3A_806 : vector<32x300xf32>
    %abs3A_808 = math.absf %sub3A_807 : vector<32x300xf32>
    %add3A_809 = arith.addf %broadcast_in_dim3A_801, %abs3A_808 : vector<32x300xf32>
    %slice3A_810 = vector.extract_strided_slice %get3A_799 {offsets = [1, 0], sizes = [1, 32], strides = [1, 1]} : vector<4x32xf32> to vector<1x32xf32>
    %transpose3A_811 = tpu.transpose %slice3A_810, [1, 0] : vector<1x32xf32> -> vector<32x1xf32>
    %slice3A_812 = vector.extract_strided_slice %get3A_794 {offsets = [1, 0], sizes = [1, 300], strides = [1, 1]} : vector<4x300xf32> to vector<1x300xf32>
    %sub3A_813 = vector.broadcast %transpose3A_811 : vector<32x1xf32> to vector<32x300xf32>
    %sub3A_814 = vector.broadcast %slice3A_812 : vector<1x300xf32> to vector<32x300xf32>
    %sub3A_815 = arith.subf %sub3A_813, %sub3A_814 : vector<32x300xf32>
    %abs3A_816 = math.absf %sub3A_815 : vector<32x300xf32>
    %add3A_817 = arith.addf %add3A_809, %abs3A_816 : vector<32x300xf32>
    %slice3A_818 = vector.extract_strided_slice %get3A_799 {offsets = [2, 0], sizes = [1, 32], strides = [1, 1]} : vector<4x32xf32> to vector<1x32xf32>
    %transpose3A_819 = tpu.transpose %slice3A_818, [1, 0] : vector<1x32xf32> -> vector<32x1xf32>
    %slice3A_820 = vector.extract_strided_slice %get3A_794 {offsets = [2, 0], sizes = [1, 300], strides = [1, 1]} : vector<4x300xf32> to vector<1x300xf32>
    %sub3A_821 = vector.broadcast %transpose3A_819 : vector<32x1xf32> to vector<32x300xf32>
    %sub3A_822 = vector.broadcast %slice3A_820 : vector<1x300xf32> to vector<32x300xf32>
    %sub3A_823 = arith.subf %sub3A_821, %sub3A_822 : vector<32x300xf32>
    %abs3A_824 = math.absf %sub3A_823 : vector<32x300xf32>
    %add3A_825 = arith.addf %add3A_817, %abs3A_824 : vector<32x300xf32>
    %slice3A_826 = vector.extract_strided_slice %get3A_799 {offsets = [3, 0], sizes = [1, 32], strides = [1, 1]} : vector<4x32xf32> to vector<1x32xf32>
    %transpose3A_827 = tpu.transpose %slice3A_826, [1, 0] : vector<1x32xf32> -> vector<32x1xf32>
    %slice3A_828 = vector.extract_strided_slice %get3A_794 {offsets = [3, 0], sizes = [1, 300], strides = [1, 1]} : vector<4x300xf32> to vector<1x300xf32>
    %sub3A_829 = vector.broadcast %transpose3A_827 : vector<32x1xf32> to vector<32x300xf32>
    %sub3A_830 = vector.broadcast %slice3A_828 : vector<1x300xf32> to vector<32x300xf32>
    %sub3A_831 = arith.subf %sub3A_829, %sub3A_830 : vector<32x300xf32>
    %abs3A_832 = math.absf %sub3A_831 : vector<32x300xf32>
    %add3A_833 = arith.addf %add3A_825, %abs3A_832 : vector<32x300xf32>
    %slice3A_834 = vector.extract_strided_slice %get3A_799 {offsets = [0, 0], sizes = [1, 32], strides = [1, 1]} : vector<4x32xf32> to vector<1x32xf32>
    %transpose3A_835 = tpu.transpose %slice3A_834, [1, 0] : vector<1x32xf32> -> vector<32x1xf32>
    %slice3A_836 = vector.extract_strided_slice %get3A_799 {offsets = [1, 0], sizes = [1, 32], strides = [1, 1]} : vector<4x32xf32> to vector<1x32xf32>
    %transpose3A_837 = tpu.transpose %slice3A_836, [1, 0] : vector<1x32xf32> -> vector<32x1xf32>
    %slice3A_838 = vector.extract_strided_slice %get3A_799 {offsets = [2, 0], sizes = [1, 32], strides = [1, 1]} : vector<4x32xf32> to vector<1x32xf32>
    %transpose3A_839 = tpu.transpose %slice3A_838, [1, 0] : vector<1x32xf32> -> vector<32x1xf32>
    %slice3A_840 = vector.extract_strided_slice %get3A_799 {offsets = [3, 0], sizes = [1, 32], strides = [1, 1]} : vector<4x32xf32> to vector<1x32xf32>
    %transpose3A_841 = tpu.transpose %slice3A_840, [1, 0] : vector<1x32xf32> -> vector<32x1xf32>
    %mul3A_842 = arith.constant 5.000000e-01 : f32
    %mul3A_843 = vector.broadcast %mul3A_842 : f32 to vector<32x1xf32>
    %mul3A_844 = arith.mulf %mul3A_843, %transpose3A_839 : vector<32x1xf32>
    %sub3A_845 = arith.subf %transpose3A_835, %mul3A_844 : vector<32x1xf32>
    %mul3A_846 = arith.constant 5.000000e-01 : f32
    %mul3A_847 = vector.broadcast %mul3A_846 : f32 to vector<32x1xf32>
    %mul3A_848 = arith.mulf %mul3A_847, %transpose3A_841 : vector<32x1xf32>
    %sub3A_849 = arith.subf %transpose3A_837, %mul3A_848 : vector<32x1xf32>
    %mul3A_850 = arith.constant 5.000000e-01 : f32
    %mul3A_851 = vector.broadcast %mul3A_850 : f32 to vector<32x1xf32>
    %mul3A_852 = arith.mulf %mul3A_851, %transpose3A_839 : vector<32x1xf32>
    %add3A_853 = arith.addf %transpose3A_835, %mul3A_852 : vector<32x1xf32>
    %mul3A_854 = arith.constant 5.000000e-01 : f32
    %mul3A_855 = vector.broadcast %mul3A_854 : f32 to vector<32x1xf32>
    %mul3A_856 = arith.mulf %mul3A_855, %transpose3A_841 : vector<32x1xf32>
    %add3A_857 = arith.addf %transpose3A_837, %mul3A_856 : vector<32x1xf32>
    %slice3A_858 = vector.extract_strided_slice %get3A_794 {offsets = [0, 0], sizes = [1, 300], strides = [1, 1]} : vector<4x300xf32> to vector<1x300xf32>
    %slice3A_859 = vector.extract_strided_slice %get3A_794 {offsets = [1, 0], sizes = [1, 300], strides = [1, 1]} : vector<4x300xf32> to vector<1x300xf32>
    %slice3A_860 = vector.extract_strided_slice %get3A_794 {offsets = [2, 0], sizes = [1, 300], strides = [1, 1]} : vector<4x300xf32> to vector<1x300xf32>
    %slice3A_861 = vector.extract_strided_slice %get3A_794 {offsets = [3, 0], sizes = [1, 300], strides = [1, 1]} : vector<4x300xf32> to vector<1x300xf32>
    %mul3A_862 = arith.constant 5.000000e-01 : f32
    %mul3A_863 = vector.broadcast %mul3A_862 : f32 to vector<1x300xf32>
    %mul3A_864 = arith.mulf %mul3A_863, %slice3A_860 : vector<1x300xf32>
    %sub3A_865 = arith.subf %slice3A_858, %mul3A_864 : vector<1x300xf32>
    %mul3A_866 = arith.constant 5.000000e-01 : f32
    %mul3A_867 = vector.broadcast %mul3A_866 : f32 to vector<1x300xf32>
    %mul3A_868 = arith.mulf %mul3A_867, %slice3A_861 : vector<1x300xf32>
    %sub3A_869 = arith.subf %slice3A_859, %mul3A_868 : vector<1x300xf32>
    %mul3A_870 = arith.constant 5.000000e-01 : f32
    %mul3A_871 = vector.broadcast %mul3A_870 : f32 to vector<1x300xf32>
    %mul3A_872 = arith.mulf %mul3A_871, %slice3A_860 : vector<1x300xf32>
    %add3A_873 = arith.addf %slice3A_858, %mul3A_872 : vector<1x300xf32>
    %mul3A_874 = arith.constant 5.000000e-01 : f32
    %mul3A_875 = vector.broadcast %mul3A_874 : f32 to vector<1x300xf32>
    %mul3A_876 = arith.mulf %mul3A_875, %slice3A_861 : vector<1x300xf32>
    %add3A_877 = arith.addf %slice3A_859, %mul3A_876 : vector<1x300xf32>
    %sub3A_878 = arith.subf %add3A_853, %sub3A_845 : vector<32x1xf32>
    %sub3A_879 = arith.subf %add3A_857, %sub3A_849 : vector<32x1xf32>
    %mul3A_880 = arith.mulf %sub3A_878, %sub3A_879 : vector<32x1xf32>
    %sub3A_881 = arith.subf %add3A_873, %sub3A_865 : vector<1x300xf32>
    %sub3A_882 = arith.subf %add3A_877, %sub3A_869 : vector<1x300xf32>
    %mul3A_883 = arith.mulf %sub3A_881, %sub3A_882 : vector<1x300xf32>
    %min3A_884 = vector.broadcast %add3A_853 : vector<32x1xf32> to vector<32x300xf32>
    %min3A_885 = vector.broadcast %add3A_873 : vector<1x300xf32> to vector<32x300xf32>
    %min3A_886 = arith.minimumf %min3A_884, %min3A_885 : vector<32x300xf32>
    %max3A_887 = vector.broadcast %sub3A_845 : vector<32x1xf32> to vector<32x300xf32>
    %max3A_888 = vector.broadcast %sub3A_865 : vector<1x300xf32> to vector<32x300xf32>
    %max3A_889 = arith.maximumf %max3A_887, %max3A_888 : vector<32x300xf32>
    %sub3A_890 = arith.subf %min3A_886, %max3A_889 : vector<32x300xf32>
    %jit3A_891 = arith.constant 0.000000e+00 : f32
    %max3A_892 = vector.broadcast %jit3A_891 : f32 to vector<32x300xf32>
    %max3A_893 = arith.maximumf %max3A_892, %sub3A_890 : vector<32x300xf32>
    %min3A_894 = vector.broadcast %add3A_857 : vector<32x1xf32> to vector<32x300xf32>
    %min3A_895 = vector.broadcast %add3A_877 : vector<1x300xf32> to vector<32x300xf32>
    %min3A_896 = arith.minimumf %min3A_894, %min3A_895 : vector<32x300xf32>
    %max3A_897 = vector.broadcast %sub3A_849 : vector<32x1xf32> to vector<32x300xf32>
    %max3A_898 = vector.broadcast %sub3A_869 : vector<1x300xf32> to vector<32x300xf32>
    %max3A_899 = arith.maximumf %max3A_897, %max3A_898 : vector<32x300xf32>
    %sub3A_900 = arith.subf %min3A_896, %max3A_899 : vector<32x300xf32>
    %jit3A_901 = arith.constant 0.000000e+00 : f32
    %max3A_902 = vector.broadcast %jit3A_901 : f32 to vector<32x300xf32>
    %max3A_903 = arith.maximumf %max3A_902, %sub3A_900 : vector<32x300xf32>
    %mul3A_904 = arith.mulf %max3A_893, %max3A_903 : vector<32x300xf32>
    %add3A_905 = vector.broadcast %mul3A_880 : vector<32x1xf32> to vector<32x300xf32>
    %add3A_906 = vector.broadcast %mul3A_883 : vector<1x300xf32> to vector<32x300xf32>
    %add3A_907 = arith.addf %add3A_905, %add3A_906 : vector<32x300xf32>
    %sub3A_908 = arith.subf %add3A_907, %mul3A_904 : vector<32x300xf32>
    %div3A_909 = arith.divf %mul3A_904, %sub3A_908 : vector<32x300xf32>
    %max3A_910 = vector.broadcast %add3A_853 : vector<32x1xf32> to vector<32x300xf32>
    %max3A_911 = vector.broadcast %add3A_873 : vector<1x300xf32> to vector<32x300xf32>
    %max3A_912 = arith.maximumf %max3A_910, %max3A_911 : vector<32x300xf32>
    %min3A_913 = vector.broadcast %sub3A_845 : vector<32x1xf32> to vector<32x300xf32>
    %min3A_914 = vector.broadcast %sub3A_865 : vector<1x300xf32> to vector<32x300xf32>
    %min3A_915 = arith.minimumf %min3A_913, %min3A_914 : vector<32x300xf32>
    %sub3A_916 = arith.subf %max3A_912, %min3A_915 : vector<32x300xf32>
    %jit3A_917 = arith.constant 0.000000e+00 : f32
    %max3A_918 = vector.broadcast %jit3A_917 : f32 to vector<32x300xf32>
    %max3A_919 = arith.maximumf %max3A_918, %sub3A_916 : vector<32x300xf32>
    %max3A_920 = vector.broadcast %add3A_857 : vector<32x1xf32> to vector<32x300xf32>
    %max3A_921 = vector.broadcast %add3A_877 : vector<1x300xf32> to vector<32x300xf32>
    %max3A_922 = arith.maximumf %max3A_920, %max3A_921 : vector<32x300xf32>
    %min3A_923 = vector.broadcast %sub3A_849 : vector<32x1xf32> to vector<32x300xf32>
    %min3A_924 = vector.broadcast %sub3A_869 : vector<1x300xf32> to vector<32x300xf32>
    %min3A_925 = arith.minimumf %min3A_923, %min3A_924 : vector<32x300xf32>
    %sub3A_926 = arith.subf %max3A_922, %min3A_925 : vector<32x300xf32>
    %jit3A_927 = arith.constant 0.000000e+00 : f32
    %max3A_928 = vector.broadcast %jit3A_927 : f32 to vector<32x300xf32>
    %max3A_929 = arith.maximumf %max3A_928, %sub3A_926 : vector<32x300xf32>
    %mul3A_930 = arith.mulf %max3A_919, %max3A_929 : vector<32x300xf32>
    %sub3A_931 = arith.subf %mul3A_930, %sub3A_908 : vector<32x300xf32>
    %div3A_932 = arith.divf %sub3A_931, %mul3A_930 : vector<32x300xf32>
    %sub3A_933 = arith.subf %div3A_909, %div3A_932 : vector<32x300xf32>
    %mul3A_934 = arith.constant 5.000000e+00 : f32
    %mul3A_935 = vector.broadcast %mul3A_934 : f32 to vector<32x300xf32>
    %mul3A_936 = arith.mulf %mul3A_935, %add3A_833 : vector<32x300xf32>
    %mul3A_937 = arith.constant 2.000000e+00 : f32
    %mul3A_938 = vector.broadcast %mul3A_937 : f32 to vector<32x300xf32>
    %mul3A_939 = arith.mulf %mul3A_938, %dot_general3A_789 : vector<32x300xf32>
    %add3A_940 = arith.addf %mul3A_936, %mul3A_939 : vector<32x300xf32>
    %neg3A_941 = arith.constant 0.000000e+00 : f32
    %neg3A_942 = vector.broadcast %neg3A_941 : f32 to vector<32x300xf32>
    %neg3A_943 = arith.subf %neg3A_942, %sub3A_933 : vector<32x300xf32>
    %mul3A_944 = arith.constant 2.000000e+00 : f32
    %mul3A_945 = vector.broadcast %mul3A_944 : f32 to vector<32x300xf32>
    %mul3A_946 = arith.mulf %mul3A_945, %neg3A_943 : vector<32x300xf32>
    %add3A_947 = arith.addf %add3A_940, %mul3A_946 : vector<32x300xf32>
    %broadcast_in_dim3A_948 = arith.constant 1.000000e+09 : f32
    %broadcast_in_dim3A_949 = vector.broadcast %broadcast_in_dim3A_948 : f32 to vector<32x4xf32>
    %concatenate3A_950 = tpu.concatenate %add3A_947, %broadcast_in_dim3A_949 in 1 : vector<32x300xf32>, vector<32x4xf32> -> vector<32x304xf32>
    %swap3A_951 = arith.constant 3 : index
    %swap3A_952 = arith.constant 0 : index
    %swap3A_953 = arith.constant 0 : index
    %swap3A_954 = vector.load %arg5[%swap3A_951, %swap3A_952, %swap3A_953] : memref<4x32x304xf32, #tpu.memory_space<vmem>>, vector<1x32x304xf32>
    %swap3A_955 = vector.shape_cast %swap3A_954 : vector<1x32x304xf32> to vector<32x304xf32>
    %swap3A_956 = vector.shape_cast %concatenate3A_950 : vector<32x304xf32> to vector<1x32x304xf32>
    tpu.vector_store %arg5[%swap3A_951, %swap3A_952, %swap3A_953], %swap3A_956 {strides = array<i32>} : memref<4x32x304xf32, #tpu.memory_space<vmem>>, vector<1x32x304xf32>,
    %max3A_957 = arith.constant 0.000000e+00 : f32
    %max3A_958 = vector.broadcast %max3A_957 : f32 to vector<300x80xf32>
    %max3A_959 = arith.maximumf %get3A_732, %max3A_958 : vector<300x80xf32>
    %abs3A_960 = math.absf %get3A_732 : vector<300x80xf32>
    %neg3A_961 = arith.constant 0.000000e+00 : f32
    %neg3A_962 = vector.broadcast %neg3A_961 : f32 to vector<300x80xf32>
    %neg3A_963 = arith.subf %neg3A_962, %abs3A_960 : vector<300x80xf32>
    %exp3A_964 = math.exp %neg3A_963 : vector<300x80xf32>
    %log1p3A_965 = math.log1p %exp3A_964 : vector<300x80xf32>
    %add3A_966 = arith.addf %max3A_959, %log1p3A_965 : vector<300x80xf32>
    %mul3A_967 = arith.constant 7.500000e-01 : f32
    %mul3A_968 = vector.broadcast %mul3A_967 : f32 to vector<300x80xf32>
    %mul3A_969 = arith.mulf %mul3A_968, %div3A_742 : vector<300x80xf32>
    %mul3A_970 = arith.mulf %mul3A_969, %div3A_742 : vector<300x80xf32>
    %mul3A_971 = arith.mulf %mul3A_970, %add3A_966 : vector<300x80xf32>
    %reduce_sum3A_972 = vector.shape_cast %mul3A_971 : vector<300x80xf32> to vector<1x300x80xf32>
    %reduce_sum3A_973 = arith.constant dense<0.000000e+00> : vector<1xf32>
    %reduce_sum3A_974 = vector.multi_reduction <add>, %reduce_sum3A_972, %reduce_sum3A_973 [1, 2] : vector<1x300x80xf32> to vector<1xf32>
    %reduce_sum3A_975 = vector.shape_cast %reduce_sum3A_974 : vector<1xf32> to vector<1x1x1xf32>
    %reduce_sum3A_976 = vector.extract %reduce_sum3A_975[0, 0, 0] : f32 from vector<1x1x1xf32>
    %add3A_977 = arith.addf %add3A_727, %reduce_sum3A_976 : f32
    %iota3A_978 = tpu.iota {dimensions = array<i32: 1>} : vector<1x128xi32>
    %eq3A_979 = arith.constant 0 : i32
    %eq3A_980 = vector.broadcast %eq3A_979 : i32 to vector<1x128xi32>
    %eq3A_981 = arith.cmpi eq, %iota3A_978, %eq3A_980 : vector<1x128xi32>
    %jit3A_982 = arith.constant 0.000000e+00 : f32
    %broadcast_in_dim3A_983 = vector.broadcast %add3A_977 : f32 to vector<1x128xf32>
    %broadcast_in_dim3A_984 = vector.broadcast %jit3A_982 : f32 to vector<1x128xf32>
    %select_n3A = arith.select %eq3A_981, %broadcast_in_dim3A_983, %broadcast_in_dim3A_984 : vector<1x128xi1>, vector<1x128xf32>
    %eq3A_985 = arith.constant 0 : i32
    %eq3A_986 = arith.cmpi eq, %arg0, %eq3A_985 : i32
    %convert_element_type3A_987 = arith.extui %eq3A_986 : i1 to i32
    %cond3A = arith.constant 0 : i32
    %cond3A_988 = arith.cmpi ne, %convert_element_type3A_987, %cond3A : i32
    scf.if %cond3A_988 {
      %broadcast_in_dim3A_996 = arith.constant 0.000000e+00 : f32
      %broadcast_in_dim3A_997 = vector.broadcast %broadcast_in_dim3A_996 : f32 to vector<1x128xf32>
      %swap3A_998 = arith.constant 0 : index
      %swap3A_999 = arith.constant 0 : index
      %swap3A_1000 = vector.load %arg6[%swap3A_998, %swap3A_999] : memref<1x128xf32, #tpu.memory_space<vmem>>, vector<1x128xf32>
      tpu.vector_store %arg6[%swap3A_998, %swap3A_999], %broadcast_in_dim3A_997 {strides = array<i32>} : memref<1x128xf32, #tpu.memory_space<vmem>>, vector<1x128xf32>,
    } else {
    }
    %get3A_989 = arith.constant 0 : index
    %get3A_990 = arith.constant 0 : index
    %get3A_991 = vector.load %arg6[%get3A_989, %get3A_990] : memref<1x128xf32, #tpu.memory_space<vmem>>, vector<1x128xf32>
    %add3A_992 = arith.addf %get3A_991, %select_n3A : vector<1x128xf32>
    %swap3A_993 = arith.constant 0 : index
    %swap3A_994 = arith.constant 0 : index
    %swap3A_995 = vector.load %arg6[%swap3A_993, %swap3A_994] : memref<1x128xf32, #tpu.memory_space<vmem>>, vector<1x128xf32>
    tpu.vector_store %arg6[%swap3A_993, %swap3A_994], %add3A_992 {strides = array<i32>} : memref<1x128xf32, #tpu.memory_space<vmem>>, vector<1x128xf32>,
    return
  }
  func.func @transform_0(%arg0: i32) -> (i32, i32, i32) {
    %c0_i32 = arith.constant 0 : i32
    %c0_i32_0 = arith.constant 0 : i32
    %c0_i32_1 = arith.constant 0 : i32
    return %arg0, %c0_i32, %c0_i32_0 : i32, i32, i32
  }
  func.func @transform_1(%arg0: i32) -> (i32, i32, i32) {
    %c0_i32 = arith.constant 0 : i32
    %c0_i32_0 = arith.constant 0 : i32
    %c0_i32_1 = arith.constant 0 : i32
    return %arg0, %c0_i32, %c0_i32_0 : i32, i32, i32
  }
  func.func @transform_2(%arg0: i32) -> (i32, i32, i32) {
    %c0_i32 = arith.constant 0 : i32
    %c0_i32_0 = arith.constant 0 : i32
    %c0_i32_1 = arith.constant 0 : i32
    return %arg0, %c0_i32, %c0_i32_0 : i32, i32, i32
  }
  func.func @transform_3(%arg0: i32) -> (i32, i32, i32) {
    %c0_i32 = arith.constant 0 : i32
    %c0_i32_0 = arith.constant 0 : i32
    %c0_i32_1 = arith.constant 0 : i32
    return %arg0, %c0_i32, %c0_i32_0 : i32, i32, i32
  }
  func.func @transform_4(%arg0: i32) -> (i32, i32, i32) {
    %c0_i32 = arith.constant 0 : i32
    %c0_i32_0 = arith.constant 0 : i32
    %c0_i32_1 = arith.constant 0 : i32
    return %arg0, %c0_i32, %c0_i32_0 : i32, i32, i32
  }
  func.func @transform_5(%arg0: i32) -> (i32, i32) {
    %c0_i32 = arith.constant 0 : i32
    %c0_i32_0 = arith.constant 0 : i32
    %c0_i32_1 = arith.constant 0 : i32
    return %c0_i32, %c0_i32_0 : i32, i32
  }
}

</mosaic_0001>

<sc_bundles>
// kernel: kernel.5.cloned.1.call-start
scs
__scs_entry_jumppad:
0x0: {  	(pc) =	sbr.rel $0x88, $3  }
0x1: {  	(tag) =	ssettag $0x0;
	lr =	simm.s32 $0x1  }
0x2: {  	[smem:$0x3F9D] =	sst lr;
	_ =	strace $0xD0000000  }
0x3: {  	_ = 	snop  }
0x4: {  	_ = 	snop  }
0x5: {  	_ = 	snop  }
0x6: {  	_ = 	snop  }
0x7: {  	_ = 	snop  }
__scs_overlays_trampoline_lowered:
0x8: {  	[smem:$0x3FAC] =	sst s0  }
0x9: {  	[smem:$0x3FAD] =	sst s1  }
0xa: {  	[smem:$0x3FAE] =	sst s2  }
0xb: {  	[smem:$0x3FAF] =	sst s3  }
0xc: {  	[smem:$0x3FB0] =	sst s4  }
0xd: {  	[smem:$0x3FB1] =	sst s5  }
0xe: {  	[smem:$0x3FB2] =	sst s6  }
0xf: {  	[smem:$0x3FB3] =	sst s7  }
0x10: {  	[smem:$0x3FB4] =	sst s8  }
0x11: {  	[smem:$0x3FB5] =	sst s9;
	s0 =	simm.s32 @!p0 $0x0  }
0x12: {  	s1 =	sld [smem:$0x3F9B];
	s0 =	simm.s32 @p0 $0x1  }
0x13: {  	[smem:$0x3FB6] =	sst s0;
	s0 =	simm.s32 @!p1 $0x0  }
0x14: {  	s2 =	sld [smem:$0x3F9A];
	s0 =	simm.s32 @p1 $0x1  }
0x15: {  	[smem:$0x3FB7] =	sst s0;
	s0 =	simm.s32 @!p2 $0x0  }
0x16: {  	s3 =	sld [smem:$0x3FDB];
	s0 =	simm.s32 @p2 $0x1  }
0x17: {  	s4 =	simm.s32 $0x1BF5;
	[smem:$0x3FB9] =	sst s0  }
0x18: {  	s0 =	sld [smem:$0x3F9C];
	_ =	swait.ge [sflag:s4], $0x0  }
0x19: {  	s7 =	sld [smem:$0x3F9D]  }
0x1a: {  	s8 =	sadd.s32 $0xFFFFE003, lr  }
0x1b: {  	s9 =	sadd.s32 $0xFFFFFEF7, lr;
	s5 =	simm.s32 $0xFFFFFFFF;
	p2 =	slt.u32 s8, $0xFFFFF086  }
0x1c: {  	p1 =	slt.u32 s9, $0xF7A;
	s5 =	simm.s32 @!p2 $0x0  }
0x1d: {  	s5 =	simm.s32 @p1 $0x1;
	p0 =	seq.s32 s7, s2  }
0x1e: {  	s7 =	smul.u32 @!p0 $0xF7A, s2;
	p2 =	seq.s32 @!p0 s5, $0x0  }
0x1f: {  	s9 =	smul.u32 $0xF7A, s1;
	s8 =	simm.s32 @!p0 $0x1BF5;
	p2 =	por !p2, p0  }
0x20: {  	[sflag:s8] =	ssyncset.s32 @!p0 $0xFFFFF086;
	s6 =	sadd.s32 @!p0 s3, s7;
	s7 =	simm.s32 @!p0 $0x108  }
0x21: {  	s3 =	sadd.s32 s3, s9;
	s6 =	sadd.s32 @!p0 $0x88, s6;
	s7 =	simm.s32 @p2 $0x1082  }
0x22: {  	[simem:s7], [sflag:s8] =	dma.local @!p0 [hbm:s6], $0xF7A  }
0x23: {  	s9 =	sor.u32 $0xD0000000, s2;
	s6 =	simm.s32 $0x108;
	_ =	swait.ge @!p0 [sflag:s8], $0x0  }
0x24: {  	s3 =	sadd.s32 $0x88, s3;
	s6 =	simm.s32 @!p1 $0x1082;
	[sflag:s4] =	ssyncset.s32 $0xFFFFF086  }
0x25: {  	[simem:s6], [sflag:s4] =	dma.local [hbm:s3], $0xF7A  }
0x26: {  	[smem:$0x3F9D] =	sst s1;
	(tag) =	ssettag s2;
	_ =	strace s9  }
0x27: {  	s1 =	sld [smem:$0x3FAD]  }
0x28: {  	s2 =	sld [smem:$0x3FAE]  }
0x29: {  	s4 =	sld [smem:$0x3FB0]  }
0x2a: {  	p0 =	seq.s32 s5, $0x0;
	s5 =	sld [smem:$0x3FB1]  }
0x2b: {  	s6 =	sld [smem:$0x3FB2]  }
0x2c: {  	s7 =	sld [smem:$0x3FB3]  }
0x2d: {  	s3 =	simm.s32 $0x108;
	s8 =	sld [smem:$0x3FB4]  }
0x2e: {  	s3 =	simm.s32 @!p0 $0x1082;
	s9 =	sld [smem:$0x3FB5]  }
0x2f: {  	lr =	sadd.s32 s0, s3;
	s0 =	sld [smem:$0x3FAC]  }
0x30: {  	s3 =	sld [smem:$0x3FAF]  }
0x31: {  	[smem:$0x3FB8] =	sst s10  }
0x32: {  	s10 =	sld [smem:$0x3FB6];
	_ =	sdelay $0x3  }
0x33: {  	p0 =	seq.s32 s10, $0x1;
	s10 =	sld [smem:$0x3FB8];
	_ =	sdelay $0x3  }
0x34: {  	[smem:$0x3FB8] =	sst s10  }
0x35: {  	s10 =	sld [smem:$0x3FB7];
	_ =	sdelay $0x3  }
0x36: {  	p1 =	seq.s32 s10, $0x1;
	s10 =	sld [smem:$0x3FB8];
	_ =	sdelay $0x3  }
0x37: {  	[smem:$0x3FB8] =	sst s10  }
0x38: {  	s10 =	sld [smem:$0x3FB9]  }
0x39: {  	_ = 	snop;
	(pc) =	sbr.ind lr, $3  }
0x3a: {  	_ = 	snop  }
0x3b: {  	_ = 	snop  }
0x3c: {  	p2 =	seq.s32 s10, $0x1;
	s10 =	sld [smem:$0x3FB8]  }
0x3d: {  	_ =	shalt  }
0x3e: {  	_ =	shalt  }
0x3f: {  	_ =	shalt  }
0x40: {  	_ =	shalt  }
0x41: {  	_ =	shalt  }
0x42: {  	_ =	shalt  }
0x43: {  	_ =	shalt  }
0x44: {  	_ =	shalt  }
0x45: {  	_ =	shalt  }
0x46: {  	_ =	shalt  }
0x47: {  	_ =	shalt  }
0x48: {  	_ =	shalt  }
0x49: {  	_ =	shalt  }
0x4a: {  	_ =	shalt  }
0x4b: {  	_ =	shalt  }
0x4c: {  	_ =	shalt  }
0x4d: {  	_ =	shalt  }
0x4e: {  	_ =	shalt  }
0x4f: {  	_ =	shalt  }
0x50: {  	_ =	shalt  }
0x51: {  	_ =	shalt  }
0x52: {  	_ =	shalt  }
0x53: {  	_ =	shalt  }
0x54: {  	_ =	shalt  }
0x55: {  	_ =	shalt  }
0x56: {  	_ =	shalt  }
0x57: {  	_ =	shalt  }
0x58: {  	_ =	shalt  }
0x59: {  	_ =	shalt  }
0x5a: {  	_ =	shalt  }
0x5b: {  	_ =	shalt  }
0x5c: {  	_ =	shalt  }
0x5d: {  	_ =	shalt  }
0x5e: {  	_ =	shalt  }
0x5f: {  	_ =	shalt  }
0x60: {  	_ =	shalt  }
0x61: {  	_ =	shalt  }
0x62: {  	_ =	shalt  }
0x63: {  	_ =	shalt  }
0x64: {  	_ =	shalt  }
0x65: {  	_ =	shalt  }
0x66: {  	_ =	shalt  }
0x67: {  	_ =	shalt  }
0x68: {  	_ =	shalt  }
0x69: {  	_ =	shalt  }
0x6a: {  	_ =	shalt  }
0x6b: {  	_ =	shalt  }
0x6c: {  	_ =	shalt  }
0x6d: {  	_ =	shalt  }
0x6e: {  	_ =	shalt  }
0x6f: {  	_ =	shalt  }
0x70: {  	_ =	shalt  }
0x71: {  	_ =	shalt  }
0x72: {  	_ =	shalt  }
0x73: {  	_ =	shalt  }
0x74: {  	_ =	shalt  }
0x75: {  	_ =	shalt  }
0x76: {  	_ =	shalt  }
0x77: {  	_ =	shalt  }
0x78: {  	_ =	shalt  }
0x79: {  	_ =	shalt  }
0x7a: {  	_ =	shalt  }
0x7b: {  	_ =	shalt  }
0x7c: {  	_ =	shalt  }
0x7d: {  	_ =	shalt  }
0x7e: {  	_ =	shalt  }
0x7f: {  	_ =	shalt  }
0x80: {  	_ =	shalt  }
0x81: {  	_ =	shalt  }
0x82: {  	_ =	shalt  }
0x83: {  	_ =	shalt  }
0x84: {  	_ =	shalt  }
0x85: {  	_ =	shalt  }
0x86: {  	_ =	shalt  }
0x87: {  	_ =	shalt  }
.Lfunc_end0:
.L_simem_size_0:
called_computation_lowered:
.L_overlay_start_0:
0x88: {  	s2 =	sld [smem:$0x3FD9]  }
0x89: {  	s3 =	sld [smem:$0x3FFE];
	_ =	sdelay $0x1  }
0x8a: {  	s1 =	srdreg.scid  }
0x8b: {  	s0 =	sand.u32 $0x1, s1  }
0x8c: {  	s16 =	sshll.u32 s0, $0xA;
	s2 =	sadd.s32 s3, s2  }
0x8d: {  	s2 =	sadd.s32 s2, s16  }
0x8e: {  	[smem:$0x3FC4] =	sst s2  }
0x8f: {  	_ = 	snop  }
0x90: {  	(tm) =	ssettm $0x1  }
0x91: {  	s17 =	sld [smem:$0x3FFB];
	_ =	sdelay $0x3  }
0x92: {  	_ =	strace s17  }
0x93: {  	s2 =	sld [smem:$0x3FFC];
	_ =	sdelay $0x3  }
0x94: {  	_ =	strace s2  }
0x95: {  	s2 =	sld [smem:$0x3FFD];
	_ =	sdelay $0x3  }
0x96: {  	_ =	strace s2  }
0x97: {  	_ =	strace $0x8FFFFFFF  }
0x98: {  	s18 =	sld [smem:$0x3FDB];
	_ =	sdelay $0x1  }
0x99: {  	s19 =	simm.s32 $_scs_section_size  }
0x9a: {  	s4 =	simm.s32 $_size__tile_overlayer_lowered;
	s5 =	simm.s32 $_tile_overlayer_lowered  }
0x9b: {  	s22 =	simm.s32 $0x1BFF;
	s21 =	sshll.u32 s5, $0x1;
	s2 =	sadd.s32 s19, s18  }
0x9c: {  	s6 =	simm.s32 $0x0;
	s20 =	sshll.u32 s4, $0x1;
	s4 =	sadd.s32 s21, s2  }
0x9d: {  	[timem:s6], [sflag:s22] =	dma.local [hbm:s4], s20  }
0x9e: {  	_ =	swait.ge [sflag:s22], s20  }
0x9f: {  	s3 =	ssub.s32 $0x0, s20;
	[sflag:s22] =	ssyncset.done $0x0  }
0xa0: {  	[sflag:s22] =	ssyncadd.s32 s3;
	_ =	sdelay $0x1  }
0xa1: {  	s23 =	simm.s32 $0x1B8B  }
0xa2: {  	_ =	swait.ge [sflag:s23], $0x1  }
0xa3: {  	[sflag:s23] =	ssyncset.done $0x0  }
0xa4: {  	s25 =	simm.s32 $0x1B8E;
	s24 =	sld [smem:$0x3FFE];
	[sflag:s23] =	ssyncadd.s32 $0xFFFFFFFF  }
0xa5: {  	s26 =	simm.s32 $execute0_lowered;
	[smem:$0x3FD2] =	sst s25  }
0xa6: {  	s4 =	sshll.u32 s26, $0x1;
	_ =	strace $0x80000046;
	[dreg:$0x1] =	wrdreg $0xFFFFFFFF  }
0xa7: {  	s28 =	simm.s32 $_size_execute0_lowered;
	s2 =	sadd.s32 s2, s4;
	[dreg:$0x0] =	wrdreg $0x0  }
0xa8: {  	s4 =	sshll.u32 s28, $0x1;
	[dreg:$0x2] =	wrdreg s2  }
0xa9: {  	[dreg:$0x3] =	wrdreg s4  }
0xaa: {  	[dreg:$0x4] =	wrdreg $0xC0  }
0xab: {  	_ =	task [dreg:s6], $0x5FFFF  }
0xac: {  	[dreg:$0x1] =	wrdreg $0xFFFFFFFF  }
0xad: {  	[dreg:$0x0] =	wrdreg $0x60  }
0xae: {  	[dreg:$0x2] =	wrdreg s24  }
0xaf: {  	[dreg:$0x3] =	wrdreg $0x9  }
0xb0: {  	_ =	task.clear_ibuf [dreg:s6], $0x4FFFF;
	_ =	strace $0x90000046  }
0xb1: {  	s29 =	simm.s32 $0x9;
	_ =	strace $0x80000048  }
0xb2: {  	_ =	swait.ge [sflag:s29], $0x1  }
0xb3: {  	[sflag:s29] =	ssyncadd.s32 $0xFFFFFFFF  }
0xb4: {  	_ =	strace $0x90000048  }
0xb5: {  	_ =	sfence  }
0xb6: {  	s30 =	sld [smem:$0x0];
	_ =	sdelay $0x2  }
0xb7: {  	s31 =	sshll.u32 s1, $0xD;
	s1 =	sshrl.u32 s1, $0x2  }
0xb8: {  	s3 =	sand.u32 $0x4000, s31;
	s1 =	sadd.s32 s1, s30  }
0xb9: {  	s0 =	sor.u32 s3, s0;
	s1 =	sshll.u32 s1, $0x11  }
0xba: {  	s0 =	sor.u32 s1, s0  }
0xbb: {  	s0 =	sadd.s32 $0x8F2B, s0  }
0xbc: {  	[sflag:s0] =	ssyncadd.remote.s32 $0x1  }
0xbd: {  	_ =	sfence.sel $0xFFFF  }
0xbe: {  	[dreg:$0x0] =	wrdreg $0xFFFFFFFF;
	(pc) =	sbr.abs _section_cstart, $3  }
0xbf: {  	[dreg:$0x1] =	wrdreg $0xFFFFFFFF  }
0xc0: {  	_ =	task.clear_ibuf [dreg:s6], $0x2FFFF;
	_ =	strace $0x9FFFFFFF  }
0xc1: {  	(tm) =	ssettm $0x7FFFFFFF  }
tec
execute0_lowered:
.L_overlay_start_1:
0x0: {  	(tag) =	ssettag $0x1  }
0x1: {  	s1 =	stileid.u32  }
0x2: {  	p0 =	sgt.u32 s1, $0x7  }
.Ltmp0:
0x3: {  	_ = 	snop;
	(pc) =	sbr.rel @p0 .LBB2_11-.Ltmp0, $4  }
0x4: {  	_ = 	snop  }
0x5: {  	s3 =	rddreg [dreg:$0x0];
	s2 =	simm.s32 $0x0  }
0x6: {  	[smem:$0x7FF] =	sst s2  }
0x7: {  	s0 =	rddreg [dreg:$0x1];
	_ =	strace $0x80000047  }
0x8: {  	v3 =	vimm.s32 $0x1;
	vm0 =	vcmask $0x2F00;
	v4 =	vlaneseq.u32  }
0x9: {  	v0 =	vsel vm0, $0x0, v3;
	v5 =	vor.u32 $0x10, v4  }
0xa: {  	v6 =	vor.u32 $0x20, v4;
	v7 =	vor.u32 $0x30, v4;
	v8 =	vor.u32 $0x40, v4  }
0xb: {  	v25 =	vor.u32 $0x50, v4;
	v10 =	vor.u32 $0x60, v4;
	v11 =	vor.u32 $0x70, v4  }
0xc: {  	v12 =	vor.u32 $0x400, v4;
	v13 =	vor.u32 $0x410, v4;
	v14 =	vor.u32 $0x420, v4  }
0xd: {  	s7 =	sadd.s32 $0x1200, s3;
	s10 =	simm.s32 $0x3480;
	v15 =	vor.u32 $0x430, v4;
	v16 =	vor.u32 $0x440, v4;
	v62 =	vadd.s32 $0x80000011, v4  }
0xe: {  	v27 =	vadd.s32 $0x80000021, v4;
	v28 =	vadd.s32 $0x80000031, v4;
	v29 =	vadd.s32 $0x80000041, v4  }
0xf: {  	v30 =	vadd.s32 $0x80000051, v4;
	v31 =	vadd.s32 $0x80000061, v4;
	v32 =	vadd.s32 $0x80000071, v4  }
0x10: {  	s4 =	srdreg.scid;
	v33 =	vadd.s32 $0x80000081, v4;
	v34 =	vadd.s32 $0x80000091, v4;
	v35 =	vadd.s32 $0x800000A1, v4  }
0x11: {  	s30 =	sshll.u32 s1, $0x1;
	s11 =	simm.s32 $0x0;
	s6 =	sand.u32 $0x1, s4;
	v36 =	vadd.s32 $0x800000B1, v4;
	v37 =	vadd.s32 $0x800000C1, v4;
	v38 =	vadd.s32 $0x800000D1, v4  }
.Ltmp1:
0x12: {  	v23 =	vor.u32 $0x450, v4;
	v39 =	vadd.s32 $0x800000E1, v4;
	v40 =	vadd.s32 $0x800000F1, v4;
	s4 =	sor.u32 s6, s30;
	s6 =	ssub.s32 $0x2, s6;
	(pc) =	sbr.rel .LBB2_2-.Ltmp1, $4  }
0x13: {  	vm1 =	vmmov $0x1;
	v18 =	vor.u32 $0x460, v4;
	[tilespmem:$0x1FFC0] =	vst v0;
	v0 =	vadd.s32 $0x80000001, v4;
	s5 =	sshll.u32 s4, $0x4;
	s8 =	smul.u32 $0x600, s4;
	s4 =	simm.s32 $0x3600  }
0x14: {  	v20 =	vor.u32 $0x800, v4;
	v41 =	vadd.s32 $0x80000101, v4;
	[tilespmem:$0x1FFD0] =	vst v0;
	s9 =	sshrl.u32 s6, $0x1;
	v0 =	vimm.s32 $0x0;
	s31 =	sadd.s32 s5, s3;
	s5 =	simm.s32 $0x3180  }
0x15: {  	v19 =	vor.u32 $0x470, v4;
	v42 =	vadd.s32 $0x80000111, v4;
	[tilespmem:$0x1FFF0] =	vst v20;
	s9 =	ssub.s32 s6, s9;
	v0 =	vsel vm1, $0xFFFFFFFF, v0;
	s3 =	sadd.s32 $0x7200, s31;
	s6 =	sadd.s32 s7, s8  }
0x16: {  	v24 =	vor.u32 $0x810, v4;
	v22 =	vor.u32 $0x820, v4;
	v9 =	vadd.s32 $0x80000121, v4;
	s7 =	smax.u32 s9, $0x1;
	s8 =	simm.s32 $0x1;
	s9 =	simm.s32 $0x3780;
	[tilespmem:$0x1FFE0] =	vst v0  }
.LBB2_10:
0x17: {  	s11 =	sadd.s32 $0x1, s11  }
0x18: {  	p0 =	sne.s32 s11, s7  }
.Ltmp2:
0x19: {  	_ = 	snop;
	(pc) =	sbr.rel @!p0 .LBB2_11-.Ltmp2, $4  }
0x1a: {  	[hbm4b:s3+s2] =	stream.linear.scatter [tilespmem:s9], [sflag:$0x1], $0x80, $0x38;
	[tilespmem:$0x3800] =	vst v63  }
0x1b: {  	_ =	swait.ge [sflag:s8], $0x80  }
0x1c: {  	[sflag:s8] =	ssyncset.done $0x0  }
0x1d: {  	[sflag:s8] =	ssyncadd.s32 $0xFFFFFF80  }
.LBB2_2:
0x1e: {  	s12 =	simm.s32 $0x0  }
0x1f: {  	[tilespmem:s12], [sflag:$0x1] =	stream.linear.gather [hbm4b:s6+s12], $0x3000, $0x38;
	[tilespmem:$0x3800] =	vst v63  }
0x20: {  	_ =	swait.ge [sflag:s8], $0x3000  }
0x21: {  	[sflag:s8] =	ssyncset.done $0x0  }
0x22: {  	v0 =	vimm.f32 $0.0e+00;
	[sflag:s8] =	ssyncadd.s32 $0xFFFFD000  }
0x23: {  	[tilespmem:$0x3000] =	vst v0  }
0x24: {  	v1 =	vimm.s32 $0x0;
	[tilespmem:$0x3180] =	vst v0  }
0x25: {  	[tilespmem:$0x3480] =	vst v1  }
0x26: {  	[tilespmem:$0x3010] =	vst v0  }
0x27: {  	[tilespmem:$0x3190] =	vst v0  }
0x28: {  	[tilespmem:$0x3490] =	vst v1  }
0x29: {  	[tilespmem:$0x3020] =	vst v0  }
0x2a: {  	[tilespmem:$0x31A0] =	vst v0  }
0x2b: {  	[tilespmem:$0x34A0] =	vst v1  }
0x2c: {  	[tilespmem:$0x3030] =	vst v0  }
0x2d: {  	[tilespmem:$0x31B0] =	vst v0  }
0x2e: {  	[tilespmem:$0x34B0] =	vst v1  }
0x2f: {  	[tilespmem:$0x3040] =	vst v0  }
0x30: {  	[tilespmem:$0x31C0] =	vst v0  }
0x31: {  	[tilespmem:$0x34C0] =	vst v1  }
0x32: {  	[tilespmem:$0x3050] =	vst v0  }
0x33: {  	[tilespmem:$0x31D0] =	vst v0  }
0x34: {  	[tilespmem:$0x34D0] =	vst v1  }
0x35: {  	[tilespmem:$0x3060] =	vst v0  }
0x36: {  	[tilespmem:$0x31E0] =	vst v0  }
0x37: {  	[tilespmem:$0x34E0] =	vst v1  }
0x38: {  	[tilespmem:$0x3070] =	vst v0  }
0x39: {  	[tilespmem:$0x31F0] =	vst v0  }
0x3a: {  	[tilespmem:$0x34F0] =	vst v1  }
0x3b: {  	[tilespmem:$0x3080] =	vst v0  }
0x3c: {  	[tilespmem:$0x3200] =	vst v0  }
0x3d: {  	[tilespmem:$0x3500] =	vst v1  }
0x3e: {  	[tilespmem:$0x3090] =	vst v0  }
0x3f: {  	[tilespmem:$0x3210] =	vst v0  }
0x40: {  	[tilespmem:$0x3510] =	vst v1  }
0x41: {  	[tilespmem:$0x30A0] =	vst v0  }
0x42: {  	[tilespmem:$0x3220] =	vst v0  }
0x43: {  	[tilespmem:$0x3520] =	vst v1  }
0x44: {  	[tilespmem:$0x30B0] =	vst v0  }
0x45: {  	[tilespmem:$0x3230] =	vst v0  }
0x46: {  	[tilespmem:$0x3530] =	vst v1  }
0x47: {  	[tilespmem:$0x30C0] =	vst v0  }
0x48: {  	[tilespmem:$0x3240] =	vst v0  }
0x49: {  	[tilespmem:$0x3540] =	vst v1  }
0x4a: {  	[tilespmem:$0x30D0] =	vst v0  }
0x4b: {  	[tilespmem:$0x3250] =	vst v0  }
0x4c: {  	[tilespmem:$0x3550] =	vst v1  }
0x4d: {  	[tilespmem:$0x30E0] =	vst v0  }
0x4e: {  	[tilespmem:$0x3260] =	vst v0  }
0x4f: {  	[tilespmem:$0x3560] =	vst v1  }
0x50: {  	[tilespmem:$0x30F0] =	vst v0  }
0x51: {  	[tilespmem:$0x3270] =	vst v0  }
0x52: {  	[tilespmem:$0x3570] =	vst v1  }
0x53: {  	[tilespmem:$0x3100] =	vst v0  }
0x54: {  	[tilespmem:$0x3280] =	vst v0  }
0x55: {  	[tilespmem:$0x3580] =	vst v1  }
0x56: {  	[tilespmem:$0x3110] =	vst v0  }
0x57: {  	[tilespmem:$0x3290] =	vst v0  }
0x58: {  	[tilespmem:$0x3590] =	vst v1  }
0x59: {  	[tilespmem:$0x3120] =	vst v0  }
0x5a: {  	[tilespmem:$0x32A0] =	vst v0  }
0x5b: {  	[tilespmem:$0x35A0] =	vst v1  }
.LBB2_3:
0x5c: {  	p0 =	sne.s32 s12, $0x4B0  }
.Ltmp3:
0x5d: {  	_ = 	snop;
	(pc) =	sbr.rel @p0 .LBB2_3-.Ltmp3, $3  }
0x5e: {  	_ =	sdelay $0x1  }
0x5f: {  	s13 =	sshra.s32 s12, $0x2  }
0x60: {  	s12 =	sadd.s32 $0x4, s12;
	[smem:s13] =	sst s2  }
.Ltmp4:
0x61: {  	(pc) =	sbr.rel .LBB2_5-.Ltmp4, $2  }
0x62: {  	_ =	sdelay $0x2  }
0x63: {  	s12 =	simm.s32 $0x1  }
.LBB2_9:
0x64: {  	s12 =	sadd.s32 $0x1, s12  }
0x65: {  	p0 =	sne.s32 s12, $0x21  }
.Ltmp5:
0x66: {  	_ = 	snop;
	(pc) =	sbr.rel @!p0 .LBB2_10-.Ltmp5, $1  }
0x67: {  	_ =	sdelay $0x3  }
.LBB2_5:
0x68: {  	v1 =	vimm.f32 $9.999999840e+17  }
0x69: {  	v0 =	vimm.s32 $0x0;
	[tilespmem:$0x3300] =	vst v1  }
0x6a: {  	[tilespmem:$0x3600] =	vst v0  }
0x6b: {  	[tilespmem:$0x3310] =	vst v1  }
0x6c: {  	[tilespmem:$0x3610] =	vst v0  }
0x6d: {  	[tilespmem:$0x3320] =	vst v1  }
0x6e: {  	[tilespmem:$0x3620] =	vst v0  }
0x6f: {  	[tilespmem:$0x3330] =	vst v1  }
0x70: {  	[tilespmem:$0x3630] =	vst v0  }
0x71: {  	[tilespmem:$0x3340] =	vst v1  }
0x72: {  	[tilespmem:$0x3640] =	vst v0  }
0x73: {  	[tilespmem:$0x3350] =	vst v1  }
0x74: {  	[tilespmem:$0x3650] =	vst v0  }
0x75: {  	[tilespmem:$0x3360] =	vst v1  }
0x76: {  	[tilespmem:$0x3660] =	vst v0  }
0x77: {  	[tilespmem:$0x3370] =	vst v1  }
0x78: {  	[tilespmem:$0x3670] =	vst v0  }
0x79: {  	[tilespmem:$0x3380] =	vst v1  }
0x7a: {  	[tilespmem:$0x3680] =	vst v0  }
0x7b: {  	[tilespmem:$0x3390] =	vst v1  }
0x7c: {  	[tilespmem:$0x3690] =	vst v0  }
0x7d: {  	[tilespmem:$0x33A0] =	vst v1  }
0x7e: {  	[tilespmem:$0x36A0] =	vst v0  }
0x7f: {  	[tilespmem:$0x33B0] =	vst v1  }
0x80: {  	[tilespmem:$0x36B0] =	vst v0  }
0x81: {  	[tilespmem:$0x33C0] =	vst v1  }
0x82: {  	[tilespmem:$0x36C0] =	vst v0  }
0x83: {  	[tilespmem:$0x33D0] =	vst v1  }
0x84: {  	[tilespmem:$0x36D0] =	vst v0  }
0x85: {  	[tilespmem:$0x33E0] =	vst v1  }
0x86: {  	[tilespmem:$0x36E0] =	vst v0  }
0x87: {  	[tilespmem:$0x36F0] =	vst v0  }
0x88: {  	[tilespmem:$0x3700] =	vst v0  }
0x89: {  	[tilespmem:$0x3710] =	vst v0;
	v0 =	vld [tilespmem:$0x1FFC0]  }
0x8a: {  	[tilespmem:$0x33F0] =	vst v1  }
0x8b: {  	[tilespmem:$0x3400] =	vst v1  }
0x8c: {  	[tilespmem:$0x3410] =	vst v1  }
0x8d: {  	[smem:$0x0] =	sst s12;
	[tilespmem:$0x3420] =	vst v1  }
0x8e: {  	s14 =	simm.s32 $0x0;
	s13 =	simm.f32 $0.0e+00;
	s16 =	smov.u32 s12;
	[tilespmem:$0x3720] =	vst v0  }
.LBB2_6:
0x8f: {  	v0 =	vld [tilespmem:$0x1FFE0];
	_ =	sdelay $0x1  }
0x90: {  	s15 =	sadd.s32 $0xFFFFFFFF, s14;
	s16 =	sadd.s32 $0xFFFFFFFF, s16  }
0x91: {  	v43 =	vmov s14;
	p0 =	sgt.s32 s15, $0x0;
	v52 =	vmov s16  }
0x92: {  	vm0 =	vgt.s32 v43, $0x0;
	s15 =	simm.s32 @!p0 $0x0;
	v45 =	vshrl.u32 v52, $0x3  }
0x93: {  	v43 =	vshll.u32 v52, $0x7;
	v44 =	vmov s15;
	vm1 =	vnez.u8 v0  }
0x94: {  	v53 =	vmul.u32 $0xC00, v45;
	v46 =	vbroadcast v44, $0x0;
	vm1 =	vmand vm0, vm1  }
0x95: {  	v43 =	vand.u32 $0x380, v43  }
0x96: {  	v44 =	vor.u32 v43, v53  }
0x97: {  	v43 =	vor.u32 v4, v44;
	_ =	sdelay $0x2  }
0x98: {  	[tilespmem:v46+s4+$0x0] =	vst.idx.msk vm1, v3  }
0x99: {  	v54 =	vld.idx.msk [tilespmem:v46+s5+$0x0], $0xffff  }
0x9a: {  	v55 =	vld.idx.msk [tilespmem:v43+s2+$0x0], $0xffff;
	_ =	sdelay $0x1  }
0x9b: {  	v47 =	vld [tilespmem:$0x3000]  }
0x9c: {  	v48 =	vld [tilespmem:$0x3600]  }
0x9d: {  	v56 =	vld [tilespmem:$0x3300];
	v43 =	vnsel vm0, s13, v54  }
0x9e: {  	v46 =	vsub.f32 v55, v43;
	_ =	sdelay $0x1  }
0x9f: {  	v57 =	vld [tilespmem:$0x3480];
	v46 =	vsub.f32 v46, v47;
	_ =	sdelay $0x1  }
0xa0: {  	v58 =	vor.u32 v5, v44;
	vm4 =	veq.s32 v48, $0x0;
	vm5 =	vlt.f32 v46, v56  }
0xa1: {  	vm0 =	vmand vm4, vm5  }
0xa2: {  	v45 =	vsel vm0, v46, v56  }
0xa3: {  	v59 =	vsel vm0, s14, v57;
	[tilespmem:$0x3300] =	vst v45  }
0xa4: {  	[tilespmem:$0x3480] =	vst v59  }
0xa5: {  	v46 =	vld.idx.msk [tilespmem:v58+s2+$0x0], $0xffff;
	_ =	sdelay $0x1  }
0xa6: {  	v60 =	vld [tilespmem:$0x3010]  }
0xa7: {  	v61 =	vld [tilespmem:$0x3610]  }
0xa8: {  	v49 =	vld [tilespmem:$0x3310]  }
0xa9: {  	v46 =	vsub.f32 v46, v43;
	_ =	sdelay $0x1  }
0xaa: {  	v63 =	vld [tilespmem:$0x3490];
	v46 =	vsub.f32 v46, v60;
	_ =	sdelay $0x1  }
0xab: {  	v52 =	vor.u32 v6, v44;
	vm6 =	veq.s32 v61, $0x0;
	vm7 =	vlt.f32 v46, v49  }
0xac: {  	vm0 =	vmand vm6, vm7  }
0xad: {  	v46 =	vsel vm0, v46, v49  }
0xae: {  	v47 =	vsel vm0, s14, v63;
	[tilespmem:$0x3310] =	vst v46  }
0xaf: {  	[tilespmem:$0x3490] =	vst v47  }
0xb0: {  	v47 =	vld.idx.msk [tilespmem:v52+s2+$0x0], $0xffff;
	_ =	sdelay $0x1  }
0xb1: {  	v53 =	vld [tilespmem:$0x3020]  }
0xb2: {  	v50 =	vld [tilespmem:$0x3320]  }
0xb3: {  	v54 =	vld [tilespmem:$0x3620]  }
0xb4: {  	v47 =	vsub.f32 v47, v43;
	_ =	sdelay $0x1  }
0xb5: {  	v55 =	vld [tilespmem:$0x34A0];
	v47 =	vsub.f32 v47, v53;
	_ =	sdelay $0x1  }
0xb6: {  	vm10 =	veq.s32 v54, $0x0;
	v56 =	vor.u32 v7, v44;
	vm2 =	vlt.f32 v47, v50  }
0xb7: {  	vm2 =	vmand vm10, vm2  }
0xb8: {  	v47 =	vsel vm2, v47, v50  }
0xb9: {  	v48 =	vsel vm2, s14, v55;
	[tilespmem:$0x3320] =	vst v47  }
0xba: {  	[tilespmem:$0x34A0] =	vst v48  }
0xbb: {  	v48 =	vld.idx.msk [tilespmem:v56+s2+$0x0], $0xffff;
	_ =	sdelay $0x1  }
0xbc: {  	v57 =	vld [tilespmem:$0x3030]  }
0xbd: {  	v51 =	vld [tilespmem:$0x3330]  }
0xbe: {  	v58 =	vld [tilespmem:$0x3630]  }
0xbf: {  	v48 =	vsub.f32 v48, v43;
	_ =	sdelay $0x1  }
0xc0: {  	v59 =	vld [tilespmem:$0x34B0];
	v48 =	vsub.f32 v48, v57;
	_ =	sdelay $0x1  }
0xc1: {  	vm8 =	veq.s32 v58, $0x0;
	v60 =	vor.u32 v8, v44;
	vm9 =	vlt.f32 v48, v51  }
0xc2: {  	vm2 =	vmand vm8, vm9  }
0xc3: {  	v48 =	vsel vm2, v48, v51  }
0xc4: {  	v49 =	vsel vm2, s14, v59;
	[tilespmem:$0x3330] =	vst v48  }
0xc5: {  	[tilespmem:$0x34B0] =	vst v49  }
0xc6: {  	v49 =	vld.idx.msk [tilespmem:v60+s2+$0x0], $0xffff;
	_ =	sdelay $0x1  }
0xc7: {  	v61 =	vld [tilespmem:$0x3040]  }
0xc8: {  	v63 =	vld [tilespmem:$0x3640]  }
0xc9: {  	v52 =	vld [tilespmem:$0x3340]  }
0xca: {  	v49 =	vsub.f32 v49, v43;
	_ =	sdelay $0x1  }
0xcb: {  	v54 =	vld [tilespmem:$0x34C0];
	v49 =	vsub.f32 v49, v61;
	_ =	sdelay $0x1  }
0xcc: {  	vm11 =	veq.s32 v63, $0x0;
	v55 =	vor.u32 v25, v44;
	vm12 =	vlt.f32 v49, v52  }
0xcd: {  	vm2 =	vmand vm11, vm12  }
0xce: {  	v49 =	vsel vm2, v49, v52  }
0xcf: {  	v50 =	vsel vm2, s14, v54;
	[tilespmem:$0x3340] =	vst v49  }
0xd0: {  	[tilespmem:$0x34C0] =	vst v50  }
0xd1: {  	v50 =	vld.idx.msk [tilespmem:v55+s2+$0x0], $0xffff;
	_ =	sdelay $0x1  }
0xd2: {  	v56 =	vld [tilespmem:$0x3050]  }
0xd3: {  	v53 =	vld [tilespmem:$0x3350]  }
0xd4: {  	v57 =	vld [tilespmem:$0x3650]  }
0xd5: {  	v0 =	vimm.s32 $0x0;
	v50 =	vsub.f32 v50, v43  }
0xd6: {  	v0 =	vsel vm4, $0xFFFFFFFF, v0  }
0xd7: {  	[tilespmem:$0x1FF30] =	vst v0;
	v0 =	vimm.s32 $0x0;
	v58 =	vld [tilespmem:$0x34D0];
	v50 =	vsub.f32 v50, v56  }
0xd8: {  	v0 =	vsel vm6, $0xFFFFFFFF, v0  }
0xd9: {  	v59 =	vor.u32 v10, v44;
	vm6 =	veq.s32 v57, $0x0;
	vm13 =	vlt.f32 v50, v53  }
0xda: {  	vm2 =	vmand vm6, vm13  }
0xdb: {  	v50 =	vsel vm2, v50, v53  }
0xdc: {  	v51 =	vsel vm2, s14, v58;
	[tilespmem:$0x3350] =	vst v50  }
0xdd: {  	[tilespmem:$0x34D0] =	vst v51  }
0xde: {  	v51 =	vld.idx.msk [tilespmem:v59+s2+$0x0], $0xffff;
	_ =	sdelay $0x1  }
0xdf: {  	v60 =	vld [tilespmem:$0x3060]  }
0xe0: {  	v61 =	vld [tilespmem:$0x3660]  }
0xe1: {  	v54 =	vld [tilespmem:$0x3360]  }
0xe2: {  	v51 =	vsub.f32 v51, v43;
	_ =	sdelay $0x1  }
0xe3: {  	v63 =	vld [tilespmem:$0x34E0];
	v51 =	vsub.f32 v51, v60;
	_ =	sdelay $0x1  }
0xe4: {  	vm7 =	veq.s32 v61, $0x0;
	v56 =	vor.u32 v11, v44;
	vm14 =	vlt.f32 v51, v54  }
0xe5: {  	vm2 =	vmand vm7, vm14  }
0xe6: {  	v51 =	vsel vm2, v51, v54  }
0xe7: {  	v52 =	vsel vm2, s14, v63;
	[tilespmem:$0x3360] =	vst v51  }
0xe8: {  	[tilespmem:$0x34E0] =	vst v52  }
0xe9: {  	v52 =	vld.idx.msk [tilespmem:v56+s2+$0x0], $0xffff;
	_ =	sdelay $0x1  }
0xea: {  	v57 =	vld [tilespmem:$0x3070]  }
0xeb: {  	v55 =	vld [tilespmem:$0x3370]  }
0xec: {  	v58 =	vld [tilespmem:$0x3670]  }
0xed: {  	v52 =	vsub.f32 v52, v43;
	_ =	sdelay $0x1  }
0xee: {  	[tilespmem:$0x1FF40] =	vst v0;
	v0 =	vimm.s32 $0x0;
	v59 =	vld [tilespmem:$0x34F0];
	v52 =	vsub.f32 v52, v57  }
0xef: {  	v0 =	vsel vm8, $0xFFFFFFFF, v0  }
0xf0: {  	vm8 =	veq.s32 v58, $0x0;
	v60 =	vadd.s32 v12, v44;
	vm15 =	vlt.f32 v52, v55  }
0xf1: {  	vm2 =	vmand vm8, vm15  }
0xf2: {  	v52 =	vsel vm2, v52, v55  }
0xf3: {  	v53 =	vsel vm2, s14, v59;
	[tilespmem:$0x3370] =	vst v52  }
0xf4: {  	[tilespmem:$0x34F0] =	vst v53  }
0xf5: {  	v53 =	vld.idx.msk [tilespmem:v60+s2+$0x0], $0xffff;
	_ =	sdelay $0x1  }
0xf6: {  	v61 =	vld [tilespmem:$0x3080]  }
0xf7: {  	v63 =	vld [tilespmem:$0x3680]  }
0xf8: {  	v56 =	vld [tilespmem:$0x3380]  }
0xf9: {  	v53 =	vsub.f32 v53, v43;
	_ =	sdelay $0x1  }
0xfa: {  	v59 =	vld [tilespmem:$0x3500];
	v53 =	vsub.f32 v53, v61;
	_ =	sdelay $0x1  }
0xfb: {  	vm9 =	veq.s32 v63, $0x0;
	v60 =	vadd.s32 v13, v44;
	vm4 =	vlt.f32 v53, v56  }
0xfc: {  	vm2 =	vmand vm9, vm4  }
0xfd: {  	v53 =	vsel vm2, v53, v56  }
0xfe: {  	v54 =	vsel vm2, s14, v59;
	[tilespmem:$0x3380] =	vst v53  }
0xff: {  	[tilespmem:$0x3500] =	vst v54  }
0x100: {  	v54 =	vld.idx.msk [tilespmem:v60+s2+$0x0], $0xffff;
	_ =	sdelay $0x1  }
0x101: {  	v61 =	vld [tilespmem:$0x3090]  }
0x102: {  	v63 =	vld [tilespmem:$0x3690]  }
0x103: {  	v57 =	vld [tilespmem:$0x3390]  }
0x104: {  	v54 =	vsub.f32 v54, v43;
	_ =	sdelay $0x1  }
0x105: {  	[tilespmem:$0x1FF50] =	vst v0;
	v0 =	vimm.s32 $0x0;
	v60 =	vld [tilespmem:$0x3510];
	v54 =	vsub.f32 v54, v61  }
0x106: {  	v0 =	vsel vm11, $0xFFFFFFFF, v0  }
0x107: {  	vm11 =	veq.s32 v63, $0x0;
	v61 =	vadd.s32 v14, v44;
	vm5 =	vlt.f32 v54, v57  }
0x108: {  	vm2 =	vmand vm11, vm5  }
0x109: {  	v54 =	vsel vm2, v54, v57  }
0x10a: {  	v55 =	vsel vm2, s14, v60;
	[tilespmem:$0x3390] =	vst v54  }
0x10b: {  	[tilespmem:$0x3510] =	vst v55  }
0x10c: {  	v55 =	vld.idx.msk [tilespmem:v61+s2+$0x0], $0xffff;
	_ =	sdelay $0x1  }
0x10d: {  	v63 =	vld [tilespmem:$0x30A0]  }
0x10e: {  	v58 =	vld [tilespmem:$0x33A0]  }
0x10f: {  	v60 =	vld [tilespmem:$0x36A0]  }
0x110: {  	v55 =	vsub.f32 v55, v43;
	_ =	sdelay $0x1  }
0x111: {  	v61 =	vld [tilespmem:$0x3520];
	v55 =	vsub.f32 v55, v63;
	_ =	sdelay $0x1  }
0x112: {  	vm5 =	veq.s32 v60, $0x0;
	v63 =	vadd.s32 v15, v44;
	vm12 =	vlt.f32 v55, v58  }
0x113: {  	vm2 =	vmand vm5, vm12  }
0x114: {  	v55 =	vsel vm2, v55, v58  }
0x115: {  	v56 =	vsel vm2, s14, v61;
	[tilespmem:$0x33A0] =	vst v55  }
0x116: {  	[tilespmem:$0x3520] =	vst v56  }
0x117: {  	v56 =	vld.idx.msk [tilespmem:v63+s2+$0x0], $0xffff;
	_ =	sdelay $0x1  }
0x118: {  	v60 =	vld [tilespmem:$0x30B0]  }
0x119: {  	v59 =	vld [tilespmem:$0x33B0]  }
0x11a: {  	v61 =	vld [tilespmem:$0x36B0]  }
0x11b: {  	v56 =	vsub.f32 v56, v43;
	_ =	sdelay $0x1  }
0x11c: {  	v63 =	vld [tilespmem:$0x3530];
	v56 =	vsub.f32 v56, v60;
	_ =	sdelay $0x1  }
0x11d: {  	vm12 =	veq.s32 v61, $0x0;
	v60 =	vadd.s32 v16, v44;
	vm13 =	vlt.f32 v56, v59  }
0x11e: {  	vm2 =	vmand vm12, vm13  }
0x11f: {  	v56 =	vsel vm2, v56, v59  }
0x120: {  	v57 =	vsel vm2, s14, v63;
	[tilespmem:$0x33B0] =	vst v56  }
0x121: {  	[tilespmem:$0x3530] =	vst v57  }
0x122: {  	v57 =	vld.idx.msk [tilespmem:v60+s2+$0x0], $0xffff;
	_ =	sdelay $0x1  }
0x123: {  	v58 =	vld [tilespmem:$0x30C0]  }
0x124: {  	v59 =	vld [tilespmem:$0x36C0]  }
0x125: {  	v60 =	vld [tilespmem:$0x33C0]  }
0x126: {  	v57 =	vsub.f32 v57, v43;
	_ =	sdelay $0x1  }
0x127: {  	v61 =	vld [tilespmem:$0x3540];
	v57 =	vsub.f32 v57, v58;
	_ =	sdelay $0x1  }
0x128: {  	v63 =	vadd.s32 v23, v44;
	vm13 =	veq.s32 v59, $0x0;
	vm14 =	vlt.f32 v57, v60  }
0x129: {  	vm2 =	vmand vm13, vm14  }
0x12a: {  	v57 =	vsel vm2, v57, v60  }
0x12b: {  	v58 =	vsel vm2, s14, v61;
	[tilespmem:$0x33C0] =	vst v57  }
0x12c: {  	[tilespmem:$0x3540] =	vst v58  }
0x12d: {  	v58 =	vld.idx.msk [tilespmem:v63+s2+$0x0], $0xffff;
	_ =	sdelay $0x1  }
0x12e: {  	v59 =	vld [tilespmem:$0x30D0]  }
0x12f: {  	v60 =	vld [tilespmem:$0x36D0]  }
0x130: {  	v61 =	vld [tilespmem:$0x33D0]  }
0x131: {  	v58 =	vsub.f32 v58, v43;
	_ =	sdelay $0x1  }
0x132: {  	v58 =	vsub.f32 v58, v59;
	v59 =	vld [tilespmem:$0x3550];
	_ =	sdelay $0x1  }
0x133: {  	vm14 =	veq.s32 v60, $0x0;
	v60 =	vadd.s32 v18, v44;
	vm15 =	vlt.f32 v58, v61  }
0x134: {  	vm2 =	vmand vm14, vm15  }
0x135: {  	v58 =	vsel vm2, v58, v61  }
0x136: {  	[tilespmem:$0x33D0] =	vst v58;
	v59 =	vsel vm2, s14, v59  }
0x137: {  	[tilespmem:$0x3550] =	vst v59  }
0x138: {  	v26 =	vmov v42;
	v42 =	vmov v41;
	v59 =	vld.idx.msk [tilespmem:v60+s2+$0x0], $0xffff  }
0x139: {  	v41 =	vmovc v40;
	v40 =	vmovc v39;
	v39 =	vmov v38;
	v38 =	vmov v37;
	v37 =	vmov v36  }
0x13a: {  	v36 =	vmovc v35;
	v35 =	vmovc v34;
	v34 =	vmov v33;
	v33 =	vmov v32;
	v32 =	vmov v31;
	v60 =	vld [tilespmem:$0x30E0]  }
0x13b: {  	v31 =	vmovc v30;
	v30 =	vmovc v29;
	v29 =	vmov v28;
	v28 =	vmov v27;
	v27 =	vmov v62;
	v62 =	vld [tilespmem:$0x33E0]  }
0x13c: {  	v61 =	vld [tilespmem:$0x36E0]  }
0x13d: {  	v59 =	vsub.f32 v59, v43;
	_ =	sdelay $0x1  }
0x13e: {  	v59 =	vsub.f32 v59, v60;
	v60 =	vld [tilespmem:$0x3560];
	_ =	sdelay $0x1  }
0x13f: {  	vm15 =	veq.s32 v61, $0x0;
	v61 =	vadd.s32 v19, v44;
	vm4 =	vlt.f32 v59, v62  }
0x140: {  	vm2 =	vmand vm15, vm4  }
0x141: {  	v59 =	vsel vm2, v59, v62  }
0x142: {  	[tilespmem:$0x33E0] =	vst v59;
	v60 =	vsel vm2, s14, v60  }
0x143: {  	[tilespmem:$0x3560] =	vst v60  }
0x144: {  	v60 =	vld.idx.msk [tilespmem:v61+s2+$0x0], $0xffff;
	_ =	sdelay $0x1  }
0x145: {  	v61 =	vld [tilespmem:$0x30F0]  }
0x146: {  	v63 =	vld [tilespmem:$0x33F0]  }
0x147: {  	v62 =	vld [tilespmem:$0x36F0]  }
0x148: {  	v60 =	vsub.f32 v60, v43  }
0x149: {  	v1 =	vld [tilespmem:$0x1FF30]  }
0x14a: {  	v60 =	vsub.f32 v60, v61;
	v61 =	vld [tilespmem:$0x3570];
	_ =	sdelay $0x1  }
0x14b: {  	vm4 =	veq.s32 v62, $0x0;
	v62 =	vadd.s32 v20, v44;
	vm1 =	vlt.f32 v60, v63  }
0x14c: {  	vm1 =	vmand vm4, vm1  }
0x14d: {  	vm0 =	vnez.u8 v1;
	v60 =	vsel vm1, v60, v63  }
0x14e: {  	v45 =	vnsel vm0, $0x5D5E0B6B, v45;
	v61 =	vsel vm1, s14, v61;
	[tilespmem:$0x33F0] =	vst v60  }
0x14f: {  	v1 =	vimm.s32 $0x0;
	vm0 =	vlt.f32 v45, $9.999999840e+17;
	[tilespmem:$0x3570] =	vst v61  }
0x150: {  	v1 =	vsel vm0, $0xFFFFFFFF, v1;
	v61 =	vld.idx.msk [tilespmem:v62+s2+$0x0], $0xffff  }
0x151: {  	[tilespmem:$0x1FF70] =	vst v1;
	v1 =	vld [tilespmem:$0x1FF40]  }
0x152: {  	v62 =	vld [tilespmem:$0x3100]  }
0x153: {  	[tilespmem:$0x1FF60] =	vst v0;
	v0 =	vld [tilespmem:$0x3400]  }
0x154: {  	v63 =	vld [tilespmem:$0x3700]  }
0x155: {  	v61 =	vsub.f32 v61, v43;
	_ =	sdelay $0x1  }
0x156: {  	v61 =	vsub.f32 v61, v62  }
0x157: {  	v45 =	vnsel vm0, $0x5D5E0B6B, v45;
	vm2 =	vnez.u8 v1  }
0x158: {  	v46 =	vnsel vm2, $0x5D5E0B6B, v46;
	vm3 =	veq.s32 v63, $0x0;
	vm1 =	vlt.f32 v61, v0  }
0x159: {  	v1 =	vimm.s32 $0x0;
	vm0 =	vmand vm3, vm1;
	vm1 =	vlt.f32 v46, v45  }
0x15a: {  	v62 =	vld [tilespmem:$0x3580];
	v1 =	vsel vm1, $0xFFFFFFFF, v1  }
0x15b: {  	[tilespmem:$0x1FF80] =	vst v1;
	v1 =	vld [tilespmem:$0x1FF50];
	_ =	sdelay $0x3  }
0x15c: {  	v47 =	vnsel vm10, $0x5D5E0B6B, v47;
	v0 =	vsel vm0, v61, v0;
	v45 =	vsel vm1, v46, v45  }
0x15d: {  	v61 =	vsel vm0, s14, v62;
	vm10 =	vlt.f32 v47, v45;
	vm0 =	vnez.u8 v1  }
0x15e: {  	[tilespmem:$0x3580] =	vst v61;
	v45 =	vsel vm10, v47, v45;
	v61 =	vnsel vm0, $0x5D5E0B6B, v48  }
0x15f: {  	v1 =	vimm.s32 $0x0;
	vm1 =	vlt.f32 v61, v45  }
0x160: {  	v1 =	vsel vm1, $0xFFFFFFFF, v1  }
0x161: {  	[tilespmem:$0x1FF90] =	vst v1;
	v1 =	vld [tilespmem:$0x1FF60];
	_ =	sdelay $0x2  }
0x162: {  	v17 =	vmov v11;
	v11 =	vmov v5;
	v5 =	vadd.s32 v24, v44;
	_ =	sdelay $0x1  }
0x163: {  	vm0 =	vnez.u8 v1  }
0x164: {  	v45 =	vsel vm1, v61, v45;
	v62 =	vnsel vm0, $0x5D5E0B6B, v49  }
0x165: {  	[tilespmem:$0x3400] =	vst v0;
	vm0 =	vlt.f32 v62, v45  }
0x166: {  	v63 =	vnsel vm6, $0x5D5E0B6B, v50;
	v5 =	vld.idx.msk [tilespmem:v5+s2+$0x0], $0xffff;
	v1 =	vimm.s32 $0x0;
	v45 =	vsel vm0, v62, v45  }
0x167: {  	v1 =	vsel vm0, $0xFFFFFFFF, v1;
	vm0 =	vlt.f32 v63, v45  }
0x168: {  	v46 =	vld [tilespmem:$0x3110];
	v62 =	vnsel vm7, $0x5D5E0B6B, v51;
	v45 =	vsel vm0, v63, v45  }
0x169: {  	v48 =	vld [tilespmem:$0x3710];
	vm6 =	vlt.f32 v62, v45  }
0x16a: {  	v52 =	vnsel vm8, $0x5D5E0B6B, v52;
	v61 =	vld [tilespmem:$0x3410];
	v45 =	vsel vm6, v62, v45  }
0x16b: {  	v5 =	vsub.f32 v5, v43;
	vm7 =	vlt.f32 v52, v45  }
0x16c: {  	v53 =	vnsel vm9, $0x5D5E0B6B, v53;
	v54 =	vnsel vm11, $0x5D5E0B6B, v54;
	v45 =	vsel vm7, v52, v45  }
0x16d: {  	v44 =	vadd.s32 v22, v44;
	v5 =	vsub.f32 v5, v46;
	v63 =	vld [tilespmem:$0x3590];
	vm8 =	vlt.f32 v53, v45  }
0x16e: {  	vm2 =	veq.s32 v48, $0x0;
	[tilespmem:$0x1FFA0] =	vst v1;
	v1 =	vimm.s32 $0x0;
	v45 =	vsel vm8, v53, v45  }
0x16f: {  	v1 =	vsel vm0, $0xFFFFFFFF, v1;
	vm0 =	vlt.f32 v5, v61;
	vm9 =	vlt.f32 v54, v45  }
0x170: {  	v55 =	vnsel vm5, $0x5D5E0B6B, v55;
	vm1 =	vmand vm2, vm0;
	v45 =	vsel vm9, v54, v45  }
0x171: {  	v3 =	vld [tilespmem:$0x3650];
	v5 =	vsel vm1, v5, v61;
	vm11 =	vlt.f32 v55, v45  }
0x172: {  	v4 =	vld [tilespmem:$0x31D0];
	v56 =	vnsel vm12, $0x5D5E0B6B, v56;
	[tilespmem:$0x3410] =	vst v5;
	v46 =	vsel vm1, s14, v63;
	v45 =	vsel vm11, v55, v45  }
0x173: {  	v21 =	vmov v18;
	v2 =	vld [tilespmem:$0x3340];
	[tilespmem:$0x3590] =	vst v46;
	vm12 =	vlt.f32 v56, v45  }
0x174: {  	v57 =	vnsel vm13, $0x5D5E0B6B, v57;
	v18 =	vmovc v15;
	v15 =	vmovc v12;
	v12 =	vmov v25;
	v44 =	vld.idx.msk [tilespmem:v44+s2+$0x0], $0xffff;
	v45 =	vsel vm12, v56, v45  }
0x175: {  	v25 =	vmovc v16;
	v16 =	vmovc v13;
	v13 =	vmov v10;
	v10 =	vmov v7;
	v7 =	vld [tilespmem:$0x3350];
	vm13 =	vlt.f32 v57, v45  }
0x176: {  	v47 =	vld [tilespmem:$0x3120];
	v61 =	vnsel vm14, $0x5D5E0B6B, v58;
	v45 =	vsel vm13, v57, v45  }
0x177: {  	v49 =	vld [tilespmem:$0x3420];
	vm14 =	vlt.f32 v61, v45  }
0x178: {  	v62 =	vnsel vm15, $0x5D5E0B6B, v59;
	v46 =	vld [tilespmem:$0x3720];
	v45 =	vsel vm14, v61, v45  }
0x179: {  	v20 =	vmovc v14;
	v14 =	vmovc v8;
	v8 =	vmov v6;
	v6 =	vld [tilespmem:$0x3050];
	v43 =	vsub.f32 v44, v43;
	vm15 =	vlt.f32 v62, v45  }
0x17a: {  	v50 =	vld [tilespmem:$0x3180];
	v63 =	vnsel vm4, $0x5D5E0B6B, v60;
	v45 =	vsel vm15, v62, v45  }
0x17b: {  	v48 =	vld [tilespmem:$0x35A0];
	v43 =	vsub.f32 v43, v47;
	vm4 =	vlt.f32 v63, v45  }
0x17c: {  	v0 =	vnsel vm3, $0x5D5E0B6B, v0;
	v51 =	vld [tilespmem:$0x3600];
	v44 =	vsel vm4, v63, v45  }
0x17d: {  	[tilespmem:$0x1FFB0] =	vst v1;
	v1 =	vld [tilespmem:$0x3040];
	vm1 =	veq.s32 v46, $0x0;
	vm5 =	vlt.f32 v43, v49;
	vm3 =	vlt.f32 v0, v44  }
0x17e: {  	v58 =	vld [tilespmem:$0x3020];
	v5 =	vnsel vm2, $0x5D5E0B6B, v5;
	vm2 =	vmand vm1, vm5;
	v0 =	vsel vm3, v0, v44  }
0x17f: {  	v59 =	vld [tilespmem:$0x3630];
	v49 =	vsel vm2, v43, v49;
	vm0 =	vlt.f32 v5, v0  }
0x180: {  	v52 =	vld [tilespmem:$0x3300];
	v43 =	vnsel vm1, $0x5D5E0B6B, v49;
	v0 =	vsel vm0, v5, v0  }
0x181: {  	v60 =	vld [tilespmem:$0x3030];
	vm1 =	vlt.f32 v43, v0  }
0x182: {  	v53 =	vld [tilespmem:$0x3000];
	v45 =	vsel vm1, v43, v0  }
0x183: {  	v54 =	vld [tilespmem:$0x3190];
	(xrf0) =	vmin.scan.msk.f32 $0xffff, v45  }
0x184: {  	v55 =	vld [tilespmem:$0x3610]  }
0x185: {  	v46 =	vld [tilespmem:$0x31A0]  }
0x186: {  	v56 =	vld [tilespmem:$0x3310]  }
0x187: {  	v47 =	vld [tilespmem:$0x3010]  }
0x188: {  	v5 =	vld [tilespmem:$0x3320]  }
0x189: {  	v57 =	vld [tilespmem:$0x3620];
	v44, _, _ =	vpop (xrf0)  }
0x18a: {  	v61 =	vld [tilespmem:$0x3330];
	v43 =	vbroadcast v44, $0xF  }
0x18b: {  	vm5 =	veq.s32 v51, $0x0;
	v62 =	vld [tilespmem:$0x3640]  }
0x18c: {  	v48 =	vsel vm2, s14, v48;
	v63 =	vld [tilespmem:$0x31C0];
	v51 =	vsel vm5, $0x0, v43  }
0x18d: {  	[tilespmem:$0x35A0] =	vst v48;
	v0 =	vld [tilespmem:$0x31B0];
	vm5 =	veq.s32 v55, $0x0;
	v5 =	vsub.f32 v5, v43;
	v48 =	vsub.f32 v53, v51  }
0x18e: {  	[tilespmem:$0x3420] =	vst v49;
	v55 =	vld [tilespmem:$0x31F0];
	v53 =	vsel vm5, $0x0, v43;
	vm5 =	veq.s32 v57, $0x0;
	v57 =	vsub.f32 v56, v43  }
0x18f: {  	v49 =	vadd.f32 v51, v50;
	v50 =	vld [tilespmem:$0x3660];
	[tilespmem:$0x3000] =	vst v48;
	v48 =	vadd.f32 v53, v54  }
0x190: {  	v47 =	vsub.f32 v47, v53;
	v53 =	vsel vm5, $0x0, v43;
	[tilespmem:$0x3310] =	vst v57;
	vm5 =	veq.s32 v59, $0x0;
	v57 =	vld [tilespmem:$0x1FFD0]  }
0x191: {  	v56 =	vsel vm5, $0x0, v43;
	[tilespmem:$0x3190] =	vst v48;
	v48 =	vsub.f32 v58, v53;
	v58 =	vld [tilespmem:$0x1FF70]  }
0x192: {  	[tilespmem:$0x3320] =	vst v5;
	v0 =	vadd.f32 v56, v0;
	v5 =	vsub.f32 v60, v56;
	v60 =	vld [tilespmem:$0x1FF80]  }
0x193: {  	v51 =	vld [tilespmem:$0x31E0]  }
0x194: {  	[tilespmem:$0x31B0] =	vst v0;
	v0 =	vsub.f32 v61, v43;
	v61 =	vld [tilespmem:$0x1FFA0]  }
0x195: {  	[tilespmem:$0x3180] =	vst v49;
	v49 =	vsub.f32 v52, v43;
	v52 =	vld [tilespmem:$0x3060]  }
0x196: {  	v54 =	vld [tilespmem:$0x3360];
	vm5 =	vnez.u8 v58  }
0x197: {  	vm2 =	veq.s32 v62, $0x0;
	v62 =	vmovc v27;
	[tilespmem:$0x3330] =	vst v0;
	v0 =	vld [tilespmem:$0x1FF90];
	v57 =	vnsel vm5, $0x80000000, v57;
	vm5 =	vnez.u8 v60  }
0x198: {  	v27 =	vmov v28;
	v59 =	vld [tilespmem:$0x3380];
	v57 =	vsel vm5, v62, v57  }
0x199: {  	v57 =	vsel vm10, v27, v57;
	vm10 =	vnez.u8 v61;
	v61 =	vld [tilespmem:$0x1FFB0]  }
0x19a: {  	[tilespmem:$0x3010] =	vst v47;
	v47 =	vld [tilespmem:$0x3070]  }
0x19b: {  	v46 =	vadd.f32 v53, v46;
	[tilespmem:$0x3300] =	vst v49;
	v49 =	vld [tilespmem:$0x3670]  }
0x19c: {  	v28 =	vmov v29;
	v2 =	vsub.f32 v2, v43;
	v53 =	vld [tilespmem:$0x3370];
	vm5 =	vnez.u8 v0  }
0x19d: {  	v29 =	vmovc v30;
	v56 =	vld [tilespmem:$0x3080];
	[tilespmem:$0x31A0] =	vst v46;
	v58 =	vsel vm2, $0x0, v43;
	vm2 =	veq.s32 v3, $0x0;
	v0 =	vsel vm5, v28, v57  }
0x19e: {  	v30 =	vmovc v31;
	v46 =	vld [tilespmem:$0x3680];
	[tilespmem:$0x3020] =	vst v48;
	v1 =	vsub.f32 v1, v58;
	v0 =	vsel vm10, v29, v0;
	vm5 =	vnez.u8 v61  }
0x19f: {  	v31 =	vmovc v32;
	v48 =	vld [tilespmem:$0x3200];
	[tilespmem:$0x3030] =	vst v5;
	v5 =	vadd.f32 v58, v63;
	v63 =	vsel vm2, $0x0, v43;
	v0 =	vsel vm5, v30, v0  }
0x1a0: {  	v32 =	vmov v33;
	v3 =	vld [tilespmem:$0x3210];
	[tilespmem:$0x3040] =	vst v1;
	v1 =	vadd.f32 v63, v4;
	v0 =	vsel vm6, v31, v0  }
0x1a1: {  	v33 =	vmov v34;
	[tilespmem:$0x3340] =	vst v2;
	v60 =	vld [tilespmem:$0x3690];
	v0 =	vsel vm7, v32, v0  }
0x1a2: {  	v34 =	vmovc v35;
	v58 =	vld [tilespmem:$0x36C0];
	[tilespmem:$0x31D0] =	vst v1;
	v1 =	vsub.f32 v7, v43;
	vm6 =	veq.s32 v50, $0x0;
	v0 =	vsel vm8, v33, v0  }
0x1a3: {  	v35 =	vmovc v36;
	v2 =	vsub.f32 v6, v63;
	v6 =	vld [tilespmem:$0x36A0];
	[tilespmem:$0x31C0] =	vst v5;
	v50 =	vsel vm6, $0x0, v43;
	v0 =	vsel vm9, v34, v0  }
0x1a4: {  	v36 =	vmovc v37;
	v5 =	vld [tilespmem:$0x3090];
	vm10 =	veq.s32 v49, $0x0;
	[tilespmem:$0x3350] =	vst v1;
	v1 =	vsub.f32 v52, v50;
	v0 =	vsel vm11, v35, v0  }
0x1a5: {  	v37 =	vmov v38;
	v4 =	vld [tilespmem:$0x3390];
	v63 =	vsel vm10, $0x0, v43;
	v0 =	vsel vm12, v36, v0  }
0x1a6: {  	v38 =	vmov v39;
	v7 =	vld [tilespmem:$0x3220];
	[tilespmem:$0x3060] =	vst v1;
	v1 =	vadd.f32 v63, v55;
	v0 =	vsel vm13, v37, v0  }
0x1a7: {  	v39 =	vmovc v40;
	[tilespmem:$0x3050] =	vst v2;
	v57 =	vld [tilespmem:$0x33B0];
	vm5 =	veq.s32 v60, $0x0;
	v2 =	vadd.f32 v50, v51;
	v0 =	vsel vm14, v38, v0  }
0x1a8: {  	v40 =	vmovc v41;
	v49 =	vld [tilespmem:$0x33A0];
	vm13 =	veq.s32 v46, $0x0;
	[tilespmem:$0x31F0] =	vst v1;
	v1 =	vsub.f32 v53, v43;
	v0 =	vsel vm15, v39, v0  }
0x1a9: {  	v41 =	vmovc v42;
	v60 =	vld [tilespmem:$0x3240];
	[tilespmem:$0x31E0] =	vst v2;
	v2 =	vsub.f32 v54, v43;
	v55 =	vsel vm13, $0x0, v43;
	v0 =	vsel vm4, v40, v0  }
0x1aa: {  	v61 =	vsel vm5, $0x0, v43;
	v51 =	vld [tilespmem:$0x30A0];
	[tilespmem:$0x3370] =	vst v1;
	v1 =	vsub.f32 v56, v55;
	v0 =	vsel vm3, v41, v0  }
0x1ab: {  	vm6 =	veq.f32 v45, v43;
	v52 =	vld [tilespmem:$0x36B0];
	[tilespmem:$0x3360] =	vst v2;
	v2 =	vsub.f32 v47, v63;
	v0 =	vsel vm0, v26, v0  }
0x1ac: {  	vm7 =	veq.s32 v6, $0x0;
	v6 =	vld [tilespmem:$0x3250];
	[tilespmem:$0x3080] =	vst v1;
	v1 =	vadd.f32 v61, v3;
	v0 =	vsel vm1, v9, v0  }
0x1ad: {  	v54 =	vld [tilespmem:$0x3230];
	[tilespmem:$0x3070] =	vst v2;
	v2 =	vadd.f32 v55, v48;
	v0 =	vnsel vm6, $0xC0000000, v0  }
0x1ae: {  	vm9 =	veq.s32 v58, $0x0;
	v58 =	vld [tilespmem:$0x36F0];
	[tilespmem:$0x3210] =	vst v1;
	v1 =	vsub.f32 v4, v43;
	(xrf0) =	vmin.scan.msk.u32 $0xffff, v0  }
0x1af: {  	v46 =	vld [tilespmem:$0x30B0];
	[tilespmem:$0x3200] =	vst v2;
	v2 =	vsub.f32 v59, v43;
	v4 =	vsel vm7, $0x0, v43  }
0x1b0: {  	v63 =	vld [tilespmem:$0x30C0];
	vm8 =	veq.s32 v52, $0x0;
	[tilespmem:$0x3390] =	vst v1;
	v1 =	vsub.f32 v51, v4  }
0x1b1: {  	v53 =	vld [tilespmem:$0x3260];
	[tilespmem:$0x3380] =	vst v2;
	v0 =	vadd.f32 v4, v7;
	v7 =	vsel vm8, $0x0, v43  }
0x1b2: {  	v52 =	vld [tilespmem:$0x36E0];
	[tilespmem:$0x30A0] =	vst v1;
	v1 =	vadd.f32 v7, v54  }
0x1b3: {  	(v2sf) =	vpush v44, $0xF;
	v56 =	vld [tilespmem:$0x33E0];
	v2 =	vsub.f32 v5, v61;
	[tilespmem:$0x3220] =	vst v0  }
0x1b4: {  	v5 =	vld [tilespmem:$0x36D0];
	v0 =	vsub.f32 v49, v43;
	[tilespmem:$0x3230] =	vst v1;
	v1 =	vsub.f32 v57, v43;
	v57, _, _ =	vpop (xrf0)  }
0x1b5: {  	v3 =	vld [tilespmem:$0x33C0];
	(v2sf) =	vpush v57, $0xF  }
0x1b6: {  	v59 =	vld [tilespmem:$0x30F0];
	[tilespmem:$0x33A0] =	vst v0;
	v0 =	vsub.f32 v46, v7  }
0x1b7: {  	[tilespmem:$0x3090] =	vst v2;
	v2 =	vld [tilespmem:$0x30D0];
	v54 =	vsel vm9, $0x0, v43  }
0x1b8: {  	v4 =	vld [tilespmem:$0x33D0];
	[tilespmem:$0x30B0] =	vst v0;
	v0 =	vadd.f32 v54, v60  }
0x1b9: {  	v61 =	vld [tilespmem:$0x3710];
	vm10 =	veq.s32 v5, $0x0;
	[tilespmem:$0x33B0] =	vst v1;
	v1 =	vsub.f32 v63, v54  }
0x1ba: {  	v7 =	vld [tilespmem:$0x30E0];
	[tilespmem:$0x3240] =	vst v0;
	v0 =	vsub.f32 v3, v43;
	v3 =	vsel vm10, $0x0, v43  }
0x1bb: {  	v5 =	vld [tilespmem:$0x3270];
	[tilespmem:$0x30C0] =	vst v1;
	v1 =	vadd.f32 v3, v6  }
0x1bc: {  	vm11 =	veq.s32 v52, $0x0;
	v60 =	vld [tilespmem:$0x3100];
	[tilespmem:$0x33C0] =	vst v0;
	v0 =	vsub.f32 v2, v3  }
0x1bd: {  	v2 =	vld [tilespmem:$0x3700];
	v3 =	vsel vm11, $0x0, v43;
	[tilespmem:$0x3250] =	vst v1;
	v1 =	vsub.f32 v4, v43  }
0x1be: {  	v6 =	vld [tilespmem:$0x33F0];
	[tilespmem:$0x30D0] =	vst v0;
	v0 =	vadd.f32 v3, v53  }
0x1bf: {  	vm12 =	veq.s32 v58, $0x0;
	v4 =	vld [tilespmem:$0x3280];
	[tilespmem:$0x33D0] =	vst v1;
	v1 =	vsub.f32 v7, v3  }
0x1c0: {  	v3 =	vld [tilespmem:$0x3400];
	v7 =	vsel vm12, $0x0, v43;
	[tilespmem:$0x3260] =	vst v0;
	v0 =	vsub.f32 v56, v43  }
0x1c1: {  	[tilespmem:$0x30E0] =	vst v1;
	v1 =	vadd.f32 v7, v5;
	v5 =	vld [tilespmem:$0x3290]  }
0x1c2: {  	vm13 =	veq.s32 v2, $0x0;
	v2 =	vld [tilespmem:$0x3110];
	[tilespmem:$0x33E0] =	vst v0;
	v0 =	vsub.f32 v59, v7  }
0x1c3: {  	s17 =	spop (v2sf);
	v7 =	vld [tilespmem:$0x3720];
	[tilespmem:$0x3270] =	vst v1;
	v1 =	vsub.f32 v6, v43;
	v6 =	vsel vm13, $0x0, v43  }
0x1c4: {  	[tilespmem:$0x30F0] =	vst v0;
	v0 =	vadd.f32 v6, v4;
	v4 =	vld [tilespmem:$0x3410];
	s15 =	spop (v2sf)  }
0x1c5: {  	vm14 =	veq.s32 v61, $0x0;
	[tilespmem:$0x33F0] =	vst v1;
	v1 =	vsub.f32 v60, v6;
	v6 =	vld [tilespmem:$0x32A0];
	s14 =	sxor.u32 $0x80000000, s15  }
0x1c6: {  	v63 =	vld [tilespmem:$0x3120];
	[tilespmem:$0x3280] =	vst v0;
	v0 =	vsub.f32 v3, v43;
	v3 =	vsel vm14, $0x0, v43;
	s16 =	sld [smem:s14+$0x0]  }
0x1c7: {  	[tilespmem:$0x3100] =	vst v1;
	v1 =	vadd.f32 v3, v5;
	v5 =	vld [tilespmem:$0x3420]  }
0x1c8: {  	vm15 =	veq.s32 v7, $0x0;
	[tilespmem:$0x3400] =	vst v0;
	v0 =	vsub.f32 v2, v3  }
0x1c9: {  	v2 =	vsel vm15, $0x0, v43;
	[tilespmem:$0x3290] =	vst v1;
	v1 =	vsub.f32 v4, v43;
	p0 =	seq.s32 s16, $0x0  }
.Ltmp6:
0x1ca: {  	[tilespmem:$0x3110] =	vst v0;
	v0 =	vadd.f32 v2, v6;
	(pc) =	sbr.rel @!p0 .LBB2_6-.Ltmp6, $4  }
0x1cb: {  	v42 =	vmov v26;
	v7 =	vmov v10;
	[tilespmem:$0x3410] =	vst v1;
	v1 =	vsub.f32 v63, v2  }
0x1cc: {  	v10 =	vmovc v13;
	v13 =	vmovc v16;
	v16 =	vmov v25;
	v25 =	vmov v12;
	[tilespmem:$0x32A0] =	vst v0;
	v0 =	vsub.f32 v5, v43  }
0x1cd: {  	v12 =	vmovc v15;
	v15 =	vmovc v18;
	v18 =	vmov v21;
	v3 =	vimm.s32 $0x1;
	v4 =	vlaneseq.u32;
	[tilespmem:$0x3120] =	vst v1  }
0x1ce: {  	s13 =	sadd.f32 s17, s13;
	v6 =	vmovc v8;
	v8 =	vmovc v14;
	v14 =	vmov v20;
	v20 =	vld [tilespmem:$0x1FFF0];
	v5 =	vmov v11;
	v11 =	vmov v17;
	[tilespmem:$0x3420] =	vst v0  }
0x1cf: {  	p0 =	seq.s32 s15, $0x80000000  }
.Ltmp7:
0x1d0: {  	_ = 	snop;
	(pc) =	sbr.rel @p0 .LBB2_9-.Ltmp7, $1  }
0x1d1: {  	_ =	sdelay $0x3  }
.LBB2_8:
0x1d2: {  	s15 =	sadd.s32 $0xFFFFFFFF, s14  }
0x1d3: {  	v0 =	vmov s15;
	_ =	sdelay $0x4  }
0x1d4: {  	v1 =	vld.idx.msk [tilespmem:v0+s10+$0x0], $0xffff;
	_ =	sdelay $0x4  }
0x1d5: {  	v1 =	vxor.u32 $0x80000000, v1  }
0x1d6: {  	(xrf0) =	vmin.scan.msk.u32 $0xffff, v1;
	_ =	sdelay $0x5  }
0x1d7: {  	v1, _, _ =	vpop (xrf0)  }
0x1d8: {  	(v2sf) =	vpush v1, $0xF;
	_ =	sdelay $0xe  }
0x1d9: {  	s30 =	spop (v2sf)  }
0x1da: {  	s16 =	sxor.u32 $0x80000000, s30  }
0x1db: {  	s18 =	sadd.s32 $0x7FFFFFFF, s30;
	s17 =	sld [smem:s16+$0x0]  }
0x1dc: {  	p0 =	sgt.s32 s18, $0x0  }
0x1dd: {  	s18 =	simm.s32 @!p0 $0x0  }
0x1de: {  	v1 =	vmov s18;
	s31 =	sadd.s32 $0xFFFFFFFF, s17  }
0x1df: {  	v1 =	vbroadcast v1, $0x0;
	v2 =	vmov s31;
	_ =	sdelay $0x4  }
0x1e0: {  	[tilespmem:v2+s9+$0x0] =	vst.idx.msk $0x1, v0  }
0x1e1: {  	v1 =	vld.idx.msk [tilespmem:v1+s5+$0x0], $0xffff;
	_ =	sdelay $0x4  }
0x1e2: {  	(xrf0) =	vmin.scan.msk.f32 $0xffff, v1;
	_ =	sdelay $0x5  }
0x1e3: {  	v1, _, _ =	vpop (xrf0)  }
0x1e4: {  	(v2sf) =	vpush v1, $0xF;
	_ =	sdelay $0xe  }
0x1e5: {  	p0 =	seq.s32 s30, $0x80000000;
	s18 =	spop (v2sf)  }
0x1e6: {  	s18 =	smov.u32 @p0 s13;
	p0 =	sne.s32 s30, $0x80000000  }
.Ltmp8:
0x1e7: {  	_ = 	snop;
	(pc) =	sbr.rel @p0 .LBB2_8-.Ltmp8, $3  }
0x1e8: {  	_ =	sdelay $0x1  }
0x1e9: {  	v1 =	vmov s18  }
0x1ea: {  	[smem:s14] =	sst s17;
	s14 =	smov.u32 s16;
	[tilespmem:v0+s5+$0x0] =	vst.idx.msk $0x1, v1  }
.Ltmp9:
0x1eb: {  	_ = 	snop;
	(pc) =	sbr.rel .LBB2_9-.Ltmp9, $1  }
0x1ec: {  	_ =	sdelay $0x3  }
.LBB2_11:
0x1ed: {  	_ =	sfence.sel $0x180000  }
0x1ee: {  	[bflag:$0x0] =	sbarrier.arrive $0xFFFF  }
0x1ef: {  	p0 =	sne.s32 s1, $0x0;
	_ =	strace $0x90000047  }
0x1f0: {  	s0 =	sadd.s32 @!p0 $0x100000, s0;
	[bflag:$0x2] =	sbarrier.arrive $0xFFFF  }
0x1f1: {  	[sflag:s0] =	ssyncadd.tile.s32 @!p0 $0x1;
	_ =	shalt  }
.Lfunc_end2:
_tile_overlayer_lowered:
.L_overlay_start_2:
0x1f2: {  	(tag) =	ssettag $0x2  }
0x1f3: {  	s0 =	rddreg [dreg:$0x0];
	s2 =	stileid.u32  }
0x1f4: {  	s1 =	rddreg [dreg:$0x1];
	p0 =	sne.s32 s2, $0x0  }
0x1f5: {  	s3 =	rddreg [dreg:$0x2];
	[bflag:$0x3] =	sbarrier.arrive $0xFFFF;
	s2 =	simm.s32 @!p0 $0x1C01  }
0x1f6: {  	[timem:s3], [sflag:s2] =	dma.local @!p0 [hbm:s0], s1  }
0x1f7: {  	s0 =	simm.s32 @!p0 $0x1  }
0x1f8: {  	_ =	swait.ge @!p0 [sflag:s0], s1  }
0x1f9: {  	s1 =	ssub.s32 @!p0 $0x0, s1;
	[sflag:s0] =	ssyncset.done @!p0 $0x0  }
0x1fa: {  	[sflag:s0] =	ssyncadd.s32 @!p0 s1  }
0x1fb: {  	[bflag:$0x3] =	sbarrier.arrive $0xFFFF  }
0x1fc: {  	_ =	shalt  }

</sc_bundles>
